<compile_context>
chip_gen: v7x
topology: tpu7x:2x2x1
jax: 0.10.2.dev20260603
libtpu: 0.0.44.dev20260713+nightly
codegen_flags: <defaults>
</compile_context>

<pallas_src>
import functools

import jax
import jax.numpy as jnp
from jax import lax
from jax.experimental import pallas as pl
from jax.experimental.pallas import tpu as pltpu
from jax.experimental.pallas import tpu_sc as plsc

VOCAB = 1002
N_D = 64
BATCH = 4096
HIST = 200

NW = 32
BW = BATCH // NW
VPAD = 1024
NBUF = 2

_mesh = plsc.VectorSubcoreMesh(core_axis_name="c", subcore_axis_name="s")


@functools.partial(
    pl.kernel,
    mesh=_mesh,
    out_type=jax.ShapeDtypeStruct((HIST, N_D, BATCH), jnp.float32),
    scratch_types=[
        pltpu.VMEM((N_D * VPAD,), jnp.float32),
        pltpu.VMEM((HIST, BW), jnp.int32),
        pltpu.VMEM((NBUF, N_D, BW), jnp.float32),
        pltpu.SemaphoreType.DMA((NBUF,)),
        pltpu.SemaphoreType.DMA((2,)),
    ],
    compiler_params=pltpu.CompilerParams(use_tc_tiling_on_sc=True,
                                         needs_layout_passes=False),
)
def _sc_embed(idx_hbm, table_hbm, out_hbm, table_v, idx_v, blk_v, ssem,
              lsem):
    c = lax.axis_index("c")
    s = lax.axis_index("s")
    wid = s * 2 + c
    b0 = wid * BW
    tcopy = pltpu.async_copy(table_hbm, table_v, lsem.at[0])
    icopy = pltpu.async_copy(idx_hbm.at[:, pl.ds(b0, BW)], idx_v, lsem.at[1])
    tcopy.wait()
    icopy.wait()

    def fill(h, nb):
        for g in range(BW // 16):
            idx16 = idx_v[h, pl.ds(g * 16, 16)]

            @plsc.parallel_loop(0, N_D, unroll=16)
            def _(d):
                v = plsc.load_gather(table_v, [idx16 + (d << 10)])
                blk_v[nb, d, pl.ds(g * 16, 16)] = v

    def store(h, nb):
        pltpu.async_copy(blk_v.at[nb], out_hbm.at[h, :, pl.ds(b0, BW)],
                         ssem.at[nb])

    def wait_store(h, nb):
        pltpu.make_async_copy(blk_v.at[nb], out_hbm.at[h, :, pl.ds(b0, BW)],
                              ssem.at[nb]).wait()

    for nb in range(NBUF):
        fill(nb, nb)
        store(nb, nb)

    def group(g, carry):
        base = g * NBUF
        for nb in range(NBUF):
            h = base + nb
            wait_store(h, nb)
            fill(h + NBUF, nb)
            store(h + NBUF, nb)
        return carry

    lax.fori_loop(0, HIST // NBUF - 1, group, 0, unroll=False)

    last = HIST - NBUF
    for nb in range(NBUF):
        wait_store(last + nb, nb)


def kernel(input, table):
    idx_t = input.T.astype(jnp.int32)
    tbl_t = jnp.pad(table.T, ((0, 0), (0, VPAD - VOCAB)))
    out_phys = _sc_embed(idx_t, tbl_t.reshape(-1))
    return jnp.transpose(out_phys, (2, 0, 1))

# --- scband reference (transcript-rebuilt; emitter-appended) ---
"""Pipeline reference for scband-embedding-layer-36034775613829 (READ-ONLY COPY).

The authoritative reference and input builder live on the scoring server;
editing this copy changes nothing except your own understanding.
"""

import jax, jax.numpy as jnp
import numpy as np

VOCAB = 1002  # 1000 words + <oov> + <pad>
N_D = 64
BATCH = 4096
HIST = 200

def setup_inputs(seed: int = 0) -> dict:
    key = jax.random.key(seed)
    k1, k2 = jax.random.split(key)
    indices = jax.random.randint(k1, (BATCH, HIST), 0, 1000, dtype=jnp.int64 if jax.config.jax_enable_x64 else jnp.int32)
    table = jax.random.uniform(k2, (VOCAB, N_D), minval=-0.25, maxval=0.25, dtype=jnp.float32)
    return {"input": indices, "table": table}

def reference(input, table):
    # EmbeddingLayer.forward: self.embedding(input) -> plain embedding lookup
    return jnp.take(table, input, axis=0)

if __name__ == "__main__":
    import jax
    _d = setup_inputs()
    print(jax.jit(kernel)(*tuple(_d.values())))

</pallas_src>

<mosaic_0001>
#map = affine_map<(d0, d1) -> (0, 0)>
#map1 = affine_map<(d0, d1) -> (0)>
#map2 = affine_map<(d0, d1) -> (0, 0, 0)>
module attributes {stable_mosaic.version = 14 : i64} {
  func.func @_sc_embed(%arg0: i32, %arg1: i32, %arg2: memref<200x4096xi32, #tpu.memory_space<hbm>>, %arg3: memref<65536xf32, #tpu.memory_space<hbm>>, %arg4: memref<200x64x4096xf32, #tpu.memory_space<hbm>>, %arg5: memref<65536xf32, #tpu.memory_space<vmem>>, %arg6: memref<200x128xi32, #tpu.memory_space<vmem>>, %arg7: memref<2x64x128xf32, #tpu.memory_space<vmem>>, %arg8: memref<2x!tpu.dma_semaphore, #tpu.memory_space<semaphore_mem>>, %arg9: memref<2x!tpu.dma_semaphore, #tpu.memory_space<semaphore_mem>>) attributes {dimension_semantics = [#tpu.dimension_semantics<core_parallel>, #tpu.dimension_semantics<subcore_parallel>], iteration_bounds = array<i64: 2, 16>, scalar_prefetch = 0 : i64, scratch_operands = 5 : i64, tpu.core_type = #tpu.core_type<sc_vector_subcore>, window_params = [{transform_indices = #map}, {transform_indices = #map1}, {transform_indices = #map2}]} {
    %mul3A = arith.constant 2 : i32
    %mul3A_0 = arith.muli %arg1, %mul3A : i32
    %add3A = arith.addi %mul3A_0, %arg0 : i32
    %mul3A_1 = arith.constant 128 : i32
    %mul3A_2 = arith.muli %add3A, %mul3A_1 : i32
    %dma_start3A = arith.constant 0 : i32
    %dma_start3A_3 = tpu.memref_slice %arg9[%dma_start3A] : memref<2x!tpu.dma_semaphore, #tpu.memory_space<semaphore_mem>> -> memref<1x!tpu.dma_semaphore, #tpu.memory_space<semaphore_mem>>
    %dma_start3A_4 = tpu.memref_squeeze %dma_start3A_3 : memref<1x!tpu.dma_semaphore, #tpu.memory_space<semaphore_mem>> -> memref<!tpu.dma_semaphore, #tpu.memory_space<semaphore_mem>>
    tpu.enqueue_dma source(%arg3 : memref<65536xf32, #tpu.memory_space<hbm>>) target(%arg5 : memref<65536xf32, #tpu.memory_space<vmem>>) target_semaphore(%dma_start3A_4 : memref<!tpu.dma_semaphore, #tpu.memory_space<semaphore_mem>>)
    %dma_start3A_5 = arith.constant 1 : i32
    %dma_start3A_6 = arith.constant 0 : i32
    %dma_start3A_7 = tpu.memref_slice %arg2[%dma_start3A_6, %mul3A_2] : memref<200x4096xi32, #tpu.memory_space<hbm>> -> memref<200x128xi32, #tpu.memory_space<hbm>>
    %dma_start3A_8 = tpu.memref_slice %arg9[%dma_start3A_5] : memref<2x!tpu.dma_semaphore, #tpu.memory_space<semaphore_mem>> -> memref<1x!tpu.dma_semaphore, #tpu.memory_space<semaphore_mem>>
    %dma_start3A_9 = tpu.memref_squeeze %dma_start3A_8 : memref<1x!tpu.dma_semaphore, #tpu.memory_space<semaphore_mem>> -> memref<!tpu.dma_semaphore, #tpu.memory_space<semaphore_mem>>
    %dma_start3A_10 = arith.constant 0 : i32
    %dma_start3A_11 = tpu.memref_slice %arg2[%dma_start3A_10, %mul3A_2] : memref<200x4096xi32, #tpu.memory_space<hbm>> -> memref<200x128xi32, #tpu.memory_space<hbm>>
    tpu.enqueue_dma source(%dma_start3A_11 : memref<200x128xi32, #tpu.memory_space<hbm>>) target(%arg6 : memref<200x128xi32, #tpu.memory_space<vmem>>) target_semaphore(%dma_start3A_9 : memref<!tpu.dma_semaphore, #tpu.memory_space<semaphore_mem>>)
    %dma_wait3A = arith.constant 0 : i32
    %dma_wait3A_12 = tpu.memref_slice %arg9[%dma_wait3A] : memref<2x!tpu.dma_semaphore, #tpu.memory_space<semaphore_mem>> -> memref<1x!tpu.dma_semaphore, #tpu.memory_space<semaphore_mem>>
    %dma_wait3A_13 = tpu.memref_squeeze %dma_wait3A_12 : memref<1x!tpu.dma_semaphore, #tpu.memory_space<semaphore_mem>> -> memref<!tpu.dma_semaphore, #tpu.memory_space<semaphore_mem>>
    tpu.wait_dma2 semaphore(%dma_wait3A_13 : memref<!tpu.dma_semaphore, #tpu.memory_space<semaphore_mem>>) src(%arg3 : memref<65536xf32, #tpu.memory_space<hbm>>) dst(%arg5 : memref<65536xf32, #tpu.memory_space<vmem>>)
    %dma_wait3A_14 = arith.constant 1 : i32
    %dma_wait3A_15 = arith.constant 0 : i32
    %dma_wait3A_16 = tpu.memref_slice %arg2[%dma_wait3A_15, %mul3A_2] : memref<200x4096xi32, #tpu.memory_space<hbm>> -> memref<200x128xi32, #tpu.memory_space<hbm>>
    %dma_wait3A_17 = tpu.memref_slice %arg9[%dma_wait3A_14] : memref<2x!tpu.dma_semaphore, #tpu.memory_space<semaphore_mem>> -> memref<1x!tpu.dma_semaphore, #tpu.memory_space<semaphore_mem>>
    %dma_wait3A_18 = tpu.memref_squeeze %dma_wait3A_17 : memref<1x!tpu.dma_semaphore, #tpu.memory_space<semaphore_mem>> -> memref<!tpu.dma_semaphore, #tpu.memory_space<semaphore_mem>>
    %dma_wait3A_19 = arith.constant 0 : i32
    %dma_wait3A_20 = tpu.memref_slice %arg2[%dma_wait3A_19, %mul3A_2] : memref<200x4096xi32, #tpu.memory_space<hbm>> -> memref<200x128xi32, #tpu.memory_space<hbm>>
    tpu.wait_dma2 semaphore(%dma_wait3A_18 : memref<!tpu.dma_semaphore, #tpu.memory_space<semaphore_mem>>) src(%dma_wait3A_20 : memref<200x128xi32, #tpu.memory_space<hbm>>) dst(%arg6 : memref<200x128xi32, #tpu.memory_space<vmem>>)
    %get3A = arith.constant 0 : i32
    %get3A_21 = arith.index_cast %get3A : i32 to index
    %get3A_22 = arith.constant 0 : index
    %get3A_23 = tpu.vector_load %arg6[%get3A_21, %get3A_22] {strides = array<i32>} : memref<200x128xi32, #tpu.memory_space<vmem>>, vector<16xi32>,
    %parallel_loop3A = arith.constant 0 : i32
    %parallel_loop3A_24 = arith.constant 64 : i32
    %parallel_loop3A_25 = arith.constant 1 : i32
    scf.for %parallel_loop3A_212 = %parallel_loop3A to %parallel_loop3A_24 step %parallel_loop3A_25  : i32 {
      %parallel_loop3A_213 = arith.constant 10 : i32
      %parallel_loop3A_214 = arith.shli %parallel_loop3A_212, %parallel_loop3A_213 : i32
      %parallel_loop3A_215 = vector.broadcast %parallel_loop3A_214 : i32 to vector<16xi32>
      %parallel_loop3A_216 = arith.addi %get3A_23, %parallel_loop3A_215 : vector<16xi32>
      %parallel_loop3A_217 = tpu.vector_load_idx %arg5[%parallel_loop3A_216] : memref<65536xf32, #tpu.memory_space<vmem>>[vector<16xi32>], vector<16xf32>,
      %parallel_loop3A_218 = arith.constant 0 : i32
      %parallel_loop3A_219 = arith.index_cast %parallel_loop3A_218 : i32 to index
      %parallel_loop3A_220 = arith.index_cast %parallel_loop3A_212 : i32 to index
      %parallel_loop3A_221 = arith.constant 0 : index
      %parallel_loop3A_222 = tpu.vector_load %arg7[%parallel_loop3A_219, %parallel_loop3A_220, %parallel_loop3A_221] {strides = array<i32>} : memref<2x64x128xf32, #tpu.memory_space<vmem>>, vector<16xf32>,
      tpu.vector_store %arg7[%parallel_loop3A_219, %parallel_loop3A_220, %parallel_loop3A_221], %parallel_loop3A_217 {strides = array<i32>} : memref<2x64x128xf32, #tpu.memory_space<vmem>>, vector<16xf32>,
    } {sc.loop_unroll_factor = 16 : i64, sc.parallel_access}
    %get3A_26 = arith.constant 0 : i32
    %get3A_27 = arith.index_cast %get3A_26 : i32 to index
    %get3A_28 = arith.constant 16 : index
    %get3A_29 = tpu.vector_load %arg6[%get3A_27, %get3A_28] {strides = array<i32>} : memref<200x128xi32, #tpu.memory_space<vmem>>, vector<16xi32>,
    %parallel_loop3A_30 = arith.constant 0 : i32
    %parallel_loop3A_31 = arith.constant 64 : i32
    %parallel_loop3A_32 = arith.constant 1 : i32
    scf.for %parallel_loop3A_212 = %parallel_loop3A_30 to %parallel_loop3A_31 step %parallel_loop3A_32  : i32 {
      %parallel_loop3A_213 = arith.constant 10 : i32
      %parallel_loop3A_214 = arith.shli %parallel_loop3A_212, %parallel_loop3A_213 : i32
      %parallel_loop3A_215 = vector.broadcast %parallel_loop3A_214 : i32 to vector<16xi32>
      %parallel_loop3A_216 = arith.addi %get3A_29, %parallel_loop3A_215 : vector<16xi32>
      %parallel_loop3A_217 = tpu.vector_load_idx %arg5[%parallel_loop3A_216] : memref<65536xf32, #tpu.memory_space<vmem>>[vector<16xi32>], vector<16xf32>,
      %parallel_loop3A_218 = arith.constant 0 : i32
      %parallel_loop3A_219 = arith.index_cast %parallel_loop3A_218 : i32 to index
      %parallel_loop3A_220 = arith.index_cast %parallel_loop3A_212 : i32 to index
      %parallel_loop3A_221 = arith.constant 16 : index
      %parallel_loop3A_222 = tpu.vector_load %arg7[%parallel_loop3A_219, %parallel_loop3A_220, %parallel_loop3A_221] {strides = array<i32>} : memref<2x64x128xf32, #tpu.memory_space<vmem>>, vector<16xf32>,
      tpu.vector_store %arg7[%parallel_loop3A_219, %parallel_loop3A_220, %parallel_loop3A_221], %parallel_loop3A_217 {strides = array<i32>} : memref<2x64x128xf32, #tpu.memory_space<vmem>>, vector<16xf32>,
    } {sc.loop_unroll_factor = 16 : i64, sc.parallel_access}
    %get3A_33 = arith.constant 0 : i32
    %get3A_34 = arith.index_cast %get3A_33 : i32 to index
    %get3A_35 = arith.constant 32 : index
    %get3A_36 = tpu.vector_load %arg6[%get3A_34, %get3A_35] {strides = array<i32>} : memref<200x128xi32, #tpu.memory_space<vmem>>, vector<16xi32>,
    %parallel_loop3A_37 = arith.constant 0 : i32
    %parallel_loop3A_38 = arith.constant 64 : i32
    %parallel_loop3A_39 = arith.constant 1 : i32
    scf.for %parallel_loop3A_212 = %parallel_loop3A_37 to %parallel_loop3A_38 step %parallel_loop3A_39  : i32 {
      %parallel_loop3A_213 = arith.constant 10 : i32
      %parallel_loop3A_214 = arith.shli %parallel_loop3A_212, %parallel_loop3A_213 : i32
      %parallel_loop3A_215 = vector.broadcast %parallel_loop3A_214 : i32 to vector<16xi32>
      %parallel_loop3A_216 = arith.addi %get3A_36, %parallel_loop3A_215 : vector<16xi32>
      %parallel_loop3A_217 = tpu.vector_load_idx %arg5[%parallel_loop3A_216] : memref<65536xf32, #tpu.memory_space<vmem>>[vector<16xi32>], vector<16xf32>,
      %parallel_loop3A_218 = arith.constant 0 : i32
      %parallel_loop3A_219 = arith.index_cast %parallel_loop3A_218 : i32 to index
      %parallel_loop3A_220 = arith.index_cast %parallel_loop3A_212 : i32 to index
      %parallel_loop3A_221 = arith.constant 32 : index
      %parallel_loop3A_222 = tpu.vector_load %arg7[%parallel_loop3A_219, %parallel_loop3A_220, %parallel_loop3A_221] {strides = array<i32>} : memref<2x64x128xf32, #tpu.memory_space<vmem>>, vector<16xf32>,
      tpu.vector_store %arg7[%parallel_loop3A_219, %parallel_loop3A_220, %parallel_loop3A_221], %parallel_loop3A_217 {strides = array<i32>} : memref<2x64x128xf32, #tpu.memory_space<vmem>>, vector<16xf32>,
    } {sc.loop_unroll_factor = 16 : i64, sc.parallel_access}
    %get3A_40 = arith.constant 0 : i32
    %get3A_41 = arith.index_cast %get3A_40 : i32 to index
    %get3A_42 = arith.constant 48 : index
    %get3A_43 = tpu.vector_load %arg6[%get3A_41, %get3A_42] {strides = array<i32>} : memref<200x128xi32, #tpu.memory_space<vmem>>, vector<16xi32>,
    %parallel_loop3A_44 = arith.constant 0 : i32
    %parallel_loop3A_45 = arith.constant 64 : i32
    %parallel_loop3A_46 = arith.constant 1 : i32
    scf.for %parallel_loop3A_212 = %parallel_loop3A_44 to %parallel_loop3A_45 step %parallel_loop3A_46  : i32 {
      %parallel_loop3A_213 = arith.constant 10 : i32
      %parallel_loop3A_214 = arith.shli %parallel_loop3A_212, %parallel_loop3A_213 : i32
      %parallel_loop3A_215 = vector.broadcast %parallel_loop3A_214 : i32 to vector<16xi32>
      %parallel_loop3A_216 = arith.addi %get3A_43, %parallel_loop3A_215 : vector<16xi32>
      %parallel_loop3A_217 = tpu.vector_load_idx %arg5[%parallel_loop3A_216] : memref<65536xf32, #tpu.memory_space<vmem>>[vector<16xi32>], vector<16xf32>,
      %parallel_loop3A_218 = arith.constant 0 : i32
      %parallel_loop3A_219 = arith.index_cast %parallel_loop3A_218 : i32 to index
      %parallel_loop3A_220 = arith.index_cast %parallel_loop3A_212 : i32 to index
      %parallel_loop3A_221 = arith.constant 48 : index
      %parallel_loop3A_222 = tpu.vector_load %arg7[%parallel_loop3A_219, %parallel_loop3A_220, %parallel_loop3A_221] {strides = array<i32>} : memref<2x64x128xf32, #tpu.memory_space<vmem>>, vector<16xf32>,
      tpu.vector_store %arg7[%parallel_loop3A_219, %parallel_loop3A_220, %parallel_loop3A_221], %parallel_loop3A_217 {strides = array<i32>} : memref<2x64x128xf32, #tpu.memory_space<vmem>>, vector<16xf32>,
    } {sc.loop_unroll_factor = 16 : i64, sc.parallel_access}
    %get3A_47 = arith.constant 0 : i32
    %get3A_48 = arith.index_cast %get3A_47 : i32 to index
    %get3A_49 = arith.constant 64 : index
    %get3A_50 = tpu.vector_load %arg6[%get3A_48, %get3A_49] {strides = array<i32>} : memref<200x128xi32, #tpu.memory_space<vmem>>, vector<16xi32>,
    %parallel_loop3A_51 = arith.constant 0 : i32
    %parallel_loop3A_52 = arith.constant 64 : i32
    %parallel_loop3A_53 = arith.constant 1 : i32
    scf.for %parallel_loop3A_212 = %parallel_loop3A_51 to %parallel_loop3A_52 step %parallel_loop3A_53  : i32 {
      %parallel_loop3A_213 = arith.constant 10 : i32
      %parallel_loop3A_214 = arith.shli %parallel_loop3A_212, %parallel_loop3A_213 : i32
      %parallel_loop3A_215 = vector.broadcast %parallel_loop3A_214 : i32 to vector<16xi32>
      %parallel_loop3A_216 = arith.addi %get3A_50, %parallel_loop3A_215 : vector<16xi32>
      %parallel_loop3A_217 = tpu.vector_load_idx %arg5[%parallel_loop3A_216] : memref<65536xf32, #tpu.memory_space<vmem>>[vector<16xi32>], vector<16xf32>,
      %parallel_loop3A_218 = arith.constant 0 : i32
      %parallel_loop3A_219 = arith.index_cast %parallel_loop3A_218 : i32 to index
      %parallel_loop3A_220 = arith.index_cast %parallel_loop3A_212 : i32 to index
      %parallel_loop3A_221 = arith.constant 64 : index
      %parallel_loop3A_222 = tpu.vector_load %arg7[%parallel_loop3A_219, %parallel_loop3A_220, %parallel_loop3A_221] {strides = array<i32>} : memref<2x64x128xf32, #tpu.memory_space<vmem>>, vector<16xf32>,
      tpu.vector_store %arg7[%parallel_loop3A_219, %parallel_loop3A_220, %parallel_loop3A_221], %parallel_loop3A_217 {strides = array<i32>} : memref<2x64x128xf32, #tpu.memory_space<vmem>>, vector<16xf32>,
    } {sc.loop_unroll_factor = 16 : i64, sc.parallel_access}
    %get3A_54 = arith.constant 0 : i32
    %get3A_55 = arith.index_cast %get3A_54 : i32 to index
    %get3A_56 = arith.constant 80 : index
    %get3A_57 = tpu.vector_load %arg6[%get3A_55, %get3A_56] {strides = array<i32>} : memref<200x128xi32, #tpu.memory_space<vmem>>, vector<16xi32>,
    %parallel_loop3A_58 = arith.constant 0 : i32
    %parallel_loop3A_59 = arith.constant 64 : i32
    %parallel_loop3A_60 = arith.constant 1 : i32
    scf.for %parallel_loop3A_212 = %parallel_loop3A_58 to %parallel_loop3A_59 step %parallel_loop3A_60  : i32 {
      %parallel_loop3A_213 = arith.constant 10 : i32
      %parallel_loop3A_214 = arith.shli %parallel_loop3A_212, %parallel_loop3A_213 : i32
      %parallel_loop3A_215 = vector.broadcast %parallel_loop3A_214 : i32 to vector<16xi32>
      %parallel_loop3A_216 = arith.addi %get3A_57, %parallel_loop3A_215 : vector<16xi32>
      %parallel_loop3A_217 = tpu.vector_load_idx %arg5[%parallel_loop3A_216] : memref<65536xf32, #tpu.memory_space<vmem>>[vector<16xi32>], vector<16xf32>,
      %parallel_loop3A_218 = arith.constant 0 : i32
      %parallel_loop3A_219 = arith.index_cast %parallel_loop3A_218 : i32 to index
      %parallel_loop3A_220 = arith.index_cast %parallel_loop3A_212 : i32 to index
      %parallel_loop3A_221 = arith.constant 80 : index
      %parallel_loop3A_222 = tpu.vector_load %arg7[%parallel_loop3A_219, %parallel_loop3A_220, %parallel_loop3A_221] {strides = array<i32>} : memref<2x64x128xf32, #tpu.memory_space<vmem>>, vector<16xf32>,
      tpu.vector_store %arg7[%parallel_loop3A_219, %parallel_loop3A_220, %parallel_loop3A_221], %parallel_loop3A_217 {strides = array<i32>} : memref<2x64x128xf32, #tpu.memory_space<vmem>>, vector<16xf32>,
    } {sc.loop_unroll_factor = 16 : i64, sc.parallel_access}
    %get3A_61 = arith.constant 0 : i32
    %get3A_62 = arith.index_cast %get3A_61 : i32 to index
    %get3A_63 = arith.constant 96 : index
    %get3A_64 = tpu.vector_load %arg6[%get3A_62, %get3A_63] {strides = array<i32>} : memref<200x128xi32, #tpu.memory_space<vmem>>, vector<16xi32>,
    %parallel_loop3A_65 = arith.constant 0 : i32
    %parallel_loop3A_66 = arith.constant 64 : i32
    %parallel_loop3A_67 = arith.constant 1 : i32
    scf.for %parallel_loop3A_212 = %parallel_loop3A_65 to %parallel_loop3A_66 step %parallel_loop3A_67  : i32 {
      %parallel_loop3A_213 = arith.constant 10 : i32
      %parallel_loop3A_214 = arith.shli %parallel_loop3A_212, %parallel_loop3A_213 : i32
      %parallel_loop3A_215 = vector.broadcast %parallel_loop3A_214 : i32 to vector<16xi32>
      %parallel_loop3A_216 = arith.addi %get3A_64, %parallel_loop3A_215 : vector<16xi32>
      %parallel_loop3A_217 = tpu.vector_load_idx %arg5[%parallel_loop3A_216] : memref<65536xf32, #tpu.memory_space<vmem>>[vector<16xi32>], vector<16xf32>,
      %parallel_loop3A_218 = arith.constant 0 : i32
      %parallel_loop3A_219 = arith.index_cast %parallel_loop3A_218 : i32 to index
      %parallel_loop3A_220 = arith.index_cast %parallel_loop3A_212 : i32 to index
      %parallel_loop3A_221 = arith.constant 96 : index
      %parallel_loop3A_222 = tpu.vector_load %arg7[%parallel_loop3A_219, %parallel_loop3A_220, %parallel_loop3A_221] {strides = array<i32>} : memref<2x64x128xf32, #tpu.memory_space<vmem>>, vector<16xf32>,
      tpu.vector_store %arg7[%parallel_loop3A_219, %parallel_loop3A_220, %parallel_loop3A_221], %parallel_loop3A_217 {strides = array<i32>} : memref<2x64x128xf32, #tpu.memory_space<vmem>>, vector<16xf32>,
    } {sc.loop_unroll_factor = 16 : i64, sc.parallel_access}
    %get3A_68 = arith.constant 0 : i32
    %get3A_69 = arith.index_cast %get3A_68 : i32 to index
    %get3A_70 = arith.constant 112 : index
    %get3A_71 = tpu.vector_load %arg6[%get3A_69, %get3A_70] {strides = array<i32>} : memref<200x128xi32, #tpu.memory_space<vmem>>, vector<16xi32>,
    %parallel_loop3A_72 = arith.constant 0 : i32
    %parallel_loop3A_73 = arith.constant 64 : i32
    %parallel_loop3A_74 = arith.constant 1 : i32
    scf.for %parallel_loop3A_212 = %parallel_loop3A_72 to %parallel_loop3A_73 step %parallel_loop3A_74  : i32 {
      %parallel_loop3A_213 = arith.constant 10 : i32
      %parallel_loop3A_214 = arith.shli %parallel_loop3A_212, %parallel_loop3A_213 : i32
      %parallel_loop3A_215 = vector.broadcast %parallel_loop3A_214 : i32 to vector<16xi32>
      %parallel_loop3A_216 = arith.addi %get3A_71, %parallel_loop3A_215 : vector<16xi32>
      %parallel_loop3A_217 = tpu.vector_load_idx %arg5[%parallel_loop3A_216] : memref<65536xf32, #tpu.memory_space<vmem>>[vector<16xi32>], vector<16xf32>,
      %parallel_loop3A_218 = arith.constant 0 : i32
      %parallel_loop3A_219 = arith.index_cast %parallel_loop3A_218 : i32 to index
      %parallel_loop3A_220 = arith.index_cast %parallel_loop3A_212 : i32 to index
      %parallel_loop3A_221 = arith.constant 112 : index
      %parallel_loop3A_222 = tpu.vector_load %arg7[%parallel_loop3A_219, %parallel_loop3A_220, %parallel_loop3A_221] {strides = array<i32>} : memref<2x64x128xf32, #tpu.memory_space<vmem>>, vector<16xf32>,
      tpu.vector_store %arg7[%parallel_loop3A_219, %parallel_loop3A_220, %parallel_loop3A_221], %parallel_loop3A_217 {strides = array<i32>} : memref<2x64x128xf32, #tpu.memory_space<vmem>>, vector<16xf32>,
    } {sc.loop_unroll_factor = 16 : i64, sc.parallel_access}
    %dma_start3A_75 = arith.constant 0 : i32
    %dma_start3A_76 = arith.constant 0 : i32
    %dma_start3A_77 = arith.constant 0 : i32
    %dma_start3A_78 = arith.constant 0 : i32
    %dma_start3A_79 = arith.constant 0 : i32
    %dma_start3A_80 = tpu.memref_slice %arg7[%dma_start3A_75, %dma_start3A_78, %dma_start3A_79] : memref<2x64x128xf32, #tpu.memory_space<vmem>> -> memref<1x64x128xf32, #tpu.memory_space<vmem>>
    %dma_start3A_81 = tpu.memref_squeeze %dma_start3A_80 : memref<1x64x128xf32, #tpu.memory_space<vmem>> -> memref<64x128xf32, #tpu.memory_space<vmem>>
    %dma_start3A_82 = arith.constant 0 : i32
    %dma_start3A_83 = tpu.memref_slice %arg4[%dma_start3A_76, %dma_start3A_82, %mul3A_2] : memref<200x64x4096xf32, #tpu.memory_space<hbm>> -> memref<1x64x128xf32, #tpu.memory_space<hbm>>
    %dma_start3A_84 = tpu.memref_squeeze %dma_start3A_83 : memref<1x64x128xf32, #tpu.memory_space<hbm>> -> memref<64x128xf32, #tpu.memory_space<hbm>>
    %dma_start3A_85 = tpu.memref_slice %arg8[%dma_start3A_77] : memref<2x!tpu.dma_semaphore, #tpu.memory_space<semaphore_mem>> -> memref<1x!tpu.dma_semaphore, #tpu.memory_space<semaphore_mem>>
    %dma_start3A_86 = tpu.memref_squeeze %dma_start3A_85 : memref<1x!tpu.dma_semaphore, #tpu.memory_space<semaphore_mem>> -> memref<!tpu.dma_semaphore, #tpu.memory_space<semaphore_mem>>
    %dma_start3A_87 = arith.constant 0 : i32
    %dma_start3A_88 = tpu.memref_slice %arg4[%dma_start3A_76, %dma_start3A_87, %mul3A_2] : memref<200x64x4096xf32, #tpu.memory_space<hbm>> -> memref<1x64x128xf32, #tpu.memory_space<hbm>>
    %dma_start3A_89 = tpu.memref_squeeze %dma_start3A_88 : memref<1x64x128xf32, #tpu.memory_space<hbm>> -> memref<64x128xf32, #tpu.memory_space<hbm>>
    %dma_start3A_90 = arith.constant 0 : i32
    %dma_start3A_91 = arith.constant 0 : i32
    %dma_start3A_92 = tpu.memref_slice %arg7[%dma_start3A_75, %dma_start3A_90, %dma_start3A_91] : memref<2x64x128xf32, #tpu.memory_space<vmem>> -> memref<1x64x128xf32, #tpu.memory_space<vmem>>
    %dma_start3A_93 = tpu.memref_squeeze %dma_start3A_92 : memref<1x64x128xf32, #tpu.memory_space<vmem>> -> memref<64x128xf32, #tpu.memory_space<vmem>>
    tpu.enqueue_dma source(%dma_start3A_93 : memref<64x128xf32, #tpu.memory_space<vmem>>) target(%dma_start3A_89 : memref<64x128xf32, #tpu.memory_space<hbm>>) target_semaphore(%dma_start3A_86 : memref<!tpu.dma_semaphore, #tpu.memory_space<semaphore_mem>>)
    %get3A_94 = arith.constant 1 : i32
    %get3A_95 = arith.index_cast %get3A_94 : i32 to index
    %get3A_96 = arith.constant 0 : index
    %get3A_97 = tpu.vector_load %arg6[%get3A_95, %get3A_96] {strides = array<i32>} : memref<200x128xi32, #tpu.memory_space<vmem>>, vector<16xi32>,
    %parallel_loop3A_98 = arith.constant 0 : i32
    %parallel_loop3A_99 = arith.constant 64 : i32
    %parallel_loop3A_100 = arith.constant 1 : i32
    scf.for %parallel_loop3A_212 = %parallel_loop3A_98 to %parallel_loop3A_99 step %parallel_loop3A_100  : i32 {
      %parallel_loop3A_213 = arith.constant 10 : i32
      %parallel_loop3A_214 = arith.shli %parallel_loop3A_212, %parallel_loop3A_213 : i32
      %parallel_loop3A_215 = vector.broadcast %parallel_loop3A_214 : i32 to vector<16xi32>
      %parallel_loop3A_216 = arith.addi %get3A_97, %parallel_loop3A_215 : vector<16xi32>
      %parallel_loop3A_217 = tpu.vector_load_idx %arg5[%parallel_loop3A_216] : memref<65536xf32, #tpu.memory_space<vmem>>[vector<16xi32>], vector<16xf32>,
      %parallel_loop3A_218 = arith.constant 1 : i32
      %parallel_loop3A_219 = arith.index_cast %parallel_loop3A_218 : i32 to index
      %parallel_loop3A_220 = arith.index_cast %parallel_loop3A_212 : i32 to index
      %parallel_loop3A_221 = arith.constant 0 : index
      %parallel_loop3A_222 = tpu.vector_load %arg7[%parallel_loop3A_219, %parallel_loop3A_220, %parallel_loop3A_221] {strides = array<i32>} : memref<2x64x128xf32, #tpu.memory_space<vmem>>, vector<16xf32>,
      tpu.vector_store %arg7[%parallel_loop3A_219, %parallel_loop3A_220, %parallel_loop3A_221], %parallel_loop3A_217 {strides = array<i32>} : memref<2x64x128xf32, #tpu.memory_space<vmem>>, vector<16xf32>,
    } {sc.loop_unroll_factor = 16 : i64, sc.parallel_access}
    %get3A_101 = arith.constant 1 : i32
    %get3A_102 = arith.index_cast %get3A_101 : i32 to index
    %get3A_103 = arith.constant 16 : index
    %get3A_104 = tpu.vector_load %arg6[%get3A_102, %get3A_103] {strides = array<i32>} : memref<200x128xi32, #tpu.memory_space<vmem>>, vector<16xi32>,
    %parallel_loop3A_105 = arith.constant 0 : i32
    %parallel_loop3A_106 = arith.constant 64 : i32
    %parallel_loop3A_107 = arith.constant 1 : i32
    scf.for %parallel_loop3A_212 = %parallel_loop3A_105 to %parallel_loop3A_106 step %parallel_loop3A_107  : i32 {
      %parallel_loop3A_213 = arith.constant 10 : i32
      %parallel_loop3A_214 = arith.shli %parallel_loop3A_212, %parallel_loop3A_213 : i32
      %parallel_loop3A_215 = vector.broadcast %parallel_loop3A_214 : i32 to vector<16xi32>
      %parallel_loop3A_216 = arith.addi %get3A_104, %parallel_loop3A_215 : vector<16xi32>
      %parallel_loop3A_217 = tpu.vector_load_idx %arg5[%parallel_loop3A_216] : memref<65536xf32, #tpu.memory_space<vmem>>[vector<16xi32>], vector<16xf32>,
      %parallel_loop3A_218 = arith.constant 1 : i32
      %parallel_loop3A_219 = arith.index_cast %parallel_loop3A_218 : i32 to index
      %parallel_loop3A_220 = arith.index_cast %parallel_loop3A_212 : i32 to index
      %parallel_loop3A_221 = arith.constant 16 : index
      %parallel_loop3A_222 = tpu.vector_load %arg7[%parallel_loop3A_219, %parallel_loop3A_220, %parallel_loop3A_221] {strides = array<i32>} : memref<2x64x128xf32, #tpu.memory_space<vmem>>, vector<16xf32>,
      tpu.vector_store %arg7[%parallel_loop3A_219, %parallel_loop3A_220, %parallel_loop3A_221], %parallel_loop3A_217 {strides = array<i32>} : memref<2x64x128xf32, #tpu.memory_space<vmem>>, vector<16xf32>,
    } {sc.loop_unroll_factor = 16 : i64, sc.parallel_access}
    %get3A_108 = arith.constant 1 : i32
    %get3A_109 = arith.index_cast %get3A_108 : i32 to index
    %get3A_110 = arith.constant 32 : index
    %get3A_111 = tpu.vector_load %arg6[%get3A_109, %get3A_110] {strides = array<i32>} : memref<200x128xi32, #tpu.memory_space<vmem>>, vector<16xi32>,
    %parallel_loop3A_112 = arith.constant 0 : i32
    %parallel_loop3A_113 = arith.constant 64 : i32
    %parallel_loop3A_114 = arith.constant 1 : i32
    scf.for %parallel_loop3A_212 = %parallel_loop3A_112 to %parallel_loop3A_113 step %parallel_loop3A_114  : i32 {
      %parallel_loop3A_213 = arith.constant 10 : i32
      %parallel_loop3A_214 = arith.shli %parallel_loop3A_212, %parallel_loop3A_213 : i32
      %parallel_loop3A_215 = vector.broadcast %parallel_loop3A_214 : i32 to vector<16xi32>
      %parallel_loop3A_216 = arith.addi %get3A_111, %parallel_loop3A_215 : vector<16xi32>
      %parallel_loop3A_217 = tpu.vector_load_idx %arg5[%parallel_loop3A_216] : memref<65536xf32, #tpu.memory_space<vmem>>[vector<16xi32>], vector<16xf32>,
      %parallel_loop3A_218 = arith.constant 1 : i32
      %parallel_loop3A_219 = arith.index_cast %parallel_loop3A_218 : i32 to index
      %parallel_loop3A_220 = arith.index_cast %parallel_loop3A_212 : i32 to index
      %parallel_loop3A_221 = arith.constant 32 : index
      %parallel_loop3A_222 = tpu.vector_load %arg7[%parallel_loop3A_219, %parallel_loop3A_220, %parallel_loop3A_221] {strides = array<i32>} : memref<2x64x128xf32, #tpu.memory_space<vmem>>, vector<16xf32>,
      tpu.vector_store %arg7[%parallel_loop3A_219, %parallel_loop3A_220, %parallel_loop3A_221], %parallel_loop3A_217 {strides = array<i32>} : memref<2x64x128xf32, #tpu.memory_space<vmem>>, vector<16xf32>,
    } {sc.loop_unroll_factor = 16 : i64, sc.parallel_access}
    %get3A_115 = arith.constant 1 : i32
    %get3A_116 = arith.index_cast %get3A_115 : i32 to index
    %get3A_117 = arith.constant 48 : index
    %get3A_118 = tpu.vector_load %arg6[%get3A_116, %get3A_117] {strides = array<i32>} : memref<200x128xi32, #tpu.memory_space<vmem>>, vector<16xi32>,
    %parallel_loop3A_119 = arith.constant 0 : i32
    %parallel_loop3A_120 = arith.constant 64 : i32
    %parallel_loop3A_121 = arith.constant 1 : i32
    scf.for %parallel_loop3A_212 = %parallel_loop3A_119 to %parallel_loop3A_120 step %parallel_loop3A_121  : i32 {
      %parallel_loop3A_213 = arith.constant 10 : i32
      %parallel_loop3A_214 = arith.shli %parallel_loop3A_212, %parallel_loop3A_213 : i32
      %parallel_loop3A_215 = vector.broadcast %parallel_loop3A_214 : i32 to vector<16xi32>
      %parallel_loop3A_216 = arith.addi %get3A_118, %parallel_loop3A_215 : vector<16xi32>
      %parallel_loop3A_217 = tpu.vector_load_idx %arg5[%parallel_loop3A_216] : memref<65536xf32, #tpu.memory_space<vmem>>[vector<16xi32>], vector<16xf32>,
      %parallel_loop3A_218 = arith.constant 1 : i32
      %parallel_loop3A_219 = arith.index_cast %parallel_loop3A_218 : i32 to index
      %parallel_loop3A_220 = arith.index_cast %parallel_loop3A_212 : i32 to index
      %parallel_loop3A_221 = arith.constant 48 : index
      %parallel_loop3A_222 = tpu.vector_load %arg7[%parallel_loop3A_219, %parallel_loop3A_220, %parallel_loop3A_221] {strides = array<i32>} : memref<2x64x128xf32, #tpu.memory_space<vmem>>, vector<16xf32>,
      tpu.vector_store %arg7[%parallel_loop3A_219, %parallel_loop3A_220, %parallel_loop3A_221], %parallel_loop3A_217 {strides = array<i32>} : memref<2x64x128xf32, #tpu.memory_space<vmem>>, vector<16xf32>,
    } {sc.loop_unroll_factor = 16 : i64, sc.parallel_access}
    %get3A_122 = arith.constant 1 : i32
    %get3A_123 = arith.index_cast %get3A_122 : i32 to index
    %get3A_124 = arith.constant 64 : index
    %get3A_125 = tpu.vector_load %arg6[%get3A_123, %get3A_124] {strides = array<i32>} : memref<200x128xi32, #tpu.memory_space<vmem>>, vector<16xi32>,
    %parallel_loop3A_126 = arith.constant 0 : i32
    %parallel_loop3A_127 = arith.constant 64 : i32
    %parallel_loop3A_128 = arith.constant 1 : i32
    scf.for %parallel_loop3A_212 = %parallel_loop3A_126 to %parallel_loop3A_127 step %parallel_loop3A_128  : i32 {
      %parallel_loop3A_213 = arith.constant 10 : i32
      %parallel_loop3A_214 = arith.shli %parallel_loop3A_212, %parallel_loop3A_213 : i32
      %parallel_loop3A_215 = vector.broadcast %parallel_loop3A_214 : i32 to vector<16xi32>
      %parallel_loop3A_216 = arith.addi %get3A_125, %parallel_loop3A_215 : vector<16xi32>
      %parallel_loop3A_217 = tpu.vector_load_idx %arg5[%parallel_loop3A_216] : memref<65536xf32, #tpu.memory_space<vmem>>[vector<16xi32>], vector<16xf32>,
      %parallel_loop3A_218 = arith.constant 1 : i32
      %parallel_loop3A_219 = arith.index_cast %parallel_loop3A_218 : i32 to index
      %parallel_loop3A_220 = arith.index_cast %parallel_loop3A_212 : i32 to index
      %parallel_loop3A_221 = arith.constant 64 : index
      %parallel_loop3A_222 = tpu.vector_load %arg7[%parallel_loop3A_219, %parallel_loop3A_220, %parallel_loop3A_221] {strides = array<i32>} : memref<2x64x128xf32, #tpu.memory_space<vmem>>, vector<16xf32>,
      tpu.vector_store %arg7[%parallel_loop3A_219, %parallel_loop3A_220, %parallel_loop3A_221], %parallel_loop3A_217 {strides = array<i32>} : memref<2x64x128xf32, #tpu.memory_space<vmem>>, vector<16xf32>,
    } {sc.loop_unroll_factor = 16 : i64, sc.parallel_access}
    %get3A_129 = arith.constant 1 : i32
    %get3A_130 = arith.index_cast %get3A_129 : i32 to index
    %get3A_131 = arith.constant 80 : index
    %get3A_132 = tpu.vector_load %arg6[%get3A_130, %get3A_131] {strides = array<i32>} : memref<200x128xi32, #tpu.memory_space<vmem>>, vector<16xi32>,
    %parallel_loop3A_133 = arith.constant 0 : i32
    %parallel_loop3A_134 = arith.constant 64 : i32
    %parallel_loop3A_135 = arith.constant 1 : i32
    scf.for %parallel_loop3A_212 = %parallel_loop3A_133 to %parallel_loop3A_134 step %parallel_loop3A_135  : i32 {
      %parallel_loop3A_213 = arith.constant 10 : i32
      %parallel_loop3A_214 = arith.shli %parallel_loop3A_212, %parallel_loop3A_213 : i32
      %parallel_loop3A_215 = vector.broadcast %parallel_loop3A_214 : i32 to vector<16xi32>
      %parallel_loop3A_216 = arith.addi %get3A_132, %parallel_loop3A_215 : vector<16xi32>
      %parallel_loop3A_217 = tpu.vector_load_idx %arg5[%parallel_loop3A_216] : memref<65536xf32, #tpu.memory_space<vmem>>[vector<16xi32>], vector<16xf32>,
      %parallel_loop3A_218 = arith.constant 1 : i32
      %parallel_loop3A_219 = arith.index_cast %parallel_loop3A_218 : i32 to index
      %parallel_loop3A_220 = arith.index_cast %parallel_loop3A_212 : i32 to index
      %parallel_loop3A_221 = arith.constant 80 : index
      %parallel_loop3A_222 = tpu.vector_load %arg7[%parallel_loop3A_219, %parallel_loop3A_220, %parallel_loop3A_221] {strides = array<i32>} : memref<2x64x128xf32, #tpu.memory_space<vmem>>, vector<16xf32>,
      tpu.vector_store %arg7[%parallel_loop3A_219, %parallel_loop3A_220, %parallel_loop3A_221], %parallel_loop3A_217 {strides = array<i32>} : memref<2x64x128xf32, #tpu.memory_space<vmem>>, vector<16xf32>,
    } {sc.loop_unroll_factor = 16 : i64, sc.parallel_access}
    %get3A_136 = arith.constant 1 : i32
    %get3A_137 = arith.index_cast %get3A_136 : i32 to index
    %get3A_138 = arith.constant 96 : index
    %get3A_139 = tpu.vector_load %arg6[%get3A_137, %get3A_138] {strides = array<i32>} : memref<200x128xi32, #tpu.memory_space<vmem>>, vector<16xi32>,
    %parallel_loop3A_140 = arith.constant 0 : i32
    %parallel_loop3A_141 = arith.constant 64 : i32
    %parallel_loop3A_142 = arith.constant 1 : i32
    scf.for %parallel_loop3A_212 = %parallel_loop3A_140 to %parallel_loop3A_141 step %parallel_loop3A_142  : i32 {
      %parallel_loop3A_213 = arith.constant 10 : i32
      %parallel_loop3A_214 = arith.shli %parallel_loop3A_212, %parallel_loop3A_213 : i32
      %parallel_loop3A_215 = vector.broadcast %parallel_loop3A_214 : i32 to vector<16xi32>
      %parallel_loop3A_216 = arith.addi %get3A_139, %parallel_loop3A_215 : vector<16xi32>
      %parallel_loop3A_217 = tpu.vector_load_idx %arg5[%parallel_loop3A_216] : memref<65536xf32, #tpu.memory_space<vmem>>[vector<16xi32>], vector<16xf32>,
      %parallel_loop3A_218 = arith.constant 1 : i32
      %parallel_loop3A_219 = arith.index_cast %parallel_loop3A_218 : i32 to index
      %parallel_loop3A_220 = arith.index_cast %parallel_loop3A_212 : i32 to index
      %parallel_loop3A_221 = arith.constant 96 : index
      %parallel_loop3A_222 = tpu.vector_load %arg7[%parallel_loop3A_219, %parallel_loop3A_220, %parallel_loop3A_221] {strides = array<i32>} : memref<2x64x128xf32, #tpu.memory_space<vmem>>, vector<16xf32>,
      tpu.vector_store %arg7[%parallel_loop3A_219, %parallel_loop3A_220, %parallel_loop3A_221], %parallel_loop3A_217 {strides = array<i32>} : memref<2x64x128xf32, #tpu.memory_space<vmem>>, vector<16xf32>,
    } {sc.loop_unroll_factor = 16 : i64, sc.parallel_access}
    %get3A_143 = arith.constant 1 : i32
    %get3A_144 = arith.index_cast %get3A_143 : i32 to index
    %get3A_145 = arith.constant 112 : index
    %get3A_146 = tpu.vector_load %arg6[%get3A_144, %get3A_145] {strides = array<i32>} : memref<200x128xi32, #tpu.memory_space<vmem>>, vector<16xi32>,
    %parallel_loop3A_147 = arith.constant 0 : i32
    %parallel_loop3A_148 = arith.constant 64 : i32
    %parallel_loop3A_149 = arith.constant 1 : i32
    scf.for %parallel_loop3A_212 = %parallel_loop3A_147 to %parallel_loop3A_148 step %parallel_loop3A_149  : i32 {
      %parallel_loop3A_213 = arith.constant 10 : i32
      %parallel_loop3A_214 = arith.shli %parallel_loop3A_212, %parallel_loop3A_213 : i32
      %parallel_loop3A_215 = vector.broadcast %parallel_loop3A_214 : i32 to vector<16xi32>
      %parallel_loop3A_216 = arith.addi %get3A_146, %parallel_loop3A_215 : vector<16xi32>
      %parallel_loop3A_217 = tpu.vector_load_idx %arg5[%parallel_loop3A_216] : memref<65536xf32, #tpu.memory_space<vmem>>[vector<16xi32>], vector<16xf32>,
      %parallel_loop3A_218 = arith.constant 1 : i32
      %parallel_loop3A_219 = arith.index_cast %parallel_loop3A_218 : i32 to index
      %parallel_loop3A_220 = arith.index_cast %parallel_loop3A_212 : i32 to index
      %parallel_loop3A_221 = arith.constant 112 : index
      %parallel_loop3A_222 = tpu.vector_load %arg7[%parallel_loop3A_219, %parallel_loop3A_220, %parallel_loop3A_221] {strides = array<i32>} : memref<2x64x128xf32, #tpu.memory_space<vmem>>, vector<16xf32>,
      tpu.vector_store %arg7[%parallel_loop3A_219, %parallel_loop3A_220, %parallel_loop3A_221], %parallel_loop3A_217 {strides = array<i32>} : memref<2x64x128xf32, #tpu.memory_space<vmem>>, vector<16xf32>,
    } {sc.loop_unroll_factor = 16 : i64, sc.parallel_access}
    %dma_start3A_150 = arith.constant 1 : i32
    %dma_start3A_151 = arith.constant 1 : i32
    %dma_start3A_152 = arith.constant 1 : i32
    %dma_start3A_153 = arith.constant 0 : i32
    %dma_start3A_154 = arith.constant 0 : i32
    %dma_start3A_155 = tpu.memref_slice %arg7[%dma_start3A_150, %dma_start3A_153, %dma_start3A_154] : memref<2x64x128xf32, #tpu.memory_space<vmem>> -> memref<1x64x128xf32, #tpu.memory_space<vmem>>
    %dma_start3A_156 = tpu.memref_squeeze %dma_start3A_155 : memref<1x64x128xf32, #tpu.memory_space<vmem>> -> memref<64x128xf32, #tpu.memory_space<vmem>>
    %dma_start3A_157 = arith.constant 0 : i32
    %dma_start3A_158 = tpu.memref_slice %arg4[%dma_start3A_151, %dma_start3A_157, %mul3A_2] : memref<200x64x4096xf32, #tpu.memory_space<hbm>> -> memref<1x64x128xf32, #tpu.memory_space<hbm>>
    %dma_start3A_159 = tpu.memref_squeeze %dma_start3A_158 : memref<1x64x128xf32, #tpu.memory_space<hbm>> -> memref<64x128xf32, #tpu.memory_space<hbm>>
    %dma_start3A_160 = tpu.memref_slice %arg8[%dma_start3A_152] : memref<2x!tpu.dma_semaphore, #tpu.memory_space<semaphore_mem>> -> memref<1x!tpu.dma_semaphore, #tpu.memory_space<semaphore_mem>>
    %dma_start3A_161 = tpu.memref_squeeze %dma_start3A_160 : memref<1x!tpu.dma_semaphore, #tpu.memory_space<semaphore_mem>> -> memref<!tpu.dma_semaphore, #tpu.memory_space<semaphore_mem>>
    %dma_start3A_162 = arith.constant 0 : i32
    %dma_start3A_163 = tpu.memref_slice %arg4[%dma_start3A_151, %dma_start3A_162, %mul3A_2] : memref<200x64x4096xf32, #tpu.memory_space<hbm>> -> memref<1x64x128xf32, #tpu.memory_space<hbm>>
    %dma_start3A_164 = tpu.memref_squeeze %dma_start3A_163 : memref<1x64x128xf32, #tpu.memory_space<hbm>> -> memref<64x128xf32, #tpu.memory_space<hbm>>
    %dma_start3A_165 = arith.constant 0 : i32
    %dma_start3A_166 = arith.constant 0 : i32
    %dma_start3A_167 = tpu.memref_slice %arg7[%dma_start3A_150, %dma_start3A_165, %dma_start3A_166] : memref<2x64x128xf32, #tpu.memory_space<vmem>> -> memref<1x64x128xf32, #tpu.memory_space<vmem>>
    %dma_start3A_168 = tpu.memref_squeeze %dma_start3A_167 : memref<1x64x128xf32, #tpu.memory_space<vmem>> -> memref<64x128xf32, #tpu.memory_space<vmem>>
    tpu.enqueue_dma source(%dma_start3A_168 : memref<64x128xf32, #tpu.memory_space<vmem>>) target(%dma_start3A_164 : memref<64x128xf32, #tpu.memory_space<hbm>>) target_semaphore(%dma_start3A_161 : memref<!tpu.dma_semaphore, #tpu.memory_space<semaphore_mem>>)
    %scan3A = arith.constant 0 : i32
    %scan3A_169 = arith.constant 0 : i32
    %scan3A_170 = arith.constant 99 : i32
    %scan3A_171 = arith.addi %scan3A_169, %scan3A_170 : i32
    %scan3A_172 = arith.constant 1 : i32
    scf.for %scan3A_212 = %scan3A_169 to %scan3A_171 step %scan3A_172  : i32 {
      %mul3A_213 = arith.constant 2 : i32
      %mul3A_214 = arith.muli %scan3A_212, %mul3A_213 : i32
      %add3A_215 = arith.constant 0 : i32
      %add3A_216 = arith.addi %mul3A_214, %add3A_215 : i32
      %dma_wait3A_217 = arith.constant 0 : i32
      %dma_wait3A_218 = arith.constant 0 : i32
      %dma_wait3A_219 = arith.constant 0 : i32
      %dma_wait3A_220 = arith.constant 0 : i32
      %dma_wait3A_221 = tpu.memref_slice %arg7[%dma_wait3A_217, %dma_wait3A_219, %dma_wait3A_220] : memref<2x64x128xf32, #tpu.memory_space<vmem>> -> memref<1x64x128xf32, #tpu.memory_space<vmem>>
      %dma_wait3A_222 = tpu.memref_squeeze %dma_wait3A_221 : memref<1x64x128xf32, #tpu.memory_space<vmem>> -> memref<64x128xf32, #tpu.memory_space<vmem>>
      %dma_wait3A_223 = arith.constant 0 : i32
      %dma_wait3A_224 = tpu.memref_slice %arg4[%add3A_216, %dma_wait3A_223, %mul3A_2] : memref<200x64x4096xf32, #tpu.memory_space<hbm>> -> memref<1x64x128xf32, #tpu.memory_space<hbm>>
      %dma_wait3A_225 = tpu.memref_squeeze %dma_wait3A_224 : memref<1x64x128xf32, #tpu.memory_space<hbm>> -> memref<64x128xf32, #tpu.memory_space<hbm>>
      %dma_wait3A_226 = tpu.memref_slice %arg8[%dma_wait3A_218] : memref<2x!tpu.dma_semaphore, #tpu.memory_space<semaphore_mem>> -> memref<1x!tpu.dma_semaphore, #tpu.memory_space<semaphore_mem>>
      %dma_wait3A_227 = tpu.memref_squeeze %dma_wait3A_226 : memref<1x!tpu.dma_semaphore, #tpu.memory_space<semaphore_mem>> -> memref<!tpu.dma_semaphore, #tpu.memory_space<semaphore_mem>>
      %dma_wait3A_228 = arith.constant 0 : i32
      %dma_wait3A_229 = tpu.memref_slice %arg4[%add3A_216, %dma_wait3A_228, %mul3A_2] : memref<200x64x4096xf32, #tpu.memory_space<hbm>> -> memref<1x64x128xf32, #tpu.memory_space<hbm>>
      %dma_wait3A_230 = tpu.memref_squeeze %dma_wait3A_229 : memref<1x64x128xf32, #tpu.memory_space<hbm>> -> memref<64x128xf32, #tpu.memory_space<hbm>>
      %dma_wait3A_231 = arith.constant 0 : i32
      %dma_wait3A_232 = arith.constant 0 : i32
      %dma_wait3A_233 = tpu.memref_slice %arg7[%dma_wait3A_217, %dma_wait3A_231, %dma_wait3A_232] : memref<2x64x128xf32, #tpu.memory_space<vmem>> -> memref<1x64x128xf32, #tpu.memory_space<vmem>>
      %dma_wait3A_234 = tpu.memref_squeeze %dma_wait3A_233 : memref<1x64x128xf32, #tpu.memory_space<vmem>> -> memref<64x128xf32, #tpu.memory_space<vmem>>
      tpu.wait_dma2 semaphore(%dma_wait3A_227 : memref<!tpu.dma_semaphore, #tpu.memory_space<semaphore_mem>>) src(%dma_wait3A_234 : memref<64x128xf32, #tpu.memory_space<vmem>>) dst(%dma_wait3A_230 : memref<64x128xf32, #tpu.memory_space<hbm>>)
      %add3A_235 = arith.constant 2 : i32
      %add3A_236 = arith.addi %add3A_216, %add3A_235 : i32
      %get3A_237 = arith.index_cast %add3A_236 : i32 to index
      %get3A_238 = arith.constant 0 : index
      %get3A_239 = tpu.vector_load %arg6[%get3A_237, %get3A_238] {strides = array<i32>} : memref<200x128xi32, #tpu.memory_space<vmem>>, vector<16xi32>,
      %parallel_loop3A_240 = arith.constant 0 : i32
      %parallel_loop3A_241 = arith.constant 64 : i32
      %parallel_loop3A_242 = arith.constant 1 : i32
      scf.for %parallel_loop3A_395 = %parallel_loop3A_240 to %parallel_loop3A_241 step %parallel_loop3A_242  : i32 {
        %parallel_loop3A_396 = arith.constant 10 : i32
        %parallel_loop3A_397 = arith.shli %parallel_loop3A_395, %parallel_loop3A_396 : i32
        %parallel_loop3A_398 = vector.broadcast %parallel_loop3A_397 : i32 to vector<16xi32>
        %parallel_loop3A_399 = arith.addi %get3A_239, %parallel_loop3A_398 : vector<16xi32>
        %parallel_loop3A_400 = tpu.vector_load_idx %arg5[%parallel_loop3A_399] : memref<65536xf32, #tpu.memory_space<vmem>>[vector<16xi32>], vector<16xf32>,
        %parallel_loop3A_401 = arith.constant 0 : i32
        %parallel_loop3A_402 = arith.index_cast %parallel_loop3A_401 : i32 to index
        %parallel_loop3A_403 = arith.index_cast %parallel_loop3A_395 : i32 to index
        %parallel_loop3A_404 = arith.constant 0 : index
        %parallel_loop3A_405 = tpu.vector_load %arg7[%parallel_loop3A_402, %parallel_loop3A_403, %parallel_loop3A_404] {strides = array<i32>} : memref<2x64x128xf32, #tpu.memory_space<vmem>>, vector<16xf32>,
        tpu.vector_store %arg7[%parallel_loop3A_402, %parallel_loop3A_403, %parallel_loop3A_404], %parallel_loop3A_400 {strides = array<i32>} : memref<2x64x128xf32, #tpu.memory_space<vmem>>, vector<16xf32>,
      } {sc.loop_unroll_factor = 16 : i64, sc.parallel_access}
      %get3A_243 = arith.index_cast %add3A_236 : i32 to index
      %get3A_244 = arith.constant 16 : index
      %get3A_245 = tpu.vector_load %arg6[%get3A_243, %get3A_244] {strides = array<i32>} : memref<200x128xi32, #tpu.memory_space<vmem>>, vector<16xi32>,
      %parallel_loop3A_246 = arith.constant 0 : i32
      %parallel_loop3A_247 = arith.constant 64 : i32
      %parallel_loop3A_248 = arith.constant 1 : i32
      scf.for %parallel_loop3A_395 = %parallel_loop3A_246 to %parallel_loop3A_247 step %parallel_loop3A_248  : i32 {
        %parallel_loop3A_396 = arith.constant 10 : i32
        %parallel_loop3A_397 = arith.shli %parallel_loop3A_395, %parallel_loop3A_396 : i32
        %parallel_loop3A_398 = vector.broadcast %parallel_loop3A_397 : i32 to vector<16xi32>
        %parallel_loop3A_399 = arith.addi %get3A_245, %parallel_loop3A_398 : vector<16xi32>
        %parallel_loop3A_400 = tpu.vector_load_idx %arg5[%parallel_loop3A_399] : memref<65536xf32, #tpu.memory_space<vmem>>[vector<16xi32>], vector<16xf32>,
        %parallel_loop3A_401 = arith.constant 0 : i32
        %parallel_loop3A_402 = arith.index_cast %parallel_loop3A_401 : i32 to index
        %parallel_loop3A_403 = arith.index_cast %parallel_loop3A_395 : i32 to index
        %parallel_loop3A_404 = arith.constant 16 : index
        %parallel_loop3A_405 = tpu.vector_load %arg7[%parallel_loop3A_402, %parallel_loop3A_403, %parallel_loop3A_404] {strides = array<i32>} : memref<2x64x128xf32, #tpu.memory_space<vmem>>, vector<16xf32>,
        tpu.vector_store %arg7[%parallel_loop3A_402, %parallel_loop3A_403, %parallel_loop3A_404], %parallel_loop3A_400 {strides = array<i32>} : memref<2x64x128xf32, #tpu.memory_space<vmem>>, vector<16xf32>,
      } {sc.loop_unroll_factor = 16 : i64, sc.parallel_access}
      %get3A_249 = arith.index_cast %add3A_236 : i32 to index
      %get3A_250 = arith.constant 32 : index
      %get3A_251 = tpu.vector_load %arg6[%get3A_249, %get3A_250] {strides = array<i32>} : memref<200x128xi32, #tpu.memory_space<vmem>>, vector<16xi32>,
      %parallel_loop3A_252 = arith.constant 0 : i32
      %parallel_loop3A_253 = arith.constant 64 : i32
      %parallel_loop3A_254 = arith.constant 1 : i32
      scf.for %parallel_loop3A_395 = %parallel_loop3A_252 to %parallel_loop3A_253 step %parallel_loop3A_254  : i32 {
        %parallel_loop3A_396 = arith.constant 10 : i32
        %parallel_loop3A_397 = arith.shli %parallel_loop3A_395, %parallel_loop3A_396 : i32
        %parallel_loop3A_398 = vector.broadcast %parallel_loop3A_397 : i32 to vector<16xi32>
        %parallel_loop3A_399 = arith.addi %get3A_251, %parallel_loop3A_398 : vector<16xi32>
        %parallel_loop3A_400 = tpu.vector_load_idx %arg5[%parallel_loop3A_399] : memref<65536xf32, #tpu.memory_space<vmem>>[vector<16xi32>], vector<16xf32>,
        %parallel_loop3A_401 = arith.constant 0 : i32
        %parallel_loop3A_402 = arith.index_cast %parallel_loop3A_401 : i32 to index
        %parallel_loop3A_403 = arith.index_cast %parallel_loop3A_395 : i32 to index
        %parallel_loop3A_404 = arith.constant 32 : index
        %parallel_loop3A_405 = tpu.vector_load %arg7[%parallel_loop3A_402, %parallel_loop3A_403, %parallel_loop3A_404] {strides = array<i32>} : memref<2x64x128xf32, #tpu.memory_space<vmem>>, vector<16xf32>,
        tpu.vector_store %arg7[%parallel_loop3A_402, %parallel_loop3A_403, %parallel_loop3A_404], %parallel_loop3A_400 {strides = array<i32>} : memref<2x64x128xf32, #tpu.memory_space<vmem>>, vector<16xf32>,
      } {sc.loop_unroll_factor = 16 : i64, sc.parallel_access}
      %get3A_255 = arith.index_cast %add3A_236 : i32 to index
      %get3A_256 = arith.constant 48 : index
      %get3A_257 = tpu.vector_load %arg6[%get3A_255, %get3A_256] {strides = array<i32>} : memref<200x128xi32, #tpu.memory_space<vmem>>, vector<16xi32>,
      %parallel_loop3A_258 = arith.constant 0 : i32
      %parallel_loop3A_259 = arith.constant 64 : i32
      %parallel_loop3A_260 = arith.constant 1 : i32
      scf.for %parallel_loop3A_395 = %parallel_loop3A_258 to %parallel_loop3A_259 step %parallel_loop3A_260  : i32 {
        %parallel_loop3A_396 = arith.constant 10 : i32
        %parallel_loop3A_397 = arith.shli %parallel_loop3A_395, %parallel_loop3A_396 : i32
        %parallel_loop3A_398 = vector.broadcast %parallel_loop3A_397 : i32 to vector<16xi32>
        %parallel_loop3A_399 = arith.addi %get3A_257, %parallel_loop3A_398 : vector<16xi32>
        %parallel_loop3A_400 = tpu.vector_load_idx %arg5[%parallel_loop3A_399] : memref<65536xf32, #tpu.memory_space<vmem>>[vector<16xi32>], vector<16xf32>,
        %parallel_loop3A_401 = arith.constant 0 : i32
        %parallel_loop3A_402 = arith.index_cast %parallel_loop3A_401 : i32 to index
        %parallel_loop3A_403 = arith.index_cast %parallel_loop3A_395 : i32 to index
        %parallel_loop3A_404 = arith.constant 48 : index
        %parallel_loop3A_405 = tpu.vector_load %arg7[%parallel_loop3A_402, %parallel_loop3A_403, %parallel_loop3A_404] {strides = array<i32>} : memref<2x64x128xf32, #tpu.memory_space<vmem>>, vector<16xf32>,
        tpu.vector_store %arg7[%parallel_loop3A_402, %parallel_loop3A_403, %parallel_loop3A_404], %parallel_loop3A_400 {strides = array<i32>} : memref<2x64x128xf32, #tpu.memory_space<vmem>>, vector<16xf32>,
      } {sc.loop_unroll_factor = 16 : i64, sc.parallel_access}
      %get3A_261 = arith.index_cast %add3A_236 : i32 to index
      %get3A_262 = arith.constant 64 : index
      %get3A_263 = tpu.vector_load %arg6[%get3A_261, %get3A_262] {strides = array<i32>} : memref<200x128xi32, #tpu.memory_space<vmem>>, vector<16xi32>,
      %parallel_loop3A_264 = arith.constant 0 : i32
      %parallel_loop3A_265 = arith.constant 64 : i32
      %parallel_loop3A_266 = arith.constant 1 : i32
      scf.for %parallel_loop3A_395 = %parallel_loop3A_264 to %parallel_loop3A_265 step %parallel_loop3A_266  : i32 {
        %parallel_loop3A_396 = arith.constant 10 : i32
        %parallel_loop3A_397 = arith.shli %parallel_loop3A_395, %parallel_loop3A_396 : i32
        %parallel_loop3A_398 = vector.broadcast %parallel_loop3A_397 : i32 to vector<16xi32>
        %parallel_loop3A_399 = arith.addi %get3A_263, %parallel_loop3A_398 : vector<16xi32>
        %parallel_loop3A_400 = tpu.vector_load_idx %arg5[%parallel_loop3A_399] : memref<65536xf32, #tpu.memory_space<vmem>>[vector<16xi32>], vector<16xf32>,
        %parallel_loop3A_401 = arith.constant 0 : i32
        %parallel_loop3A_402 = arith.index_cast %parallel_loop3A_401 : i32 to index
        %parallel_loop3A_403 = arith.index_cast %parallel_loop3A_395 : i32 to index
        %parallel_loop3A_404 = arith.constant 64 : index
        %parallel_loop3A_405 = tpu.vector_load %arg7[%parallel_loop3A_402, %parallel_loop3A_403, %parallel_loop3A_404] {strides = array<i32>} : memref<2x64x128xf32, #tpu.memory_space<vmem>>, vector<16xf32>,
        tpu.vector_store %arg7[%parallel_loop3A_402, %parallel_loop3A_403, %parallel_loop3A_404], %parallel_loop3A_400 {strides = array<i32>} : memref<2x64x128xf32, #tpu.memory_space<vmem>>, vector<16xf32>,
      } {sc.loop_unroll_factor = 16 : i64, sc.parallel_access}
      %get3A_267 = arith.index_cast %add3A_236 : i32 to index
      %get3A_268 = arith.constant 80 : index
      %get3A_269 = tpu.vector_load %arg6[%get3A_267, %get3A_268] {strides = array<i32>} : memref<200x128xi32, #tpu.memory_space<vmem>>, vector<16xi32>,
      %parallel_loop3A_270 = arith.constant 0 : i32
      %parallel_loop3A_271 = arith.constant 64 : i32
      %parallel_loop3A_272 = arith.constant 1 : i32
      scf.for %parallel_loop3A_395 = %parallel_loop3A_270 to %parallel_loop3A_271 step %parallel_loop3A_272  : i32 {
        %parallel_loop3A_396 = arith.constant 10 : i32
        %parallel_loop3A_397 = arith.shli %parallel_loop3A_395, %parallel_loop3A_396 : i32
        %parallel_loop3A_398 = vector.broadcast %parallel_loop3A_397 : i32 to vector<16xi32>
        %parallel_loop3A_399 = arith.addi %get3A_269, %parallel_loop3A_398 : vector<16xi32>
        %parallel_loop3A_400 = tpu.vector_load_idx %arg5[%parallel_loop3A_399] : memref<65536xf32, #tpu.memory_space<vmem>>[vector<16xi32>], vector<16xf32>,
        %parallel_loop3A_401 = arith.constant 0 : i32
        %parallel_loop3A_402 = arith.index_cast %parallel_loop3A_401 : i32 to index
        %parallel_loop3A_403 = arith.index_cast %parallel_loop3A_395 : i32 to index
        %parallel_loop3A_404 = arith.constant 80 : index
        %parallel_loop3A_405 = tpu.vector_load %arg7[%parallel_loop3A_402, %parallel_loop3A_403, %parallel_loop3A_404] {strides = array<i32>} : memref<2x64x128xf32, #tpu.memory_space<vmem>>, vector<16xf32>,
        tpu.vector_store %arg7[%parallel_loop3A_402, %parallel_loop3A_403, %parallel_loop3A_404], %parallel_loop3A_400 {strides = array<i32>} : memref<2x64x128xf32, #tpu.memory_space<vmem>>, vector<16xf32>,
      } {sc.loop_unroll_factor = 16 : i64, sc.parallel_access}
      %get3A_273 = arith.index_cast %add3A_236 : i32 to index
      %get3A_274 = arith.constant 96 : index
      %get3A_275 = tpu.vector_load %arg6[%get3A_273, %get3A_274] {strides = array<i32>} : memref<200x128xi32, #tpu.memory_space<vmem>>, vector<16xi32>,
      %parallel_loop3A_276 = arith.constant 0 : i32
      %parallel_loop3A_277 = arith.constant 64 : i32
      %parallel_loop3A_278 = arith.constant 1 : i32
      scf.for %parallel_loop3A_395 = %parallel_loop3A_276 to %parallel_loop3A_277 step %parallel_loop3A_278  : i32 {
        %parallel_loop3A_396 = arith.constant 10 : i32
        %parallel_loop3A_397 = arith.shli %parallel_loop3A_395, %parallel_loop3A_396 : i32
        %parallel_loop3A_398 = vector.broadcast %parallel_loop3A_397 : i32 to vector<16xi32>
        %parallel_loop3A_399 = arith.addi %get3A_275, %parallel_loop3A_398 : vector<16xi32>
        %parallel_loop3A_400 = tpu.vector_load_idx %arg5[%parallel_loop3A_399] : memref<65536xf32, #tpu.memory_space<vmem>>[vector<16xi32>], vector<16xf32>,
        %parallel_loop3A_401 = arith.constant 0 : i32
        %parallel_loop3A_402 = arith.index_cast %parallel_loop3A_401 : i32 to index
        %parallel_loop3A_403 = arith.index_cast %parallel_loop3A_395 : i32 to index
        %parallel_loop3A_404 = arith.constant 96 : index
        %parallel_loop3A_405 = tpu.vector_load %arg7[%parallel_loop3A_402, %parallel_loop3A_403, %parallel_loop3A_404] {strides = array<i32>} : memref<2x64x128xf32, #tpu.memory_space<vmem>>, vector<16xf32>,
        tpu.vector_store %arg7[%parallel_loop3A_402, %parallel_loop3A_403, %parallel_loop3A_404], %parallel_loop3A_400 {strides = array<i32>} : memref<2x64x128xf32, #tpu.memory_space<vmem>>, vector<16xf32>,
      } {sc.loop_unroll_factor = 16 : i64, sc.parallel_access}
      %get3A_279 = arith.index_cast %add3A_236 : i32 to index
      %get3A_280 = arith.constant 112 : index
      %get3A_281 = tpu.vector_load %arg6[%get3A_279, %get3A_280] {strides = array<i32>} : memref<200x128xi32, #tpu.memory_space<vmem>>, vector<16xi32>,
      %parallel_loop3A_282 = arith.constant 0 : i32
      %parallel_loop3A_283 = arith.constant 64 : i32
      %parallel_loop3A_284 = arith.constant 1 : i32
      scf.for %parallel_loop3A_395 = %parallel_loop3A_282 to %parallel_loop3A_283 step %parallel_loop3A_284  : i32 {
        %parallel_loop3A_396 = arith.constant 10 : i32
        %parallel_loop3A_397 = arith.shli %parallel_loop3A_395, %parallel_loop3A_396 : i32
        %parallel_loop3A_398 = vector.broadcast %parallel_loop3A_397 : i32 to vector<16xi32>
        %parallel_loop3A_399 = arith.addi %get3A_281, %parallel_loop3A_398 : vector<16xi32>
        %parallel_loop3A_400 = tpu.vector_load_idx %arg5[%parallel_loop3A_399] : memref<65536xf32, #tpu.memory_space<vmem>>[vector<16xi32>], vector<16xf32>,
        %parallel_loop3A_401 = arith.constant 0 : i32
        %parallel_loop3A_402 = arith.index_cast %parallel_loop3A_401 : i32 to index
        %parallel_loop3A_403 = arith.index_cast %parallel_loop3A_395 : i32 to index
        %parallel_loop3A_404 = arith.constant 112 : index
        %parallel_loop3A_405 = tpu.vector_load %arg7[%parallel_loop3A_402, %parallel_loop3A_403, %parallel_loop3A_404] {strides = array<i32>} : memref<2x64x128xf32, #tpu.memory_space<vmem>>, vector<16xf32>,
        tpu.vector_store %arg7[%parallel_loop3A_402, %parallel_loop3A_403, %parallel_loop3A_404], %parallel_loop3A_400 {strides = array<i32>} : memref<2x64x128xf32, #tpu.memory_space<vmem>>, vector<16xf32>,
      } {sc.loop_unroll_factor = 16 : i64, sc.parallel_access}
      %add3A_285 = arith.constant 2 : i32
      %add3A_286 = arith.addi %add3A_216, %add3A_285 : i32
      %dma_start3A_287 = arith.constant 0 : i32
      %dma_start3A_288 = arith.constant 0 : i32
      %dma_start3A_289 = arith.constant 0 : i32
      %dma_start3A_290 = arith.constant 0 : i32
      %dma_start3A_291 = tpu.memref_slice %arg7[%dma_start3A_287, %dma_start3A_289, %dma_start3A_290] : memref<2x64x128xf32, #tpu.memory_space<vmem>> -> memref<1x64x128xf32, #tpu.memory_space<vmem>>
      %dma_start3A_292 = tpu.memref_squeeze %dma_start3A_291 : memref<1x64x128xf32, #tpu.memory_space<vmem>> -> memref<64x128xf32, #tpu.memory_space<vmem>>
      %dma_start3A_293 = arith.constant 0 : i32
      %dma_start3A_294 = tpu.memref_slice %arg4[%add3A_286, %dma_start3A_293, %mul3A_2] : memref<200x64x4096xf32, #tpu.memory_space<hbm>> -> memref<1x64x128xf32, #tpu.memory_space<hbm>>
      %dma_start3A_295 = tpu.memref_squeeze %dma_start3A_294 : memref<1x64x128xf32, #tpu.memory_space<hbm>> -> memref<64x128xf32, #tpu.memory_space<hbm>>
      %dma_start3A_296 = tpu.memref_slice %arg8[%dma_start3A_288] : memref<2x!tpu.dma_semaphore, #tpu.memory_space<semaphore_mem>> -> memref<1x!tpu.dma_semaphore, #tpu.memory_space<semaphore_mem>>
      %dma_start3A_297 = tpu.memref_squeeze %dma_start3A_296 : memref<1x!tpu.dma_semaphore, #tpu.memory_space<semaphore_mem>> -> memref<!tpu.dma_semaphore, #tpu.memory_space<semaphore_mem>>
      %dma_start3A_298 = arith.constant 0 : i32
      %dma_start3A_299 = tpu.memref_slice %arg4[%add3A_286, %dma_start3A_298, %mul3A_2] : memref<200x64x4096xf32, #tpu.memory_space<hbm>> -> memref<1x64x128xf32, #tpu.memory_space<hbm>>
      %dma_start3A_300 = tpu.memref_squeeze %dma_start3A_299 : memref<1x64x128xf32, #tpu.memory_space<hbm>> -> memref<64x128xf32, #tpu.memory_space<hbm>>
      %dma_start3A_301 = arith.constant 0 : i32
      %dma_start3A_302 = arith.constant 0 : i32
      %dma_start3A_303 = tpu.memref_slice %arg7[%dma_start3A_287, %dma_start3A_301, %dma_start3A_302] : memref<2x64x128xf32, #tpu.memory_space<vmem>> -> memref<1x64x128xf32, #tpu.memory_space<vmem>>
      %dma_start3A_304 = tpu.memref_squeeze %dma_start3A_303 : memref<1x64x128xf32, #tpu.memory_space<vmem>> -> memref<64x128xf32, #tpu.memory_space<vmem>>
      tpu.enqueue_dma source(%dma_start3A_304 : memref<64x128xf32, #tpu.memory_space<vmem>>) target(%dma_start3A_300 : memref<64x128xf32, #tpu.memory_space<hbm>>) target_semaphore(%dma_start3A_297 : memref<!tpu.dma_semaphore, #tpu.memory_space<semaphore_mem>>)
      %add3A_305 = arith.constant 1 : i32
      %add3A_306 = arith.addi %mul3A_214, %add3A_305 : i32
      %dma_wait3A_307 = arith.constant 1 : i32
      %dma_wait3A_308 = arith.constant 1 : i32
      %dma_wait3A_309 = arith.constant 0 : i32
      %dma_wait3A_310 = arith.constant 0 : i32
      %dma_wait3A_311 = tpu.memref_slice %arg7[%dma_wait3A_307, %dma_wait3A_309, %dma_wait3A_310] : memref<2x64x128xf32, #tpu.memory_space<vmem>> -> memref<1x64x128xf32, #tpu.memory_space<vmem>>
      %dma_wait3A_312 = tpu.memref_squeeze %dma_wait3A_311 : memref<1x64x128xf32, #tpu.memory_space<vmem>> -> memref<64x128xf32, #tpu.memory_space<vmem>>
      %dma_wait3A_313 = arith.constant 0 : i32
      %dma_wait3A_314 = tpu.memref_slice %arg4[%add3A_306, %dma_wait3A_313, %mul3A_2] : memref<200x64x4096xf32, #tpu.memory_space<hbm>> -> memref<1x64x128xf32, #tpu.memory_space<hbm>>
      %dma_wait3A_315 = tpu.memref_squeeze %dma_wait3A_314 : memref<1x64x128xf32, #tpu.memory_space<hbm>> -> memref<64x128xf32, #tpu.memory_space<hbm>>
      %dma_wait3A_316 = tpu.memref_slice %arg8[%dma_wait3A_308] : memref<2x!tpu.dma_semaphore, #tpu.memory_space<semaphore_mem>> -> memref<1x!tpu.dma_semaphore, #tpu.memory_space<semaphore_mem>>
      %dma_wait3A_317 = tpu.memref_squeeze %dma_wait3A_316 : memref<1x!tpu.dma_semaphore, #tpu.memory_space<semaphore_mem>> -> memref<!tpu.dma_semaphore, #tpu.memory_space<semaphore_mem>>
      %dma_wait3A_318 = arith.constant 0 : i32
      %dma_wait3A_319 = tpu.memref_slice %arg4[%add3A_306, %dma_wait3A_318, %mul3A_2] : memref<200x64x4096xf32, #tpu.memory_space<hbm>> -> memref<1x64x128xf32, #tpu.memory_space<hbm>>
      %dma_wait3A_320 = tpu.memref_squeeze %dma_wait3A_319 : memref<1x64x128xf32, #tpu.memory_space<hbm>> -> memref<64x128xf32, #tpu.memory_space<hbm>>
      %dma_wait3A_321 = arith.constant 0 : i32
      %dma_wait3A_322 = arith.constant 0 : i32
      %dma_wait3A_323 = tpu.memref_slice %arg7[%dma_wait3A_307, %dma_wait3A_321, %dma_wait3A_322] : memref<2x64x128xf32, #tpu.memory_space<vmem>> -> memref<1x64x128xf32, #tpu.memory_space<vmem>>
      %dma_wait3A_324 = tpu.memref_squeeze %dma_wait3A_323 : memref<1x64x128xf32, #tpu.memory_space<vmem>> -> memref<64x128xf32, #tpu.memory_space<vmem>>
      tpu.wait_dma2 semaphore(%dma_wait3A_317 : memref<!tpu.dma_semaphore, #tpu.memory_space<semaphore_mem>>) src(%dma_wait3A_324 : memref<64x128xf32, #tpu.memory_space<vmem>>) dst(%dma_wait3A_320 : memref<64x128xf32, #tpu.memory_space<hbm>>)
      %add3A_325 = arith.constant 2 : i32
      %add3A_326 = arith.addi %add3A_306, %add3A_325 : i32
      %get3A_327 = arith.index_cast %add3A_326 : i32 to index
      %get3A_328 = arith.constant 0 : index
      %get3A_329 = tpu.vector_load %arg6[%get3A_327, %get3A_328] {strides = array<i32>} : memref<200x128xi32, #tpu.memory_space<vmem>>, vector<16xi32>,
      %parallel_loop3A_330 = arith.constant 0 : i32
      %parallel_loop3A_331 = arith.constant 64 : i32
      %parallel_loop3A_332 = arith.constant 1 : i32
      scf.for %parallel_loop3A_395 = %parallel_loop3A_330 to %parallel_loop3A_331 step %parallel_loop3A_332  : i32 {
        %parallel_loop3A_396 = arith.constant 10 : i32
        %parallel_loop3A_397 = arith.shli %parallel_loop3A_395, %parallel_loop3A_396 : i32
        %parallel_loop3A_398 = vector.broadcast %parallel_loop3A_397 : i32 to vector<16xi32>
        %parallel_loop3A_399 = arith.addi %get3A_329, %parallel_loop3A_398 : vector<16xi32>
        %parallel_loop3A_400 = tpu.vector_load_idx %arg5[%parallel_loop3A_399] : memref<65536xf32, #tpu.memory_space<vmem>>[vector<16xi32>], vector<16xf32>,
        %parallel_loop3A_401 = arith.constant 1 : i32
        %parallel_loop3A_402 = arith.index_cast %parallel_loop3A_401 : i32 to index
        %parallel_loop3A_403 = arith.index_cast %parallel_loop3A_395 : i32 to index
        %parallel_loop3A_404 = arith.constant 0 : index
        %parallel_loop3A_405 = tpu.vector_load %arg7[%parallel_loop3A_402, %parallel_loop3A_403, %parallel_loop3A_404] {strides = array<i32>} : memref<2x64x128xf32, #tpu.memory_space<vmem>>, vector<16xf32>,
        tpu.vector_store %arg7[%parallel_loop3A_402, %parallel_loop3A_403, %parallel_loop3A_404], %parallel_loop3A_400 {strides = array<i32>} : memref<2x64x128xf32, #tpu.memory_space<vmem>>, vector<16xf32>,
      } {sc.loop_unroll_factor = 16 : i64, sc.parallel_access}
      %get3A_333 = arith.index_cast %add3A_326 : i32 to index
      %get3A_334 = arith.constant 16 : index
      %get3A_335 = tpu.vector_load %arg6[%get3A_333, %get3A_334] {strides = array<i32>} : memref<200x128xi32, #tpu.memory_space<vmem>>, vector<16xi32>,
      %parallel_loop3A_336 = arith.constant 0 : i32
      %parallel_loop3A_337 = arith.constant 64 : i32
      %parallel_loop3A_338 = arith.constant 1 : i32
      scf.for %parallel_loop3A_395 = %parallel_loop3A_336 to %parallel_loop3A_337 step %parallel_loop3A_338  : i32 {
        %parallel_loop3A_396 = arith.constant 10 : i32
        %parallel_loop3A_397 = arith.shli %parallel_loop3A_395, %parallel_loop3A_396 : i32
        %parallel_loop3A_398 = vector.broadcast %parallel_loop3A_397 : i32 to vector<16xi32>
        %parallel_loop3A_399 = arith.addi %get3A_335, %parallel_loop3A_398 : vector<16xi32>
        %parallel_loop3A_400 = tpu.vector_load_idx %arg5[%parallel_loop3A_399] : memref<65536xf32, #tpu.memory_space<vmem>>[vector<16xi32>], vector<16xf32>,
        %parallel_loop3A_401 = arith.constant 1 : i32
        %parallel_loop3A_402 = arith.index_cast %parallel_loop3A_401 : i32 to index
        %parallel_loop3A_403 = arith.index_cast %parallel_loop3A_395 : i32 to index
        %parallel_loop3A_404 = arith.constant 16 : index
        %parallel_loop3A_405 = tpu.vector_load %arg7[%parallel_loop3A_402, %parallel_loop3A_403, %parallel_loop3A_404] {strides = array<i32>} : memref<2x64x128xf32, #tpu.memory_space<vmem>>, vector<16xf32>,
        tpu.vector_store %arg7[%parallel_loop3A_402, %parallel_loop3A_403, %parallel_loop3A_404], %parallel_loop3A_400 {strides = array<i32>} : memref<2x64x128xf32, #tpu.memory_space<vmem>>, vector<16xf32>,
      } {sc.loop_unroll_factor = 16 : i64, sc.parallel_access}
      %get3A_339 = arith.index_cast %add3A_326 : i32 to index
      %get3A_340 = arith.constant 32 : index
      %get3A_341 = tpu.vector_load %arg6[%get3A_339, %get3A_340] {strides = array<i32>} : memref<200x128xi32, #tpu.memory_space<vmem>>, vector<16xi32>,
      %parallel_loop3A_342 = arith.constant 0 : i32
      %parallel_loop3A_343 = arith.constant 64 : i32
      %parallel_loop3A_344 = arith.constant 1 : i32
      scf.for %parallel_loop3A_395 = %parallel_loop3A_342 to %parallel_loop3A_343 step %parallel_loop3A_344  : i32 {
        %parallel_loop3A_396 = arith.constant 10 : i32
        %parallel_loop3A_397 = arith.shli %parallel_loop3A_395, %parallel_loop3A_396 : i32
        %parallel_loop3A_398 = vector.broadcast %parallel_loop3A_397 : i32 to vector<16xi32>
        %parallel_loop3A_399 = arith.addi %get3A_341, %parallel_loop3A_398 : vector<16xi32>
        %parallel_loop3A_400 = tpu.vector_load_idx %arg5[%parallel_loop3A_399] : memref<65536xf32, #tpu.memory_space<vmem>>[vector<16xi32>], vector<16xf32>,
        %parallel_loop3A_401 = arith.constant 1 : i32
        %parallel_loop3A_402 = arith.index_cast %parallel_loop3A_401 : i32 to index
        %parallel_loop3A_403 = arith.index_cast %parallel_loop3A_395 : i32 to index
        %parallel_loop3A_404 = arith.constant 32 : index
        %parallel_loop3A_405 = tpu.vector_load %arg7[%parallel_loop3A_402, %parallel_loop3A_403, %parallel_loop3A_404] {strides = array<i32>} : memref<2x64x128xf32, #tpu.memory_space<vmem>>, vector<16xf32>,
        tpu.vector_store %arg7[%parallel_loop3A_402, %parallel_loop3A_403, %parallel_loop3A_404], %parallel_loop3A_400 {strides = array<i32>} : memref<2x64x128xf32, #tpu.memory_space<vmem>>, vector<16xf32>,
      } {sc.loop_unroll_factor = 16 : i64, sc.parallel_access}
      %get3A_345 = arith.index_cast %add3A_326 : i32 to index
      %get3A_346 = arith.constant 48 : index
      %get3A_347 = tpu.vector_load %arg6[%get3A_345, %get3A_346] {strides = array<i32>} : memref<200x128xi32, #tpu.memory_space<vmem>>, vector<16xi32>,
      %parallel_loop3A_348 = arith.constant 0 : i32
      %parallel_loop3A_349 = arith.constant 64 : i32
      %parallel_loop3A_350 = arith.constant 1 : i32
      scf.for %parallel_loop3A_395 = %parallel_loop3A_348 to %parallel_loop3A_349 step %parallel_loop3A_350  : i32 {
        %parallel_loop3A_396 = arith.constant 10 : i32
        %parallel_loop3A_397 = arith.shli %parallel_loop3A_395, %parallel_loop3A_396 : i32
        %parallel_loop3A_398 = vector.broadcast %parallel_loop3A_397 : i32 to vector<16xi32>
        %parallel_loop3A_399 = arith.addi %get3A_347, %parallel_loop3A_398 : vector<16xi32>
        %parallel_loop3A_400 = tpu.vector_load_idx %arg5[%parallel_loop3A_399] : memref<65536xf32, #tpu.memory_space<vmem>>[vector<16xi32>], vector<16xf32>,
        %parallel_loop3A_401 = arith.constant 1 : i32
        %parallel_loop3A_402 = arith.index_cast %parallel_loop3A_401 : i32 to index
        %parallel_loop3A_403 = arith.index_cast %parallel_loop3A_395 : i32 to index
        %parallel_loop3A_404 = arith.constant 48 : index
        %parallel_loop3A_405 = tpu.vector_load %arg7[%parallel_loop3A_402, %parallel_loop3A_403, %parallel_loop3A_404] {strides = array<i32>} : memref<2x64x128xf32, #tpu.memory_space<vmem>>, vector<16xf32>,
        tpu.vector_store %arg7[%parallel_loop3A_402, %parallel_loop3A_403, %parallel_loop3A_404], %parallel_loop3A_400 {strides = array<i32>} : memref<2x64x128xf32, #tpu.memory_space<vmem>>, vector<16xf32>,
      } {sc.loop_unroll_factor = 16 : i64, sc.parallel_access}
      %get3A_351 = arith.index_cast %add3A_326 : i32 to index
      %get3A_352 = arith.constant 64 : index
      %get3A_353 = tpu.vector_load %arg6[%get3A_351, %get3A_352] {strides = array<i32>} : memref<200x128xi32, #tpu.memory_space<vmem>>, vector<16xi32>,
      %parallel_loop3A_354 = arith.constant 0 : i32
      %parallel_loop3A_355 = arith.constant 64 : i32
      %parallel_loop3A_356 = arith.constant 1 : i32
      scf.for %parallel_loop3A_395 = %parallel_loop3A_354 to %parallel_loop3A_355 step %parallel_loop3A_356  : i32 {
        %parallel_loop3A_396 = arith.constant 10 : i32
        %parallel_loop3A_397 = arith.shli %parallel_loop3A_395, %parallel_loop3A_396 : i32
        %parallel_loop3A_398 = vector.broadcast %parallel_loop3A_397 : i32 to vector<16xi32>
        %parallel_loop3A_399 = arith.addi %get3A_353, %parallel_loop3A_398 : vector<16xi32>
        %parallel_loop3A_400 = tpu.vector_load_idx %arg5[%parallel_loop3A_399] : memref<65536xf32, #tpu.memory_space<vmem>>[vector<16xi32>], vector<16xf32>,
        %parallel_loop3A_401 = arith.constant 1 : i32
        %parallel_loop3A_402 = arith.index_cast %parallel_loop3A_401 : i32 to index
        %parallel_loop3A_403 = arith.index_cast %parallel_loop3A_395 : i32 to index
        %parallel_loop3A_404 = arith.constant 64 : index
        %parallel_loop3A_405 = tpu.vector_load %arg7[%parallel_loop3A_402, %parallel_loop3A_403, %parallel_loop3A_404] {strides = array<i32>} : memref<2x64x128xf32, #tpu.memory_space<vmem>>, vector<16xf32>,
        tpu.vector_store %arg7[%parallel_loop3A_402, %parallel_loop3A_403, %parallel_loop3A_404], %parallel_loop3A_400 {strides = array<i32>} : memref<2x64x128xf32, #tpu.memory_space<vmem>>, vector<16xf32>,
      } {sc.loop_unroll_factor = 16 : i64, sc.parallel_access}
      %get3A_357 = arith.index_cast %add3A_326 : i32 to index
      %get3A_358 = arith.constant 80 : index
      %get3A_359 = tpu.vector_load %arg6[%get3A_357, %get3A_358] {strides = array<i32>} : memref<200x128xi32, #tpu.memory_space<vmem>>, vector<16xi32>,
      %parallel_loop3A_360 = arith.constant 0 : i32
      %parallel_loop3A_361 = arith.constant 64 : i32
      %parallel_loop3A_362 = arith.constant 1 : i32
      scf.for %parallel_loop3A_395 = %parallel_loop3A_360 to %parallel_loop3A_361 step %parallel_loop3A_362  : i32 {
        %parallel_loop3A_396 = arith.constant 10 : i32
        %parallel_loop3A_397 = arith.shli %parallel_loop3A_395, %parallel_loop3A_396 : i32
        %parallel_loop3A_398 = vector.broadcast %parallel_loop3A_397 : i32 to vector<16xi32>
        %parallel_loop3A_399 = arith.addi %get3A_359, %parallel_loop3A_398 : vector<16xi32>
        %parallel_loop3A_400 = tpu.vector_load_idx %arg5[%parallel_loop3A_399] : memref<65536xf32, #tpu.memory_space<vmem>>[vector<16xi32>], vector<16xf32>,
        %parallel_loop3A_401 = arith.constant 1 : i32
        %parallel_loop3A_402 = arith.index_cast %parallel_loop3A_401 : i32 to index
        %parallel_loop3A_403 = arith.index_cast %parallel_loop3A_395 : i32 to index
        %parallel_loop3A_404 = arith.constant 80 : index
        %parallel_loop3A_405 = tpu.vector_load %arg7[%parallel_loop3A_402, %parallel_loop3A_403, %parallel_loop3A_404] {strides = array<i32>} : memref<2x64x128xf32, #tpu.memory_space<vmem>>, vector<16xf32>,
        tpu.vector_store %arg7[%parallel_loop3A_402, %parallel_loop3A_403, %parallel_loop3A_404], %parallel_loop3A_400 {strides = array<i32>} : memref<2x64x128xf32, #tpu.memory_space<vmem>>, vector<16xf32>,
      } {sc.loop_unroll_factor = 16 : i64, sc.parallel_access}
      %get3A_363 = arith.index_cast %add3A_326 : i32 to index
      %get3A_364 = arith.constant 96 : index
      %get3A_365 = tpu.vector_load %arg6[%get3A_363, %get3A_364] {strides = array<i32>} : memref<200x128xi32, #tpu.memory_space<vmem>>, vector<16xi32>,
      %parallel_loop3A_366 = arith.constant 0 : i32
      %parallel_loop3A_367 = arith.constant 64 : i32
      %parallel_loop3A_368 = arith.constant 1 : i32
      scf.for %parallel_loop3A_395 = %parallel_loop3A_366 to %parallel_loop3A_367 step %parallel_loop3A_368  : i32 {
        %parallel_loop3A_396 = arith.constant 10 : i32
        %parallel_loop3A_397 = arith.shli %parallel_loop3A_395, %parallel_loop3A_396 : i32
        %parallel_loop3A_398 = vector.broadcast %parallel_loop3A_397 : i32 to vector<16xi32>
        %parallel_loop3A_399 = arith.addi %get3A_365, %parallel_loop3A_398 : vector<16xi32>
        %parallel_loop3A_400 = tpu.vector_load_idx %arg5[%parallel_loop3A_399] : memref<65536xf32, #tpu.memory_space<vmem>>[vector<16xi32>], vector<16xf32>,
        %parallel_loop3A_401 = arith.constant 1 : i32
        %parallel_loop3A_402 = arith.index_cast %parallel_loop3A_401 : i32 to index
        %parallel_loop3A_403 = arith.index_cast %parallel_loop3A_395 : i32 to index
        %parallel_loop3A_404 = arith.constant 96 : index
        %parallel_loop3A_405 = tpu.vector_load %arg7[%parallel_loop3A_402, %parallel_loop3A_403, %parallel_loop3A_404] {strides = array<i32>} : memref<2x64x128xf32, #tpu.memory_space<vmem>>, vector<16xf32>,
        tpu.vector_store %arg7[%parallel_loop3A_402, %parallel_loop3A_403, %parallel_loop3A_404], %parallel_loop3A_400 {strides = array<i32>} : memref<2x64x128xf32, #tpu.memory_space<vmem>>, vector<16xf32>,
      } {sc.loop_unroll_factor = 16 : i64, sc.parallel_access}
      %get3A_369 = arith.index_cast %add3A_326 : i32 to index
      %get3A_370 = arith.constant 112 : index
      %get3A_371 = tpu.vector_load %arg6[%get3A_369, %get3A_370] {strides = array<i32>} : memref<200x128xi32, #tpu.memory_space<vmem>>, vector<16xi32>,
      %parallel_loop3A_372 = arith.constant 0 : i32
      %parallel_loop3A_373 = arith.constant 64 : i32
      %parallel_loop3A_374 = arith.constant 1 : i32
      scf.for %parallel_loop3A_395 = %parallel_loop3A_372 to %parallel_loop3A_373 step %parallel_loop3A_374  : i32 {
        %parallel_loop3A_396 = arith.constant 10 : i32
        %parallel_loop3A_397 = arith.shli %parallel_loop3A_395, %parallel_loop3A_396 : i32
        %parallel_loop3A_398 = vector.broadcast %parallel_loop3A_397 : i32 to vector<16xi32>
        %parallel_loop3A_399 = arith.addi %get3A_371, %parallel_loop3A_398 : vector<16xi32>
        %parallel_loop3A_400 = tpu.vector_load_idx %arg5[%parallel_loop3A_399] : memref<65536xf32, #tpu.memory_space<vmem>>[vector<16xi32>], vector<16xf32>,
        %parallel_loop3A_401 = arith.constant 1 : i32
        %parallel_loop3A_402 = arith.index_cast %parallel_loop3A_401 : i32 to index
        %parallel_loop3A_403 = arith.index_cast %parallel_loop3A_395 : i32 to index
        %parallel_loop3A_404 = arith.constant 112 : index
        %parallel_loop3A_405 = tpu.vector_load %arg7[%parallel_loop3A_402, %parallel_loop3A_403, %parallel_loop3A_404] {strides = array<i32>} : memref<2x64x128xf32, #tpu.memory_space<vmem>>, vector<16xf32>,
        tpu.vector_store %arg7[%parallel_loop3A_402, %parallel_loop3A_403, %parallel_loop3A_404], %parallel_loop3A_400 {strides = array<i32>} : memref<2x64x128xf32, #tpu.memory_space<vmem>>, vector<16xf32>,
      } {sc.loop_unroll_factor = 16 : i64, sc.parallel_access}
      %add3A_375 = arith.constant 2 : i32
      %add3A_376 = arith.addi %add3A_306, %add3A_375 : i32
      %dma_start3A_377 = arith.constant 1 : i32
      %dma_start3A_378 = arith.constant 1 : i32
      %dma_start3A_379 = arith.constant 0 : i32
      %dma_start3A_380 = arith.constant 0 : i32
      %dma_start3A_381 = tpu.memref_slice %arg7[%dma_start3A_377, %dma_start3A_379, %dma_start3A_380] : memref<2x64x128xf32, #tpu.memory_space<vmem>> -> memref<1x64x128xf32, #tpu.memory_space<vmem>>
      %dma_start3A_382 = tpu.memref_squeeze %dma_start3A_381 : memref<1x64x128xf32, #tpu.memory_space<vmem>> -> memref<64x128xf32, #tpu.memory_space<vmem>>
      %dma_start3A_383 = arith.constant 0 : i32
      %dma_start3A_384 = tpu.memref_slice %arg4[%add3A_376, %dma_start3A_383, %mul3A_2] : memref<200x64x4096xf32, #tpu.memory_space<hbm>> -> memref<1x64x128xf32, #tpu.memory_space<hbm>>
      %dma_start3A_385 = tpu.memref_squeeze %dma_start3A_384 : memref<1x64x128xf32, #tpu.memory_space<hbm>> -> memref<64x128xf32, #tpu.memory_space<hbm>>
      %dma_start3A_386 = tpu.memref_slice %arg8[%dma_start3A_378] : memref<2x!tpu.dma_semaphore, #tpu.memory_space<semaphore_mem>> -> memref<1x!tpu.dma_semaphore, #tpu.memory_space<semaphore_mem>>
      %dma_start3A_387 = tpu.memref_squeeze %dma_start3A_386 : memref<1x!tpu.dma_semaphore, #tpu.memory_space<semaphore_mem>> -> memref<!tpu.dma_semaphore, #tpu.memory_space<semaphore_mem>>
      %dma_start3A_388 = arith.constant 0 : i32
      %dma_start3A_389 = tpu.memref_slice %arg4[%add3A_376, %dma_start3A_388, %mul3A_2] : memref<200x64x4096xf32, #tpu.memory_space<hbm>> -> memref<1x64x128xf32, #tpu.memory_space<hbm>>
      %dma_start3A_390 = tpu.memref_squeeze %dma_start3A_389 : memref<1x64x128xf32, #tpu.memory_space<hbm>> -> memref<64x128xf32, #tpu.memory_space<hbm>>
      %dma_start3A_391 = arith.constant 0 : i32
      %dma_start3A_392 = arith.constant 0 : i32
      %dma_start3A_393 = tpu.memref_slice %arg7[%dma_start3A_377, %dma_start3A_391, %dma_start3A_392] : memref<2x64x128xf32, #tpu.memory_space<vmem>> -> memref<1x64x128xf32, #tpu.memory_space<vmem>>
      %dma_start3A_394 = tpu.memref_squeeze %dma_start3A_393 : memref<1x64x128xf32, #tpu.memory_space<vmem>> -> memref<64x128xf32, #tpu.memory_space<vmem>>
      tpu.enqueue_dma source(%dma_start3A_394 : memref<64x128xf32, #tpu.memory_space<vmem>>) target(%dma_start3A_390 : memref<64x128xf32, #tpu.memory_space<hbm>>) target_semaphore(%dma_start3A_387 : memref<!tpu.dma_semaphore, #tpu.memory_space<semaphore_mem>>)
    }
    %scan3A_173 = arith.constant 99 : i32
    %dma_wait3A_174 = arith.constant 0 : i32
    %dma_wait3A_175 = arith.constant 198 : i32
    %dma_wait3A_176 = arith.constant 0 : i32
    %dma_wait3A_177 = arith.constant 0 : i32
    %dma_wait3A_178 = arith.constant 0 : i32
    %dma_wait3A_179 = tpu.memref_slice %arg7[%dma_wait3A_174, %dma_wait3A_177, %dma_wait3A_178] : memref<2x64x128xf32, #tpu.memory_space<vmem>> -> memref<1x64x128xf32, #tpu.memory_space<vmem>>
    %dma_wait3A_180 = tpu.memref_squeeze %dma_wait3A_179 : memref<1x64x128xf32, #tpu.memory_space<vmem>> -> memref<64x128xf32, #tpu.memory_space<vmem>>
    %dma_wait3A_181 = arith.constant 0 : i32
    %dma_wait3A_182 = tpu.memref_slice %arg4[%dma_wait3A_175, %dma_wait3A_181, %mul3A_2] : memref<200x64x4096xf32, #tpu.memory_space<hbm>> -> memref<1x64x128xf32, #tpu.memory_space<hbm>>
    %dma_wait3A_183 = tpu.memref_squeeze %dma_wait3A_182 : memref<1x64x128xf32, #tpu.memory_space<hbm>> -> memref<64x128xf32, #tpu.memory_space<hbm>>
    %dma_wait3A_184 = tpu.memref_slice %arg8[%dma_wait3A_176] : memref<2x!tpu.dma_semaphore, #tpu.memory_space<semaphore_mem>> -> memref<1x!tpu.dma_semaphore, #tpu.memory_space<semaphore_mem>>
    %dma_wait3A_185 = tpu.memref_squeeze %dma_wait3A_184 : memref<1x!tpu.dma_semaphore, #tpu.memory_space<semaphore_mem>> -> memref<!tpu.dma_semaphore, #tpu.memory_space<semaphore_mem>>
    %dma_wait3A_186 = arith.constant 0 : i32
    %dma_wait3A_187 = tpu.memref_slice %arg4[%dma_wait3A_175, %dma_wait3A_186, %mul3A_2] : memref<200x64x4096xf32, #tpu.memory_space<hbm>> -> memref<1x64x128xf32, #tpu.memory_space<hbm>>
    %dma_wait3A_188 = tpu.memref_squeeze %dma_wait3A_187 : memref<1x64x128xf32, #tpu.memory_space<hbm>> -> memref<64x128xf32, #tpu.memory_space<hbm>>
    %dma_wait3A_189 = arith.constant 0 : i32
    %dma_wait3A_190 = arith.constant 0 : i32
    %dma_wait3A_191 = tpu.memref_slice %arg7[%dma_wait3A_174, %dma_wait3A_189, %dma_wait3A_190] : memref<2x64x128xf32, #tpu.memory_space<vmem>> -> memref<1x64x128xf32, #tpu.memory_space<vmem>>
    %dma_wait3A_192 = tpu.memref_squeeze %dma_wait3A_191 : memref<1x64x128xf32, #tpu.memory_space<vmem>> -> memref<64x128xf32, #tpu.memory_space<vmem>>
    tpu.wait_dma2 semaphore(%dma_wait3A_185 : memref<!tpu.dma_semaphore, #tpu.memory_space<semaphore_mem>>) src(%dma_wait3A_192 : memref<64x128xf32, #tpu.memory_space<vmem>>) dst(%dma_wait3A_188 : memref<64x128xf32, #tpu.memory_space<hbm>>)
    %dma_wait3A_193 = arith.constant 1 : i32
    %dma_wait3A_194 = arith.constant 199 : i32
    %dma_wait3A_195 = arith.constant 1 : i32
    %dma_wait3A_196 = arith.constant 0 : i32
    %dma_wait3A_197 = arith.constant 0 : i32
    %dma_wait3A_198 = tpu.memref_slice %arg7[%dma_wait3A_193, %dma_wait3A_196, %dma_wait3A_197] : memref<2x64x128xf32, #tpu.memory_space<vmem>> -> memref<1x64x128xf32, #tpu.memory_space<vmem>>
    %dma_wait3A_199 = tpu.memref_squeeze %dma_wait3A_198 : memref<1x64x128xf32, #tpu.memory_space<vmem>> -> memref<64x128xf32, #tpu.memory_space<vmem>>
    %dma_wait3A_200 = arith.constant 0 : i32
    %dma_wait3A_201 = tpu.memref_slice %arg4[%dma_wait3A_194, %dma_wait3A_200, %mul3A_2] : memref<200x64x4096xf32, #tpu.memory_space<hbm>> -> memref<1x64x128xf32, #tpu.memory_space<hbm>>
    %dma_wait3A_202 = tpu.memref_squeeze %dma_wait3A_201 : memref<1x64x128xf32, #tpu.memory_space<hbm>> -> memref<64x128xf32, #tpu.memory_space<hbm>>
    %dma_wait3A_203 = tpu.memref_slice %arg8[%dma_wait3A_195] : memref<2x!tpu.dma_semaphore, #tpu.memory_space<semaphore_mem>> -> memref<1x!tpu.dma_semaphore, #tpu.memory_space<semaphore_mem>>
    %dma_wait3A_204 = tpu.memref_squeeze %dma_wait3A_203 : memref<1x!tpu.dma_semaphore, #tpu.memory_space<semaphore_mem>> -> memref<!tpu.dma_semaphore, #tpu.memory_space<semaphore_mem>>
    %dma_wait3A_205 = arith.constant 0 : i32
    %dma_wait3A_206 = tpu.memref_slice %arg4[%dma_wait3A_194, %dma_wait3A_205, %mul3A_2] : memref<200x64x4096xf32, #tpu.memory_space<hbm>> -> memref<1x64x128xf32, #tpu.memory_space<hbm>>
    %dma_wait3A_207 = tpu.memref_squeeze %dma_wait3A_206 : memref<1x64x128xf32, #tpu.memory_space<hbm>> -> memref<64x128xf32, #tpu.memory_space<hbm>>
    %dma_wait3A_208 = arith.constant 0 : i32
    %dma_wait3A_209 = arith.constant 0 : i32
    %dma_wait3A_210 = tpu.memref_slice %arg7[%dma_wait3A_193, %dma_wait3A_208, %dma_wait3A_209] : memref<2x64x128xf32, #tpu.memory_space<vmem>> -> memref<1x64x128xf32, #tpu.memory_space<vmem>>
    %dma_wait3A_211 = tpu.memref_squeeze %dma_wait3A_210 : memref<1x64x128xf32, #tpu.memory_space<vmem>> -> memref<64x128xf32, #tpu.memory_space<vmem>>
    tpu.wait_dma2 semaphore(%dma_wait3A_204 : memref<!tpu.dma_semaphore, #tpu.memory_space<semaphore_mem>>) src(%dma_wait3A_211 : memref<64x128xf32, #tpu.memory_space<vmem>>) dst(%dma_wait3A_207 : memref<64x128xf32, #tpu.memory_space<hbm>>)
    return
  }
}

</mosaic_0001>

<sc_bundles>
// kernel: kernel.3.cloned.1.call-start
scs
__scs_entry_jumppad:
0x0: {  	(pc) =	sbr.rel $0x88, $3  }
0x1: {  	(tag) =	ssettag $0x0;
	lr =	simm.s32 $0x1  }
0x2: {  	[smem:$0x3F9F] =	sst lr;
	_ =	strace $0xD0000000  }
0x3: {  	_ = 	snop  }
0x4: {  	_ = 	snop  }
0x5: {  	_ = 	snop  }
0x6: {  	_ = 	snop  }
0x7: {  	_ = 	snop  }
__scs_overlays_trampoline_lowered:
0x8: {  	[smem:$0x3FAE] =	sst s0  }
0x9: {  	[smem:$0x3FAF] =	sst s1  }
0xa: {  	[smem:$0x3FB0] =	sst s2  }
0xb: {  	[smem:$0x3FB1] =	sst s3  }
0xc: {  	[smem:$0x3FB2] =	sst s4  }
0xd: {  	[smem:$0x3FB3] =	sst s5  }
0xe: {  	[smem:$0x3FB4] =	sst s6  }
0xf: {  	[smem:$0x3FB5] =	sst s7  }
0x10: {  	[smem:$0x3FB6] =	sst s8  }
0x11: {  	[smem:$0x3FB7] =	sst s9;
	s0 =	simm.s32 @!p0 $0x0  }
0x12: {  	s1 =	sld [smem:$0x3F9D];
	s0 =	simm.s32 @p0 $0x1  }
0x13: {  	[smem:$0x3FB8] =	sst s0;
	s0 =	simm.s32 @!p1 $0x0  }
0x14: {  	s2 =	sld [smem:$0x3F9C];
	s0 =	simm.s32 @p1 $0x1  }
0x15: {  	[smem:$0x3FB9] =	sst s0;
	s0 =	simm.s32 @!p2 $0x0  }
0x16: {  	s3 =	sld [smem:$0x3FDB];
	s0 =	simm.s32 @p2 $0x1  }
0x17: {  	s4 =	simm.s32 $0x1BF5;
	[smem:$0x3FBB] =	sst s0  }
0x18: {  	s0 =	sld [smem:$0x3F9E];
	_ =	swait.ge [sflag:s4], $0x0  }
0x19: {  	s7 =	sld [smem:$0x3F9F]  }
0x1a: {  	s8 =	sadd.s32 $0xFFFFE003, lr  }
0x1b: {  	s9 =	sadd.s32 $0xFFFFFEF7, lr;
	s5 =	simm.s32 $0xFFFFFFFF;
	p2 =	slt.u32 s8, $0xFFFFF086  }
0x1c: {  	p1 =	slt.u32 s9, $0xF7A;
	s5 =	simm.s32 @!p2 $0x0  }
0x1d: {  	s5 =	simm.s32 @p1 $0x1;
	p0 =	seq.s32 s7, s2  }
0x1e: {  	s7 =	smul.u32 @!p0 $0xF7A, s2;
	p2 =	seq.s32 @!p0 s5, $0x0  }
0x1f: {  	s9 =	smul.u32 $0xF7A, s1;
	s8 =	simm.s32 @!p0 $0x1BF5;
	p2 =	por !p2, p0  }
0x20: {  	[sflag:s8] =	ssyncset.s32 @!p0 $0xFFFFF086;
	s6 =	sadd.s32 @!p0 s3, s7;
	s7 =	simm.s32 @!p0 $0x108  }
0x21: {  	s3 =	sadd.s32 s3, s9;
	s6 =	sadd.s32 @!p0 $0x88, s6;
	s7 =	simm.s32 @p2 $0x1082  }
0x22: {  	[simem:s7], [sflag:s8] =	dma.local @!p0 [hbm:s6], $0xF7A  }
0x23: {  	s9 =	sor.u32 $0xD0000000, s2;
	s6 =	simm.s32 $0x108;
	_ =	swait.ge @!p0 [sflag:s8], $0x0  }
0x24: {  	s3 =	sadd.s32 $0x88, s3;
	s6 =	simm.s32 @!p1 $0x1082;
	[sflag:s4] =	ssyncset.s32 $0xFFFFF086  }
0x25: {  	[simem:s6], [sflag:s4] =	dma.local [hbm:s3], $0xF7A  }
0x26: {  	[smem:$0x3F9F] =	sst s1;
	(tag) =	ssettag s2;
	_ =	strace s9  }
0x27: {  	s1 =	sld [smem:$0x3FAF]  }
0x28: {  	s2 =	sld [smem:$0x3FB0]  }
0x29: {  	s4 =	sld [smem:$0x3FB2]  }
0x2a: {  	p0 =	seq.s32 s5, $0x0;
	s5 =	sld [smem:$0x3FB3]  }
0x2b: {  	s6 =	sld [smem:$0x3FB4]  }
0x2c: {  	s7 =	sld [smem:$0x3FB5]  }
0x2d: {  	s3 =	simm.s32 $0x108;
	s8 =	sld [smem:$0x3FB6]  }
0x2e: {  	s3 =	simm.s32 @!p0 $0x1082;
	s9 =	sld [smem:$0x3FB7]  }
0x2f: {  	lr =	sadd.s32 s0, s3;
	s0 =	sld [smem:$0x3FAE]  }
0x30: {  	s3 =	sld [smem:$0x3FB1]  }
0x31: {  	[smem:$0x3FBA] =	sst s10  }
0x32: {  	s10 =	sld [smem:$0x3FB8];
	_ =	sdelay $0x3  }
0x33: {  	p0 =	seq.s32 s10, $0x1;
	s10 =	sld [smem:$0x3FBA];
	_ =	sdelay $0x3  }
0x34: {  	[smem:$0x3FBA] =	sst s10  }
0x35: {  	s10 =	sld [smem:$0x3FB9];
	_ =	sdelay $0x3  }
0x36: {  	p1 =	seq.s32 s10, $0x1;
	s10 =	sld [smem:$0x3FBA];
	_ =	sdelay $0x3  }
0x37: {  	[smem:$0x3FBA] =	sst s10  }
0x38: {  	s10 =	sld [smem:$0x3FBB]  }
0x39: {  	_ = 	snop;
	(pc) =	sbr.ind lr, $3  }
0x3a: {  	_ = 	snop  }
0x3b: {  	_ = 	snop  }
0x3c: {  	p2 =	seq.s32 s10, $0x1;
	s10 =	sld [smem:$0x3FBA]  }
0x3d: {  	_ =	shalt  }
0x3e: {  	_ =	shalt  }
0x3f: {  	_ =	shalt  }
0x40: {  	_ =	shalt  }
0x41: {  	_ =	shalt  }
0x42: {  	_ =	shalt  }
0x43: {  	_ =	shalt  }
0x44: {  	_ =	shalt  }
0x45: {  	_ =	shalt  }
0x46: {  	_ =	shalt  }
0x47: {  	_ =	shalt  }
0x48: {  	_ =	shalt  }
0x49: {  	_ =	shalt  }
0x4a: {  	_ =	shalt  }
0x4b: {  	_ =	shalt  }
0x4c: {  	_ =	shalt  }
0x4d: {  	_ =	shalt  }
0x4e: {  	_ =	shalt  }
0x4f: {  	_ =	shalt  }
0x50: {  	_ =	shalt  }
0x51: {  	_ =	shalt  }
0x52: {  	_ =	shalt  }
0x53: {  	_ =	shalt  }
0x54: {  	_ =	shalt  }
0x55: {  	_ =	shalt  }
0x56: {  	_ =	shalt  }
0x57: {  	_ =	shalt  }
0x58: {  	_ =	shalt  }
0x59: {  	_ =	shalt  }
0x5a: {  	_ =	shalt  }
0x5b: {  	_ =	shalt  }
0x5c: {  	_ =	shalt  }
0x5d: {  	_ =	shalt  }
0x5e: {  	_ =	shalt  }
0x5f: {  	_ =	shalt  }
0x60: {  	_ =	shalt  }
0x61: {  	_ =	shalt  }
0x62: {  	_ =	shalt  }
0x63: {  	_ =	shalt  }
0x64: {  	_ =	shalt  }
0x65: {  	_ =	shalt  }
0x66: {  	_ =	shalt  }
0x67: {  	_ =	shalt  }
0x68: {  	_ =	shalt  }
0x69: {  	_ =	shalt  }
0x6a: {  	_ =	shalt  }
0x6b: {  	_ =	shalt  }
0x6c: {  	_ =	shalt  }
0x6d: {  	_ =	shalt  }
0x6e: {  	_ =	shalt  }
0x6f: {  	_ =	shalt  }
0x70: {  	_ =	shalt  }
0x71: {  	_ =	shalt  }
0x72: {  	_ =	shalt  }
0x73: {  	_ =	shalt  }
0x74: {  	_ =	shalt  }
0x75: {  	_ =	shalt  }
0x76: {  	_ =	shalt  }
0x77: {  	_ =	shalt  }
0x78: {  	_ =	shalt  }
0x79: {  	_ =	shalt  }
0x7a: {  	_ =	shalt  }
0x7b: {  	_ =	shalt  }
0x7c: {  	_ =	shalt  }
0x7d: {  	_ =	shalt  }
0x7e: {  	_ =	shalt  }
0x7f: {  	_ =	shalt  }
0x80: {  	_ =	shalt  }
0x81: {  	_ =	shalt  }
0x82: {  	_ =	shalt  }
0x83: {  	_ =	shalt  }
0x84: {  	_ =	shalt  }
0x85: {  	_ =	shalt  }
0x86: {  	_ =	shalt  }
0x87: {  	_ =	shalt  }
.Lfunc_end0:
.L_simem_size_0:
called_computation_lowered:
.L_overlay_start_0:
0x88: {  	s2 =	sld [smem:$0x3FD9]  }
0x89: {  	s3 =	sld [smem:$0x3FFE];
	_ =	sdelay $0x1  }
0x8a: {  	s1 =	srdreg.scid  }
0x8b: {  	s0 =	sand.u32 $0x1, s1  }
0x8c: {  	s17 =	sshll.u32 s0, $0xA;
	s2 =	sadd.s32 s3, s2  }
0x8d: {  	s2 =	sadd.s32 s2, s17  }
0x8e: {  	[smem:$0x3FC6] =	sst s2  }
0x8f: {  	_ = 	snop  }
0x90: {  	s2 =	sld [smem:$0x3FC9]  }
0x91: {  	s18 =	sld [smem:$0x3FD0];
	(tm) =	ssettm $0x1  }
0x92: {  	s4 =	sld [smem:$0x3FFB];
	_ =	sdelay $0x3  }
0x93: {  	_ =	strace s4  }
0x94: {  	s4 =	sld [smem:$0x3FFC];
	_ =	sdelay $0x3  }
0x95: {  	_ =	strace s4  }
0x96: {  	s4 =	sld [smem:$0x3FFD];
	_ =	sdelay $0x3  }
0x97: {  	_ =	strace s4  }
0x98: {  	_ =	strace $0x8FFFFFFF  }
0x99: {  	s19 =	sld [smem:$0x3FDB];
	_ =	sdelay $0x1  }
0x9a: {  	s5 =	simm.s32 $_scs_section_size  }
0x9b: {  	s6 =	simm.s32 $_size__tile_overlayer_lowered;
	s7 =	simm.s32 $_tile_overlayer_lowered  }
0x9c: {  	s22 =	simm.s32 $0x1BFF;
	s21 =	sshll.u32 s7, $0x1;
	s4 =	sadd.s32 s5, s19  }
0x9d: {  	s8 =	simm.s32 $0x0;
	s20 =	sshll.u32 s6, $0x1;
	s6 =	sadd.s32 s21, s4  }
0x9e: {  	[timem:s8], [sflag:s22] =	dma.local [hbm:s6], s20  }
0x9f: {  	_ =	swait.ge [sflag:s22], s20  }
0xa0: {  	s5 =	ssub.s32 $0x0, s20;
	[sflag:s22] =	ssyncset.done $0x0  }
0xa1: {  	[sflag:s22] =	ssyncadd.s32 s5;
	_ =	sdelay $0x1  }
0xa2: {  	s23 =	simm.s32 $0x1B8B  }
0xa3: {  	_ =	swait.ge [sflag:s23], $0x1  }
0xa4: {  	[sflag:s23] =	ssyncset.done $0x0  }
0xa5: {  	s25 =	simm.s32 $0x1B8E;
	s24 =	sld [smem:$0x3FFE];
	[sflag:s23] =	ssyncadd.s32 $0xFFFFFFFF  }
0xa6: {  	s26 =	simm.s32 $execute0_lowered;
	[smem:$0x3FD2] =	sst s25  }
0xa7: {  	s6 =	sshll.u32 s26, $0x1;
	_ =	strace $0x80000046;
	[dreg:$0x1] =	wrdreg $0xFFFFFFFF  }
0xa8: {  	s28 =	simm.s32 $_size_execute0_lowered;
	s4 =	sadd.s32 s4, s6;
	[dreg:$0x0] =	wrdreg $0x0  }
0xa9: {  	s6 =	sshll.u32 s28, $0x1;
	[dreg:$0x2] =	wrdreg s4  }
0xaa: {  	[dreg:$0x3] =	wrdreg s6  }
0xab: {  	[dreg:$0x4] =	wrdreg $0xC0  }
0xac: {  	_ =	task [dreg:s8], $0x5FFFF  }
0xad: {  	[dreg:$0x1] =	wrdreg $0xFFFFFFFF  }
0xae: {  	[dreg:$0x0] =	wrdreg $0x60  }
0xaf: {  	[dreg:$0x2] =	wrdreg s2  }
0xb0: {  	[dreg:$0x3] =	wrdreg s24  }
0xb1: {  	[dreg:$0x4] =	wrdreg s18  }
0xb2: {  	[dreg:$0x5] =	wrdreg $0x9  }
0xb3: {  	_ =	task.clear_ibuf [dreg:s8], $0x6FFFF;
	_ =	strace $0x90000046  }
0xb4: {  	s29 =	simm.s32 $0x9;
	_ =	strace $0x80000048  }
0xb5: {  	_ =	swait.ge [sflag:s29], $0x1  }
0xb6: {  	[sflag:s29] =	ssyncadd.s32 $0xFFFFFFFF  }
0xb7: {  	_ =	strace $0x90000048  }
0xb8: {  	_ =	sfence  }
0xb9: {  	s30 =	sld [smem:$0x0];
	_ =	sdelay $0x2  }
0xba: {  	s31 =	sshll.u32 s1, $0xD;
	s1 =	sshrl.u32 s1, $0x2  }
0xbb: {  	s3 =	sand.u32 $0x4000, s31;
	s1 =	sadd.s32 s1, s30  }
0xbc: {  	s0 =	sor.u32 s3, s0;
	s1 =	sshll.u32 s1, $0x11  }
0xbd: {  	s0 =	sor.u32 s1, s0  }
0xbe: {  	s0 =	sadd.s32 $0x8F2B, s0  }
0xbf: {  	[sflag:s0] =	ssyncadd.remote.s32 $0x1  }
0xc0: {  	_ =	sfence.sel $0xFFFF  }
0xc1: {  	[dreg:$0x0] =	wrdreg $0xFFFFFFFF;
	(pc) =	sbr.abs _section_cstart, $3  }
0xc2: {  	[dreg:$0x1] =	wrdreg $0xFFFFFFFF  }
0xc3: {  	_ =	task.clear_ibuf [dreg:s8], $0x2FFFF;
	_ =	strace $0x9FFFFFFF  }
0xc4: {  	(tm) =	ssettm $0x7FFFFFFF  }
0xc5: {  	_ =	shalt  }
tec
execute0_lowered:
.L_overlay_start_1:
0x0: {  	(tag) =	ssettag $0x1  }
0x1: {  	s6 =	rddreg [dreg:$0x0]  }
0x2: {  	s5 =	rddreg [dreg:$0x1]  }
0x3: {  	s2 =	rddreg [dreg:$0x2]  }
0x4: {  	s0 =	rddreg [dreg:$0x3];
	s4 =	srdreg.scid  }
0x5: {  	s3 =	simm.s32 $0x0;
	s1 =	stileid.u32;
	s10 =	simm.s32 $0x400  }
0x6: {  	s11 =	simm.s32 $0x8000;
	s12 =	simm.s32 $0x10000;
	s13 =	simm.s32 $0x3  }
0x7: {  	s14 =	simm.s32 $0x4;
	s15 =	simm.s32 $0x16400;
	s16 =	simm.s32 $0x18400  }
0x8: {  	s17 =	simm.s32 $0x1;
	s18 =	simm.s32 $0x2;
	s4 =	sand.u32 $0x1, s4  }
0x9: {  	s19 =	simm.s32 $0x0;
	s7 =	sshll.u32 s1, $0xB;
	s8 =	sshll.u32 s4, $0xA  }
0xa: {  	[smem:$0x7FF] =	sst s3;
	s9 =	ssub.s32 $0x2, s4;
	s4 =	sor.u32 s8, s7  }
0xb: {  	s5 =	sadd.s32 $0x400, s5;
	s31 =	sshrl.u32 s9, $0x1;
	s8 =	sshrl.u32 s4, $0x3  }
0xc: {  	_ =	strace $0x80000047;
	s9 =	ssub.s32 s9, s31;
	s7 =	sadd.s32 s2, s8  }
0xd: {  	s6 =	sadd.s32 s6, s8;
	s9 =	smax.u32 s9, $0x1;
	s8 =	sadd.s32 $0x8000, s7  }
.LBB2_1:
0xe: {  	[tilespmem:s3], [sflag:$0x3] =	stream.linear.gather [hbm4b:s5+s3], $0x10000, $0x38;
	[tilespmem:$0x1A400] =	vst v63  }
0xf: {  	_ = 	snop  }
0x10: {  	[tilespmem:s12], [sflag:$0x4] =	stream.strided.gather [hbm4b:s6+s10], $0x6400, s11, s10, $0x38;
	[tilespmem:$0x1A400] =	vst v63  }
0x11: {  	_ =	swait.ge [sflag:s13], $0x10000  }
0x12: {  	[sflag:s13] =	ssyncset.done $0x0  }
0x13: {  	[sflag:s13] =	ssyncadd.s32 $0xFFFF0000  }
0x14: {  	_ =	swait.ge [sflag:s14], $0x6400  }
0x15: {  	[sflag:s14] =	ssyncset.done $0x0  }
0x16: {  	[sflag:s14] =	ssyncadd.s32 $0xFFFF9C00  }
0x17: {  	v0 =	vld [tilespmem:$0x10000];
	_ =	sdelay $0x3  }
0x18: {  	s20 =	simm.s32 $0x3C00  }
0x19: {  	s21 =	simm.s32 $0x3800;
	v1 =	vadd.s32 s20, v0  }
0x1a: {  	s29 =	simm.s32 $0x400;
	v2 =	vadd.s32 s21, v0  }
0x1b: {  	s31 =	simm.s32 $0xC00;
	v3 =	vadd.s32 s29, v0  }
0x1c: {  	s30 =	simm.s32 $0x800;
	v5 =	vadd.s32 s31, v0  }
0x1d: {  	s22 =	simm.s32 $0x1000;
	v4 =	vadd.s32 s30, v0  }
0x1e: {  	s23 =	simm.s32 $0x0;
	v6 =	vadd.s32 s22, v0;
	v1 =	vld.idx.msk [tilespmem:v1+s3+$0x0], $0xffff  }
0x1f: {  	s24 =	simm.s32 $0x1400;
	v7 =	vadd.s32 s23, v0;
	v2 =	vld.idx.msk [tilespmem:v2+s3+$0x0], $0xffff  }
0x20: {  	s25 =	simm.s32 $0x1800;
	v8 =	vadd.s32 s24, v0;
	v3 =	vld.idx.msk [tilespmem:v3+s3+$0x0], $0xffff  }
0x21: {  	s26 =	simm.s32 $0x1C00;
	v9 =	vadd.s32 s25, v0;
	v5 =	vld.idx.msk [tilespmem:v5+s3+$0x0], $0xffff  }
0x22: {  	s28 =	simm.s32 $0x2000;
	v11 =	vadd.s32 s26, v0;
	v4 =	vld.idx.msk [tilespmem:v4+s3+$0x0], $0xffff  }
0x23: {  	s22 =	simm.s32 $0x2400;
	v12 =	vadd.s32 s28, v0;
	v6 =	vld.idx.msk [tilespmem:v6+s3+$0x0], $0xffff  }
0x24: {  	s20 =	simm.s32 $0x16800;
	s29 =	simm.s32 $0x2800;
	v13 =	vadd.s32 s22, v0;
	v14 =	vld.idx.msk [tilespmem:v7+s3+$0x0], $0xffff  }
0x25: {  	s30 =	simm.s32 $0x2C00;
	v15 =	vadd.s32 s29, v0;
	v10 =	vld.idx.msk [tilespmem:v8+s3+$0x0], $0xffff;
	[tilespmem:s20+$0x300] =	vst v2  }
0x26: {  	s31 =	simm.s32 $0x3000;
	v9 =	vld.idx.msk [tilespmem:v9+s3+$0x0], $0xffff;
	[tilespmem:s20+$0xFFFFFD80] =	vst v5;
	v5 =	vadd.s32 s30, v0  }
0x27: {  	s23 =	simm.s32 $0x3400;
	v8 =	vld.idx.msk [tilespmem:v11+s3+$0x0], $0xffff;
	[tilespmem:s20+$0xFFFFFC80] =	vst v3;
	v3 =	vadd.s32 s31, v0  }
0x28: {  	v7 =	vld.idx.msk [tilespmem:v12+s3+$0x0], $0xffff;
	[tilespmem:s20+$0xFFFFFD00] =	vst v4;
	v2 =	vadd.s32 s23, v0  }
0x29: {  	[tilespmem:s20+$0xFFFFFE00] =	vst v6;
	v6 =	vld.idx.msk [tilespmem:v13+s3+$0x0], $0xffff  }
0x2a: {  	s21 =	simm.s32 $0x0;
	s22 =	simm.s32 $0x7C00;
	[tilespmem:s20+$0xFFFFFC00] =	vst v14;
	v4 =	vld.idx.msk [tilespmem:v15+s3+$0x0], $0xffff  }
.LBB2_2:
0x2b: {  	s23 =	sadd.s32 $0xFFFFC800, s22;
	s24 =	sadd.s32 $0xFFFFFC00, s22;
	v11 =	vadd.s32 s22, v0;
	s21 =	sadd.s32 $0x10, s21;
	[tilespmem:s20+$0xFFFFFE80] =	vst v10;
	v10 =	vld.idx.msk [tilespmem:v5+s3+$0x0], $0xffff  }
0x2c: {  	s25 =	sadd.s32 $0xFFFFD000, s22;
	v12 =	vadd.s32 s23, v0;
	s23 =	sadd.s32 $0xFFFFCC00, s22;
	v13 =	vadd.s32 s24, v0;
	p0 =	slt.u32 s21, $0x30;
	[tilespmem:s20+$0xFFFFFF00] =	vst v9;
	v9 =	vld.idx.msk [tilespmem:v3+s3+$0x0], $0xffff  }
0x2d: {  	v15 =	vadd.s32 s25, v0;
	s24 =	sadd.s32 $0xFFFFD800, s22;
	s25 =	sadd.s32 $0xFFFFDC00, s22;
	v14 =	vadd.s32 s23, v0;
	s23 =	sadd.s32 $0xFFFFD400, s22;
	[tilespmem:s20+$0xFFFFFF80] =	vst v8;
	v8 =	vld.idx.msk [tilespmem:v2+s3+$0x0], $0xffff  }
0x2e: {  	v17 =	vadd.s32 s24, v0;
	v18 =	vadd.s32 s25, v0;
	s24 =	sadd.s32 $0xFFFFE400, s22;
	s25 =	sadd.s32 $0xFFFFE800, s22;
	v16 =	vadd.s32 s23, v0;
	s23 =	sadd.s32 $0xFFFFE000, s22;
	[tilespmem:s20+$0x0] =	vst v7  }
0x2f: {  	v19 =	vadd.s32 s24, v0;
	v20 =	vadd.s32 s25, v0;
	s24 =	sadd.s32 $0xFFFFF000, s22;
	s25 =	sadd.s32 $0xFFFFF400, s22;
	v7 =	vadd.s32 s23, v0;
	s23 =	sadd.s32 $0xFFFFEC00, s22;
	[tilespmem:s20+$0x80] =	vst v6  }
0x30: {  	s26 =	sadd.s32 $0xFFFFC400, s22;
	v5 =	vadd.s32 s24, v0;
	v3 =	vadd.s32 s25, v0;
	v21 =	vadd.s32 s23, v0;
	s23 =	sadd.s32 $0xFFFFF800, s22;
	v6 =	vld.idx.msk [tilespmem:v11+s3+$0x0], $0xffff  }
0x31: {  	v11 =	vadd.s32 s26, v0;
	v2 =	vadd.s32 s23, v0;
	v13 =	vld.idx.msk [tilespmem:v13+s3+$0x0], $0xffff;
	[tilespmem:s20+$0x100] =	vst v4  }
0x32: {  	v4 =	vld.idx.msk [tilespmem:v12+s3+$0x0], $0xffff;
	[tilespmem:s20+$0x180] =	vst v10  }
0x33: {  	v12 =	vld.idx.msk [tilespmem:v14+s3+$0x0], $0xffff;
	[tilespmem:s20+$0x200] =	vst v9  }
0x34: {  	v14 =	vld.idx.msk [tilespmem:v15+s3+$0x0], $0xffff;
	[tilespmem:s20+$0x280] =	vst v8  }
0x35: {  	v15 =	vld.idx.msk [tilespmem:v16+s3+$0x0], $0xffff;
	[tilespmem:s20+$0x380] =	vst v1  }
0x36: {  	s20 =	sadd.s32 $0x800, s20;
	v1 =	vmov v6;
	v11 =	vld.idx.msk [tilespmem:v11+s3+$0x0], $0xffff  }
0x37: {  	v10 =	vld.idx.msk [tilespmem:v17+s3+$0x0], $0xffff;
	[tilespmem:s20+$0x300] =	vst v13  }
.Ltmp0:
0x38: {  	[tilespmem:s20+$0xFFFFFC80] =	vst v4;
	v9 =	vld.idx.msk [tilespmem:v18+s3+$0x0], $0xffff;
	(pc) =	sbr.rel @p0 .LBB2_2-.Ltmp0, $4  }
0x39: {  	[tilespmem:s20+$0xFFFFFD00] =	vst v12;
	v8 =	vld.idx.msk [tilespmem:v7+s3+$0x0], $0xffff  }
0x3a: {  	[tilespmem:s20+$0xFFFFFD80] =	vst v14;
	v7 =	vld.idx.msk [tilespmem:v19+s3+$0x0], $0xffff  }
0x3b: {  	[tilespmem:s20+$0xFFFFFE00] =	vst v15;
	v6 =	vld.idx.msk [tilespmem:v20+s3+$0x0], $0xffff  }
0x3c: {  	s22 =	sadd.s32 $0x4000, s22;
	[tilespmem:s20+$0xFFFFFC00] =	vst v11;
	v4 =	vld.idx.msk [tilespmem:v21+s3+$0x0], $0xffff  }
0x3d: {  	_ =	sdelay $0x1  }
0x3e: {  	[tilespmem:s20+$0xFFFFFE80] =	vst v10  }
0x3f: {  	[tilespmem:s20+$0xFFFFFF00] =	vst v9  }
0x40: {  	v0 =	vld.idx.msk [tilespmem:v5+s3+$0x0], $0xffff;
	[tilespmem:s20+$0x380] =	vst v1  }
0x41: {  	v3 =	vld.idx.msk [tilespmem:v3+s3+$0x0], $0xffff;
	[tilespmem:s20+$0xFFFFFF80] =	vst v8  }
0x42: {  	v2 =	vld.idx.msk [tilespmem:v2+s3+$0x0], $0xffff;
	[tilespmem:s20+$0x0] =	vst v7  }
0x43: {  	[tilespmem:s20+$0x80] =	vst v6  }
0x44: {  	[tilespmem:s20+$0x100] =	vst v4  }
0x45: {  	[tilespmem:s20+$0x180] =	vst v0  }
0x46: {  	[tilespmem:s20+$0x200] =	vst v3  }
0x47: {  	[tilespmem:s20+$0x280] =	vst v2  }
0x48: {  	v0 =	vld [tilespmem:$0x10010];
	_ =	sdelay $0x3  }
0x49: {  	s28 =	simm.s32 $0x3C00  }
0x4a: {  	s21 =	simm.s32 $0x3800;
	v1 =	vadd.s32 s28, v0  }
0x4b: {  	s29 =	simm.s32 $0x400;
	v2 =	vadd.s32 s21, v0  }
0x4c: {  	s31 =	simm.s32 $0xC00;
	v3 =	vadd.s32 s29, v0  }
0x4d: {  	s30 =	simm.s32 $0x800;
	v5 =	vadd.s32 s31, v0  }
0x4e: {  	s22 =	simm.s32 $0x1000;
	v4 =	vadd.s32 s30, v0  }
0x4f: {  	s23 =	simm.s32 $0x0;
	v6 =	vadd.s32 s22, v0;
	v1 =	vld.idx.msk [tilespmem:v1+s3+$0x0], $0xffff  }
0x50: {  	s24 =	simm.s32 $0x1400;
	v7 =	vadd.s32 s23, v0;
	v2 =	vld.idx.msk [tilespmem:v2+s3+$0x0], $0xffff  }
0x51: {  	s25 =	simm.s32 $0x1800;
	v8 =	vadd.s32 s24, v0;
	v3 =	vld.idx.msk [tilespmem:v3+s3+$0x0], $0xffff  }
0x52: {  	s26 =	simm.s32 $0x1C00;
	v9 =	vadd.s32 s25, v0;
	v5 =	vld.idx.msk [tilespmem:v5+s3+$0x0], $0xffff  }
0x53: {  	s28 =	simm.s32 $0x2000;
	v11 =	vadd.s32 s26, v0;
	v4 =	vld.idx.msk [tilespmem:v4+s3+$0x0], $0xffff  }
0x54: {  	s22 =	simm.s32 $0x2400;
	v12 =	vadd.s32 s28, v0;
	v6 =	vld.idx.msk [tilespmem:v6+s3+$0x0], $0xffff  }
0x55: {  	s20 =	simm.s32 $0x16810;
	s29 =	simm.s32 $0x2800;
	v13 =	vadd.s32 s22, v0;
	v14 =	vld.idx.msk [tilespmem:v7+s3+$0x0], $0xffff  }
0x56: {  	s30 =	simm.s32 $0x2C00;
	v15 =	vadd.s32 s29, v0;
	v10 =	vld.idx.msk [tilespmem:v8+s3+$0x0], $0xffff;
	[tilespmem:s20+$0x300] =	vst v2  }
0x57: {  	s31 =	simm.s32 $0x3000;
	v9 =	vld.idx.msk [tilespmem:v9+s3+$0x0], $0xffff;
	[tilespmem:s20+$0xFFFFFD80] =	vst v5;
	v5 =	vadd.s32 s30, v0  }
0x58: {  	s23 =	simm.s32 $0x3400;
	v8 =	vld.idx.msk [tilespmem:v11+s3+$0x0], $0xffff;
	[tilespmem:s20+$0xFFFFFC80] =	vst v3;
	v3 =	vadd.s32 s31, v0  }
0x59: {  	v7 =	vld.idx.msk [tilespmem:v12+s3+$0x0], $0xffff;
	[tilespmem:s20+$0xFFFFFD00] =	vst v4;
	v2 =	vadd.s32 s23, v0  }
0x5a: {  	[tilespmem:s20+$0xFFFFFE00] =	vst v6;
	v6 =	vld.idx.msk [tilespmem:v13+s3+$0x0], $0xffff  }
0x5b: {  	s21 =	simm.s32 $0x0;
	s22 =	simm.s32 $0x7C00;
	[tilespmem:s20+$0xFFFFFC00] =	vst v14;
	v4 =	vld.idx.msk [tilespmem:v15+s3+$0x0], $0xffff  }
.LBB2_4:
0x5c: {  	s23 =	sadd.s32 $0xFFFFC800, s22;
	s24 =	sadd.s32 $0xFFFFFC00, s22;
	v11 =	vadd.s32 s22, v0;
	s21 =	sadd.s32 $0x10, s21;
	[tilespmem:s20+$0xFFFFFE80] =	vst v10;
	v10 =	vld.idx.msk [tilespmem:v5+s3+$0x0], $0xffff  }
0x5d: {  	s25 =	sadd.s32 $0xFFFFD000, s22;
	v12 =	vadd.s32 s23, v0;
	s23 =	sadd.s32 $0xFFFFCC00, s22;
	v13 =	vadd.s32 s24, v0;
	p0 =	slt.u32 s21, $0x30;
	[tilespmem:s20+$0xFFFFFF00] =	vst v9;
	v9 =	vld.idx.msk [tilespmem:v3+s3+$0x0], $0xffff  }
0x5e: {  	v15 =	vadd.s32 s25, v0;
	s24 =	sadd.s32 $0xFFFFD800, s22;
	s25 =	sadd.s32 $0xFFFFDC00, s22;
	v14 =	vadd.s32 s23, v0;
	s23 =	sadd.s32 $0xFFFFD400, s22;
	[tilespmem:s20+$0xFFFFFF80] =	vst v8;
	v8 =	vld.idx.msk [tilespmem:v2+s3+$0x0], $0xffff  }
0x5f: {  	v17 =	vadd.s32 s24, v0;
	v18 =	vadd.s32 s25, v0;
	s24 =	sadd.s32 $0xFFFFE400, s22;
	s25 =	sadd.s32 $0xFFFFE800, s22;
	v16 =	vadd.s32 s23, v0;
	s23 =	sadd.s32 $0xFFFFE000, s22;
	[tilespmem:s20+$0x0] =	vst v7  }
0x60: {  	v19 =	vadd.s32 s24, v0;
	v20 =	vadd.s32 s25, v0;
	s24 =	sadd.s32 $0xFFFFF000, s22;
	s25 =	sadd.s32 $0xFFFFF400, s22;
	v7 =	vadd.s32 s23, v0;
	s23 =	sadd.s32 $0xFFFFEC00, s22;
	[tilespmem:s20+$0x80] =	vst v6  }
0x61: {  	s26 =	sadd.s32 $0xFFFFC400, s22;
	v5 =	vadd.s32 s24, v0;
	v3 =	vadd.s32 s25, v0;
	v21 =	vadd.s32 s23, v0;
	s23 =	sadd.s32 $0xFFFFF800, s22;
	v6 =	vld.idx.msk [tilespmem:v11+s3+$0x0], $0xffff  }
0x62: {  	v11 =	vadd.s32 s26, v0;
	v2 =	vadd.s32 s23, v0;
	v13 =	vld.idx.msk [tilespmem:v13+s3+$0x0], $0xffff;
	[tilespmem:s20+$0x100] =	vst v4  }
0x63: {  	v4 =	vld.idx.msk [tilespmem:v12+s3+$0x0], $0xffff;
	[tilespmem:s20+$0x180] =	vst v10  }
0x64: {  	v12 =	vld.idx.msk [tilespmem:v14+s3+$0x0], $0xffff;
	[tilespmem:s20+$0x200] =	vst v9  }
0x65: {  	v14 =	vld.idx.msk [tilespmem:v15+s3+$0x0], $0xffff;
	[tilespmem:s20+$0x280] =	vst v8  }
0x66: {  	v15 =	vld.idx.msk [tilespmem:v16+s3+$0x0], $0xffff;
	[tilespmem:s20+$0x380] =	vst v1  }
0x67: {  	s20 =	sadd.s32 $0x800, s20;
	v1 =	vmov v6;
	v11 =	vld.idx.msk [tilespmem:v11+s3+$0x0], $0xffff  }
0x68: {  	v10 =	vld.idx.msk [tilespmem:v17+s3+$0x0], $0xffff;
	[tilespmem:s20+$0x300] =	vst v13  }
.Ltmp1:
0x69: {  	[tilespmem:s20+$0xFFFFFC80] =	vst v4;
	v9 =	vld.idx.msk [tilespmem:v18+s3+$0x0], $0xffff;
	(pc) =	sbr.rel @p0 .LBB2_4-.Ltmp1, $4  }
0x6a: {  	[tilespmem:s20+$0xFFFFFD00] =	vst v12;
	v8 =	vld.idx.msk [tilespmem:v7+s3+$0x0], $0xffff  }
0x6b: {  	[tilespmem:s20+$0xFFFFFD80] =	vst v14;
	v7 =	vld.idx.msk [tilespmem:v19+s3+$0x0], $0xffff  }
0x6c: {  	[tilespmem:s20+$0xFFFFFE00] =	vst v15;
	v6 =	vld.idx.msk [tilespmem:v20+s3+$0x0], $0xffff  }
0x6d: {  	s22 =	sadd.s32 $0x4000, s22;
	[tilespmem:s20+$0xFFFFFC00] =	vst v11;
	v4 =	vld.idx.msk [tilespmem:v21+s3+$0x0], $0xffff  }
0x6e: {  	_ =	sdelay $0x1  }
0x6f: {  	[tilespmem:s20+$0xFFFFFE80] =	vst v10  }
0x70: {  	[tilespmem:s20+$0xFFFFFF00] =	vst v9  }
0x71: {  	v0 =	vld.idx.msk [tilespmem:v5+s3+$0x0], $0xffff;
	[tilespmem:s20+$0x380] =	vst v1  }
0x72: {  	v3 =	vld.idx.msk [tilespmem:v3+s3+$0x0], $0xffff;
	[tilespmem:s20+$0xFFFFFF80] =	vst v8  }
0x73: {  	v2 =	vld.idx.msk [tilespmem:v2+s3+$0x0], $0xffff;
	[tilespmem:s20+$0x0] =	vst v7  }
0x74: {  	[tilespmem:s20+$0x80] =	vst v6  }
0x75: {  	[tilespmem:s20+$0x100] =	vst v4  }
0x76: {  	[tilespmem:s20+$0x180] =	vst v0  }
0x77: {  	[tilespmem:s20+$0x200] =	vst v3  }
0x78: {  	[tilespmem:s20+$0x280] =	vst v2  }
0x79: {  	v0 =	vld [tilespmem:$0x10020];
	_ =	sdelay $0x3  }
0x7a: {  	s28 =	simm.s32 $0x3C00  }
0x7b: {  	s21 =	simm.s32 $0x3800;
	v1 =	vadd.s32 s28, v0  }
0x7c: {  	s29 =	simm.s32 $0x400;
	v2 =	vadd.s32 s21, v0  }
0x7d: {  	s31 =	simm.s32 $0xC00;
	v3 =	vadd.s32 s29, v0  }
0x7e: {  	s30 =	simm.s32 $0x800;
	v5 =	vadd.s32 s31, v0  }
0x7f: {  	s22 =	simm.s32 $0x1000;
	v4 =	vadd.s32 s30, v0  }
0x80: {  	s23 =	simm.s32 $0x0;
	v6 =	vadd.s32 s22, v0;
	v1 =	vld.idx.msk [tilespmem:v1+s3+$0x0], $0xffff  }
0x81: {  	s24 =	simm.s32 $0x1400;
	v7 =	vadd.s32 s23, v0;
	v2 =	vld.idx.msk [tilespmem:v2+s3+$0x0], $0xffff  }
0x82: {  	s25 =	simm.s32 $0x1800;
	v8 =	vadd.s32 s24, v0;
	v3 =	vld.idx.msk [tilespmem:v3+s3+$0x0], $0xffff  }
0x83: {  	s26 =	simm.s32 $0x1C00;
	v9 =	vadd.s32 s25, v0;
	v5 =	vld.idx.msk [tilespmem:v5+s3+$0x0], $0xffff  }
0x84: {  	s28 =	simm.s32 $0x2000;
	v11 =	vadd.s32 s26, v0;
	v4 =	vld.idx.msk [tilespmem:v4+s3+$0x0], $0xffff  }
0x85: {  	s22 =	simm.s32 $0x2400;
	v12 =	vadd.s32 s28, v0;
	v6 =	vld.idx.msk [tilespmem:v6+s3+$0x0], $0xffff  }
0x86: {  	s20 =	simm.s32 $0x16820;
	s29 =	simm.s32 $0x2800;
	v13 =	vadd.s32 s22, v0;
	v14 =	vld.idx.msk [tilespmem:v7+s3+$0x0], $0xffff  }
0x87: {  	s30 =	simm.s32 $0x2C00;
	v15 =	vadd.s32 s29, v0;
	v10 =	vld.idx.msk [tilespmem:v8+s3+$0x0], $0xffff;
	[tilespmem:s20+$0x300] =	vst v2  }
0x88: {  	s31 =	simm.s32 $0x3000;
	v9 =	vld.idx.msk [tilespmem:v9+s3+$0x0], $0xffff;
	[tilespmem:s20+$0xFFFFFD80] =	vst v5;
	v5 =	vadd.s32 s30, v0  }
0x89: {  	s23 =	simm.s32 $0x3400;
	v8 =	vld.idx.msk [tilespmem:v11+s3+$0x0], $0xffff;
	[tilespmem:s20+$0xFFFFFC80] =	vst v3;
	v3 =	vadd.s32 s31, v0  }
0x8a: {  	v7 =	vld.idx.msk [tilespmem:v12+s3+$0x0], $0xffff;
	[tilespmem:s20+$0xFFFFFD00] =	vst v4;
	v2 =	vadd.s32 s23, v0  }
0x8b: {  	[tilespmem:s20+$0xFFFFFE00] =	vst v6;
	v6 =	vld.idx.msk [tilespmem:v13+s3+$0x0], $0xffff  }
0x8c: {  	s21 =	simm.s32 $0x0;
	s22 =	simm.s32 $0x7C00;
	[tilespmem:s20+$0xFFFFFC00] =	vst v14;
	v4 =	vld.idx.msk [tilespmem:v15+s3+$0x0], $0xffff  }
.LBB2_6:
0x8d: {  	s23 =	sadd.s32 $0xFFFFC800, s22;
	s24 =	sadd.s32 $0xFFFFFC00, s22;
	v11 =	vadd.s32 s22, v0;
	s21 =	sadd.s32 $0x10, s21;
	[tilespmem:s20+$0xFFFFFE80] =	vst v10;
	v10 =	vld.idx.msk [tilespmem:v5+s3+$0x0], $0xffff  }
0x8e: {  	s25 =	sadd.s32 $0xFFFFD000, s22;
	v12 =	vadd.s32 s23, v0;
	s23 =	sadd.s32 $0xFFFFCC00, s22;
	v13 =	vadd.s32 s24, v0;
	p0 =	slt.u32 s21, $0x30;
	[tilespmem:s20+$0xFFFFFF00] =	vst v9;
	v9 =	vld.idx.msk [tilespmem:v3+s3+$0x0], $0xffff  }
0x8f: {  	v15 =	vadd.s32 s25, v0;
	s24 =	sadd.s32 $0xFFFFD800, s22;
	s25 =	sadd.s32 $0xFFFFDC00, s22;
	v14 =	vadd.s32 s23, v0;
	s23 =	sadd.s32 $0xFFFFD400, s22;
	[tilespmem:s20+$0xFFFFFF80] =	vst v8;
	v8 =	vld.idx.msk [tilespmem:v2+s3+$0x0], $0xffff  }
0x90: {  	v17 =	vadd.s32 s24, v0;
	v18 =	vadd.s32 s25, v0;
	s24 =	sadd.s32 $0xFFFFE400, s22;
	s25 =	sadd.s32 $0xFFFFE800, s22;
	v16 =	vadd.s32 s23, v0;
	s23 =	sadd.s32 $0xFFFFE000, s22;
	[tilespmem:s20+$0x0] =	vst v7  }
0x91: {  	v19 =	vadd.s32 s24, v0;
	v20 =	vadd.s32 s25, v0;
	s24 =	sadd.s32 $0xFFFFF000, s22;
	s25 =	sadd.s32 $0xFFFFF400, s22;
	v7 =	vadd.s32 s23, v0;
	s23 =	sadd.s32 $0xFFFFEC00, s22;
	[tilespmem:s20+$0x80] =	vst v6  }
0x92: {  	s26 =	sadd.s32 $0xFFFFC400, s22;
	v5 =	vadd.s32 s24, v0;
	v3 =	vadd.s32 s25, v0;
	v21 =	vadd.s32 s23, v0;
	s23 =	sadd.s32 $0xFFFFF800, s22;
	v6 =	vld.idx.msk [tilespmem:v11+s3+$0x0], $0xffff  }
0x93: {  	v11 =	vadd.s32 s26, v0;
	v2 =	vadd.s32 s23, v0;
	v13 =	vld.idx.msk [tilespmem:v13+s3+$0x0], $0xffff;
	[tilespmem:s20+$0x100] =	vst v4  }
0x94: {  	v4 =	vld.idx.msk [tilespmem:v12+s3+$0x0], $0xffff;
	[tilespmem:s20+$0x180] =	vst v10  }
0x95: {  	v12 =	vld.idx.msk [tilespmem:v14+s3+$0x0], $0xffff;
	[tilespmem:s20+$0x200] =	vst v9  }
0x96: {  	v14 =	vld.idx.msk [tilespmem:v15+s3+$0x0], $0xffff;
	[tilespmem:s20+$0x280] =	vst v8  }
0x97: {  	v15 =	vld.idx.msk [tilespmem:v16+s3+$0x0], $0xffff;
	[tilespmem:s20+$0x380] =	vst v1  }
0x98: {  	s20 =	sadd.s32 $0x800, s20;
	v1 =	vmov v6;
	v11 =	vld.idx.msk [tilespmem:v11+s3+$0x0], $0xffff  }
0x99: {  	v10 =	vld.idx.msk [tilespmem:v17+s3+$0x0], $0xffff;
	[tilespmem:s20+$0x300] =	vst v13  }
.Ltmp2:
0x9a: {  	[tilespmem:s20+$0xFFFFFC80] =	vst v4;
	v9 =	vld.idx.msk [tilespmem:v18+s3+$0x0], $0xffff;
	(pc) =	sbr.rel @p0 .LBB2_6-.Ltmp2, $4  }
0x9b: {  	[tilespmem:s20+$0xFFFFFD00] =	vst v12;
	v8 =	vld.idx.msk [tilespmem:v7+s3+$0x0], $0xffff  }
0x9c: {  	[tilespmem:s20+$0xFFFFFD80] =	vst v14;
	v7 =	vld.idx.msk [tilespmem:v19+s3+$0x0], $0xffff  }
0x9d: {  	[tilespmem:s20+$0xFFFFFE00] =	vst v15;
	v6 =	vld.idx.msk [tilespmem:v20+s3+$0x0], $0xffff  }
0x9e: {  	s22 =	sadd.s32 $0x4000, s22;
	[tilespmem:s20+$0xFFFFFC00] =	vst v11;
	v4 =	vld.idx.msk [tilespmem:v21+s3+$0x0], $0xffff  }
0x9f: {  	_ =	sdelay $0x1  }
0xa0: {  	[tilespmem:s20+$0xFFFFFE80] =	vst v10  }
0xa1: {  	[tilespmem:s20+$0xFFFFFF00] =	vst v9  }
0xa2: {  	v0 =	vld.idx.msk [tilespmem:v5+s3+$0x0], $0xffff;
	[tilespmem:s20+$0x380] =	vst v1  }
0xa3: {  	v3 =	vld.idx.msk [tilespmem:v3+s3+$0x0], $0xffff;
	[tilespmem:s20+$0xFFFFFF80] =	vst v8  }
0xa4: {  	v2 =	vld.idx.msk [tilespmem:v2+s3+$0x0], $0xffff;
	[tilespmem:s20+$0x0] =	vst v7  }
0xa5: {  	[tilespmem:s20+$0x80] =	vst v6  }
0xa6: {  	[tilespmem:s20+$0x100] =	vst v4  }
0xa7: {  	[tilespmem:s20+$0x180] =	vst v0  }
0xa8: {  	[tilespmem:s20+$0x200] =	vst v3  }
0xa9: {  	[tilespmem:s20+$0x280] =	vst v2  }
0xaa: {  	v0 =	vld [tilespmem:$0x10030];
	_ =	sdelay $0x3  }
0xab: {  	s28 =	simm.s32 $0x3C00  }
0xac: {  	s21 =	simm.s32 $0x3800;
	v1 =	vadd.s32 s28, v0  }
0xad: {  	s29 =	simm.s32 $0x400;
	v2 =	vadd.s32 s21, v0  }
0xae: {  	s31 =	simm.s32 $0xC00;
	v3 =	vadd.s32 s29, v0  }
0xaf: {  	s30 =	simm.s32 $0x800;
	v5 =	vadd.s32 s31, v0  }
0xb0: {  	s22 =	simm.s32 $0x1000;
	v4 =	vadd.s32 s30, v0  }
0xb1: {  	s23 =	simm.s32 $0x0;
	v6 =	vadd.s32 s22, v0;
	v1 =	vld.idx.msk [tilespmem:v1+s3+$0x0], $0xffff  }
0xb2: {  	s24 =	simm.s32 $0x1400;
	v7 =	vadd.s32 s23, v0;
	v2 =	vld.idx.msk [tilespmem:v2+s3+$0x0], $0xffff  }
0xb3: {  	s25 =	simm.s32 $0x1800;
	v8 =	vadd.s32 s24, v0;
	v3 =	vld.idx.msk [tilespmem:v3+s3+$0x0], $0xffff  }
0xb4: {  	s26 =	simm.s32 $0x1C00;
	v9 =	vadd.s32 s25, v0;
	v5 =	vld.idx.msk [tilespmem:v5+s3+$0x0], $0xffff  }
0xb5: {  	s28 =	simm.s32 $0x2000;
	v11 =	vadd.s32 s26, v0;
	v4 =	vld.idx.msk [tilespmem:v4+s3+$0x0], $0xffff  }
0xb6: {  	s22 =	simm.s32 $0x2400;
	v12 =	vadd.s32 s28, v0;
	v6 =	vld.idx.msk [tilespmem:v6+s3+$0x0], $0xffff  }
0xb7: {  	s20 =	simm.s32 $0x16830;
	s29 =	simm.s32 $0x2800;
	v13 =	vadd.s32 s22, v0;
	v14 =	vld.idx.msk [tilespmem:v7+s3+$0x0], $0xffff  }
0xb8: {  	s30 =	simm.s32 $0x2C00;
	v15 =	vadd.s32 s29, v0;
	v10 =	vld.idx.msk [tilespmem:v8+s3+$0x0], $0xffff;
	[tilespmem:s20+$0x300] =	vst v2  }
0xb9: {  	s31 =	simm.s32 $0x3000;
	v9 =	vld.idx.msk [tilespmem:v9+s3+$0x0], $0xffff;
	[tilespmem:s20+$0xFFFFFD80] =	vst v5;
	v5 =	vadd.s32 s30, v0  }
0xba: {  	s23 =	simm.s32 $0x3400;
	v8 =	vld.idx.msk [tilespmem:v11+s3+$0x0], $0xffff;
	[tilespmem:s20+$0xFFFFFC80] =	vst v3;
	v3 =	vadd.s32 s31, v0  }
0xbb: {  	v7 =	vld.idx.msk [tilespmem:v12+s3+$0x0], $0xffff;
	[tilespmem:s20+$0xFFFFFD00] =	vst v4;
	v2 =	vadd.s32 s23, v0  }
0xbc: {  	[tilespmem:s20+$0xFFFFFE00] =	vst v6;
	v6 =	vld.idx.msk [tilespmem:v13+s3+$0x0], $0xffff  }
0xbd: {  	s21 =	simm.s32 $0x0;
	s22 =	simm.s32 $0x7C00;
	[tilespmem:s20+$0xFFFFFC00] =	vst v14;
	v4 =	vld.idx.msk [tilespmem:v15+s3+$0x0], $0xffff  }
.LBB2_8:
0xbe: {  	s23 =	sadd.s32 $0xFFFFC800, s22;
	s24 =	sadd.s32 $0xFFFFFC00, s22;
	v11 =	vadd.s32 s22, v0;
	s21 =	sadd.s32 $0x10, s21;
	[tilespmem:s20+$0xFFFFFE80] =	vst v10;
	v10 =	vld.idx.msk [tilespmem:v5+s3+$0x0], $0xffff  }
0xbf: {  	s25 =	sadd.s32 $0xFFFFD000, s22;
	v12 =	vadd.s32 s23, v0;
	s23 =	sadd.s32 $0xFFFFCC00, s22;
	v13 =	vadd.s32 s24, v0;
	p0 =	slt.u32 s21, $0x30;
	[tilespmem:s20+$0xFFFFFF00] =	vst v9;
	v9 =	vld.idx.msk [tilespmem:v3+s3+$0x0], $0xffff  }
0xc0: {  	v15 =	vadd.s32 s25, v0;
	s24 =	sadd.s32 $0xFFFFD800, s22;
	s25 =	sadd.s32 $0xFFFFDC00, s22;
	v14 =	vadd.s32 s23, v0;
	s23 =	sadd.s32 $0xFFFFD400, s22;
	[tilespmem:s20+$0xFFFFFF80] =	vst v8;
	v8 =	vld.idx.msk [tilespmem:v2+s3+$0x0], $0xffff  }
0xc1: {  	v17 =	vadd.s32 s24, v0;
	v18 =	vadd.s32 s25, v0;
	s24 =	sadd.s32 $0xFFFFE400, s22;
	s25 =	sadd.s32 $0xFFFFE800, s22;
	v16 =	vadd.s32 s23, v0;
	s23 =	sadd.s32 $0xFFFFE000, s22;
	[tilespmem:s20+$0x0] =	vst v7  }
0xc2: {  	v19 =	vadd.s32 s24, v0;
	v20 =	vadd.s32 s25, v0;
	s24 =	sadd.s32 $0xFFFFF000, s22;
	s25 =	sadd.s32 $0xFFFFF400, s22;
	v7 =	vadd.s32 s23, v0;
	s23 =	sadd.s32 $0xFFFFEC00, s22;
	[tilespmem:s20+$0x80] =	vst v6  }
0xc3: {  	s26 =	sadd.s32 $0xFFFFC400, s22;
	v5 =	vadd.s32 s24, v0;
	v3 =	vadd.s32 s25, v0;
	v21 =	vadd.s32 s23, v0;
	s23 =	sadd.s32 $0xFFFFF800, s22;
	v6 =	vld.idx.msk [tilespmem:v11+s3+$0x0], $0xffff  }
0xc4: {  	v11 =	vadd.s32 s26, v0;
	v2 =	vadd.s32 s23, v0;
	v13 =	vld.idx.msk [tilespmem:v13+s3+$0x0], $0xffff;
	[tilespmem:s20+$0x100] =	vst v4  }
0xc5: {  	v4 =	vld.idx.msk [tilespmem:v12+s3+$0x0], $0xffff;
	[tilespmem:s20+$0x180] =	vst v10  }
0xc6: {  	v12 =	vld.idx.msk [tilespmem:v14+s3+$0x0], $0xffff;
	[tilespmem:s20+$0x200] =	vst v9  }
0xc7: {  	v14 =	vld.idx.msk [tilespmem:v15+s3+$0x0], $0xffff;
	[tilespmem:s20+$0x280] =	vst v8  }
0xc8: {  	v15 =	vld.idx.msk [tilespmem:v16+s3+$0x0], $0xffff;
	[tilespmem:s20+$0x380] =	vst v1  }
0xc9: {  	s20 =	sadd.s32 $0x800, s20;
	v1 =	vmov v6;
	v11 =	vld.idx.msk [tilespmem:v11+s3+$0x0], $0xffff  }
0xca: {  	v10 =	vld.idx.msk [tilespmem:v17+s3+$0x0], $0xffff;
	[tilespmem:s20+$0x300] =	vst v13  }
.Ltmp3:
0xcb: {  	[tilespmem:s20+$0xFFFFFC80] =	vst v4;
	v9 =	vld.idx.msk [tilespmem:v18+s3+$0x0], $0xffff;
	(pc) =	sbr.rel @p0 .LBB2_8-.Ltmp3, $4  }
0xcc: {  	[tilespmem:s20+$0xFFFFFD00] =	vst v12;
	v8 =	vld.idx.msk [tilespmem:v7+s3+$0x0], $0xffff  }
0xcd: {  	[tilespmem:s20+$0xFFFFFD80] =	vst v14;
	v7 =	vld.idx.msk [tilespmem:v19+s3+$0x0], $0xffff  }
0xce: {  	[tilespmem:s20+$0xFFFFFE00] =	vst v15;
	v6 =	vld.idx.msk [tilespmem:v20+s3+$0x0], $0xffff  }
0xcf: {  	s22 =	sadd.s32 $0x4000, s22;
	[tilespmem:s20+$0xFFFFFC00] =	vst v11;
	v4 =	vld.idx.msk [tilespmem:v21+s3+$0x0], $0xffff  }
0xd0: {  	_ =	sdelay $0x1  }
0xd1: {  	[tilespmem:s20+$0xFFFFFE80] =	vst v10  }
0xd2: {  	[tilespmem:s20+$0xFFFFFF00] =	vst v9  }
0xd3: {  	v0 =	vld.idx.msk [tilespmem:v5+s3+$0x0], $0xffff;
	[tilespmem:s20+$0x380] =	vst v1  }
0xd4: {  	v3 =	vld.idx.msk [tilespmem:v3+s3+$0x0], $0xffff;
	[tilespmem:s20+$0xFFFFFF80] =	vst v8  }
0xd5: {  	v2 =	vld.idx.msk [tilespmem:v2+s3+$0x0], $0xffff;
	[tilespmem:s20+$0x0] =	vst v7  }
0xd6: {  	[tilespmem:s20+$0x80] =	vst v6  }
0xd7: {  	[tilespmem:s20+$0x100] =	vst v4  }
0xd8: {  	[tilespmem:s20+$0x180] =	vst v0  }
0xd9: {  	[tilespmem:s20+$0x200] =	vst v3  }
0xda: {  	[tilespmem:s20+$0x280] =	vst v2  }
0xdb: {  	v0 =	vld [tilespmem:$0x10040];
	_ =	sdelay $0x3  }
0xdc: {  	s28 =	simm.s32 $0x3C00  }
0xdd: {  	s21 =	simm.s32 $0x3800;
	v1 =	vadd.s32 s28, v0  }
0xde: {  	s29 =	simm.s32 $0x400;
	v2 =	vadd.s32 s21, v0  }
0xdf: {  	s31 =	simm.s32 $0xC00;
	v3 =	vadd.s32 s29, v0  }
0xe0: {  	s30 =	simm.s32 $0x800;
	v5 =	vadd.s32 s31, v0  }
0xe1: {  	s22 =	simm.s32 $0x1000;
	v4 =	vadd.s32 s30, v0  }
0xe2: {  	s23 =	simm.s32 $0x0;
	v6 =	vadd.s32 s22, v0;
	v1 =	vld.idx.msk [tilespmem:v1+s3+$0x0], $0xffff  }
0xe3: {  	s24 =	simm.s32 $0x1400;
	v7 =	vadd.s32 s23, v0;
	v2 =	vld.idx.msk [tilespmem:v2+s3+$0x0], $0xffff  }
0xe4: {  	s25 =	simm.s32 $0x1800;
	v8 =	vadd.s32 s24, v0;
	v3 =	vld.idx.msk [tilespmem:v3+s3+$0x0], $0xffff  }
0xe5: {  	s26 =	simm.s32 $0x1C00;
	v9 =	vadd.s32 s25, v0;
	v5 =	vld.idx.msk [tilespmem:v5+s3+$0x0], $0xffff  }
0xe6: {  	s28 =	simm.s32 $0x2000;
	v11 =	vadd.s32 s26, v0;
	v4 =	vld.idx.msk [tilespmem:v4+s3+$0x0], $0xffff  }
0xe7: {  	s22 =	simm.s32 $0x2400;
	v12 =	vadd.s32 s28, v0;
	v6 =	vld.idx.msk [tilespmem:v6+s3+$0x0], $0xffff  }
0xe8: {  	s20 =	simm.s32 $0x16840;
	s29 =	simm.s32 $0x2800;
	v13 =	vadd.s32 s22, v0;
	v14 =	vld.idx.msk [tilespmem:v7+s3+$0x0], $0xffff  }
0xe9: {  	s30 =	simm.s32 $0x2C00;
	v15 =	vadd.s32 s29, v0;
	v10 =	vld.idx.msk [tilespmem:v8+s3+$0x0], $0xffff;
	[tilespmem:s20+$0x300] =	vst v2  }
0xea: {  	s31 =	simm.s32 $0x3000;
	v9 =	vld.idx.msk [tilespmem:v9+s3+$0x0], $0xffff;
	[tilespmem:s20+$0xFFFFFD80] =	vst v5;
	v5 =	vadd.s32 s30, v0  }
0xeb: {  	s23 =	simm.s32 $0x3400;
	v8 =	vld.idx.msk [tilespmem:v11+s3+$0x0], $0xffff;
	[tilespmem:s20+$0xFFFFFC80] =	vst v3;
	v3 =	vadd.s32 s31, v0  }
0xec: {  	v7 =	vld.idx.msk [tilespmem:v12+s3+$0x0], $0xffff;
	[tilespmem:s20+$0xFFFFFD00] =	vst v4;
	v2 =	vadd.s32 s23, v0  }
0xed: {  	[tilespmem:s20+$0xFFFFFE00] =	vst v6;
	v6 =	vld.idx.msk [tilespmem:v13+s3+$0x0], $0xffff  }
0xee: {  	s21 =	simm.s32 $0x0;
	s22 =	simm.s32 $0x7C00;
	[tilespmem:s20+$0xFFFFFC00] =	vst v14;
	v4 =	vld.idx.msk [tilespmem:v15+s3+$0x0], $0xffff  }
.LBB2_10:
0xef: {  	s23 =	sadd.s32 $0xFFFFC800, s22;
	s24 =	sadd.s32 $0xFFFFFC00, s22;
	v11 =	vadd.s32 s22, v0;
	s21 =	sadd.s32 $0x10, s21;
	[tilespmem:s20+$0xFFFFFE80] =	vst v10;
	v10 =	vld.idx.msk [tilespmem:v5+s3+$0x0], $0xffff  }
0xf0: {  	s25 =	sadd.s32 $0xFFFFD000, s22;
	v12 =	vadd.s32 s23, v0;
	s23 =	sadd.s32 $0xFFFFCC00, s22;
	v13 =	vadd.s32 s24, v0;
	p0 =	slt.u32 s21, $0x30;
	[tilespmem:s20+$0xFFFFFF00] =	vst v9;
	v9 =	vld.idx.msk [tilespmem:v3+s3+$0x0], $0xffff  }
0xf1: {  	v15 =	vadd.s32 s25, v0;
	s24 =	sadd.s32 $0xFFFFD800, s22;
	s25 =	sadd.s32 $0xFFFFDC00, s22;
	v14 =	vadd.s32 s23, v0;
	s23 =	sadd.s32 $0xFFFFD400, s22;
	[tilespmem:s20+$0xFFFFFF80] =	vst v8;
	v8 =	vld.idx.msk [tilespmem:v2+s3+$0x0], $0xffff  }
0xf2: {  	v17 =	vadd.s32 s24, v0;
	v18 =	vadd.s32 s25, v0;
	s24 =	sadd.s32 $0xFFFFE400, s22;
	s25 =	sadd.s32 $0xFFFFE800, s22;
	v16 =	vadd.s32 s23, v0;
	s23 =	sadd.s32 $0xFFFFE000, s22;
	[tilespmem:s20+$0x0] =	vst v7  }
0xf3: {  	v19 =	vadd.s32 s24, v0;
	v20 =	vadd.s32 s25, v0;
	s24 =	sadd.s32 $0xFFFFF000, s22;
	s25 =	sadd.s32 $0xFFFFF400, s22;
	v7 =	vadd.s32 s23, v0;
	s23 =	sadd.s32 $0xFFFFEC00, s22;
	[tilespmem:s20+$0x80] =	vst v6  }
0xf4: {  	s26 =	sadd.s32 $0xFFFFC400, s22;
	v5 =	vadd.s32 s24, v0;
	v3 =	vadd.s32 s25, v0;
	v21 =	vadd.s32 s23, v0;
	s23 =	sadd.s32 $0xFFFFF800, s22;
	v6 =	vld.idx.msk [tilespmem:v11+s3+$0x0], $0xffff  }
0xf5: {  	v11 =	vadd.s32 s26, v0;
	v2 =	vadd.s32 s23, v0;
	v13 =	vld.idx.msk [tilespmem:v13+s3+$0x0], $0xffff;
	[tilespmem:s20+$0x100] =	vst v4  }
0xf6: {  	v4 =	vld.idx.msk [tilespmem:v12+s3+$0x0], $0xffff;
	[tilespmem:s20+$0x180] =	vst v10  }
0xf7: {  	v12 =	vld.idx.msk [tilespmem:v14+s3+$0x0], $0xffff;
	[tilespmem:s20+$0x200] =	vst v9  }
0xf8: {  	v14 =	vld.idx.msk [tilespmem:v15+s3+$0x0], $0xffff;
	[tilespmem:s20+$0x280] =	vst v8  }
0xf9: {  	v15 =	vld.idx.msk [tilespmem:v16+s3+$0x0], $0xffff;
	[tilespmem:s20+$0x380] =	vst v1  }
0xfa: {  	s20 =	sadd.s32 $0x800, s20;
	v1 =	vmov v6;
	v11 =	vld.idx.msk [tilespmem:v11+s3+$0x0], $0xffff  }
0xfb: {  	v10 =	vld.idx.msk [tilespmem:v17+s3+$0x0], $0xffff;
	[tilespmem:s20+$0x300] =	vst v13  }
.Ltmp4:
0xfc: {  	[tilespmem:s20+$0xFFFFFC80] =	vst v4;
	v9 =	vld.idx.msk [tilespmem:v18+s3+$0x0], $0xffff;
	(pc) =	sbr.rel @p0 .LBB2_10-.Ltmp4, $4  }
0xfd: {  	[tilespmem:s20+$0xFFFFFD00] =	vst v12;
	v8 =	vld.idx.msk [tilespmem:v7+s3+$0x0], $0xffff  }
0xfe: {  	[tilespmem:s20+$0xFFFFFD80] =	vst v14;
	v7 =	vld.idx.msk [tilespmem:v19+s3+$0x0], $0xffff  }
0xff: {  	[tilespmem:s20+$0xFFFFFE00] =	vst v15;
	v6 =	vld.idx.msk [tilespmem:v20+s3+$0x0], $0xffff  }
0x100: {  	s22 =	sadd.s32 $0x4000, s22;
	[tilespmem:s20+$0xFFFFFC00] =	vst v11;
	v4 =	vld.idx.msk [tilespmem:v21+s3+$0x0], $0xffff  }
0x101: {  	_ =	sdelay $0x1  }
0x102: {  	[tilespmem:s20+$0xFFFFFE80] =	vst v10  }
0x103: {  	[tilespmem:s20+$0xFFFFFF00] =	vst v9  }
0x104: {  	v0 =	vld.idx.msk [tilespmem:v5+s3+$0x0], $0xffff;
	[tilespmem:s20+$0x380] =	vst v1  }
0x105: {  	v3 =	vld.idx.msk [tilespmem:v3+s3+$0x0], $0xffff;
	[tilespmem:s20+$0xFFFFFF80] =	vst v8  }
0x106: {  	v2 =	vld.idx.msk [tilespmem:v2+s3+$0x0], $0xffff;
	[tilespmem:s20+$0x0] =	vst v7  }
0x107: {  	[tilespmem:s20+$0x80] =	vst v6  }
0x108: {  	[tilespmem:s20+$0x100] =	vst v4  }
0x109: {  	[tilespmem:s20+$0x180] =	vst v0  }
0x10a: {  	[tilespmem:s20+$0x200] =	vst v3  }
0x10b: {  	[tilespmem:s20+$0x280] =	vst v2  }
0x10c: {  	v0 =	vld [tilespmem:$0x10050];
	_ =	sdelay $0x3  }
0x10d: {  	s28 =	simm.s32 $0x3C00  }
0x10e: {  	s21 =	simm.s32 $0x3800;
	v1 =	vadd.s32 s28, v0  }
0x10f: {  	s29 =	simm.s32 $0x400;
	v2 =	vadd.s32 s21, v0  }
0x110: {  	s31 =	simm.s32 $0xC00;
	v3 =	vadd.s32 s29, v0  }
0x111: {  	s30 =	simm.s32 $0x800;
	v5 =	vadd.s32 s31, v0  }
0x112: {  	s22 =	simm.s32 $0x1000;
	v4 =	vadd.s32 s30, v0  }
0x113: {  	s23 =	simm.s32 $0x0;
	v6 =	vadd.s32 s22, v0;
	v1 =	vld.idx.msk [tilespmem:v1+s3+$0x0], $0xffff  }
0x114: {  	s24 =	simm.s32 $0x1400;
	v7 =	vadd.s32 s23, v0;
	v2 =	vld.idx.msk [tilespmem:v2+s3+$0x0], $0xffff  }
0x115: {  	s25 =	simm.s32 $0x1800;
	v8 =	vadd.s32 s24, v0;
	v3 =	vld.idx.msk [tilespmem:v3+s3+$0x0], $0xffff  }
0x116: {  	s26 =	simm.s32 $0x1C00;
	v9 =	vadd.s32 s25, v0;
	v5 =	vld.idx.msk [tilespmem:v5+s3+$0x0], $0xffff  }
0x117: {  	s28 =	simm.s32 $0x2000;
	v11 =	vadd.s32 s26, v0;
	v4 =	vld.idx.msk [tilespmem:v4+s3+$0x0], $0xffff  }
0x118: {  	s22 =	simm.s32 $0x2400;
	v12 =	vadd.s32 s28, v0;
	v6 =	vld.idx.msk [tilespmem:v6+s3+$0x0], $0xffff  }
0x119: {  	s20 =	simm.s32 $0x16850;
	s29 =	simm.s32 $0x2800;
	v13 =	vadd.s32 s22, v0;
	v14 =	vld.idx.msk [tilespmem:v7+s3+$0x0], $0xffff  }
0x11a: {  	s30 =	simm.s32 $0x2C00;
	v15 =	vadd.s32 s29, v0;
	v10 =	vld.idx.msk [tilespmem:v8+s3+$0x0], $0xffff;
	[tilespmem:s20+$0x300] =	vst v2  }
0x11b: {  	s31 =	simm.s32 $0x3000;
	v9 =	vld.idx.msk [tilespmem:v9+s3+$0x0], $0xffff;
	[tilespmem:s20+$0xFFFFFD80] =	vst v5;
	v5 =	vadd.s32 s30, v0  }
0x11c: {  	s23 =	simm.s32 $0x3400;
	v8 =	vld.idx.msk [tilespmem:v11+s3+$0x0], $0xffff;
	[tilespmem:s20+$0xFFFFFC80] =	vst v3;
	v3 =	vadd.s32 s31, v0  }
0x11d: {  	v7 =	vld.idx.msk [tilespmem:v12+s3+$0x0], $0xffff;
	[tilespmem:s20+$0xFFFFFD00] =	vst v4;
	v2 =	vadd.s32 s23, v0  }
0x11e: {  	[tilespmem:s20+$0xFFFFFE00] =	vst v6;
	v6 =	vld.idx.msk [tilespmem:v13+s3+$0x0], $0xffff  }
0x11f: {  	s21 =	simm.s32 $0x0;
	s22 =	simm.s32 $0x7C00;
	[tilespmem:s20+$0xFFFFFC00] =	vst v14;
	v4 =	vld.idx.msk [tilespmem:v15+s3+$0x0], $0xffff  }
.LBB2_12:
0x120: {  	s23 =	sadd.s32 $0xFFFFC800, s22;
	s24 =	sadd.s32 $0xFFFFFC00, s22;
	v11 =	vadd.s32 s22, v0;
	s21 =	sadd.s32 $0x10, s21;
	[tilespmem:s20+$0xFFFFFE80] =	vst v10;
	v10 =	vld.idx.msk [tilespmem:v5+s3+$0x0], $0xffff  }
0x121: {  	s25 =	sadd.s32 $0xFFFFD000, s22;
	v12 =	vadd.s32 s23, v0;
	s23 =	sadd.s32 $0xFFFFCC00, s22;
	v13 =	vadd.s32 s24, v0;
	p0 =	slt.u32 s21, $0x30;
	[tilespmem:s20+$0xFFFFFF00] =	vst v9;
	v9 =	vld.idx.msk [tilespmem:v3+s3+$0x0], $0xffff  }
0x122: {  	v15 =	vadd.s32 s25, v0;
	s24 =	sadd.s32 $0xFFFFD800, s22;
	s25 =	sadd.s32 $0xFFFFDC00, s22;
	v14 =	vadd.s32 s23, v0;
	s23 =	sadd.s32 $0xFFFFD400, s22;
	[tilespmem:s20+$0xFFFFFF80] =	vst v8;
	v8 =	vld.idx.msk [tilespmem:v2+s3+$0x0], $0xffff  }
0x123: {  	v17 =	vadd.s32 s24, v0;
	v18 =	vadd.s32 s25, v0;
	s24 =	sadd.s32 $0xFFFFE400, s22;
	s25 =	sadd.s32 $0xFFFFE800, s22;
	v16 =	vadd.s32 s23, v0;
	s23 =	sadd.s32 $0xFFFFE000, s22;
	[tilespmem:s20+$0x0] =	vst v7  }
0x124: {  	v19 =	vadd.s32 s24, v0;
	v20 =	vadd.s32 s25, v0;
	s24 =	sadd.s32 $0xFFFFF000, s22;
	s25 =	sadd.s32 $0xFFFFF400, s22;
	v7 =	vadd.s32 s23, v0;
	s23 =	sadd.s32 $0xFFFFEC00, s22;
	[tilespmem:s20+$0x80] =	vst v6  }
0x125: {  	s26 =	sadd.s32 $0xFFFFC400, s22;
	v5 =	vadd.s32 s24, v0;
	v3 =	vadd.s32 s25, v0;
	v21 =	vadd.s32 s23, v0;
	s23 =	sadd.s32 $0xFFFFF800, s22;
	v6 =	vld.idx.msk [tilespmem:v11+s3+$0x0], $0xffff  }
0x126: {  	v11 =	vadd.s32 s26, v0;
	v2 =	vadd.s32 s23, v0;
	v13 =	vld.idx.msk [tilespmem:v13+s3+$0x0], $0xffff;
	[tilespmem:s20+$0x100] =	vst v4  }
0x127: {  	v4 =	vld.idx.msk [tilespmem:v12+s3+$0x0], $0xffff;
	[tilespmem:s20+$0x180] =	vst v10  }
0x128: {  	v12 =	vld.idx.msk [tilespmem:v14+s3+$0x0], $0xffff;
	[tilespmem:s20+$0x200] =	vst v9  }
0x129: {  	v14 =	vld.idx.msk [tilespmem:v15+s3+$0x0], $0xffff;
	[tilespmem:s20+$0x280] =	vst v8  }
0x12a: {  	v15 =	vld.idx.msk [tilespmem:v16+s3+$0x0], $0xffff;
	[tilespmem:s20+$0x380] =	vst v1  }
0x12b: {  	s20 =	sadd.s32 $0x800, s20;
	v1 =	vmov v6;
	v11 =	vld.idx.msk [tilespmem:v11+s3+$0x0], $0xffff  }
0x12c: {  	v10 =	vld.idx.msk [tilespmem:v17+s3+$0x0], $0xffff;
	[tilespmem:s20+$0x300] =	vst v13  }
.Ltmp5:
0x12d: {  	[tilespmem:s20+$0xFFFFFC80] =	vst v4;
	v9 =	vld.idx.msk [tilespmem:v18+s3+$0x0], $0xffff;
	(pc) =	sbr.rel @p0 .LBB2_12-.Ltmp5, $4  }
0x12e: {  	[tilespmem:s20+$0xFFFFFD00] =	vst v12;
	v8 =	vld.idx.msk [tilespmem:v7+s3+$0x0], $0xffff  }
0x12f: {  	[tilespmem:s20+$0xFFFFFD80] =	vst v14;
	v7 =	vld.idx.msk [tilespmem:v19+s3+$0x0], $0xffff  }
0x130: {  	[tilespmem:s20+$0xFFFFFE00] =	vst v15;
	v6 =	vld.idx.msk [tilespmem:v20+s3+$0x0], $0xffff  }
0x131: {  	s22 =	sadd.s32 $0x4000, s22;
	[tilespmem:s20+$0xFFFFFC00] =	vst v11;
	v4 =	vld.idx.msk [tilespmem:v21+s3+$0x0], $0xffff  }
0x132: {  	_ =	sdelay $0x1  }
0x133: {  	[tilespmem:s20+$0xFFFFFE80] =	vst v10  }
0x134: {  	[tilespmem:s20+$0xFFFFFF00] =	vst v9  }
0x135: {  	v0 =	vld.idx.msk [tilespmem:v5+s3+$0x0], $0xffff;
	[tilespmem:s20+$0x380] =	vst v1  }
0x136: {  	v3 =	vld.idx.msk [tilespmem:v3+s3+$0x0], $0xffff;
	[tilespmem:s20+$0xFFFFFF80] =	vst v8  }
0x137: {  	v2 =	vld.idx.msk [tilespmem:v2+s3+$0x0], $0xffff;
	[tilespmem:s20+$0x0] =	vst v7  }
0x138: {  	[tilespmem:s20+$0x80] =	vst v6  }
0x139: {  	[tilespmem:s20+$0x100] =	vst v4  }
0x13a: {  	[tilespmem:s20+$0x180] =	vst v0  }
0x13b: {  	[tilespmem:s20+$0x200] =	vst v3  }
0x13c: {  	[tilespmem:s20+$0x280] =	vst v2  }
0x13d: {  	v0 =	vld [tilespmem:$0x10060];
	_ =	sdelay $0x3  }
0x13e: {  	s28 =	simm.s32 $0x3C00  }
0x13f: {  	s21 =	simm.s32 $0x3800;
	v1 =	vadd.s32 s28, v0  }
0x140: {  	s29 =	simm.s32 $0x400;
	v2 =	vadd.s32 s21, v0  }
0x141: {  	s31 =	simm.s32 $0xC00;
	v3 =	vadd.s32 s29, v0  }
0x142: {  	s30 =	simm.s32 $0x800;
	v5 =	vadd.s32 s31, v0  }
0x143: {  	s22 =	simm.s32 $0x1000;
	v4 =	vadd.s32 s30, v0  }
0x144: {  	s23 =	simm.s32 $0x0;
	v6 =	vadd.s32 s22, v0;
	v1 =	vld.idx.msk [tilespmem:v1+s3+$0x0], $0xffff  }
0x145: {  	s24 =	simm.s32 $0x1400;
	v7 =	vadd.s32 s23, v0;
	v2 =	vld.idx.msk [tilespmem:v2+s3+$0x0], $0xffff  }
0x146: {  	s25 =	simm.s32 $0x1800;
	v8 =	vadd.s32 s24, v0;
	v3 =	vld.idx.msk [tilespmem:v3+s3+$0x0], $0xffff  }
0x147: {  	s26 =	simm.s32 $0x1C00;
	v9 =	vadd.s32 s25, v0;
	v5 =	vld.idx.msk [tilespmem:v5+s3+$0x0], $0xffff  }
0x148: {  	s28 =	simm.s32 $0x2000;
	v11 =	vadd.s32 s26, v0;
	v4 =	vld.idx.msk [tilespmem:v4+s3+$0x0], $0xffff  }
0x149: {  	s22 =	simm.s32 $0x2400;
	v12 =	vadd.s32 s28, v0;
	v6 =	vld.idx.msk [tilespmem:v6+s3+$0x0], $0xffff  }
0x14a: {  	s20 =	simm.s32 $0x16860;
	s29 =	simm.s32 $0x2800;
	v13 =	vadd.s32 s22, v0;
	v14 =	vld.idx.msk [tilespmem:v7+s3+$0x0], $0xffff  }
0x14b: {  	s30 =	simm.s32 $0x2C00;
	v15 =	vadd.s32 s29, v0;
	v10 =	vld.idx.msk [tilespmem:v8+s3+$0x0], $0xffff;
	[tilespmem:s20+$0x300] =	vst v2  }
0x14c: {  	s31 =	simm.s32 $0x3000;
	v9 =	vld.idx.msk [tilespmem:v9+s3+$0x0], $0xffff;
	[tilespmem:s20+$0xFFFFFD80] =	vst v5;
	v5 =	vadd.s32 s30, v0  }
0x14d: {  	s23 =	simm.s32 $0x3400;
	v8 =	vld.idx.msk [tilespmem:v11+s3+$0x0], $0xffff;
	[tilespmem:s20+$0xFFFFFC80] =	vst v3;
	v3 =	vadd.s32 s31, v0  }
0x14e: {  	v7 =	vld.idx.msk [tilespmem:v12+s3+$0x0], $0xffff;
	[tilespmem:s20+$0xFFFFFD00] =	vst v4;
	v2 =	vadd.s32 s23, v0  }
0x14f: {  	[tilespmem:s20+$0xFFFFFE00] =	vst v6;
	v6 =	vld.idx.msk [tilespmem:v13+s3+$0x0], $0xffff  }
0x150: {  	s21 =	simm.s32 $0x0;
	s22 =	simm.s32 $0x7C00;
	[tilespmem:s20+$0xFFFFFC00] =	vst v14;
	v4 =	vld.idx.msk [tilespmem:v15+s3+$0x0], $0xffff  }
.LBB2_14:
0x151: {  	s23 =	sadd.s32 $0xFFFFC800, s22;
	s24 =	sadd.s32 $0xFFFFFC00, s22;
	v11 =	vadd.s32 s22, v0;
	s21 =	sadd.s32 $0x10, s21;
	[tilespmem:s20+$0xFFFFFE80] =	vst v10;
	v10 =	vld.idx.msk [tilespmem:v5+s3+$0x0], $0xffff  }
0x152: {  	s25 =	sadd.s32 $0xFFFFD000, s22;
	v12 =	vadd.s32 s23, v0;
	s23 =	sadd.s32 $0xFFFFCC00, s22;
	v13 =	vadd.s32 s24, v0;
	p0 =	slt.u32 s21, $0x30;
	[tilespmem:s20+$0xFFFFFF00] =	vst v9;
	v9 =	vld.idx.msk [tilespmem:v3+s3+$0x0], $0xffff  }
0x153: {  	v15 =	vadd.s32 s25, v0;
	s24 =	sadd.s32 $0xFFFFD800, s22;
	s25 =	sadd.s32 $0xFFFFDC00, s22;
	v14 =	vadd.s32 s23, v0;
	s23 =	sadd.s32 $0xFFFFD400, s22;
	[tilespmem:s20+$0xFFFFFF80] =	vst v8;
	v8 =	vld.idx.msk [tilespmem:v2+s3+$0x0], $0xffff  }
0x154: {  	v17 =	vadd.s32 s24, v0;
	v18 =	vadd.s32 s25, v0;
	s24 =	sadd.s32 $0xFFFFE400, s22;
	s25 =	sadd.s32 $0xFFFFE800, s22;
	v16 =	vadd.s32 s23, v0;
	s23 =	sadd.s32 $0xFFFFE000, s22;
	[tilespmem:s20+$0x0] =	vst v7  }
0x155: {  	v19 =	vadd.s32 s24, v0;
	v20 =	vadd.s32 s25, v0;
	s24 =	sadd.s32 $0xFFFFF000, s22;
	s25 =	sadd.s32 $0xFFFFF400, s22;
	v7 =	vadd.s32 s23, v0;
	s23 =	sadd.s32 $0xFFFFEC00, s22;
	[tilespmem:s20+$0x80] =	vst v6  }
0x156: {  	s26 =	sadd.s32 $0xFFFFC400, s22;
	v5 =	vadd.s32 s24, v0;
	v3 =	vadd.s32 s25, v0;
	v21 =	vadd.s32 s23, v0;
	s23 =	sadd.s32 $0xFFFFF800, s22;
	v6 =	vld.idx.msk [tilespmem:v11+s3+$0x0], $0xffff  }
0x157: {  	v11 =	vadd.s32 s26, v0;
	v2 =	vadd.s32 s23, v0;
	v13 =	vld.idx.msk [tilespmem:v13+s3+$0x0], $0xffff;
	[tilespmem:s20+$0x100] =	vst v4  }
0x158: {  	v4 =	vld.idx.msk [tilespmem:v12+s3+$0x0], $0xffff;
	[tilespmem:s20+$0x180] =	vst v10  }
0x159: {  	v12 =	vld.idx.msk [tilespmem:v14+s3+$0x0], $0xffff;
	[tilespmem:s20+$0x200] =	vst v9  }
0x15a: {  	v14 =	vld.idx.msk [tilespmem:v15+s3+$0x0], $0xffff;
	[tilespmem:s20+$0x280] =	vst v8  }
0x15b: {  	v15 =	vld.idx.msk [tilespmem:v16+s3+$0x0], $0xffff;
	[tilespmem:s20+$0x380] =	vst v1  }
0x15c: {  	s20 =	sadd.s32 $0x800, s20;
	v1 =	vmov v6;
	v11 =	vld.idx.msk [tilespmem:v11+s3+$0x0], $0xffff  }
0x15d: {  	v10 =	vld.idx.msk [tilespmem:v17+s3+$0x0], $0xffff;
	[tilespmem:s20+$0x300] =	vst v13  }
.Ltmp6:
0x15e: {  	[tilespmem:s20+$0xFFFFFC80] =	vst v4;
	v9 =	vld.idx.msk [tilespmem:v18+s3+$0x0], $0xffff;
	(pc) =	sbr.rel @p0 .LBB2_14-.Ltmp6, $4  }
0x15f: {  	[tilespmem:s20+$0xFFFFFD00] =	vst v12;
	v8 =	vld.idx.msk [tilespmem:v7+s3+$0x0], $0xffff  }
0x160: {  	[tilespmem:s20+$0xFFFFFD80] =	vst v14;
	v7 =	vld.idx.msk [tilespmem:v19+s3+$0x0], $0xffff  }
0x161: {  	[tilespmem:s20+$0xFFFFFE00] =	vst v15;
	v6 =	vld.idx.msk [tilespmem:v20+s3+$0x0], $0xffff  }
0x162: {  	s22 =	sadd.s32 $0x4000, s22;
	[tilespmem:s20+$0xFFFFFC00] =	vst v11;
	v4 =	vld.idx.msk [tilespmem:v21+s3+$0x0], $0xffff  }
0x163: {  	_ =	sdelay $0x1  }
0x164: {  	[tilespmem:s20+$0xFFFFFE80] =	vst v10  }
0x165: {  	[tilespmem:s20+$0xFFFFFF00] =	vst v9  }
0x166: {  	v0 =	vld.idx.msk [tilespmem:v5+s3+$0x0], $0xffff;
	[tilespmem:s20+$0x380] =	vst v1  }
0x167: {  	v3 =	vld.idx.msk [tilespmem:v3+s3+$0x0], $0xffff;
	[tilespmem:s20+$0xFFFFFF80] =	vst v8  }
0x168: {  	v2 =	vld.idx.msk [tilespmem:v2+s3+$0x0], $0xffff;
	[tilespmem:s20+$0x0] =	vst v7  }
0x169: {  	[tilespmem:s20+$0x80] =	vst v6  }
0x16a: {  	[tilespmem:s20+$0x100] =	vst v4  }
0x16b: {  	[tilespmem:s20+$0x180] =	vst v0  }
0x16c: {  	[tilespmem:s20+$0x200] =	vst v3  }
0x16d: {  	[tilespmem:s20+$0x280] =	vst v2  }
0x16e: {  	v0 =	vld [tilespmem:$0x10070];
	_ =	sdelay $0x3  }
0x16f: {  	s28 =	simm.s32 $0x3C00  }
0x170: {  	s21 =	simm.s32 $0x3800;
	v1 =	vadd.s32 s28, v0  }
0x171: {  	s29 =	simm.s32 $0x400;
	v2 =	vadd.s32 s21, v0  }
0x172: {  	s31 =	simm.s32 $0xC00;
	v3 =	vadd.s32 s29, v0  }
0x173: {  	s30 =	simm.s32 $0x800;
	v5 =	vadd.s32 s31, v0  }
0x174: {  	s22 =	simm.s32 $0x1000;
	v4 =	vadd.s32 s30, v0  }
0x175: {  	s23 =	simm.s32 $0x0;
	v6 =	vadd.s32 s22, v0;
	v1 =	vld.idx.msk [tilespmem:v1+s3+$0x0], $0xffff  }
0x176: {  	s24 =	simm.s32 $0x1400;
	v7 =	vadd.s32 s23, v0;
	v2 =	vld.idx.msk [tilespmem:v2+s3+$0x0], $0xffff  }
0x177: {  	s25 =	simm.s32 $0x1800;
	v8 =	vadd.s32 s24, v0;
	v3 =	vld.idx.msk [tilespmem:v3+s3+$0x0], $0xffff  }
0x178: {  	s26 =	simm.s32 $0x1C00;
	v9 =	vadd.s32 s25, v0;
	v5 =	vld.idx.msk [tilespmem:v5+s3+$0x0], $0xffff  }
0x179: {  	s28 =	simm.s32 $0x2000;
	v11 =	vadd.s32 s26, v0;
	v4 =	vld.idx.msk [tilespmem:v4+s3+$0x0], $0xffff  }
0x17a: {  	s22 =	simm.s32 $0x2400;
	v12 =	vadd.s32 s28, v0;
	v6 =	vld.idx.msk [tilespmem:v6+s3+$0x0], $0xffff  }
0x17b: {  	s20 =	simm.s32 $0x16870;
	s29 =	simm.s32 $0x2800;
	v13 =	vadd.s32 s22, v0;
	v14 =	vld.idx.msk [tilespmem:v7+s3+$0x0], $0xffff  }
0x17c: {  	s30 =	simm.s32 $0x2C00;
	v15 =	vadd.s32 s29, v0;
	v10 =	vld.idx.msk [tilespmem:v8+s3+$0x0], $0xffff;
	[tilespmem:s20+$0x300] =	vst v2  }
0x17d: {  	s31 =	simm.s32 $0x3000;
	v9 =	vld.idx.msk [tilespmem:v9+s3+$0x0], $0xffff;
	[tilespmem:s20+$0xFFFFFD80] =	vst v5;
	v5 =	vadd.s32 s30, v0  }
0x17e: {  	s23 =	simm.s32 $0x3400;
	v8 =	vld.idx.msk [tilespmem:v11+s3+$0x0], $0xffff;
	[tilespmem:s20+$0xFFFFFC80] =	vst v3;
	v3 =	vadd.s32 s31, v0  }
0x17f: {  	v7 =	vld.idx.msk [tilespmem:v12+s3+$0x0], $0xffff;
	[tilespmem:s20+$0xFFFFFD00] =	vst v4;
	v2 =	vadd.s32 s23, v0  }
0x180: {  	[tilespmem:s20+$0xFFFFFE00] =	vst v6;
	v6 =	vld.idx.msk [tilespmem:v13+s3+$0x0], $0xffff  }
0x181: {  	s21 =	simm.s32 $0x0;
	s22 =	simm.s32 $0x7C00;
	[tilespmem:s20+$0xFFFFFC00] =	vst v14;
	v4 =	vld.idx.msk [tilespmem:v15+s3+$0x0], $0xffff  }
.LBB2_16:
0x182: {  	s23 =	sadd.s32 $0xFFFFC800, s22;
	s24 =	sadd.s32 $0xFFFFFC00, s22;
	v11 =	vadd.s32 s22, v0;
	s21 =	sadd.s32 $0x10, s21;
	[tilespmem:s20+$0xFFFFFE80] =	vst v10;
	v10 =	vld.idx.msk [tilespmem:v5+s3+$0x0], $0xffff  }
0x183: {  	s25 =	sadd.s32 $0xFFFFD000, s22;
	v12 =	vadd.s32 s23, v0;
	s23 =	sadd.s32 $0xFFFFCC00, s22;
	v13 =	vadd.s32 s24, v0;
	p0 =	slt.u32 s21, $0x30;
	[tilespmem:s20+$0xFFFFFF00] =	vst v9;
	v9 =	vld.idx.msk [tilespmem:v3+s3+$0x0], $0xffff  }
0x184: {  	v15 =	vadd.s32 s25, v0;
	s24 =	sadd.s32 $0xFFFFD800, s22;
	s25 =	sadd.s32 $0xFFFFDC00, s22;
	v14 =	vadd.s32 s23, v0;
	s23 =	sadd.s32 $0xFFFFD400, s22;
	[tilespmem:s20+$0xFFFFFF80] =	vst v8;
	v8 =	vld.idx.msk [tilespmem:v2+s3+$0x0], $0xffff  }
0x185: {  	v17 =	vadd.s32 s24, v0;
	v18 =	vadd.s32 s25, v0;
	s24 =	sadd.s32 $0xFFFFE400, s22;
	s25 =	sadd.s32 $0xFFFFE800, s22;
	v16 =	vadd.s32 s23, v0;
	s23 =	sadd.s32 $0xFFFFE000, s22;
	[tilespmem:s20+$0x0] =	vst v7  }
0x186: {  	v19 =	vadd.s32 s24, v0;
	v20 =	vadd.s32 s25, v0;
	s24 =	sadd.s32 $0xFFFFF000, s22;
	s25 =	sadd.s32 $0xFFFFF400, s22;
	v7 =	vadd.s32 s23, v0;
	s23 =	sadd.s32 $0xFFFFEC00, s22;
	[tilespmem:s20+$0x80] =	vst v6  }
0x187: {  	s26 =	sadd.s32 $0xFFFFC400, s22;
	v5 =	vadd.s32 s24, v0;
	v3 =	vadd.s32 s25, v0;
	v21 =	vadd.s32 s23, v0;
	s23 =	sadd.s32 $0xFFFFF800, s22;
	v6 =	vld.idx.msk [tilespmem:v11+s3+$0x0], $0xffff  }
0x188: {  	v11 =	vadd.s32 s26, v0;
	v2 =	vadd.s32 s23, v0;
	v13 =	vld.idx.msk [tilespmem:v13+s3+$0x0], $0xffff;
	[tilespmem:s20+$0x100] =	vst v4  }
0x189: {  	v4 =	vld.idx.msk [tilespmem:v12+s3+$0x0], $0xffff;
	[tilespmem:s20+$0x180] =	vst v10  }
0x18a: {  	v12 =	vld.idx.msk [tilespmem:v14+s3+$0x0], $0xffff;
	[tilespmem:s20+$0x200] =	vst v9  }
0x18b: {  	v14 =	vld.idx.msk [tilespmem:v15+s3+$0x0], $0xffff;
	[tilespmem:s20+$0x280] =	vst v8  }
0x18c: {  	v15 =	vld.idx.msk [tilespmem:v16+s3+$0x0], $0xffff;
	[tilespmem:s20+$0x380] =	vst v1  }
0x18d: {  	s20 =	sadd.s32 $0x800, s20;
	v1 =	vmov v6;
	v11 =	vld.idx.msk [tilespmem:v11+s3+$0x0], $0xffff  }
0x18e: {  	v10 =	vld.idx.msk [tilespmem:v17+s3+$0x0], $0xffff;
	[tilespmem:s20+$0x300] =	vst v13  }
.Ltmp7:
0x18f: {  	[tilespmem:s20+$0xFFFFFC80] =	vst v4;
	v9 =	vld.idx.msk [tilespmem:v18+s3+$0x0], $0xffff;
	(pc) =	sbr.rel @p0 .LBB2_16-.Ltmp7, $4  }
0x190: {  	[tilespmem:s20+$0xFFFFFD00] =	vst v12;
	v8 =	vld.idx.msk [tilespmem:v7+s3+$0x0], $0xffff  }
0x191: {  	[tilespmem:s20+$0xFFFFFD80] =	vst v14;
	v7 =	vld.idx.msk [tilespmem:v19+s3+$0x0], $0xffff  }
0x192: {  	[tilespmem:s20+$0xFFFFFE00] =	vst v15;
	v6 =	vld.idx.msk [tilespmem:v20+s3+$0x0], $0xffff  }
0x193: {  	s22 =	sadd.s32 $0x4000, s22;
	[tilespmem:s20+$0xFFFFFC00] =	vst v11;
	v4 =	vld.idx.msk [tilespmem:v21+s3+$0x0], $0xffff  }
0x194: {  	_ =	sdelay $0x1  }
0x195: {  	[tilespmem:s20+$0xFFFFFE80] =	vst v10  }
0x196: {  	[tilespmem:s20+$0xFFFFFF00] =	vst v9  }
0x197: {  	v0 =	vld.idx.msk [tilespmem:v5+s3+$0x0], $0xffff;
	[tilespmem:s20+$0x380] =	vst v1  }
0x198: {  	v3 =	vld.idx.msk [tilespmem:v3+s3+$0x0], $0xffff;
	[tilespmem:s20+$0xFFFFFF80] =	vst v8  }
0x199: {  	v2 =	vld.idx.msk [tilespmem:v2+s3+$0x0], $0xffff;
	[tilespmem:s20+$0x0] =	vst v7  }
0x19a: {  	[tilespmem:s20+$0x80] =	vst v6  }
0x19b: {  	[tilespmem:s20+$0x100] =	vst v4  }
0x19c: {  	[tilespmem:s20+$0x180] =	vst v0  }
0x19d: {  	[tilespmem:s20+$0x200] =	vst v3  }
0x19e: {  	[tilespmem:s20+$0x280] =	vst v2  }
0x19f: {  	[hbm4b:s7+s10] =	stream.strided.scatter [tilespmem:s15], [sflag:$0x1], $0x2000, s11, s10, $0x38;
	[tilespmem:$0x1A400] =	vst v63  }
0x1a0: {  	v0 =	vld [tilespmem:$0x10080];
	_ =	sdelay $0x3  }
0x1a1: {  	s28 =	simm.s32 $0x3C00  }
0x1a2: {  	s21 =	simm.s32 $0x3800;
	v1 =	vadd.s32 s28, v0  }
0x1a3: {  	s29 =	simm.s32 $0x400;
	v2 =	vadd.s32 s21, v0  }
0x1a4: {  	s31 =	simm.s32 $0xC00;
	v3 =	vadd.s32 s29, v0  }
0x1a5: {  	s30 =	simm.s32 $0x800;
	v5 =	vadd.s32 s31, v0  }
0x1a6: {  	s22 =	simm.s32 $0x1000;
	v4 =	vadd.s32 s30, v0  }
0x1a7: {  	s23 =	simm.s32 $0x0;
	v6 =	vadd.s32 s22, v0;
	v1 =	vld.idx.msk [tilespmem:v1+s3+$0x0], $0xffff  }
0x1a8: {  	s24 =	simm.s32 $0x1400;
	v7 =	vadd.s32 s23, v0;
	v2 =	vld.idx.msk [tilespmem:v2+s3+$0x0], $0xffff  }
0x1a9: {  	s25 =	simm.s32 $0x1800;
	v8 =	vadd.s32 s24, v0;
	v3 =	vld.idx.msk [tilespmem:v3+s3+$0x0], $0xffff  }
0x1aa: {  	s26 =	simm.s32 $0x1C00;
	v9 =	vadd.s32 s25, v0;
	v5 =	vld.idx.msk [tilespmem:v5+s3+$0x0], $0xffff  }
0x1ab: {  	s28 =	simm.s32 $0x2000;
	v11 =	vadd.s32 s26, v0;
	v4 =	vld.idx.msk [tilespmem:v4+s3+$0x0], $0xffff  }
0x1ac: {  	s22 =	simm.s32 $0x2400;
	v12 =	vadd.s32 s28, v0;
	v6 =	vld.idx.msk [tilespmem:v6+s3+$0x0], $0xffff  }
0x1ad: {  	s20 =	simm.s32 $0x18B80;
	s29 =	simm.s32 $0x2800;
	v13 =	vadd.s32 s22, v0;
	v14 =	vld.idx.msk [tilespmem:v7+s3+$0x0], $0xffff  }
0x1ae: {  	s30 =	simm.s32 $0x2C00;
	v15 =	vadd.s32 s29, v0;
	v10 =	vld.idx.msk [tilespmem:v8+s3+$0x0], $0xffff;
	[tilespmem:s20+$0xFFFFFF80] =	vst v2  }
0x1af: {  	s31 =	simm.s32 $0x3000;
	v9 =	vld.idx.msk [tilespmem:v9+s3+$0x0], $0xffff;
	[tilespmem:s20+$0xFFFFFA00] =	vst v5;
	v5 =	vadd.s32 s30, v0  }
0x1b0: {  	s23 =	simm.s32 $0x3400;
	v8 =	vld.idx.msk [tilespmem:v11+s3+$0x0], $0xffff;
	[tilespmem:s20+$0xFFFFF900] =	vst v3;
	v3 =	vadd.s32 s31, v0  }
0x1b1: {  	v7 =	vld.idx.msk [tilespmem:v12+s3+$0x0], $0xffff;
	[tilespmem:s20+$0xFFFFF980] =	vst v4;
	v2 =	vadd.s32 s23, v0  }
0x1b2: {  	[tilespmem:s20+$0xFFFFFA80] =	vst v6;
	v6 =	vld.idx.msk [tilespmem:v13+s3+$0x0], $0xffff  }
0x1b3: {  	s21 =	simm.s32 $0x0;
	s22 =	simm.s32 $0x7C00;
	[tilespmem:s20+$0xFFFFF880] =	vst v14;
	v4 =	vld.idx.msk [tilespmem:v15+s3+$0x0], $0xffff  }
.LBB2_18:
0x1b4: {  	s23 =	sadd.s32 $0xFFFFC800, s22;
	s24 =	sadd.s32 $0xFFFFFC00, s22;
	v11 =	vadd.s32 s22, v0;
	s21 =	sadd.s32 $0x10, s21;
	[tilespmem:s20+$0xFFFFFB00] =	vst v10;
	v10 =	vld.idx.msk [tilespmem:v5+s3+$0x0], $0xffff  }
0x1b5: {  	s25 =	sadd.s32 $0xFFFFD000, s22;
	v12 =	vadd.s32 s23, v0;
	s23 =	sadd.s32 $0xFFFFCC00, s22;
	v13 =	vadd.s32 s24, v0;
	p0 =	slt.u32 s21, $0x30;
	[tilespmem:s20+$0xFFFFFB80] =	vst v9;
	v9 =	vld.idx.msk [tilespmem:v3+s3+$0x0], $0xffff  }
0x1b6: {  	v15 =	vadd.s32 s25, v0;
	s24 =	sadd.s32 $0xFFFFD800, s22;
	s25 =	sadd.s32 $0xFFFFDC00, s22;
	v14 =	vadd.s32 s23, v0;
	s23 =	sadd.s32 $0xFFFFD400, s22;
	[tilespmem:s20+$0xFFFFFC00] =	vst v8;
	v8 =	vld.idx.msk [tilespmem:v2+s3+$0x0], $0xffff  }
0x1b7: {  	v17 =	vadd.s32 s24, v0;
	v18 =	vadd.s32 s25, v0;
	s24 =	sadd.s32 $0xFFFFE400, s22;
	s25 =	sadd.s32 $0xFFFFE800, s22;
	v16 =	vadd.s32 s23, v0;
	s23 =	sadd.s32 $0xFFFFE000, s22;
	[tilespmem:s20+$0xFFFFFC80] =	vst v7  }
0x1b8: {  	v19 =	vadd.s32 s24, v0;
	v20 =	vadd.s32 s25, v0;
	s24 =	sadd.s32 $0xFFFFF000, s22;
	s25 =	sadd.s32 $0xFFFFF400, s22;
	v7 =	vadd.s32 s23, v0;
	s23 =	sadd.s32 $0xFFFFEC00, s22;
	[tilespmem:s20+$0xFFFFFD00] =	vst v6  }
0x1b9: {  	s26 =	sadd.s32 $0xFFFFC400, s22;
	v5 =	vadd.s32 s24, v0;
	v3 =	vadd.s32 s25, v0;
	v21 =	vadd.s32 s23, v0;
	s23 =	sadd.s32 $0xFFFFF800, s22;
	v6 =	vld.idx.msk [tilespmem:v11+s3+$0x0], $0xffff  }
0x1ba: {  	v11 =	vadd.s32 s26, v0;
	v2 =	vadd.s32 s23, v0;
	v13 =	vld.idx.msk [tilespmem:v13+s3+$0x0], $0xffff;
	[tilespmem:s20+$0xFFFFFD80] =	vst v4  }
0x1bb: {  	v4 =	vld.idx.msk [tilespmem:v12+s3+$0x0], $0xffff;
	[tilespmem:s20+$0xFFFFFE00] =	vst v10  }
0x1bc: {  	v12 =	vld.idx.msk [tilespmem:v14+s3+$0x0], $0xffff;
	[tilespmem:s20+$0xFFFFFE80] =	vst v9  }
0x1bd: {  	v14 =	vld.idx.msk [tilespmem:v15+s3+$0x0], $0xffff;
	[tilespmem:s20+$0xFFFFFF00] =	vst v8  }
0x1be: {  	v15 =	vld.idx.msk [tilespmem:v16+s3+$0x0], $0xffff;
	[tilespmem:s20+$0x0] =	vst v1  }
0x1bf: {  	s20 =	sadd.s32 $0x800, s20;
	v1 =	vmov v6;
	v11 =	vld.idx.msk [tilespmem:v11+s3+$0x0], $0xffff  }
0x1c0: {  	v10 =	vld.idx.msk [tilespmem:v17+s3+$0x0], $0xffff;
	[tilespmem:s20+$0xFFFFFF80] =	vst v13  }
.Ltmp8:
0x1c1: {  	[tilespmem:s20+$0xFFFFF900] =	vst v4;
	v9 =	vld.idx.msk [tilespmem:v18+s3+$0x0], $0xffff;
	(pc) =	sbr.rel @p0 .LBB2_18-.Ltmp8, $4  }
0x1c2: {  	[tilespmem:s20+$0xFFFFF980] =	vst v12;
	v8 =	vld.idx.msk [tilespmem:v7+s3+$0x0], $0xffff  }
0x1c3: {  	[tilespmem:s20+$0xFFFFFA00] =	vst v14;
	v7 =	vld.idx.msk [tilespmem:v19+s3+$0x0], $0xffff  }
0x1c4: {  	[tilespmem:s20+$0xFFFFFA80] =	vst v15;
	v6 =	vld.idx.msk [tilespmem:v20+s3+$0x0], $0xffff  }
0x1c5: {  	s22 =	sadd.s32 $0x4000, s22;
	[tilespmem:s20+$0xFFFFF880] =	vst v11;
	v4 =	vld.idx.msk [tilespmem:v21+s3+$0x0], $0xffff  }
0x1c6: {  	_ =	sdelay $0x1  }
0x1c7: {  	[tilespmem:s20+$0xFFFFFB00] =	vst v10  }
0x1c8: {  	[tilespmem:s20+$0xFFFFFB80] =	vst v9  }
0x1c9: {  	v0 =	vld.idx.msk [tilespmem:v5+s3+$0x0], $0xffff;
	[tilespmem:s20+$0x0] =	vst v1  }
0x1ca: {  	v3 =	vld.idx.msk [tilespmem:v3+s3+$0x0], $0xffff;
	[tilespmem:s20+$0xFFFFFC00] =	vst v8  }
0x1cb: {  	v2 =	vld.idx.msk [tilespmem:v2+s3+$0x0], $0xffff;
	[tilespmem:s20+$0xFFFFFC80] =	vst v7  }
0x1cc: {  	[tilespmem:s20+$0xFFFFFD00] =	vst v6  }
0x1cd: {  	[tilespmem:s20+$0xFFFFFD80] =	vst v4  }
0x1ce: {  	[tilespmem:s20+$0xFFFFFE00] =	vst v0  }
0x1cf: {  	[tilespmem:s20+$0xFFFFFE80] =	vst v3  }
0x1d0: {  	[tilespmem:s20+$0xFFFFFF00] =	vst v2  }
0x1d1: {  	v0 =	vld [tilespmem:$0x10090];
	_ =	sdelay $0x3  }
0x1d2: {  	s28 =	simm.s32 $0x3C00  }
0x1d3: {  	s21 =	simm.s32 $0x3800;
	v1 =	vadd.s32 s28, v0  }
0x1d4: {  	s29 =	simm.s32 $0x400;
	v2 =	vadd.s32 s21, v0  }
0x1d5: {  	s31 =	simm.s32 $0xC00;
	v3 =	vadd.s32 s29, v0  }
0x1d6: {  	s30 =	simm.s32 $0x800;
	v5 =	vadd.s32 s31, v0  }
0x1d7: {  	s22 =	simm.s32 $0x1000;
	v4 =	vadd.s32 s30, v0  }
0x1d8: {  	s23 =	simm.s32 $0x0;
	v6 =	vadd.s32 s22, v0;
	v1 =	vld.idx.msk [tilespmem:v1+s3+$0x0], $0xffff  }
0x1d9: {  	s24 =	simm.s32 $0x1400;
	v7 =	vadd.s32 s23, v0;
	v2 =	vld.idx.msk [tilespmem:v2+s3+$0x0], $0xffff  }
0x1da: {  	s25 =	simm.s32 $0x1800;
	v8 =	vadd.s32 s24, v0;
	v3 =	vld.idx.msk [tilespmem:v3+s3+$0x0], $0xffff  }
0x1db: {  	s26 =	simm.s32 $0x1C00;
	v9 =	vadd.s32 s25, v0;
	v5 =	vld.idx.msk [tilespmem:v5+s3+$0x0], $0xffff  }
0x1dc: {  	s28 =	simm.s32 $0x2000;
	v11 =	vadd.s32 s26, v0;
	v4 =	vld.idx.msk [tilespmem:v4+s3+$0x0], $0xffff  }
0x1dd: {  	s22 =	simm.s32 $0x2400;
	v12 =	vadd.s32 s28, v0;
	v6 =	vld.idx.msk [tilespmem:v6+s3+$0x0], $0xffff  }
0x1de: {  	s20 =	simm.s32 $0x18B90;
	s29 =	simm.s32 $0x2800;
	v13 =	vadd.s32 s22, v0;
	v14 =	vld.idx.msk [tilespmem:v7+s3+$0x0], $0xffff  }
0x1df: {  	s30 =	simm.s32 $0x2C00;
	v15 =	vadd.s32 s29, v0;
	v10 =	vld.idx.msk [tilespmem:v8+s3+$0x0], $0xffff;
	[tilespmem:s20+$0xFFFFFF80] =	vst v2  }
0x1e0: {  	s31 =	simm.s32 $0x3000;
	v9 =	vld.idx.msk [tilespmem:v9+s3+$0x0], $0xffff;
	[tilespmem:s20+$0xFFFFFA00] =	vst v5;
	v5 =	vadd.s32 s30, v0  }
0x1e1: {  	s23 =	simm.s32 $0x3400;
	v8 =	vld.idx.msk [tilespmem:v11+s3+$0x0], $0xffff;
	[tilespmem:s20+$0xFFFFF900] =	vst v3;
	v3 =	vadd.s32 s31, v0  }
0x1e2: {  	v7 =	vld.idx.msk [tilespmem:v12+s3+$0x0], $0xffff;
	[tilespmem:s20+$0xFFFFF980] =	vst v4;
	v2 =	vadd.s32 s23, v0  }
0x1e3: {  	[tilespmem:s20+$0xFFFFFA80] =	vst v6;
	v6 =	vld.idx.msk [tilespmem:v13+s3+$0x0], $0xffff  }
0x1e4: {  	s21 =	simm.s32 $0x0;
	s22 =	simm.s32 $0x7C00;
	[tilespmem:s20+$0xFFFFF880] =	vst v14;
	v4 =	vld.idx.msk [tilespmem:v15+s3+$0x0], $0xffff  }
.LBB2_20:
0x1e5: {  	s23 =	sadd.s32 $0xFFFFC800, s22;
	s24 =	sadd.s32 $0xFFFFFC00, s22;
	v11 =	vadd.s32 s22, v0;
	s21 =	sadd.s32 $0x10, s21;
	[tilespmem:s20+$0xFFFFFB00] =	vst v10;
	v10 =	vld.idx.msk [tilespmem:v5+s3+$0x0], $0xffff  }
0x1e6: {  	s25 =	sadd.s32 $0xFFFFD000, s22;
	v12 =	vadd.s32 s23, v0;
	s23 =	sadd.s32 $0xFFFFCC00, s22;
	v13 =	vadd.s32 s24, v0;
	p0 =	slt.u32 s21, $0x30;
	[tilespmem:s20+$0xFFFFFB80] =	vst v9;
	v9 =	vld.idx.msk [tilespmem:v3+s3+$0x0], $0xffff  }
0x1e7: {  	v15 =	vadd.s32 s25, v0;
	s24 =	sadd.s32 $0xFFFFD800, s22;
	s25 =	sadd.s32 $0xFFFFDC00, s22;
	v14 =	vadd.s32 s23, v0;
	s23 =	sadd.s32 $0xFFFFD400, s22;
	[tilespmem:s20+$0xFFFFFC00] =	vst v8;
	v8 =	vld.idx.msk [tilespmem:v2+s3+$0x0], $0xffff  }
0x1e8: {  	v17 =	vadd.s32 s24, v0;
	v18 =	vadd.s32 s25, v0;
	s24 =	sadd.s32 $0xFFFFE400, s22;
	s25 =	sadd.s32 $0xFFFFE800, s22;
	v16 =	vadd.s32 s23, v0;
	s23 =	sadd.s32 $0xFFFFE000, s22;
	[tilespmem:s20+$0xFFFFFC80] =	vst v7  }
0x1e9: {  	v19 =	vadd.s32 s24, v0;
	v20 =	vadd.s32 s25, v0;
	s24 =	sadd.s32 $0xFFFFF000, s22;
	s25 =	sadd.s32 $0xFFFFF400, s22;
	v7 =	vadd.s32 s23, v0;
	s23 =	sadd.s32 $0xFFFFEC00, s22;
	[tilespmem:s20+$0xFFFFFD00] =	vst v6  }
0x1ea: {  	s26 =	sadd.s32 $0xFFFFC400, s22;
	v5 =	vadd.s32 s24, v0;
	v3 =	vadd.s32 s25, v0;
	v21 =	vadd.s32 s23, v0;
	s23 =	sadd.s32 $0xFFFFF800, s22;
	v6 =	vld.idx.msk [tilespmem:v11+s3+$0x0], $0xffff  }
0x1eb: {  	v11 =	vadd.s32 s26, v0;
	v2 =	vadd.s32 s23, v0;
	v13 =	vld.idx.msk [tilespmem:v13+s3+$0x0], $0xffff;
	[tilespmem:s20+$0xFFFFFD80] =	vst v4  }
0x1ec: {  	v4 =	vld.idx.msk [tilespmem:v12+s3+$0x0], $0xffff;
	[tilespmem:s20+$0xFFFFFE00] =	vst v10  }
0x1ed: {  	v12 =	vld.idx.msk [tilespmem:v14+s3+$0x0], $0xffff;
	[tilespmem:s20+$0xFFFFFE80] =	vst v9  }
0x1ee: {  	v14 =	vld.idx.msk [tilespmem:v15+s3+$0x0], $0xffff;
	[tilespmem:s20+$0xFFFFFF00] =	vst v8  }
0x1ef: {  	v15 =	vld.idx.msk [tilespmem:v16+s3+$0x0], $0xffff;
	[tilespmem:s20+$0x0] =	vst v1  }
0x1f0: {  	s20 =	sadd.s32 $0x800, s20;
	v1 =	vmov v6;
	v11 =	vld.idx.msk [tilespmem:v11+s3+$0x0], $0xffff  }
0x1f1: {  	v10 =	vld.idx.msk [tilespmem:v17+s3+$0x0], $0xffff;
	[tilespmem:s20+$0xFFFFFF80] =	vst v13  }
.Ltmp9:
0x1f2: {  	[tilespmem:s20+$0xFFFFF900] =	vst v4;
	v9 =	vld.idx.msk [tilespmem:v18+s3+$0x0], $0xffff;
	(pc) =	sbr.rel @p0 .LBB2_20-.Ltmp9, $4  }
0x1f3: {  	[tilespmem:s20+$0xFFFFF980] =	vst v12;
	v8 =	vld.idx.msk [tilespmem:v7+s3+$0x0], $0xffff  }
0x1f4: {  	[tilespmem:s20+$0xFFFFFA00] =	vst v14;
	v7 =	vld.idx.msk [tilespmem:v19+s3+$0x0], $0xffff  }
0x1f5: {  	[tilespmem:s20+$0xFFFFFA80] =	vst v15;
	v6 =	vld.idx.msk [tilespmem:v20+s3+$0x0], $0xffff  }
0x1f6: {  	s22 =	sadd.s32 $0x4000, s22;
	[tilespmem:s20+$0xFFFFF880] =	vst v11;
	v4 =	vld.idx.msk [tilespmem:v21+s3+$0x0], $0xffff  }
0x1f7: {  	_ =	sdelay $0x1  }
0x1f8: {  	[tilespmem:s20+$0xFFFFFB00] =	vst v10  }
0x1f9: {  	[tilespmem:s20+$0xFFFFFB80] =	vst v9  }
0x1fa: {  	v0 =	vld.idx.msk [tilespmem:v5+s3+$0x0], $0xffff;
	[tilespmem:s20+$0x0] =	vst v1  }
0x1fb: {  	v3 =	vld.idx.msk [tilespmem:v3+s3+$0x0], $0xffff;
	[tilespmem:s20+$0xFFFFFC00] =	vst v8  }
0x1fc: {  	v2 =	vld.idx.msk [tilespmem:v2+s3+$0x0], $0xffff;
	[tilespmem:s20+$0xFFFFFC80] =	vst v7  }
0x1fd: {  	[tilespmem:s20+$0xFFFFFD00] =	vst v6  }
0x1fe: {  	[tilespmem:s20+$0xFFFFFD80] =	vst v4  }
0x1ff: {  	[tilespmem:s20+$0xFFFFFE00] =	vst v0  }
0x200: {  	[tilespmem:s20+$0xFFFFFE80] =	vst v3  }
0x201: {  	[tilespmem:s20+$0xFFFFFF00] =	vst v2  }
0x202: {  	v0 =	vld [tilespmem:$0x100A0];
	_ =	sdelay $0x3  }
0x203: {  	s28 =	simm.s32 $0x3C00  }
0x204: {  	s21 =	simm.s32 $0x3800;
	v1 =	vadd.s32 s28, v0  }
0x205: {  	s29 =	simm.s32 $0x400;
	v2 =	vadd.s32 s21, v0  }
0x206: {  	s31 =	simm.s32 $0xC00;
	v3 =	vadd.s32 s29, v0  }
0x207: {  	s30 =	simm.s32 $0x800;
	v5 =	vadd.s32 s31, v0  }
0x208: {  	s22 =	simm.s32 $0x1000;
	v4 =	vadd.s32 s30, v0  }
0x209: {  	s23 =	simm.s32 $0x0;
	v6 =	vadd.s32 s22, v0;
	v1 =	vld.idx.msk [tilespmem:v1+s3+$0x0], $0xffff  }
0x20a: {  	s24 =	simm.s32 $0x1400;
	v7 =	vadd.s32 s23, v0;
	v2 =	vld.idx.msk [tilespmem:v2+s3+$0x0], $0xffff  }
0x20b: {  	s25 =	simm.s32 $0x1800;
	v8 =	vadd.s32 s24, v0;
	v3 =	vld.idx.msk [tilespmem:v3+s3+$0x0], $0xffff  }
0x20c: {  	s26 =	simm.s32 $0x1C00;
	v9 =	vadd.s32 s25, v0;
	v5 =	vld.idx.msk [tilespmem:v5+s3+$0x0], $0xffff  }
0x20d: {  	s28 =	simm.s32 $0x2000;
	v11 =	vadd.s32 s26, v0;
	v4 =	vld.idx.msk [tilespmem:v4+s3+$0x0], $0xffff  }
0x20e: {  	s22 =	simm.s32 $0x2400;
	v12 =	vadd.s32 s28, v0;
	v6 =	vld.idx.msk [tilespmem:v6+s3+$0x0], $0xffff  }
0x20f: {  	s20 =	simm.s32 $0x18BA0;
	s29 =	simm.s32 $0x2800;
	v13 =	vadd.s32 s22, v0;
	v14 =	vld.idx.msk [tilespmem:v7+s3+$0x0], $0xffff  }
0x210: {  	s30 =	simm.s32 $0x2C00;
	v15 =	vadd.s32 s29, v0;
	v10 =	vld.idx.msk [tilespmem:v8+s3+$0x0], $0xffff;
	[tilespmem:s20+$0xFFFFFF80] =	vst v2  }
0x211: {  	s31 =	simm.s32 $0x3000;
	v9 =	vld.idx.msk [tilespmem:v9+s3+$0x0], $0xffff;
	[tilespmem:s20+$0xFFFFFA00] =	vst v5;
	v5 =	vadd.s32 s30, v0  }
0x212: {  	s23 =	simm.s32 $0x3400;
	v8 =	vld.idx.msk [tilespmem:v11+s3+$0x0], $0xffff;
	[tilespmem:s20+$0xFFFFF900] =	vst v3;
	v3 =	vadd.s32 s31, v0  }
0x213: {  	v7 =	vld.idx.msk [tilespmem:v12+s3+$0x0], $0xffff;
	[tilespmem:s20+$0xFFFFF980] =	vst v4;
	v2 =	vadd.s32 s23, v0  }
0x214: {  	[tilespmem:s20+$0xFFFFFA80] =	vst v6;
	v6 =	vld.idx.msk [tilespmem:v13+s3+$0x0], $0xffff  }
0x215: {  	s21 =	simm.s32 $0x0;
	s22 =	simm.s32 $0x7C00;
	[tilespmem:s20+$0xFFFFF880] =	vst v14;
	v4 =	vld.idx.msk [tilespmem:v15+s3+$0x0], $0xffff  }
.LBB2_22:
0x216: {  	s23 =	sadd.s32 $0xFFFFC800, s22;
	s24 =	sadd.s32 $0xFFFFFC00, s22;
	v11 =	vadd.s32 s22, v0;
	s21 =	sadd.s32 $0x10, s21;
	[tilespmem:s20+$0xFFFFFB00] =	vst v10;
	v10 =	vld.idx.msk [tilespmem:v5+s3+$0x0], $0xffff  }
0x217: {  	s25 =	sadd.s32 $0xFFFFD000, s22;
	v12 =	vadd.s32 s23, v0;
	s23 =	sadd.s32 $0xFFFFCC00, s22;
	v13 =	vadd.s32 s24, v0;
	p0 =	slt.u32 s21, $0x30;
	[tilespmem:s20+$0xFFFFFB80] =	vst v9;
	v9 =	vld.idx.msk [tilespmem:v3+s3+$0x0], $0xffff  }
0x218: {  	v15 =	vadd.s32 s25, v0;
	s24 =	sadd.s32 $0xFFFFD800, s22;
	s25 =	sadd.s32 $0xFFFFDC00, s22;
	v14 =	vadd.s32 s23, v0;
	s23 =	sadd.s32 $0xFFFFD400, s22;
	[tilespmem:s20+$0xFFFFFC00] =	vst v8;
	v8 =	vld.idx.msk [tilespmem:v2+s3+$0x0], $0xffff  }
0x219: {  	v17 =	vadd.s32 s24, v0;
	v18 =	vadd.s32 s25, v0;
	s24 =	sadd.s32 $0xFFFFE400, s22;
	s25 =	sadd.s32 $0xFFFFE800, s22;
	v16 =	vadd.s32 s23, v0;
	s23 =	sadd.s32 $0xFFFFE000, s22;
	[tilespmem:s20+$0xFFFFFC80] =	vst v7  }
0x21a: {  	v19 =	vadd.s32 s24, v0;
	v20 =	vadd.s32 s25, v0;
	s24 =	sadd.s32 $0xFFFFF000, s22;
	s25 =	sadd.s32 $0xFFFFF400, s22;
	v7 =	vadd.s32 s23, v0;
	s23 =	sadd.s32 $0xFFFFEC00, s22;
	[tilespmem:s20+$0xFFFFFD00] =	vst v6  }
0x21b: {  	s26 =	sadd.s32 $0xFFFFC400, s22;
	v5 =	vadd.s32 s24, v0;
	v3 =	vadd.s32 s25, v0;
	v21 =	vadd.s32 s23, v0;
	s23 =	sadd.s32 $0xFFFFF800, s22;
	v6 =	vld.idx.msk [tilespmem:v11+s3+$0x0], $0xffff  }
0x21c: {  	v11 =	vadd.s32 s26, v0;
	v2 =	vadd.s32 s23, v0;
	v13 =	vld.idx.msk [tilespmem:v13+s3+$0x0], $0xffff;
	[tilespmem:s20+$0xFFFFFD80] =	vst v4  }
0x21d: {  	v4 =	vld.idx.msk [tilespmem:v12+s3+$0x0], $0xffff;
	[tilespmem:s20+$0xFFFFFE00] =	vst v10  }
0x21e: {  	v12 =	vld.idx.msk [tilespmem:v14+s3+$0x0], $0xffff;
	[tilespmem:s20+$0xFFFFFE80] =	vst v9  }
0x21f: {  	v14 =	vld.idx.msk [tilespmem:v15+s3+$0x0], $0xffff;
	[tilespmem:s20+$0xFFFFFF00] =	vst v8  }
0x220: {  	v15 =	vld.idx.msk [tilespmem:v16+s3+$0x0], $0xffff;
	[tilespmem:s20+$0x0] =	vst v1  }
0x221: {  	s20 =	sadd.s32 $0x800, s20;
	v1 =	vmov v6;
	v11 =	vld.idx.msk [tilespmem:v11+s3+$0x0], $0xffff  }
0x222: {  	v10 =	vld.idx.msk [tilespmem:v17+s3+$0x0], $0xffff;
	[tilespmem:s20+$0xFFFFFF80] =	vst v13  }
.Ltmp10:
0x223: {  	[tilespmem:s20+$0xFFFFF900] =	vst v4;
	v9 =	vld.idx.msk [tilespmem:v18+s3+$0x0], $0xffff;
	(pc) =	sbr.rel @p0 .LBB2_22-.Ltmp10, $4  }
0x224: {  	[tilespmem:s20+$0xFFFFF980] =	vst v12;
	v8 =	vld.idx.msk [tilespmem:v7+s3+$0x0], $0xffff  }
0x225: {  	[tilespmem:s20+$0xFFFFFA00] =	vst v14;
	v7 =	vld.idx.msk [tilespmem:v19+s3+$0x0], $0xffff  }
0x226: {  	[tilespmem:s20+$0xFFFFFA80] =	vst v15;
	v6 =	vld.idx.msk [tilespmem:v20+s3+$0x0], $0xffff  }
0x227: {  	s22 =	sadd.s32 $0x4000, s22;
	[tilespmem:s20+$0xFFFFF880] =	vst v11;
	v4 =	vld.idx.msk [tilespmem:v21+s3+$0x0], $0xffff  }
0x228: {  	_ =	sdelay $0x1  }
0x229: {  	[tilespmem:s20+$0xFFFFFB00] =	vst v10  }
0x22a: {  	[tilespmem:s20+$0xFFFFFB80] =	vst v9  }
0x22b: {  	v0 =	vld.idx.msk [tilespmem:v5+s3+$0x0], $0xffff;
	[tilespmem:s20+$0x0] =	vst v1  }
0x22c: {  	v3 =	vld.idx.msk [tilespmem:v3+s3+$0x0], $0xffff;
	[tilespmem:s20+$0xFFFFFC00] =	vst v8  }
0x22d: {  	v2 =	vld.idx.msk [tilespmem:v2+s3+$0x0], $0xffff;
	[tilespmem:s20+$0xFFFFFC80] =	vst v7  }
0x22e: {  	[tilespmem:s20+$0xFFFFFD00] =	vst v6  }
0x22f: {  	[tilespmem:s20+$0xFFFFFD80] =	vst v4  }
0x230: {  	[tilespmem:s20+$0xFFFFFE00] =	vst v0  }
0x231: {  	[tilespmem:s20+$0xFFFFFE80] =	vst v3  }
0x232: {  	[tilespmem:s20+$0xFFFFFF00] =	vst v2  }
0x233: {  	v0 =	vld [tilespmem:$0x100B0];
	_ =	sdelay $0x3  }
0x234: {  	s28 =	simm.s32 $0x3C00  }
0x235: {  	s21 =	simm.s32 $0x3800;
	v1 =	vadd.s32 s28, v0  }
0x236: {  	s29 =	simm.s32 $0x400;
	v2 =	vadd.s32 s21, v0  }
0x237: {  	s31 =	simm.s32 $0xC00;
	v3 =	vadd.s32 s29, v0  }
0x238: {  	s30 =	simm.s32 $0x800;
	v5 =	vadd.s32 s31, v0  }
0x239: {  	s22 =	simm.s32 $0x1000;
	v4 =	vadd.s32 s30, v0  }
0x23a: {  	s23 =	simm.s32 $0x0;
	v6 =	vadd.s32 s22, v0;
	v1 =	vld.idx.msk [tilespmem:v1+s3+$0x0], $0xffff  }
0x23b: {  	s24 =	simm.s32 $0x1400;
	v7 =	vadd.s32 s23, v0;
	v2 =	vld.idx.msk [tilespmem:v2+s3+$0x0], $0xffff  }
0x23c: {  	s25 =	simm.s32 $0x1800;
	v8 =	vadd.s32 s24, v0;
	v3 =	vld.idx.msk [tilespmem:v3+s3+$0x0], $0xffff  }
0x23d: {  	s26 =	simm.s32 $0x1C00;
	v9 =	vadd.s32 s25, v0;
	v5 =	vld.idx.msk [tilespmem:v5+s3+$0x0], $0xffff  }
0x23e: {  	s28 =	simm.s32 $0x2000;
	v11 =	vadd.s32 s26, v0;
	v4 =	vld.idx.msk [tilespmem:v4+s3+$0x0], $0xffff  }
0x23f: {  	s22 =	simm.s32 $0x2400;
	v12 =	vadd.s32 s28, v0;
	v6 =	vld.idx.msk [tilespmem:v6+s3+$0x0], $0xffff  }
0x240: {  	s20 =	simm.s32 $0x18BB0;
	s29 =	simm.s32 $0x2800;
	v13 =	vadd.s32 s22, v0;
	v14 =	vld.idx.msk [tilespmem:v7+s3+$0x0], $0xffff  }
0x241: {  	s30 =	simm.s32 $0x2C00;
	v15 =	vadd.s32 s29, v0;
	v10 =	vld.idx.msk [tilespmem:v8+s3+$0x0], $0xffff;
	[tilespmem:s20+$0xFFFFFF80] =	vst v2  }
0x242: {  	s31 =	simm.s32 $0x3000;
	v9 =	vld.idx.msk [tilespmem:v9+s3+$0x0], $0xffff;
	[tilespmem:s20+$0xFFFFFA00] =	vst v5;
	v5 =	vadd.s32 s30, v0  }
0x243: {  	s23 =	simm.s32 $0x3400;
	v8 =	vld.idx.msk [tilespmem:v11+s3+$0x0], $0xffff;
	[tilespmem:s20+$0xFFFFF900] =	vst v3;
	v3 =	vadd.s32 s31, v0  }
0x244: {  	v7 =	vld.idx.msk [tilespmem:v12+s3+$0x0], $0xffff;
	[tilespmem:s20+$0xFFFFF980] =	vst v4;
	v2 =	vadd.s32 s23, v0  }
0x245: {  	[tilespmem:s20+$0xFFFFFA80] =	vst v6;
	v6 =	vld.idx.msk [tilespmem:v13+s3+$0x0], $0xffff  }
0x246: {  	s21 =	simm.s32 $0x0;
	s22 =	simm.s32 $0x7C00;
	[tilespmem:s20+$0xFFFFF880] =	vst v14;
	v4 =	vld.idx.msk [tilespmem:v15+s3+$0x0], $0xffff  }
.LBB2_24:
0x247: {  	s23 =	sadd.s32 $0xFFFFC800, s22;
	s24 =	sadd.s32 $0xFFFFFC00, s22;
	v11 =	vadd.s32 s22, v0;
	s21 =	sadd.s32 $0x10, s21;
	[tilespmem:s20+$0xFFFFFB00] =	vst v10;
	v10 =	vld.idx.msk [tilespmem:v5+s3+$0x0], $0xffff  }
0x248: {  	s25 =	sadd.s32 $0xFFFFD000, s22;
	v12 =	vadd.s32 s23, v0;
	s23 =	sadd.s32 $0xFFFFCC00, s22;
	v13 =	vadd.s32 s24, v0;
	p0 =	slt.u32 s21, $0x30;
	[tilespmem:s20+$0xFFFFFB80] =	vst v9;
	v9 =	vld.idx.msk [tilespmem:v3+s3+$0x0], $0xffff  }
0x249: {  	v15 =	vadd.s32 s25, v0;
	s24 =	sadd.s32 $0xFFFFD800, s22;
	s25 =	sadd.s32 $0xFFFFDC00, s22;
	v14 =	vadd.s32 s23, v0;
	s23 =	sadd.s32 $0xFFFFD400, s22;
	[tilespmem:s20+$0xFFFFFC00] =	vst v8;
	v8 =	vld.idx.msk [tilespmem:v2+s3+$0x0], $0xffff  }
0x24a: {  	v17 =	vadd.s32 s24, v0;
	v18 =	vadd.s32 s25, v0;
	s24 =	sadd.s32 $0xFFFFE400, s22;
	s25 =	sadd.s32 $0xFFFFE800, s22;
	v16 =	vadd.s32 s23, v0;
	s23 =	sadd.s32 $0xFFFFE000, s22;
	[tilespmem:s20+$0xFFFFFC80] =	vst v7  }
0x24b: {  	v19 =	vadd.s32 s24, v0;
	v20 =	vadd.s32 s25, v0;
	s24 =	sadd.s32 $0xFFFFF000, s22;
	s25 =	sadd.s32 $0xFFFFF400, s22;
	v7 =	vadd.s32 s23, v0;
	s23 =	sadd.s32 $0xFFFFEC00, s22;
	[tilespmem:s20+$0xFFFFFD00] =	vst v6  }
0x24c: {  	s26 =	sadd.s32 $0xFFFFC400, s22;
	v5 =	vadd.s32 s24, v0;
	v3 =	vadd.s32 s25, v0;
	v21 =	vadd.s32 s23, v0;
	s23 =	sadd.s32 $0xFFFFF800, s22;
	v6 =	vld.idx.msk [tilespmem:v11+s3+$0x0], $0xffff  }
0x24d: {  	v11 =	vadd.s32 s26, v0;
	v2 =	vadd.s32 s23, v0;
	v13 =	vld.idx.msk [tilespmem:v13+s3+$0x0], $0xffff;
	[tilespmem:s20+$0xFFFFFD80] =	vst v4  }
0x24e: {  	v4 =	vld.idx.msk [tilespmem:v12+s3+$0x0], $0xffff;
	[tilespmem:s20+$0xFFFFFE00] =	vst v10  }
0x24f: {  	v12 =	vld.idx.msk [tilespmem:v14+s3+$0x0], $0xffff;
	[tilespmem:s20+$0xFFFFFE80] =	vst v9  }
0x250: {  	v14 =	vld.idx.msk [tilespmem:v15+s3+$0x0], $0xffff;
	[tilespmem:s20+$0xFFFFFF00] =	vst v8  }
0x251: {  	v15 =	vld.idx.msk [tilespmem:v16+s3+$0x0], $0xffff;
	[tilespmem:s20+$0x0] =	vst v1  }
0x252: {  	s20 =	sadd.s32 $0x800, s20;
	v1 =	vmov v6;
	v11 =	vld.idx.msk [tilespmem:v11+s3+$0x0], $0xffff  }
0x253: {  	v10 =	vld.idx.msk [tilespmem:v17+s3+$0x0], $0xffff;
	[tilespmem:s20+$0xFFFFFF80] =	vst v13  }
.Ltmp11:
0x254: {  	[tilespmem:s20+$0xFFFFF900] =	vst v4;
	v9 =	vld.idx.msk [tilespmem:v18+s3+$0x0], $0xffff;
	(pc) =	sbr.rel @p0 .LBB2_24-.Ltmp11, $4  }
0x255: {  	[tilespmem:s20+$0xFFFFF980] =	vst v12;
	v8 =	vld.idx.msk [tilespmem:v7+s3+$0x0], $0xffff  }
0x256: {  	[tilespmem:s20+$0xFFFFFA00] =	vst v14;
	v7 =	vld.idx.msk [tilespmem:v19+s3+$0x0], $0xffff  }
0x257: {  	[tilespmem:s20+$0xFFFFFA80] =	vst v15;
	v6 =	vld.idx.msk [tilespmem:v20+s3+$0x0], $0xffff  }
0x258: {  	s22 =	sadd.s32 $0x4000, s22;
	[tilespmem:s20+$0xFFFFF880] =	vst v11;
	v4 =	vld.idx.msk [tilespmem:v21+s3+$0x0], $0xffff  }
0x259: {  	_ =	sdelay $0x1  }
0x25a: {  	[tilespmem:s20+$0xFFFFFB00] =	vst v10  }
0x25b: {  	[tilespmem:s20+$0xFFFFFB80] =	vst v9  }
0x25c: {  	v0 =	vld.idx.msk [tilespmem:v5+s3+$0x0], $0xffff;
	[tilespmem:s20+$0x0] =	vst v1  }
0x25d: {  	v3 =	vld.idx.msk [tilespmem:v3+s3+$0x0], $0xffff;
	[tilespmem:s20+$0xFFFFFC00] =	vst v8  }
0x25e: {  	v2 =	vld.idx.msk [tilespmem:v2+s3+$0x0], $0xffff;
	[tilespmem:s20+$0xFFFFFC80] =	vst v7  }
0x25f: {  	[tilespmem:s20+$0xFFFFFD00] =	vst v6  }
0x260: {  	[tilespmem:s20+$0xFFFFFD80] =	vst v4  }
0x261: {  	[tilespmem:s20+$0xFFFFFE00] =	vst v0  }
0x262: {  	[tilespmem:s20+$0xFFFFFE80] =	vst v3  }
0x263: {  	[tilespmem:s20+$0xFFFFFF00] =	vst v2  }
0x264: {  	v0 =	vld [tilespmem:$0x100C0];
	_ =	sdelay $0x3  }
0x265: {  	s28 =	simm.s32 $0x3C00  }
0x266: {  	s21 =	simm.s32 $0x3800;
	v1 =	vadd.s32 s28, v0  }
0x267: {  	s29 =	simm.s32 $0x400;
	v2 =	vadd.s32 s21, v0  }
0x268: {  	s31 =	simm.s32 $0xC00;
	v3 =	vadd.s32 s29, v0  }
0x269: {  	s30 =	simm.s32 $0x800;
	v5 =	vadd.s32 s31, v0  }
0x26a: {  	s22 =	simm.s32 $0x1000;
	v4 =	vadd.s32 s30, v0  }
0x26b: {  	s23 =	simm.s32 $0x0;
	v6 =	vadd.s32 s22, v0;
	v1 =	vld.idx.msk [tilespmem:v1+s3+$0x0], $0xffff  }
0x26c: {  	s24 =	simm.s32 $0x1400;
	v7 =	vadd.s32 s23, v0;
	v2 =	vld.idx.msk [tilespmem:v2+s3+$0x0], $0xffff  }
0x26d: {  	s25 =	simm.s32 $0x1800;
	v8 =	vadd.s32 s24, v0;
	v3 =	vld.idx.msk [tilespmem:v3+s3+$0x0], $0xffff  }
0x26e: {  	s26 =	simm.s32 $0x1C00;
	v9 =	vadd.s32 s25, v0;
	v5 =	vld.idx.msk [tilespmem:v5+s3+$0x0], $0xffff  }
0x26f: {  	s28 =	simm.s32 $0x2000;
	v11 =	vadd.s32 s26, v0;
	v4 =	vld.idx.msk [tilespmem:v4+s3+$0x0], $0xffff  }
0x270: {  	s22 =	simm.s32 $0x2400;
	v12 =	vadd.s32 s28, v0;
	v6 =	vld.idx.msk [tilespmem:v6+s3+$0x0], $0xffff  }
0x271: {  	s20 =	simm.s32 $0x18BC0;
	s29 =	simm.s32 $0x2800;
	v13 =	vadd.s32 s22, v0;
	v14 =	vld.idx.msk [tilespmem:v7+s3+$0x0], $0xffff  }
0x272: {  	s30 =	simm.s32 $0x2C00;
	v15 =	vadd.s32 s29, v0;
	v10 =	vld.idx.msk [tilespmem:v8+s3+$0x0], $0xffff;
	[tilespmem:s20+$0xFFFFFF80] =	vst v2  }
0x273: {  	s31 =	simm.s32 $0x3000;
	v9 =	vld.idx.msk [tilespmem:v9+s3+$0x0], $0xffff;
	[tilespmem:s20+$0xFFFFFA00] =	vst v5;
	v5 =	vadd.s32 s30, v0  }
0x274: {  	s23 =	simm.s32 $0x3400;
	v8 =	vld.idx.msk [tilespmem:v11+s3+$0x0], $0xffff;
	[tilespmem:s20+$0xFFFFF900] =	vst v3;
	v3 =	vadd.s32 s31, v0  }
0x275: {  	v7 =	vld.idx.msk [tilespmem:v12+s3+$0x0], $0xffff;
	[tilespmem:s20+$0xFFFFF980] =	vst v4;
	v2 =	vadd.s32 s23, v0  }
0x276: {  	[tilespmem:s20+$0xFFFFFA80] =	vst v6;
	v6 =	vld.idx.msk [tilespmem:v13+s3+$0x0], $0xffff  }
0x277: {  	s21 =	simm.s32 $0x0;
	s22 =	simm.s32 $0x7C00;
	[tilespmem:s20+$0xFFFFF880] =	vst v14;
	v4 =	vld.idx.msk [tilespmem:v15+s3+$0x0], $0xffff  }
.LBB2_26:
0x278: {  	s23 =	sadd.s32 $0xFFFFC800, s22;
	s24 =	sadd.s32 $0xFFFFFC00, s22;
	v11 =	vadd.s32 s22, v0;
	s21 =	sadd.s32 $0x10, s21;
	[tilespmem:s20+$0xFFFFFB00] =	vst v10;
	v10 =	vld.idx.msk [tilespmem:v5+s3+$0x0], $0xffff  }
0x279: {  	s25 =	sadd.s32 $0xFFFFD000, s22;
	v12 =	vadd.s32 s23, v0;
	s23 =	sadd.s32 $0xFFFFCC00, s22;
	v13 =	vadd.s32 s24, v0;
	p0 =	slt.u32 s21, $0x30;
	[tilespmem:s20+$0xFFFFFB80] =	vst v9;
	v9 =	vld.idx.msk [tilespmem:v3+s3+$0x0], $0xffff  }
0x27a: {  	v15 =	vadd.s32 s25, v0;
	s24 =	sadd.s32 $0xFFFFD800, s22;
	s25 =	sadd.s32 $0xFFFFDC00, s22;
	v14 =	vadd.s32 s23, v0;
	s23 =	sadd.s32 $0xFFFFD400, s22;
	[tilespmem:s20+$0xFFFFFC00] =	vst v8;
	v8 =	vld.idx.msk [tilespmem:v2+s3+$0x0], $0xffff  }
0x27b: {  	v17 =	vadd.s32 s24, v0;
	v18 =	vadd.s32 s25, v0;
	s24 =	sadd.s32 $0xFFFFE400, s22;
	s25 =	sadd.s32 $0xFFFFE800, s22;
	v16 =	vadd.s32 s23, v0;
	s23 =	sadd.s32 $0xFFFFE000, s22;
	[tilespmem:s20+$0xFFFFFC80] =	vst v7  }
0x27c: {  	v19 =	vadd.s32 s24, v0;
	v20 =	vadd.s32 s25, v0;
	s24 =	sadd.s32 $0xFFFFF000, s22;
	s25 =	sadd.s32 $0xFFFFF400, s22;
	v7 =	vadd.s32 s23, v0;
	s23 =	sadd.s32 $0xFFFFEC00, s22;
	[tilespmem:s20+$0xFFFFFD00] =	vst v6  }
0x27d: {  	s26 =	sadd.s32 $0xFFFFC400, s22;
	v5 =	vadd.s32 s24, v0;
	v3 =	vadd.s32 s25, v0;
	v21 =	vadd.s32 s23, v0;
	s23 =	sadd.s32 $0xFFFFF800, s22;
	v6 =	vld.idx.msk [tilespmem:v11+s3+$0x0], $0xffff  }
0x27e: {  	v11 =	vadd.s32 s26, v0;
	v2 =	vadd.s32 s23, v0;
	v13 =	vld.idx.msk [tilespmem:v13+s3+$0x0], $0xffff;
	[tilespmem:s20+$0xFFFFFD80] =	vst v4  }
0x27f: {  	v4 =	vld.idx.msk [tilespmem:v12+s3+$0x0], $0xffff;
	[tilespmem:s20+$0xFFFFFE00] =	vst v10  }
0x280: {  	v12 =	vld.idx.msk [tilespmem:v14+s3+$0x0], $0xffff;
	[tilespmem:s20+$0xFFFFFE80] =	vst v9  }
0x281: {  	v14 =	vld.idx.msk [tilespmem:v15+s3+$0x0], $0xffff;
	[tilespmem:s20+$0xFFFFFF00] =	vst v8  }
0x282: {  	v15 =	vld.idx.msk [tilespmem:v16+s3+$0x0], $0xffff;
	[tilespmem:s20+$0x0] =	vst v1  }
0x283: {  	s20 =	sadd.s32 $0x800, s20;
	v1 =	vmov v6;
	v11 =	vld.idx.msk [tilespmem:v11+s3+$0x0], $0xffff  }
0x284: {  	v10 =	vld.idx.msk [tilespmem:v17+s3+$0x0], $0xffff;
	[tilespmem:s20+$0xFFFFFF80] =	vst v13  }
.Ltmp12:
0x285: {  	[tilespmem:s20+$0xFFFFF900] =	vst v4;
	v9 =	vld.idx.msk [tilespmem:v18+s3+$0x0], $0xffff;
	(pc) =	sbr.rel @p0 .LBB2_26-.Ltmp12, $4  }
0x286: {  	[tilespmem:s20+$0xFFFFF980] =	vst v12;
	v8 =	vld.idx.msk [tilespmem:v7+s3+$0x0], $0xffff  }
0x287: {  	[tilespmem:s20+$0xFFFFFA00] =	vst v14;
	v7 =	vld.idx.msk [tilespmem:v19+s3+$0x0], $0xffff  }
0x288: {  	[tilespmem:s20+$0xFFFFFA80] =	vst v15;
	v6 =	vld.idx.msk [tilespmem:v20+s3+$0x0], $0xffff  }
0x289: {  	s22 =	sadd.s32 $0x4000, s22;
	[tilespmem:s20+$0xFFFFF880] =	vst v11;
	v4 =	vld.idx.msk [tilespmem:v21+s3+$0x0], $0xffff  }
0x28a: {  	_ =	sdelay $0x1  }
0x28b: {  	[tilespmem:s20+$0xFFFFFB00] =	vst v10  }
0x28c: {  	[tilespmem:s20+$0xFFFFFB80] =	vst v9  }
0x28d: {  	v0 =	vld.idx.msk [tilespmem:v5+s3+$0x0], $0xffff;
	[tilespmem:s20+$0x0] =	vst v1  }
0x28e: {  	v3 =	vld.idx.msk [tilespmem:v3+s3+$0x0], $0xffff;
	[tilespmem:s20+$0xFFFFFC00] =	vst v8  }
0x28f: {  	v2 =	vld.idx.msk [tilespmem:v2+s3+$0x0], $0xffff;
	[tilespmem:s20+$0xFFFFFC80] =	vst v7  }
0x290: {  	[tilespmem:s20+$0xFFFFFD00] =	vst v6  }
0x291: {  	[tilespmem:s20+$0xFFFFFD80] =	vst v4  }
0x292: {  	[tilespmem:s20+$0xFFFFFE00] =	vst v0  }
0x293: {  	[tilespmem:s20+$0xFFFFFE80] =	vst v3  }
0x294: {  	[tilespmem:s20+$0xFFFFFF00] =	vst v2  }
0x295: {  	v0 =	vld [tilespmem:$0x100D0];
	_ =	sdelay $0x3  }
0x296: {  	s28 =	simm.s32 $0x3C00  }
0x297: {  	s21 =	simm.s32 $0x3800;
	v1 =	vadd.s32 s28, v0  }
0x298: {  	s29 =	simm.s32 $0x400;
	v2 =	vadd.s32 s21, v0  }
0x299: {  	s31 =	simm.s32 $0xC00;
	v3 =	vadd.s32 s29, v0  }
0x29a: {  	s30 =	simm.s32 $0x800;
	v5 =	vadd.s32 s31, v0  }
0x29b: {  	s22 =	simm.s32 $0x1000;
	v4 =	vadd.s32 s30, v0  }
0x29c: {  	s23 =	simm.s32 $0x0;
	v6 =	vadd.s32 s22, v0;
	v1 =	vld.idx.msk [tilespmem:v1+s3+$0x0], $0xffff  }
0x29d: {  	s24 =	simm.s32 $0x1400;
	v7 =	vadd.s32 s23, v0;
	v2 =	vld.idx.msk [tilespmem:v2+s3+$0x0], $0xffff  }
0x29e: {  	s25 =	simm.s32 $0x1800;
	v8 =	vadd.s32 s24, v0;
	v3 =	vld.idx.msk [tilespmem:v3+s3+$0x0], $0xffff  }
0x29f: {  	s26 =	simm.s32 $0x1C00;
	v9 =	vadd.s32 s25, v0;
	v5 =	vld.idx.msk [tilespmem:v5+s3+$0x0], $0xffff  }
0x2a0: {  	s28 =	simm.s32 $0x2000;
	v11 =	vadd.s32 s26, v0;
	v4 =	vld.idx.msk [tilespmem:v4+s3+$0x0], $0xffff  }
0x2a1: {  	s22 =	simm.s32 $0x2400;
	v12 =	vadd.s32 s28, v0;
	v6 =	vld.idx.msk [tilespmem:v6+s3+$0x0], $0xffff  }
0x2a2: {  	s20 =	simm.s32 $0x18BD0;
	s29 =	simm.s32 $0x2800;
	v13 =	vadd.s32 s22, v0;
	v14 =	vld.idx.msk [tilespmem:v7+s3+$0x0], $0xffff  }
0x2a3: {  	s30 =	simm.s32 $0x2C00;
	v15 =	vadd.s32 s29, v0;
	v10 =	vld.idx.msk [tilespmem:v8+s3+$0x0], $0xffff;
	[tilespmem:s20+$0xFFFFFF80] =	vst v2  }
0x2a4: {  	s31 =	simm.s32 $0x3000;
	v9 =	vld.idx.msk [tilespmem:v9+s3+$0x0], $0xffff;
	[tilespmem:s20+$0xFFFFFA00] =	vst v5;
	v5 =	vadd.s32 s30, v0  }
0x2a5: {  	s23 =	simm.s32 $0x3400;
	v8 =	vld.idx.msk [tilespmem:v11+s3+$0x0], $0xffff;
	[tilespmem:s20+$0xFFFFF900] =	vst v3;
	v3 =	vadd.s32 s31, v0  }
0x2a6: {  	v7 =	vld.idx.msk [tilespmem:v12+s3+$0x0], $0xffff;
	[tilespmem:s20+$0xFFFFF980] =	vst v4;
	v2 =	vadd.s32 s23, v0  }
0x2a7: {  	[tilespmem:s20+$0xFFFFFA80] =	vst v6;
	v6 =	vld.idx.msk [tilespmem:v13+s3+$0x0], $0xffff  }
0x2a8: {  	s21 =	simm.s32 $0x0;
	s22 =	simm.s32 $0x7C00;
	[tilespmem:s20+$0xFFFFF880] =	vst v14;
	v4 =	vld.idx.msk [tilespmem:v15+s3+$0x0], $0xffff  }
.LBB2_28:
0x2a9: {  	s23 =	sadd.s32 $0xFFFFC800, s22;
	s24 =	sadd.s32 $0xFFFFFC00, s22;
	v11 =	vadd.s32 s22, v0;
	s21 =	sadd.s32 $0x10, s21;
	[tilespmem:s20+$0xFFFFFB00] =	vst v10;
	v10 =	vld.idx.msk [tilespmem:v5+s3+$0x0], $0xffff  }
0x2aa: {  	s25 =	sadd.s32 $0xFFFFD000, s22;
	v12 =	vadd.s32 s23, v0;
	s23 =	sadd.s32 $0xFFFFCC00, s22;
	v13 =	vadd.s32 s24, v0;
	p0 =	slt.u32 s21, $0x30;
	[tilespmem:s20+$0xFFFFFB80] =	vst v9;
	v9 =	vld.idx.msk [tilespmem:v3+s3+$0x0], $0xffff  }
0x2ab: {  	v15 =	vadd.s32 s25, v0;
	s24 =	sadd.s32 $0xFFFFD800, s22;
	s25 =	sadd.s32 $0xFFFFDC00, s22;
	v14 =	vadd.s32 s23, v0;
	s23 =	sadd.s32 $0xFFFFD400, s22;
	[tilespmem:s20+$0xFFFFFC00] =	vst v8;
	v8 =	vld.idx.msk [tilespmem:v2+s3+$0x0], $0xffff  }
0x2ac: {  	v17 =	vadd.s32 s24, v0;
	v18 =	vadd.s32 s25, v0;
	s24 =	sadd.s32 $0xFFFFE400, s22;
	s25 =	sadd.s32 $0xFFFFE800, s22;
	v16 =	vadd.s32 s23, v0;
	s23 =	sadd.s32 $0xFFFFE000, s22;
	[tilespmem:s20+$0xFFFFFC80] =	vst v7  }
0x2ad: {  	v19 =	vadd.s32 s24, v0;
	v20 =	vadd.s32 s25, v0;
	s24 =	sadd.s32 $0xFFFFF000, s22;
	s25 =	sadd.s32 $0xFFFFF400, s22;
	v7 =	vadd.s32 s23, v0;
	s23 =	sadd.s32 $0xFFFFEC00, s22;
	[tilespmem:s20+$0xFFFFFD00] =	vst v6  }
0x2ae: {  	s26 =	sadd.s32 $0xFFFFC400, s22;
	v5 =	vadd.s32 s24, v0;
	v3 =	vadd.s32 s25, v0;
	v21 =	vadd.s32 s23, v0;
	s23 =	sadd.s32 $0xFFFFF800, s22;
	v6 =	vld.idx.msk [tilespmem:v11+s3+$0x0], $0xffff  }
0x2af: {  	v11 =	vadd.s32 s26, v0;
	v2 =	vadd.s32 s23, v0;
	v13 =	vld.idx.msk [tilespmem:v13+s3+$0x0], $0xffff;
	[tilespmem:s20+$0xFFFFFD80] =	vst v4  }
0x2b0: {  	v4 =	vld.idx.msk [tilespmem:v12+s3+$0x0], $0xffff;
	[tilespmem:s20+$0xFFFFFE00] =	vst v10  }
0x2b1: {  	v12 =	vld.idx.msk [tilespmem:v14+s3+$0x0], $0xffff;
	[tilespmem:s20+$0xFFFFFE80] =	vst v9  }
0x2b2: {  	v14 =	vld.idx.msk [tilespmem:v15+s3+$0x0], $0xffff;
	[tilespmem:s20+$0xFFFFFF00] =	vst v8  }
0x2b3: {  	v15 =	vld.idx.msk [tilespmem:v16+s3+$0x0], $0xffff;
	[tilespmem:s20+$0x0] =	vst v1  }
0x2b4: {  	s20 =	sadd.s32 $0x800, s20;
	v1 =	vmov v6;
	v11 =	vld.idx.msk [tilespmem:v11+s3+$0x0], $0xffff  }
0x2b5: {  	v10 =	vld.idx.msk [tilespmem:v17+s3+$0x0], $0xffff;
	[tilespmem:s20+$0xFFFFFF80] =	vst v13  }
.Ltmp13:
0x2b6: {  	[tilespmem:s20+$0xFFFFF900] =	vst v4;
	v9 =	vld.idx.msk [tilespmem:v18+s3+$0x0], $0xffff;
	(pc) =	sbr.rel @p0 .LBB2_28-.Ltmp13, $4  }
0x2b7: {  	[tilespmem:s20+$0xFFFFF980] =	vst v12;
	v8 =	vld.idx.msk [tilespmem:v7+s3+$0x0], $0xffff  }
0x2b8: {  	[tilespmem:s20+$0xFFFFFA00] =	vst v14;
	v7 =	vld.idx.msk [tilespmem:v19+s3+$0x0], $0xffff  }
0x2b9: {  	[tilespmem:s20+$0xFFFFFA80] =	vst v15;
	v6 =	vld.idx.msk [tilespmem:v20+s3+$0x0], $0xffff  }
0x2ba: {  	s22 =	sadd.s32 $0x4000, s22;
	[tilespmem:s20+$0xFFFFF880] =	vst v11;
	v4 =	vld.idx.msk [tilespmem:v21+s3+$0x0], $0xffff  }
0x2bb: {  	_ =	sdelay $0x1  }
0x2bc: {  	[tilespmem:s20+$0xFFFFFB00] =	vst v10  }
0x2bd: {  	[tilespmem:s20+$0xFFFFFB80] =	vst v9  }
0x2be: {  	v0 =	vld.idx.msk [tilespmem:v5+s3+$0x0], $0xffff;
	[tilespmem:s20+$0x0] =	vst v1  }
0x2bf: {  	v3 =	vld.idx.msk [tilespmem:v3+s3+$0x0], $0xffff;
	[tilespmem:s20+$0xFFFFFC00] =	vst v8  }
0x2c0: {  	v2 =	vld.idx.msk [tilespmem:v2+s3+$0x0], $0xffff;
	[tilespmem:s20+$0xFFFFFC80] =	vst v7  }
0x2c1: {  	[tilespmem:s20+$0xFFFFFD00] =	vst v6  }
0x2c2: {  	[tilespmem:s20+$0xFFFFFD80] =	vst v4  }
0x2c3: {  	[tilespmem:s20+$0xFFFFFE00] =	vst v0  }
0x2c4: {  	[tilespmem:s20+$0xFFFFFE80] =	vst v3  }
0x2c5: {  	[tilespmem:s20+$0xFFFFFF00] =	vst v2  }
0x2c6: {  	v0 =	vld [tilespmem:$0x100E0];
	_ =	sdelay $0x3  }
0x2c7: {  	s28 =	simm.s32 $0x3C00  }
0x2c8: {  	s21 =	simm.s32 $0x3800;
	v1 =	vadd.s32 s28, v0  }
0x2c9: {  	s29 =	simm.s32 $0x400;
	v2 =	vadd.s32 s21, v0  }
0x2ca: {  	s31 =	simm.s32 $0xC00;
	v3 =	vadd.s32 s29, v0  }
0x2cb: {  	s30 =	simm.s32 $0x800;
	v5 =	vadd.s32 s31, v0  }
0x2cc: {  	s22 =	simm.s32 $0x1000;
	v4 =	vadd.s32 s30, v0  }
0x2cd: {  	s23 =	simm.s32 $0x0;
	v6 =	vadd.s32 s22, v0;
	v1 =	vld.idx.msk [tilespmem:v1+s3+$0x0], $0xffff  }
0x2ce: {  	s24 =	simm.s32 $0x1400;
	v7 =	vadd.s32 s23, v0;
	v2 =	vld.idx.msk [tilespmem:v2+s3+$0x0], $0xffff  }
0x2cf: {  	s25 =	simm.s32 $0x1800;
	v8 =	vadd.s32 s24, v0;
	v3 =	vld.idx.msk [tilespmem:v3+s3+$0x0], $0xffff  }
0x2d0: {  	s26 =	simm.s32 $0x1C00;
	v9 =	vadd.s32 s25, v0;
	v5 =	vld.idx.msk [tilespmem:v5+s3+$0x0], $0xffff  }
0x2d1: {  	s28 =	simm.s32 $0x2000;
	v11 =	vadd.s32 s26, v0;
	v4 =	vld.idx.msk [tilespmem:v4+s3+$0x0], $0xffff  }
0x2d2: {  	s22 =	simm.s32 $0x2400;
	v12 =	vadd.s32 s28, v0;
	v6 =	vld.idx.msk [tilespmem:v6+s3+$0x0], $0xffff  }
0x2d3: {  	s20 =	simm.s32 $0x18BE0;
	s29 =	simm.s32 $0x2800;
	v13 =	vadd.s32 s22, v0;
	v14 =	vld.idx.msk [tilespmem:v7+s3+$0x0], $0xffff  }
0x2d4: {  	s30 =	simm.s32 $0x2C00;
	v15 =	vadd.s32 s29, v0;
	v10 =	vld.idx.msk [tilespmem:v8+s3+$0x0], $0xffff;
	[tilespmem:s20+$0xFFFFFF80] =	vst v2  }
0x2d5: {  	s31 =	simm.s32 $0x3000;
	v9 =	vld.idx.msk [tilespmem:v9+s3+$0x0], $0xffff;
	[tilespmem:s20+$0xFFFFFA00] =	vst v5;
	v5 =	vadd.s32 s30, v0  }
0x2d6: {  	s23 =	simm.s32 $0x3400;
	v8 =	vld.idx.msk [tilespmem:v11+s3+$0x0], $0xffff;
	[tilespmem:s20+$0xFFFFF900] =	vst v3;
	v3 =	vadd.s32 s31, v0  }
0x2d7: {  	v7 =	vld.idx.msk [tilespmem:v12+s3+$0x0], $0xffff;
	[tilespmem:s20+$0xFFFFF980] =	vst v4;
	v2 =	vadd.s32 s23, v0  }
0x2d8: {  	[tilespmem:s20+$0xFFFFFA80] =	vst v6;
	v6 =	vld.idx.msk [tilespmem:v13+s3+$0x0], $0xffff  }
0x2d9: {  	s21 =	simm.s32 $0x0;
	s22 =	simm.s32 $0x7C00;
	[tilespmem:s20+$0xFFFFF880] =	vst v14;
	v4 =	vld.idx.msk [tilespmem:v15+s3+$0x0], $0xffff  }
.LBB2_30:
0x2da: {  	s23 =	sadd.s32 $0xFFFFC800, s22;
	s24 =	sadd.s32 $0xFFFFFC00, s22;
	v11 =	vadd.s32 s22, v0;
	s21 =	sadd.s32 $0x10, s21;
	[tilespmem:s20+$0xFFFFFB00] =	vst v10;
	v10 =	vld.idx.msk [tilespmem:v5+s3+$0x0], $0xffff  }
0x2db: {  	s25 =	sadd.s32 $0xFFFFD000, s22;
	v12 =	vadd.s32 s23, v0;
	s23 =	sadd.s32 $0xFFFFCC00, s22;
	v13 =	vadd.s32 s24, v0;
	p0 =	slt.u32 s21, $0x30;
	[tilespmem:s20+$0xFFFFFB80] =	vst v9;
	v9 =	vld.idx.msk [tilespmem:v3+s3+$0x0], $0xffff  }
0x2dc: {  	v15 =	vadd.s32 s25, v0;
	s24 =	sadd.s32 $0xFFFFD800, s22;
	s25 =	sadd.s32 $0xFFFFDC00, s22;
	v14 =	vadd.s32 s23, v0;
	s23 =	sadd.s32 $0xFFFFD400, s22;
	[tilespmem:s20+$0xFFFFFC00] =	vst v8;
	v8 =	vld.idx.msk [tilespmem:v2+s3+$0x0], $0xffff  }
0x2dd: {  	v17 =	vadd.s32 s24, v0;
	v18 =	vadd.s32 s25, v0;
	s24 =	sadd.s32 $0xFFFFE400, s22;
	s25 =	sadd.s32 $0xFFFFE800, s22;
	v16 =	vadd.s32 s23, v0;
	s23 =	sadd.s32 $0xFFFFE000, s22;
	[tilespmem:s20+$0xFFFFFC80] =	vst v7  }
0x2de: {  	v19 =	vadd.s32 s24, v0;
	v20 =	vadd.s32 s25, v0;
	s24 =	sadd.s32 $0xFFFFF000, s22;
	s25 =	sadd.s32 $0xFFFFF400, s22;
	v7 =	vadd.s32 s23, v0;
	s23 =	sadd.s32 $0xFFFFEC00, s22;
	[tilespmem:s20+$0xFFFFFD00] =	vst v6  }
0x2df: {  	s26 =	sadd.s32 $0xFFFFC400, s22;
	v5 =	vadd.s32 s24, v0;
	v3 =	vadd.s32 s25, v0;
	v21 =	vadd.s32 s23, v0;
	s23 =	sadd.s32 $0xFFFFF800, s22;
	v6 =	vld.idx.msk [tilespmem:v11+s3+$0x0], $0xffff  }
0x2e0: {  	v11 =	vadd.s32 s26, v0;
	v2 =	vadd.s32 s23, v0;
	v13 =	vld.idx.msk [tilespmem:v13+s3+$0x0], $0xffff;
	[tilespmem:s20+$0xFFFFFD80] =	vst v4  }
0x2e1: {  	v4 =	vld.idx.msk [tilespmem:v12+s3+$0x0], $0xffff;
	[tilespmem:s20+$0xFFFFFE00] =	vst v10  }
0x2e2: {  	v12 =	vld.idx.msk [tilespmem:v14+s3+$0x0], $0xffff;
	[tilespmem:s20+$0xFFFFFE80] =	vst v9  }
0x2e3: {  	v14 =	vld.idx.msk [tilespmem:v15+s3+$0x0], $0xffff;
	[tilespmem:s20+$0xFFFFFF00] =	vst v8  }
0x2e4: {  	v15 =	vld.idx.msk [tilespmem:v16+s3+$0x0], $0xffff;
	[tilespmem:s20+$0x0] =	vst v1  }
0x2e5: {  	s20 =	sadd.s32 $0x800, s20;
	v1 =	vmov v6;
	v11 =	vld.idx.msk [tilespmem:v11+s3+$0x0], $0xffff  }
0x2e6: {  	v10 =	vld.idx.msk [tilespmem:v17+s3+$0x0], $0xffff;
	[tilespmem:s20+$0xFFFFFF80] =	vst v13  }
.Ltmp14:
0x2e7: {  	[tilespmem:s20+$0xFFFFF900] =	vst v4;
	v9 =	vld.idx.msk [tilespmem:v18+s3+$0x0], $0xffff;
	(pc) =	sbr.rel @p0 .LBB2_30-.Ltmp14, $4  }
0x2e8: {  	[tilespmem:s20+$0xFFFFF980] =	vst v12;
	v8 =	vld.idx.msk [tilespmem:v7+s3+$0x0], $0xffff  }
0x2e9: {  	[tilespmem:s20+$0xFFFFFA00] =	vst v14;
	v7 =	vld.idx.msk [tilespmem:v19+s3+$0x0], $0xffff  }
0x2ea: {  	[tilespmem:s20+$0xFFFFFA80] =	vst v15;
	v6 =	vld.idx.msk [tilespmem:v20+s3+$0x0], $0xffff  }
0x2eb: {  	s22 =	sadd.s32 $0x4000, s22;
	[tilespmem:s20+$0xFFFFF880] =	vst v11;
	v4 =	vld.idx.msk [tilespmem:v21+s3+$0x0], $0xffff  }
0x2ec: {  	_ =	sdelay $0x1  }
0x2ed: {  	[tilespmem:s20+$0xFFFFFB00] =	vst v10  }
0x2ee: {  	[tilespmem:s20+$0xFFFFFB80] =	vst v9  }
0x2ef: {  	v0 =	vld.idx.msk [tilespmem:v5+s3+$0x0], $0xffff;
	[tilespmem:s20+$0x0] =	vst v1  }
0x2f0: {  	v3 =	vld.idx.msk [tilespmem:v3+s3+$0x0], $0xffff;
	[tilespmem:s20+$0xFFFFFC00] =	vst v8  }
0x2f1: {  	v2 =	vld.idx.msk [tilespmem:v2+s3+$0x0], $0xffff;
	[tilespmem:s20+$0xFFFFFC80] =	vst v7  }
0x2f2: {  	[tilespmem:s20+$0xFFFFFD00] =	vst v6  }
0x2f3: {  	[tilespmem:s20+$0xFFFFFD80] =	vst v4  }
0x2f4: {  	[tilespmem:s20+$0xFFFFFE00] =	vst v0  }
0x2f5: {  	[tilespmem:s20+$0xFFFFFE80] =	vst v3  }
0x2f6: {  	[tilespmem:s20+$0xFFFFFF00] =	vst v2  }
0x2f7: {  	v0 =	vld [tilespmem:$0x100F0];
	_ =	sdelay $0x3  }
0x2f8: {  	s28 =	simm.s32 $0x3C00  }
0x2f9: {  	s21 =	simm.s32 $0x3800;
	v1 =	vadd.s32 s28, v0  }
0x2fa: {  	s29 =	simm.s32 $0x400;
	v2 =	vadd.s32 s21, v0  }
0x2fb: {  	s31 =	simm.s32 $0xC00;
	v3 =	vadd.s32 s29, v0  }
0x2fc: {  	s30 =	simm.s32 $0x800;
	v5 =	vadd.s32 s31, v0  }
0x2fd: {  	s22 =	simm.s32 $0x1000;
	v4 =	vadd.s32 s30, v0  }
0x2fe: {  	s23 =	simm.s32 $0x0;
	v6 =	vadd.s32 s22, v0;
	v1 =	vld.idx.msk [tilespmem:v1+s3+$0x0], $0xffff  }
0x2ff: {  	s24 =	simm.s32 $0x1400;
	v7 =	vadd.s32 s23, v0;
	v2 =	vld.idx.msk [tilespmem:v2+s3+$0x0], $0xffff  }
0x300: {  	s25 =	simm.s32 $0x1800;
	v8 =	vadd.s32 s24, v0;
	v3 =	vld.idx.msk [tilespmem:v3+s3+$0x0], $0xffff  }
0x301: {  	s26 =	simm.s32 $0x1C00;
	v9 =	vadd.s32 s25, v0;
	v5 =	vld.idx.msk [tilespmem:v5+s3+$0x0], $0xffff  }
0x302: {  	s28 =	simm.s32 $0x2000;
	v11 =	vadd.s32 s26, v0;
	v4 =	vld.idx.msk [tilespmem:v4+s3+$0x0], $0xffff  }
0x303: {  	s22 =	simm.s32 $0x2400;
	v12 =	vadd.s32 s28, v0;
	v6 =	vld.idx.msk [tilespmem:v6+s3+$0x0], $0xffff  }
0x304: {  	s20 =	simm.s32 $0x18BF0;
	s29 =	simm.s32 $0x2800;
	v13 =	vadd.s32 s22, v0;
	v14 =	vld.idx.msk [tilespmem:v7+s3+$0x0], $0xffff  }
0x305: {  	s30 =	simm.s32 $0x2C00;
	v15 =	vadd.s32 s29, v0;
	v10 =	vld.idx.msk [tilespmem:v8+s3+$0x0], $0xffff;
	[tilespmem:s20+$0xFFFFFF80] =	vst v2  }
0x306: {  	s31 =	simm.s32 $0x3000;
	v9 =	vld.idx.msk [tilespmem:v9+s3+$0x0], $0xffff;
	[tilespmem:s20+$0xFFFFFA00] =	vst v5;
	v5 =	vadd.s32 s30, v0  }
0x307: {  	s23 =	simm.s32 $0x3400;
	v8 =	vld.idx.msk [tilespmem:v11+s3+$0x0], $0xffff;
	[tilespmem:s20+$0xFFFFF900] =	vst v3;
	v3 =	vadd.s32 s31, v0  }
0x308: {  	v7 =	vld.idx.msk [tilespmem:v12+s3+$0x0], $0xffff;
	[tilespmem:s20+$0xFFFFF980] =	vst v4;
	v2 =	vadd.s32 s23, v0  }
0x309: {  	[tilespmem:s20+$0xFFFFFA80] =	vst v6;
	v6 =	vld.idx.msk [tilespmem:v13+s3+$0x0], $0xffff  }
0x30a: {  	s21 =	simm.s32 $0x0;
	s22 =	simm.s32 $0x7C00;
	[tilespmem:s20+$0xFFFFF880] =	vst v14;
	v4 =	vld.idx.msk [tilespmem:v15+s3+$0x0], $0xffff  }
.LBB2_32:
0x30b: {  	s23 =	sadd.s32 $0xFFFFC800, s22;
	s24 =	sadd.s32 $0xFFFFFC00, s22;
	v11 =	vadd.s32 s22, v0;
	s21 =	sadd.s32 $0x10, s21;
	[tilespmem:s20+$0xFFFFFB00] =	vst v10;
	v10 =	vld.idx.msk [tilespmem:v5+s3+$0x0], $0xffff  }
0x30c: {  	s25 =	sadd.s32 $0xFFFFD000, s22;
	v12 =	vadd.s32 s23, v0;
	s23 =	sadd.s32 $0xFFFFCC00, s22;
	v13 =	vadd.s32 s24, v0;
	p0 =	slt.u32 s21, $0x30;
	[tilespmem:s20+$0xFFFFFB80] =	vst v9;
	v9 =	vld.idx.msk [tilespmem:v3+s3+$0x0], $0xffff  }
0x30d: {  	v15 =	vadd.s32 s25, v0;
	s24 =	sadd.s32 $0xFFFFD800, s22;
	s25 =	sadd.s32 $0xFFFFDC00, s22;
	v14 =	vadd.s32 s23, v0;
	s23 =	sadd.s32 $0xFFFFD400, s22;
	[tilespmem:s20+$0xFFFFFC00] =	vst v8;
	v8 =	vld.idx.msk [tilespmem:v2+s3+$0x0], $0xffff  }
0x30e: {  	v17 =	vadd.s32 s24, v0;
	v18 =	vadd.s32 s25, v0;
	s24 =	sadd.s32 $0xFFFFE400, s22;
	s25 =	sadd.s32 $0xFFFFE800, s22;
	v16 =	vadd.s32 s23, v0;
	s23 =	sadd.s32 $0xFFFFE000, s22;
	[tilespmem:s20+$0xFFFFFC80] =	vst v7  }
0x30f: {  	v19 =	vadd.s32 s24, v0;
	v20 =	vadd.s32 s25, v0;
	s24 =	sadd.s32 $0xFFFFF000, s22;
	s25 =	sadd.s32 $0xFFFFF400, s22;
	v7 =	vadd.s32 s23, v0;
	s23 =	sadd.s32 $0xFFFFEC00, s22;
	[tilespmem:s20+$0xFFFFFD00] =	vst v6  }
0x310: {  	s26 =	sadd.s32 $0xFFFFC400, s22;
	v5 =	vadd.s32 s24, v0;
	v3 =	vadd.s32 s25, v0;
	v21 =	vadd.s32 s23, v0;
	s23 =	sadd.s32 $0xFFFFF800, s22;
	v6 =	vld.idx.msk [tilespmem:v11+s3+$0x0], $0xffff  }
0x311: {  	v11 =	vadd.s32 s26, v0;
	v2 =	vadd.s32 s23, v0;
	v13 =	vld.idx.msk [tilespmem:v13+s3+$0x0], $0xffff;
	[tilespmem:s20+$0xFFFFFD80] =	vst v4  }
0x312: {  	v4 =	vld.idx.msk [tilespmem:v12+s3+$0x0], $0xffff;
	[tilespmem:s20+$0xFFFFFE00] =	vst v10  }
0x313: {  	v12 =	vld.idx.msk [tilespmem:v14+s3+$0x0], $0xffff;
	[tilespmem:s20+$0xFFFFFE80] =	vst v9  }
0x314: {  	v14 =	vld.idx.msk [tilespmem:v15+s3+$0x0], $0xffff;
	[tilespmem:s20+$0xFFFFFF00] =	vst v8  }
0x315: {  	v15 =	vld.idx.msk [tilespmem:v16+s3+$0x0], $0xffff;
	[tilespmem:s20+$0x0] =	vst v1  }
0x316: {  	s20 =	sadd.s32 $0x800, s20;
	v1 =	vmov v6;
	v11 =	vld.idx.msk [tilespmem:v11+s3+$0x0], $0xffff  }
0x317: {  	v10 =	vld.idx.msk [tilespmem:v17+s3+$0x0], $0xffff;
	[tilespmem:s20+$0xFFFFFF80] =	vst v13  }
.Ltmp15:
0x318: {  	[tilespmem:s20+$0xFFFFF900] =	vst v4;
	v9 =	vld.idx.msk [tilespmem:v18+s3+$0x0], $0xffff;
	(pc) =	sbr.rel @p0 .LBB2_32-.Ltmp15, $4  }
0x319: {  	[tilespmem:s20+$0xFFFFF980] =	vst v12;
	v8 =	vld.idx.msk [tilespmem:v7+s3+$0x0], $0xffff  }
0x31a: {  	[tilespmem:s20+$0xFFFFFA00] =	vst v14;
	v7 =	vld.idx.msk [tilespmem:v19+s3+$0x0], $0xffff  }
0x31b: {  	[tilespmem:s20+$0xFFFFFA80] =	vst v15;
	v6 =	vld.idx.msk [tilespmem:v20+s3+$0x0], $0xffff  }
0x31c: {  	s22 =	sadd.s32 $0x4000, s22;
	[tilespmem:s20+$0xFFFFF880] =	vst v11;
	v4 =	vld.idx.msk [tilespmem:v21+s3+$0x0], $0xffff  }
0x31d: {  	_ =	sdelay $0x1  }
0x31e: {  	[tilespmem:s20+$0xFFFFFB00] =	vst v10  }
0x31f: {  	[tilespmem:s20+$0xFFFFFB80] =	vst v9  }
0x320: {  	v0 =	vld.idx.msk [tilespmem:v5+s3+$0x0], $0xffff;
	[tilespmem:s20+$0x0] =	vst v1  }
0x321: {  	v3 =	vld.idx.msk [tilespmem:v3+s3+$0x0], $0xffff;
	[tilespmem:s20+$0xFFFFFC00] =	vst v8  }
0x322: {  	v2 =	vld.idx.msk [tilespmem:v2+s3+$0x0], $0xffff;
	[tilespmem:s20+$0xFFFFFC80] =	vst v7  }
0x323: {  	[tilespmem:s20+$0xFFFFFD00] =	vst v6  }
0x324: {  	[tilespmem:s20+$0xFFFFFD80] =	vst v4  }
0x325: {  	[tilespmem:s20+$0xFFFFFE00] =	vst v0  }
0x326: {  	[tilespmem:s20+$0xFFFFFE80] =	vst v3  }
0x327: {  	[tilespmem:s20+$0xFFFFFF00] =	vst v2;
	s20 =	simm.s32 $0x0  }
0x328: {  	[hbm4b:s8+s10] =	stream.strided.scatter [tilespmem:s16], [sflag:$0x2], $0x2000, s11, s10, $0x38;
	[tilespmem:$0x1A400] =	vst v63  }
.LBB2_34:
0x329: {  	s21 =	sshll.u32 s20, $0x1  }
0x32a: {  	_ =	swait.ge [sflag:s17], $0x2000;
	s22 =	sadd.s32 $0x2, s21  }
0x32b: {  	[sflag:s17] =	ssyncset.done $0x0;
	s23 =	sshll.u32 s22, $0x7  }
0x32c: {  	[sflag:s17] =	ssyncadd.s32 $0xFFFFE000;
	s23 =	sand.u32 $0x3FFFFF00, s23  }
0x32d: {  	v0 =	vld [tilespmem:s23+$0x10000];
	_ =	sdelay $0x3  }
0x32e: {  	s24 =	simm.s32 $0x3C00  }
0x32f: {  	s25 =	simm.s32 $0x3800;
	v1 =	vadd.s32 s24, v0  }
0x330: {  	s31 =	simm.s32 $0x400;
	v2 =	vadd.s32 s25, v0  }
0x331: {  	s26 =	simm.s32 $0xC00;
	v3 =	vadd.s32 s31, v0  }
0x332: {  	s28 =	simm.s32 $0x1000;
	v5 =	vadd.s32 s26, v0  }
0x333: {  	s29 =	simm.s32 $0x0;
	v6 =	vadd.s32 s28, v0  }
0x334: {  	s30 =	simm.s32 $0x1400;
	v7 =	vadd.s32 s29, v0;
	v1 =	vld.idx.msk [tilespmem:v1+s3+$0x0], $0xffff  }
0x335: {  	s25 =	simm.s32 $0x800;
	v8 =	vadd.s32 s30, v0;
	v2 =	vld.idx.msk [tilespmem:v2+s3+$0x0], $0xffff  }
0x336: {  	s31 =	simm.s32 $0x1800;
	v4 =	vadd.s32 s25, v0;
	v3 =	vld.idx.msk [tilespmem:v3+s3+$0x0], $0xffff  }
0x337: {  	s26 =	simm.s32 $0x1C00;
	v9 =	vadd.s32 s31, v0;
	v5 =	vld.idx.msk [tilespmem:v5+s3+$0x0], $0xffff  }
0x338: {  	s28 =	simm.s32 $0x2000;
	v11 =	vadd.s32 s26, v0;
	v6 =	vld.idx.msk [tilespmem:v6+s3+$0x0], $0xffff  }
0x339: {  	s26 =	simm.s32 $0x2400;
	v12 =	vadd.s32 s28, v0;
	v14 =	vld.idx.msk [tilespmem:v7+s3+$0x0], $0xffff  }
0x33a: {  	s24 =	simm.s32 $0x16800;
	s29 =	simm.s32 $0x2800;
	v13 =	vadd.s32 s26, v0;
	v10 =	vld.idx.msk [tilespmem:v8+s3+$0x0], $0xffff  }
0x33b: {  	s30 =	simm.s32 $0x2C00;
	v15 =	vadd.s32 s29, v0;
	v4 =	vld.idx.msk [tilespmem:v4+s3+$0x0], $0xffff;
	[tilespmem:s24+$0x300] =	vst v2  }
0x33c: {  	s31 =	simm.s32 $0x3000;
	v9 =	vld.idx.msk [tilespmem:v9+s3+$0x0], $0xffff;
	[tilespmem:s24+$0xFFFFFD80] =	vst v5;
	v5 =	vadd.s32 s30, v0  }
0x33d: {  	s28 =	simm.s32 $0x3400;
	v8 =	vld.idx.msk [tilespmem:v11+s3+$0x0], $0xffff;
	[tilespmem:s24+$0xFFFFFC80] =	vst v3;
	v3 =	vadd.s32 s31, v0  }
0x33e: {  	v7 =	vld.idx.msk [tilespmem:v12+s3+$0x0], $0xffff;
	[tilespmem:s24+$0xFFFFFE00] =	vst v6;
	v2 =	vadd.s32 s28, v0  }
0x33f: {  	v6 =	vld.idx.msk [tilespmem:v13+s3+$0x0], $0xffff;
	[tilespmem:s24+$0xFFFFFC00] =	vst v14  }
0x340: {  	s25 =	simm.s32 $0x0;
	s26 =	simm.s32 $0x7C00;
	[tilespmem:s24+$0xFFFFFD00] =	vst v4;
	v4 =	vld.idx.msk [tilespmem:v15+s3+$0x0], $0xffff  }
.LBB2_35:
0x341: {  	s28 =	sadd.s32 $0xFFFFC800, s26;
	s29 =	sadd.s32 $0xFFFFFC00, s26;
	v11 =	vadd.s32 s26, v0;
	s25 =	sadd.s32 $0x10, s25;
	[tilespmem:s24+$0xFFFFFE80] =	vst v10;
	v10 =	vld.idx.msk [tilespmem:v5+s3+$0x0], $0xffff  }
0x342: {  	s30 =	sadd.s32 $0xFFFFD000, s26;
	v12 =	vadd.s32 s28, v0;
	s28 =	sadd.s32 $0xFFFFCC00, s26;
	v13 =	vadd.s32 s29, v0;
	p0 =	slt.u32 s25, $0x30;
	[tilespmem:s24+$0xFFFFFF00] =	vst v9;
	v9 =	vld.idx.msk [tilespmem:v3+s3+$0x0], $0xffff  }
0x343: {  	v15 =	vadd.s32 s30, v0;
	s29 =	sadd.s32 $0xFFFFD800, s26;
	s30 =	sadd.s32 $0xFFFFDC00, s26;
	v14 =	vadd.s32 s28, v0;
	s28 =	sadd.s32 $0xFFFFD400, s26;
	[tilespmem:s24+$0xFFFFFF80] =	vst v8;
	v8 =	vld.idx.msk [tilespmem:v2+s3+$0x0], $0xffff  }
0x344: {  	v17 =	vadd.s32 s29, v0;
	v18 =	vadd.s32 s30, v0;
	s29 =	sadd.s32 $0xFFFFE400, s26;
	s30 =	sadd.s32 $0xFFFFE800, s26;
	v16 =	vadd.s32 s28, v0;
	s28 =	sadd.s32 $0xFFFFE000, s26;
	[tilespmem:s24+$0x0] =	vst v7  }
0x345: {  	v19 =	vadd.s32 s29, v0;
	v20 =	vadd.s32 s30, v0;
	s29 =	sadd.s32 $0xFFFFF000, s26;
	s30 =	sadd.s32 $0xFFFFF400, s26;
	v7 =	vadd.s32 s28, v0;
	s28 =	sadd.s32 $0xFFFFEC00, s26;
	[tilespmem:s24+$0x80] =	vst v6  }
0x346: {  	s31 =	sadd.s32 $0xFFFFC400, s26;
	v5 =	vadd.s32 s29, v0;
	v3 =	vadd.s32 s30, v0;
	v21 =	vadd.s32 s28, v0;
	s28 =	sadd.s32 $0xFFFFF800, s26;
	v6 =	vld.idx.msk [tilespmem:v11+s3+$0x0], $0xffff  }
0x347: {  	v11 =	vadd.s32 s31, v0;
	v2 =	vadd.s32 s28, v0;
	v13 =	vld.idx.msk [tilespmem:v13+s3+$0x0], $0xffff;
	[tilespmem:s24+$0x100] =	vst v4  }
0x348: {  	v4 =	vld.idx.msk [tilespmem:v12+s3+$0x0], $0xffff;
	[tilespmem:s24+$0x180] =	vst v10  }
0x349: {  	v12 =	vld.idx.msk [tilespmem:v14+s3+$0x0], $0xffff;
	[tilespmem:s24+$0x200] =	vst v9  }
0x34a: {  	v14 =	vld.idx.msk [tilespmem:v15+s3+$0x0], $0xffff;
	[tilespmem:s24+$0x280] =	vst v8  }
0x34b: {  	v15 =	vld.idx.msk [tilespmem:v16+s3+$0x0], $0xffff;
	[tilespmem:s24+$0x380] =	vst v1  }
0x34c: {  	s24 =	sadd.s32 $0x800, s24;
	v1 =	vmov v6;
	v11 =	vld.idx.msk [tilespmem:v11+s3+$0x0], $0xffff  }
0x34d: {  	v10 =	vld.idx.msk [tilespmem:v17+s3+$0x0], $0xffff;
	[tilespmem:s24+$0x300] =	vst v13  }
.Ltmp16:
0x34e: {  	[tilespmem:s24+$0xFFFFFC80] =	vst v4;
	v9 =	vld.idx.msk [tilespmem:v18+s3+$0x0], $0xffff;
	(pc) =	sbr.rel @p0 .LBB2_35-.Ltmp16, $4  }
0x34f: {  	[tilespmem:s24+$0xFFFFFD00] =	vst v12;
	v8 =	vld.idx.msk [tilespmem:v7+s3+$0x0], $0xffff  }
0x350: {  	[tilespmem:s24+$0xFFFFFD80] =	vst v14;
	v7 =	vld.idx.msk [tilespmem:v19+s3+$0x0], $0xffff  }
0x351: {  	[tilespmem:s24+$0xFFFFFE00] =	vst v15;
	v6 =	vld.idx.msk [tilespmem:v20+s3+$0x0], $0xffff  }
0x352: {  	s26 =	sadd.s32 $0x4000, s26;
	[tilespmem:s24+$0xFFFFFC00] =	vst v11;
	v4 =	vld.idx.msk [tilespmem:v21+s3+$0x0], $0xffff  }
0x353: {  	_ =	sdelay $0x1  }
0x354: {  	[tilespmem:s24+$0xFFFFFE80] =	vst v10  }
0x355: {  	[tilespmem:s24+$0xFFFFFF00] =	vst v9  }
0x356: {  	v0 =	vld.idx.msk [tilespmem:v5+s3+$0x0], $0xffff;
	[tilespmem:s24+$0x380] =	vst v1  }
0x357: {  	v3 =	vld.idx.msk [tilespmem:v3+s3+$0x0], $0xffff;
	[tilespmem:s24+$0xFFFFFF80] =	vst v8  }
0x358: {  	v2 =	vld.idx.msk [tilespmem:v2+s3+$0x0], $0xffff;
	[tilespmem:s24+$0x0] =	vst v7  }
0x359: {  	[tilespmem:s24+$0x80] =	vst v6  }
0x35a: {  	[tilespmem:s24+$0x100] =	vst v4  }
0x35b: {  	[tilespmem:s24+$0x180] =	vst v0  }
0x35c: {  	[tilespmem:s24+$0x200] =	vst v3  }
0x35d: {  	[tilespmem:s24+$0x280] =	vst v2  }
0x35e: {  	v0 =	vld [tilespmem:s23+$0x10010];
	_ =	sdelay $0x3  }
0x35f: {  	s30 =	simm.s32 $0x3C00  }
0x360: {  	s25 =	simm.s32 $0x3800;
	v1 =	vadd.s32 s30, v0  }
0x361: {  	s31 =	simm.s32 $0x400;
	v2 =	vadd.s32 s25, v0  }
0x362: {  	s26 =	simm.s32 $0xC00;
	v3 =	vadd.s32 s31, v0  }
0x363: {  	s28 =	simm.s32 $0x1000;
	v5 =	vadd.s32 s26, v0  }
0x364: {  	s29 =	simm.s32 $0x0;
	v6 =	vadd.s32 s28, v0  }
0x365: {  	s25 =	simm.s32 $0x800;
	v7 =	vadd.s32 s29, v0;
	v1 =	vld.idx.msk [tilespmem:v1+s3+$0x0], $0xffff  }
0x366: {  	s30 =	simm.s32 $0x1400;
	v4 =	vadd.s32 s25, v0;
	v2 =	vld.idx.msk [tilespmem:v2+s3+$0x0], $0xffff  }
0x367: {  	s31 =	simm.s32 $0x1800;
	v8 =	vadd.s32 s30, v0;
	v3 =	vld.idx.msk [tilespmem:v3+s3+$0x0], $0xffff  }
0x368: {  	s26 =	simm.s32 $0x1C00;
	v9 =	vadd.s32 s31, v0;
	v5 =	vld.idx.msk [tilespmem:v5+s3+$0x0], $0xffff  }
0x369: {  	s28 =	simm.s32 $0x2000;
	v11 =	vadd.s32 s26, v0;
	v6 =	vld.idx.msk [tilespmem:v6+s3+$0x0], $0xffff  }
0x36a: {  	s26 =	simm.s32 $0x2400;
	v12 =	vadd.s32 s28, v0;
	v14 =	vld.idx.msk [tilespmem:v7+s3+$0x0], $0xffff  }
0x36b: {  	s24 =	simm.s32 $0x16810;
	s29 =	simm.s32 $0x2800;
	v13 =	vadd.s32 s26, v0;
	v4 =	vld.idx.msk [tilespmem:v4+s3+$0x0], $0xffff  }
0x36c: {  	v15 =	vadd.s32 s29, v0;
	s30 =	simm.s32 $0x2C00;
	v10 =	vld.idx.msk [tilespmem:v8+s3+$0x0], $0xffff;
	[tilespmem:s24+$0x300] =	vst v2  }
0x36d: {  	s31 =	simm.s32 $0x3000;
	v9 =	vld.idx.msk [tilespmem:v9+s3+$0x0], $0xffff;
	[tilespmem:s24+$0xFFFFFD80] =	vst v5;
	v5 =	vadd.s32 s30, v0  }
0x36e: {  	s28 =	simm.s32 $0x3400;
	v8 =	vld.idx.msk [tilespmem:v11+s3+$0x0], $0xffff;
	[tilespmem:s24+$0xFFFFFC80] =	vst v3;
	v3 =	vadd.s32 s31, v0  }
0x36f: {  	v7 =	vld.idx.msk [tilespmem:v12+s3+$0x0], $0xffff;
	[tilespmem:s24+$0xFFFFFE00] =	vst v6;
	v2 =	vadd.s32 s28, v0  }
0x370: {  	v6 =	vld.idx.msk [tilespmem:v13+s3+$0x0], $0xffff;
	[tilespmem:s24+$0xFFFFFC00] =	vst v14  }
0x371: {  	s25 =	simm.s32 $0x0;
	s26 =	simm.s32 $0x7C00;
	[tilespmem:s24+$0xFFFFFD00] =	vst v4;
	v4 =	vld.idx.msk [tilespmem:v15+s3+$0x0], $0xffff  }
.LBB2_37:
0x372: {  	s28 =	sadd.s32 $0xFFFFC800, s26;
	s29 =	sadd.s32 $0xFFFFFC00, s26;
	v11 =	vadd.s32 s26, v0;
	s25 =	sadd.s32 $0x10, s25;
	[tilespmem:s24+$0xFFFFFE80] =	vst v10;
	v10 =	vld.idx.msk [tilespmem:v5+s3+$0x0], $0xffff  }
0x373: {  	s30 =	sadd.s32 $0xFFFFD000, s26;
	v12 =	vadd.s32 s28, v0;
	s28 =	sadd.s32 $0xFFFFCC00, s26;
	v13 =	vadd.s32 s29, v0;
	p0 =	slt.u32 s25, $0x30;
	[tilespmem:s24+$0xFFFFFF00] =	vst v9;
	v9 =	vld.idx.msk [tilespmem:v3+s3+$0x0], $0xffff  }
0x374: {  	v15 =	vadd.s32 s30, v0;
	s29 =	sadd.s32 $0xFFFFD800, s26;
	s30 =	sadd.s32 $0xFFFFDC00, s26;
	v14 =	vadd.s32 s28, v0;
	s28 =	sadd.s32 $0xFFFFD400, s26;
	[tilespmem:s24+$0xFFFFFF80] =	vst v8;
	v8 =	vld.idx.msk [tilespmem:v2+s3+$0x0], $0xffff  }
0x375: {  	v17 =	vadd.s32 s29, v0;
	v18 =	vadd.s32 s30, v0;
	s29 =	sadd.s32 $0xFFFFE400, s26;
	s30 =	sadd.s32 $0xFFFFE800, s26;
	v16 =	vadd.s32 s28, v0;
	s28 =	sadd.s32 $0xFFFFE000, s26;
	[tilespmem:s24+$0x0] =	vst v7  }
0x376: {  	v19 =	vadd.s32 s29, v0;
	v20 =	vadd.s32 s30, v0;
	s29 =	sadd.s32 $0xFFFFF000, s26;
	s30 =	sadd.s32 $0xFFFFF400, s26;
	v7 =	vadd.s32 s28, v0;
	s28 =	sadd.s32 $0xFFFFEC00, s26;
	[tilespmem:s24+$0x80] =	vst v6  }
0x377: {  	s31 =	sadd.s32 $0xFFFFC400, s26;
	v5 =	vadd.s32 s29, v0;
	v3 =	vadd.s32 s30, v0;
	v21 =	vadd.s32 s28, v0;
	s28 =	sadd.s32 $0xFFFFF800, s26;
	v6 =	vld.idx.msk [tilespmem:v11+s3+$0x0], $0xffff  }
0x378: {  	v11 =	vadd.s32 s31, v0;
	v2 =	vadd.s32 s28, v0;
	v13 =	vld.idx.msk [tilespmem:v13+s3+$0x0], $0xffff;
	[tilespmem:s24+$0x100] =	vst v4  }
0x379: {  	v4 =	vld.idx.msk [tilespmem:v12+s3+$0x0], $0xffff;
	[tilespmem:s24+$0x180] =	vst v10  }
0x37a: {  	v12 =	vld.idx.msk [tilespmem:v14+s3+$0x0], $0xffff;
	[tilespmem:s24+$0x200] =	vst v9  }
0x37b: {  	v14 =	vld.idx.msk [tilespmem:v15+s3+$0x0], $0xffff;
	[tilespmem:s24+$0x280] =	vst v8  }
0x37c: {  	v15 =	vld.idx.msk [tilespmem:v16+s3+$0x0], $0xffff;
	[tilespmem:s24+$0x380] =	vst v1  }
0x37d: {  	s24 =	sadd.s32 $0x800, s24;
	v1 =	vmov v6;
	v11 =	vld.idx.msk [tilespmem:v11+s3+$0x0], $0xffff  }
0x37e: {  	v10 =	vld.idx.msk [tilespmem:v17+s3+$0x0], $0xffff;
	[tilespmem:s24+$0x300] =	vst v13  }
.Ltmp17:
0x37f: {  	[tilespmem:s24+$0xFFFFFC80] =	vst v4;
	v9 =	vld.idx.msk [tilespmem:v18+s3+$0x0], $0xffff;
	(pc) =	sbr.rel @p0 .LBB2_37-.Ltmp17, $4  }
0x380: {  	[tilespmem:s24+$0xFFFFFD00] =	vst v12;
	v8 =	vld.idx.msk [tilespmem:v7+s3+$0x0], $0xffff  }
0x381: {  	[tilespmem:s24+$0xFFFFFD80] =	vst v14;
	v7 =	vld.idx.msk [tilespmem:v19+s3+$0x0], $0xffff  }
0x382: {  	[tilespmem:s24+$0xFFFFFE00] =	vst v15;
	v6 =	vld.idx.msk [tilespmem:v20+s3+$0x0], $0xffff  }
0x383: {  	s26 =	sadd.s32 $0x4000, s26;
	[tilespmem:s24+$0xFFFFFC00] =	vst v11;
	v4 =	vld.idx.msk [tilespmem:v21+s3+$0x0], $0xffff  }
0x384: {  	_ =	sdelay $0x1  }
0x385: {  	[tilespmem:s24+$0xFFFFFE80] =	vst v10  }
0x386: {  	[tilespmem:s24+$0xFFFFFF00] =	vst v9  }
0x387: {  	v0 =	vld.idx.msk [tilespmem:v5+s3+$0x0], $0xffff;
	[tilespmem:s24+$0x380] =	vst v1  }
0x388: {  	v3 =	vld.idx.msk [tilespmem:v3+s3+$0x0], $0xffff;
	[tilespmem:s24+$0xFFFFFF80] =	vst v8  }
0x389: {  	v2 =	vld.idx.msk [tilespmem:v2+s3+$0x0], $0xffff;
	[tilespmem:s24+$0x0] =	vst v7  }
0x38a: {  	[tilespmem:s24+$0x80] =	vst v6  }
0x38b: {  	[tilespmem:s24+$0x100] =	vst v4  }
0x38c: {  	[tilespmem:s24+$0x180] =	vst v0  }
0x38d: {  	[tilespmem:s24+$0x200] =	vst v3  }
0x38e: {  	[tilespmem:s24+$0x280] =	vst v2  }
0x38f: {  	v0 =	vld [tilespmem:s23+$0x10020];
	_ =	sdelay $0x3  }
0x390: {  	s30 =	simm.s32 $0x3C00  }
0x391: {  	s25 =	simm.s32 $0x3800;
	v1 =	vadd.s32 s30, v0  }
0x392: {  	s31 =	simm.s32 $0x400;
	v2 =	vadd.s32 s25, v0  }
0x393: {  	s26 =	simm.s32 $0xC00;
	v3 =	vadd.s32 s31, v0  }
0x394: {  	s28 =	simm.s32 $0x1000;
	v5 =	vadd.s32 s26, v0  }
0x395: {  	s29 =	simm.s32 $0x0;
	v6 =	vadd.s32 s28, v0  }
0x396: {  	s25 =	simm.s32 $0x800;
	v7 =	vadd.s32 s29, v0;
	v1 =	vld.idx.msk [tilespmem:v1+s3+$0x0], $0xffff  }
0x397: {  	s30 =	simm.s32 $0x1400;
	v4 =	vadd.s32 s25, v0;
	v2 =	vld.idx.msk [tilespmem:v2+s3+$0x0], $0xffff  }
0x398: {  	s31 =	simm.s32 $0x1800;
	v8 =	vadd.s32 s30, v0;
	v3 =	vld.idx.msk [tilespmem:v3+s3+$0x0], $0xffff  }
0x399: {  	s26 =	simm.s32 $0x1C00;
	v9 =	vadd.s32 s31, v0;
	v5 =	vld.idx.msk [tilespmem:v5+s3+$0x0], $0xffff  }
0x39a: {  	s28 =	simm.s32 $0x2000;
	v11 =	vadd.s32 s26, v0;
	v6 =	vld.idx.msk [tilespmem:v6+s3+$0x0], $0xffff  }
0x39b: {  	s26 =	simm.s32 $0x2400;
	v12 =	vadd.s32 s28, v0;
	v14 =	vld.idx.msk [tilespmem:v7+s3+$0x0], $0xffff  }
0x39c: {  	s24 =	simm.s32 $0x16820;
	s29 =	simm.s32 $0x2800;
	v13 =	vadd.s32 s26, v0;
	v4 =	vld.idx.msk [tilespmem:v4+s3+$0x0], $0xffff  }
0x39d: {  	v15 =	vadd.s32 s29, v0;
	s30 =	simm.s32 $0x2C00;
	v10 =	vld.idx.msk [tilespmem:v8+s3+$0x0], $0xffff;
	[tilespmem:s24+$0x300] =	vst v2  }
0x39e: {  	s31 =	simm.s32 $0x3000;
	v9 =	vld.idx.msk [tilespmem:v9+s3+$0x0], $0xffff;
	[tilespmem:s24+$0xFFFFFD80] =	vst v5;
	v5 =	vadd.s32 s30, v0  }
0x39f: {  	s28 =	simm.s32 $0x3400;
	v8 =	vld.idx.msk [tilespmem:v11+s3+$0x0], $0xffff;
	[tilespmem:s24+$0xFFFFFC80] =	vst v3;
	v3 =	vadd.s32 s31, v0  }
0x3a0: {  	v7 =	vld.idx.msk [tilespmem:v12+s3+$0x0], $0xffff;
	[tilespmem:s24+$0xFFFFFE00] =	vst v6;
	v2 =	vadd.s32 s28, v0  }
0x3a1: {  	v6 =	vld.idx.msk [tilespmem:v13+s3+$0x0], $0xffff;
	[tilespmem:s24+$0xFFFFFC00] =	vst v14  }
0x3a2: {  	s25 =	simm.s32 $0x0;
	s26 =	simm.s32 $0x7C00;
	[tilespmem:s24+$0xFFFFFD00] =	vst v4;
	v4 =	vld.idx.msk [tilespmem:v15+s3+$0x0], $0xffff  }
.LBB2_39:
0x3a3: {  	s28 =	sadd.s32 $0xFFFFC800, s26;
	s29 =	sadd.s32 $0xFFFFFC00, s26;
	v11 =	vadd.s32 s26, v0;
	s25 =	sadd.s32 $0x10, s25;
	[tilespmem:s24+$0xFFFFFE80] =	vst v10;
	v10 =	vld.idx.msk [tilespmem:v5+s3+$0x0], $0xffff  }
0x3a4: {  	s30 =	sadd.s32 $0xFFFFD000, s26;
	v12 =	vadd.s32 s28, v0;
	s28 =	sadd.s32 $0xFFFFCC00, s26;
	v13 =	vadd.s32 s29, v0;
	p0 =	slt.u32 s25, $0x30;
	[tilespmem:s24+$0xFFFFFF00] =	vst v9;
	v9 =	vld.idx.msk [tilespmem:v3+s3+$0x0], $0xffff  }
0x3a5: {  	v15 =	vadd.s32 s30, v0;
	s29 =	sadd.s32 $0xFFFFD800, s26;
	s30 =	sadd.s32 $0xFFFFDC00, s26;
	v14 =	vadd.s32 s28, v0;
	s28 =	sadd.s32 $0xFFFFD400, s26;
	[tilespmem:s24+$0xFFFFFF80] =	vst v8;
	v8 =	vld.idx.msk [tilespmem:v2+s3+$0x0], $0xffff  }
0x3a6: {  	v17 =	vadd.s32 s29, v0;
	v18 =	vadd.s32 s30, v0;
	s29 =	sadd.s32 $0xFFFFE400, s26;
	s30 =	sadd.s32 $0xFFFFE800, s26;
	v16 =	vadd.s32 s28, v0;
	s28 =	sadd.s32 $0xFFFFE000, s26;
	[tilespmem:s24+$0x0] =	vst v7  }
0x3a7: {  	v19 =	vadd.s32 s29, v0;
	v20 =	vadd.s32 s30, v0;
	s29 =	sadd.s32 $0xFFFFF000, s26;
	s30 =	sadd.s32 $0xFFFFF400, s26;
	v7 =	vadd.s32 s28, v0;
	s28 =	sadd.s32 $0xFFFFEC00, s26;
	[tilespmem:s24+$0x80] =	vst v6  }
0x3a8: {  	s31 =	sadd.s32 $0xFFFFC400, s26;
	v5 =	vadd.s32 s29, v0;
	v3 =	vadd.s32 s30, v0;
	v21 =	vadd.s32 s28, v0;
	s28 =	sadd.s32 $0xFFFFF800, s26;
	v6 =	vld.idx.msk [tilespmem:v11+s3+$0x0], $0xffff  }
0x3a9: {  	v11 =	vadd.s32 s31, v0;
	v2 =	vadd.s32 s28, v0;
	v13 =	vld.idx.msk [tilespmem:v13+s3+$0x0], $0xffff;
	[tilespmem:s24+$0x100] =	vst v4  }
0x3aa: {  	v4 =	vld.idx.msk [tilespmem:v12+s3+$0x0], $0xffff;
	[tilespmem:s24+$0x180] =	vst v10  }
0x3ab: {  	v12 =	vld.idx.msk [tilespmem:v14+s3+$0x0], $0xffff;
	[tilespmem:s24+$0x200] =	vst v9  }
0x3ac: {  	v14 =	vld.idx.msk [tilespmem:v15+s3+$0x0], $0xffff;
	[tilespmem:s24+$0x280] =	vst v8  }
0x3ad: {  	v15 =	vld.idx.msk [tilespmem:v16+s3+$0x0], $0xffff;
	[tilespmem:s24+$0x380] =	vst v1  }
0x3ae: {  	s24 =	sadd.s32 $0x800, s24;
	v1 =	vmov v6;
	v11 =	vld.idx.msk [tilespmem:v11+s3+$0x0], $0xffff  }
0x3af: {  	v10 =	vld.idx.msk [tilespmem:v17+s3+$0x0], $0xffff;
	[tilespmem:s24+$0x300] =	vst v13  }
.Ltmp18:
0x3b0: {  	[tilespmem:s24+$0xFFFFFC80] =	vst v4;
	v9 =	vld.idx.msk [tilespmem:v18+s3+$0x0], $0xffff;
	(pc) =	sbr.rel @p0 .LBB2_39-.Ltmp18, $4  }
0x3b1: {  	[tilespmem:s24+$0xFFFFFD00] =	vst v12;
	v8 =	vld.idx.msk [tilespmem:v7+s3+$0x0], $0xffff  }
0x3b2: {  	[tilespmem:s24+$0xFFFFFD80] =	vst v14;
	v7 =	vld.idx.msk [tilespmem:v19+s3+$0x0], $0xffff  }
0x3b3: {  	[tilespmem:s24+$0xFFFFFE00] =	vst v15;
	v6 =	vld.idx.msk [tilespmem:v20+s3+$0x0], $0xffff  }
0x3b4: {  	s26 =	sadd.s32 $0x4000, s26;
	[tilespmem:s24+$0xFFFFFC00] =	vst v11;
	v4 =	vld.idx.msk [tilespmem:v21+s3+$0x0], $0xffff  }
0x3b5: {  	_ =	sdelay $0x1  }
0x3b6: {  	[tilespmem:s24+$0xFFFFFE80] =	vst v10  }
0x3b7: {  	[tilespmem:s24+$0xFFFFFF00] =	vst v9  }
0x3b8: {  	v0 =	vld.idx.msk [tilespmem:v5+s3+$0x0], $0xffff;
	[tilespmem:s24+$0x380] =	vst v1  }
0x3b9: {  	v3 =	vld.idx.msk [tilespmem:v3+s3+$0x0], $0xffff;
	[tilespmem:s24+$0xFFFFFF80] =	vst v8  }
0x3ba: {  	v2 =	vld.idx.msk [tilespmem:v2+s3+$0x0], $0xffff;
	[tilespmem:s24+$0x0] =	vst v7  }
0x3bb: {  	[tilespmem:s24+$0x80] =	vst v6  }
0x3bc: {  	[tilespmem:s24+$0x100] =	vst v4  }
0x3bd: {  	[tilespmem:s24+$0x180] =	vst v0  }
0x3be: {  	[tilespmem:s24+$0x200] =	vst v3  }
0x3bf: {  	[tilespmem:s24+$0x280] =	vst v2  }
0x3c0: {  	v0 =	vld [tilespmem:s23+$0x10030];
	_ =	sdelay $0x3  }
0x3c1: {  	s30 =	simm.s32 $0x3C00  }
0x3c2: {  	s25 =	simm.s32 $0x3800;
	v1 =	vadd.s32 s30, v0  }
0x3c3: {  	s31 =	simm.s32 $0x400;
	v2 =	vadd.s32 s25, v0  }
0x3c4: {  	s26 =	simm.s32 $0xC00;
	v3 =	vadd.s32 s31, v0  }
0x3c5: {  	s28 =	simm.s32 $0x1000;
	v5 =	vadd.s32 s26, v0  }
0x3c6: {  	s29 =	simm.s32 $0x0;
	v6 =	vadd.s32 s28, v0  }
0x3c7: {  	s25 =	simm.s32 $0x800;
	v7 =	vadd.s32 s29, v0;
	v1 =	vld.idx.msk [tilespmem:v1+s3+$0x0], $0xffff  }
0x3c8: {  	s30 =	simm.s32 $0x1400;
	v4 =	vadd.s32 s25, v0;
	v2 =	vld.idx.msk [tilespmem:v2+s3+$0x0], $0xffff  }
0x3c9: {  	s31 =	simm.s32 $0x1800;
	v8 =	vadd.s32 s30, v0;
	v3 =	vld.idx.msk [tilespmem:v3+s3+$0x0], $0xffff  }
0x3ca: {  	s26 =	simm.s32 $0x1C00;
	v9 =	vadd.s32 s31, v0;
	v5 =	vld.idx.msk [tilespmem:v5+s3+$0x0], $0xffff  }
0x3cb: {  	s28 =	simm.s32 $0x2000;
	v11 =	vadd.s32 s26, v0;
	v6 =	vld.idx.msk [tilespmem:v6+s3+$0x0], $0xffff  }
0x3cc: {  	s26 =	simm.s32 $0x2400;
	v12 =	vadd.s32 s28, v0;
	v14 =	vld.idx.msk [tilespmem:v7+s3+$0x0], $0xffff  }
0x3cd: {  	s24 =	simm.s32 $0x16830;
	s29 =	simm.s32 $0x2800;
	v13 =	vadd.s32 s26, v0;
	v4 =	vld.idx.msk [tilespmem:v4+s3+$0x0], $0xffff  }
0x3ce: {  	v15 =	vadd.s32 s29, v0;
	s30 =	simm.s32 $0x2C00;
	v10 =	vld.idx.msk [tilespmem:v8+s3+$0x0], $0xffff;
	[tilespmem:s24+$0x300] =	vst v2  }
0x3cf: {  	s31 =	simm.s32 $0x3000;
	v9 =	vld.idx.msk [tilespmem:v9+s3+$0x0], $0xffff;
	[tilespmem:s24+$0xFFFFFD80] =	vst v5;
	v5 =	vadd.s32 s30, v0  }
0x3d0: {  	s28 =	simm.s32 $0x3400;
	v8 =	vld.idx.msk [tilespmem:v11+s3+$0x0], $0xffff;
	[tilespmem:s24+$0xFFFFFC80] =	vst v3;
	v3 =	vadd.s32 s31, v0  }
0x3d1: {  	v7 =	vld.idx.msk [tilespmem:v12+s3+$0x0], $0xffff;
	[tilespmem:s24+$0xFFFFFE00] =	vst v6;
	v2 =	vadd.s32 s28, v0  }
0x3d2: {  	v6 =	vld.idx.msk [tilespmem:v13+s3+$0x0], $0xffff;
	[tilespmem:s24+$0xFFFFFC00] =	vst v14  }
0x3d3: {  	s25 =	simm.s32 $0x0;
	s26 =	simm.s32 $0x7C00;
	[tilespmem:s24+$0xFFFFFD00] =	vst v4;
	v4 =	vld.idx.msk [tilespmem:v15+s3+$0x0], $0xffff  }
.LBB2_41:
0x3d4: {  	s28 =	sadd.s32 $0xFFFFC800, s26;
	s29 =	sadd.s32 $0xFFFFFC00, s26;
	v11 =	vadd.s32 s26, v0;
	s25 =	sadd.s32 $0x10, s25;
	[tilespmem:s24+$0xFFFFFE80] =	vst v10;
	v10 =	vld.idx.msk [tilespmem:v5+s3+$0x0], $0xffff  }
0x3d5: {  	s30 =	sadd.s32 $0xFFFFD000, s26;
	v12 =	vadd.s32 s28, v0;
	s28 =	sadd.s32 $0xFFFFCC00, s26;
	v13 =	vadd.s32 s29, v0;
	p0 =	slt.u32 s25, $0x30;
	[tilespmem:s24+$0xFFFFFF00] =	vst v9;
	v9 =	vld.idx.msk [tilespmem:v3+s3+$0x0], $0xffff  }
0x3d6: {  	v15 =	vadd.s32 s30, v0;
	s29 =	sadd.s32 $0xFFFFD800, s26;
	s30 =	sadd.s32 $0xFFFFDC00, s26;
	v14 =	vadd.s32 s28, v0;
	s28 =	sadd.s32 $0xFFFFD400, s26;
	[tilespmem:s24+$0xFFFFFF80] =	vst v8;
	v8 =	vld.idx.msk [tilespmem:v2+s3+$0x0], $0xffff  }
0x3d7: {  	v17 =	vadd.s32 s29, v0;
	v18 =	vadd.s32 s30, v0;
	s29 =	sadd.s32 $0xFFFFE400, s26;
	s30 =	sadd.s32 $0xFFFFE800, s26;
	v16 =	vadd.s32 s28, v0;
	s28 =	sadd.s32 $0xFFFFE000, s26;
	[tilespmem:s24+$0x0] =	vst v7  }
0x3d8: {  	v19 =	vadd.s32 s29, v0;
	v20 =	vadd.s32 s30, v0;
	s29 =	sadd.s32 $0xFFFFF000, s26;
	s30 =	sadd.s32 $0xFFFFF400, s26;
	v7 =	vadd.s32 s28, v0;
	s28 =	sadd.s32 $0xFFFFEC00, s26;
	[tilespmem:s24+$0x80] =	vst v6  }
0x3d9: {  	s31 =	sadd.s32 $0xFFFFC400, s26;
	v5 =	vadd.s32 s29, v0;
	v3 =	vadd.s32 s30, v0;
	v21 =	vadd.s32 s28, v0;
	s28 =	sadd.s32 $0xFFFFF800, s26;
	v6 =	vld.idx.msk [tilespmem:v11+s3+$0x0], $0xffff  }
0x3da: {  	v11 =	vadd.s32 s31, v0;
	v2 =	vadd.s32 s28, v0;
	v13 =	vld.idx.msk [tilespmem:v13+s3+$0x0], $0xffff;
	[tilespmem:s24+$0x100] =	vst v4  }
0x3db: {  	v4 =	vld.idx.msk [tilespmem:v12+s3+$0x0], $0xffff;
	[tilespmem:s24+$0x180] =	vst v10  }
0x3dc: {  	v12 =	vld.idx.msk [tilespmem:v14+s3+$0x0], $0xffff;
	[tilespmem:s24+$0x200] =	vst v9  }
0x3dd: {  	v14 =	vld.idx.msk [tilespmem:v15+s3+$0x0], $0xffff;
	[tilespmem:s24+$0x280] =	vst v8  }
0x3de: {  	v15 =	vld.idx.msk [tilespmem:v16+s3+$0x0], $0xffff;
	[tilespmem:s24+$0x380] =	vst v1  }
0x3df: {  	s24 =	sadd.s32 $0x800, s24;
	v1 =	vmov v6;
	v11 =	vld.idx.msk [tilespmem:v11+s3+$0x0], $0xffff  }
0x3e0: {  	v10 =	vld.idx.msk [tilespmem:v17+s3+$0x0], $0xffff;
	[tilespmem:s24+$0x300] =	vst v13  }
.Ltmp19:
0x3e1: {  	[tilespmem:s24+$0xFFFFFC80] =	vst v4;
	v9 =	vld.idx.msk [tilespmem:v18+s3+$0x0], $0xffff;
	(pc) =	sbr.rel @p0 .LBB2_41-.Ltmp19, $4  }
0x3e2: {  	[tilespmem:s24+$0xFFFFFD00] =	vst v12;
	v8 =	vld.idx.msk [tilespmem:v7+s3+$0x0], $0xffff  }
0x3e3: {  	[tilespmem:s24+$0xFFFFFD80] =	vst v14;
	v7 =	vld.idx.msk [tilespmem:v19+s3+$0x0], $0xffff  }
0x3e4: {  	[tilespmem:s24+$0xFFFFFE00] =	vst v15;
	v6 =	vld.idx.msk [tilespmem:v20+s3+$0x0], $0xffff  }
0x3e5: {  	s26 =	sadd.s32 $0x4000, s26;
	[tilespmem:s24+$0xFFFFFC00] =	vst v11;
	v4 =	vld.idx.msk [tilespmem:v21+s3+$0x0], $0xffff  }
0x3e6: {  	_ =	sdelay $0x1  }
0x3e7: {  	[tilespmem:s24+$0xFFFFFE80] =	vst v10  }
0x3e8: {  	[tilespmem:s24+$0xFFFFFF00] =	vst v9  }
0x3e9: {  	v0 =	vld.idx.msk [tilespmem:v5+s3+$0x0], $0xffff;
	[tilespmem:s24+$0x380] =	vst v1  }
0x3ea: {  	v3 =	vld.idx.msk [tilespmem:v3+s3+$0x0], $0xffff;
	[tilespmem:s24+$0xFFFFFF80] =	vst v8  }
0x3eb: {  	v2 =	vld.idx.msk [tilespmem:v2+s3+$0x0], $0xffff;
	[tilespmem:s24+$0x0] =	vst v7  }
0x3ec: {  	[tilespmem:s24+$0x80] =	vst v6  }
0x3ed: {  	[tilespmem:s24+$0x100] =	vst v4  }
0x3ee: {  	[tilespmem:s24+$0x180] =	vst v0  }
0x3ef: {  	[tilespmem:s24+$0x200] =	vst v3  }
0x3f0: {  	[tilespmem:s24+$0x280] =	vst v2  }
0x3f1: {  	v0 =	vld [tilespmem:s23+$0x10040];
	_ =	sdelay $0x3  }
0x3f2: {  	s30 =	simm.s32 $0x3C00  }
0x3f3: {  	s25 =	simm.s32 $0x3800;
	v1 =	vadd.s32 s30, v0  }
0x3f4: {  	s31 =	simm.s32 $0x400;
	v2 =	vadd.s32 s25, v0  }
0x3f5: {  	s26 =	simm.s32 $0xC00;
	v3 =	vadd.s32 s31, v0  }
0x3f6: {  	s28 =	simm.s32 $0x1000;
	v5 =	vadd.s32 s26, v0  }
0x3f7: {  	s29 =	simm.s32 $0x0;
	v6 =	vadd.s32 s28, v0  }
0x3f8: {  	s25 =	simm.s32 $0x800;
	v7 =	vadd.s32 s29, v0;
	v1 =	vld.idx.msk [tilespmem:v1+s3+$0x0], $0xffff  }
0x3f9: {  	s30 =	simm.s32 $0x1400;
	v4 =	vadd.s32 s25, v0;
	v2 =	vld.idx.msk [tilespmem:v2+s3+$0x0], $0xffff  }
0x3fa: {  	s31 =	simm.s32 $0x1800;
	v8 =	vadd.s32 s30, v0;
	v3 =	vld.idx.msk [tilespmem:v3+s3+$0x0], $0xffff  }
0x3fb: {  	s26 =	simm.s32 $0x1C00;
	v9 =	vadd.s32 s31, v0;
	v5 =	vld.idx.msk [tilespmem:v5+s3+$0x0], $0xffff  }
0x3fc: {  	s28 =	simm.s32 $0x2000;
	v11 =	vadd.s32 s26, v0;
	v6 =	vld.idx.msk [tilespmem:v6+s3+$0x0], $0xffff  }
0x3fd: {  	s26 =	simm.s32 $0x2400;
	v12 =	vadd.s32 s28, v0;
	v14 =	vld.idx.msk [tilespmem:v7+s3+$0x0], $0xffff  }
0x3fe: {  	s24 =	simm.s32 $0x16840;
	s29 =	simm.s32 $0x2800;
	v13 =	vadd.s32 s26, v0;
	v4 =	vld.idx.msk [tilespmem:v4+s3+$0x0], $0xffff  }
0x3ff: {  	v15 =	vadd.s32 s29, v0;
	s30 =	simm.s32 $0x2C00;
	v10 =	vld.idx.msk [tilespmem:v8+s3+$0x0], $0xffff;
	[tilespmem:s24+$0x300] =	vst v2  }
0x400: {  	s31 =	simm.s32 $0x3000;
	v9 =	vld.idx.msk [tilespmem:v9+s3+$0x0], $0xffff;
	[tilespmem:s24+$0xFFFFFD80] =	vst v5;
	v5 =	vadd.s32 s30, v0  }
0x401: {  	s28 =	simm.s32 $0x3400;
	v8 =	vld.idx.msk [tilespmem:v11+s3+$0x0], $0xffff;
	[tilespmem:s24+$0xFFFFFC80] =	vst v3;
	v3 =	vadd.s32 s31, v0  }
0x402: {  	v7 =	vld.idx.msk [tilespmem:v12+s3+$0x0], $0xffff;
	[tilespmem:s24+$0xFFFFFE00] =	vst v6;
	v2 =	vadd.s32 s28, v0  }
0x403: {  	v6 =	vld.idx.msk [tilespmem:v13+s3+$0x0], $0xffff;
	[tilespmem:s24+$0xFFFFFC00] =	vst v14  }
0x404: {  	s25 =	simm.s32 $0x0;
	s26 =	simm.s32 $0x7C00;
	[tilespmem:s24+$0xFFFFFD00] =	vst v4;
	v4 =	vld.idx.msk [tilespmem:v15+s3+$0x0], $0xffff  }
.LBB2_43:
0x405: {  	s28 =	sadd.s32 $0xFFFFC800, s26;
	s29 =	sadd.s32 $0xFFFFFC00, s26;
	v11 =	vadd.s32 s26, v0;
	s25 =	sadd.s32 $0x10, s25;
	[tilespmem:s24+$0xFFFFFE80] =	vst v10;
	v10 =	vld.idx.msk [tilespmem:v5+s3+$0x0], $0xffff  }
0x406: {  	s30 =	sadd.s32 $0xFFFFD000, s26;
	v12 =	vadd.s32 s28, v0;
	s28 =	sadd.s32 $0xFFFFCC00, s26;
	v13 =	vadd.s32 s29, v0;
	p0 =	slt.u32 s25, $0x30;
	[tilespmem:s24+$0xFFFFFF00] =	vst v9;
	v9 =	vld.idx.msk [tilespmem:v3+s3+$0x0], $0xffff  }
0x407: {  	v15 =	vadd.s32 s30, v0;
	s29 =	sadd.s32 $0xFFFFD800, s26;
	s30 =	sadd.s32 $0xFFFFDC00, s26;
	v14 =	vadd.s32 s28, v0;
	s28 =	sadd.s32 $0xFFFFD400, s26;
	[tilespmem:s24+$0xFFFFFF80] =	vst v8;
	v8 =	vld.idx.msk [tilespmem:v2+s3+$0x0], $0xffff  }
0x408: {  	v17 =	vadd.s32 s29, v0;
	v18 =	vadd.s32 s30, v0;
	s29 =	sadd.s32 $0xFFFFE400, s26;
	s30 =	sadd.s32 $0xFFFFE800, s26;
	v16 =	vadd.s32 s28, v0;
	s28 =	sadd.s32 $0xFFFFE000, s26;
	[tilespmem:s24+$0x0] =	vst v7  }
0x409: {  	v19 =	vadd.s32 s29, v0;
	v20 =	vadd.s32 s30, v0;
	s29 =	sadd.s32 $0xFFFFF000, s26;
	s30 =	sadd.s32 $0xFFFFF400, s26;
	v7 =	vadd.s32 s28, v0;
	s28 =	sadd.s32 $0xFFFFEC00, s26;
	[tilespmem:s24+$0x80] =	vst v6  }
0x40a: {  	s31 =	sadd.s32 $0xFFFFC400, s26;
	v5 =	vadd.s32 s29, v0;
	v3 =	vadd.s32 s30, v0;
	v21 =	vadd.s32 s28, v0;
	s28 =	sadd.s32 $0xFFFFF800, s26;
	v6 =	vld.idx.msk [tilespmem:v11+s3+$0x0], $0xffff  }
0x40b: {  	v11 =	vadd.s32 s31, v0;
	v2 =	vadd.s32 s28, v0;
	v13 =	vld.idx.msk [tilespmem:v13+s3+$0x0], $0xffff;
	[tilespmem:s24+$0x100] =	vst v4  }
0x40c: {  	v4 =	vld.idx.msk [tilespmem:v12+s3+$0x0], $0xffff;
	[tilespmem:s24+$0x180] =	vst v10  }
0x40d: {  	v12 =	vld.idx.msk [tilespmem:v14+s3+$0x0], $0xffff;
	[tilespmem:s24+$0x200] =	vst v9  }
0x40e: {  	v14 =	vld.idx.msk [tilespmem:v15+s3+$0x0], $0xffff;
	[tilespmem:s24+$0x280] =	vst v8  }
0x40f: {  	v15 =	vld.idx.msk [tilespmem:v16+s3+$0x0], $0xffff;
	[tilespmem:s24+$0x380] =	vst v1  }
0x410: {  	s24 =	sadd.s32 $0x800, s24;
	v1 =	vmov v6;
	v11 =	vld.idx.msk [tilespmem:v11+s3+$0x0], $0xffff  }
0x411: {  	v10 =	vld.idx.msk [tilespmem:v17+s3+$0x0], $0xffff;
	[tilespmem:s24+$0x300] =	vst v13  }
.Ltmp20:
0x412: {  	[tilespmem:s24+$0xFFFFFC80] =	vst v4;
	v9 =	vld.idx.msk [tilespmem:v18+s3+$0x0], $0xffff;
	(pc) =	sbr.rel @p0 .LBB2_43-.Ltmp20, $4  }
0x413: {  	[tilespmem:s24+$0xFFFFFD00] =	vst v12;
	v8 =	vld.idx.msk [tilespmem:v7+s3+$0x0], $0xffff  }
0x414: {  	[tilespmem:s24+$0xFFFFFD80] =	vst v14;
	v7 =	vld.idx.msk [tilespmem:v19+s3+$0x0], $0xffff  }
0x415: {  	[tilespmem:s24+$0xFFFFFE00] =	vst v15;
	v6 =	vld.idx.msk [tilespmem:v20+s3+$0x0], $0xffff  }
0x416: {  	s26 =	sadd.s32 $0x4000, s26;
	[tilespmem:s24+$0xFFFFFC00] =	vst v11;
	v4 =	vld.idx.msk [tilespmem:v21+s3+$0x0], $0xffff  }
0x417: {  	_ =	sdelay $0x1  }
0x418: {  	[tilespmem:s24+$0xFFFFFE80] =	vst v10  }
0x419: {  	[tilespmem:s24+$0xFFFFFF00] =	vst v9  }
0x41a: {  	v0 =	vld.idx.msk [tilespmem:v5+s3+$0x0], $0xffff;
	[tilespmem:s24+$0x380] =	vst v1  }
0x41b: {  	v3 =	vld.idx.msk [tilespmem:v3+s3+$0x0], $0xffff;
	[tilespmem:s24+$0xFFFFFF80] =	vst v8  }
0x41c: {  	v2 =	vld.idx.msk [tilespmem:v2+s3+$0x0], $0xffff;
	[tilespmem:s24+$0x0] =	vst v7  }
0x41d: {  	[tilespmem:s24+$0x80] =	vst v6  }
0x41e: {  	[tilespmem:s24+$0x100] =	vst v4  }
0x41f: {  	[tilespmem:s24+$0x180] =	vst v0  }
0x420: {  	[tilespmem:s24+$0x200] =	vst v3  }
0x421: {  	[tilespmem:s24+$0x280] =	vst v2  }
0x422: {  	v0 =	vld [tilespmem:s23+$0x10050];
	_ =	sdelay $0x3  }
0x423: {  	s30 =	simm.s32 $0x3C00  }
0x424: {  	s25 =	simm.s32 $0x3800;
	v1 =	vadd.s32 s30, v0  }
0x425: {  	s31 =	simm.s32 $0x400;
	v2 =	vadd.s32 s25, v0  }
0x426: {  	s26 =	simm.s32 $0xC00;
	v3 =	vadd.s32 s31, v0  }
0x427: {  	s28 =	simm.s32 $0x1000;
	v5 =	vadd.s32 s26, v0  }
0x428: {  	s29 =	simm.s32 $0x0;
	v6 =	vadd.s32 s28, v0  }
0x429: {  	s25 =	simm.s32 $0x800;
	v7 =	vadd.s32 s29, v0;
	v1 =	vld.idx.msk [tilespmem:v1+s3+$0x0], $0xffff  }
0x42a: {  	s30 =	simm.s32 $0x1400;
	v4 =	vadd.s32 s25, v0;
	v2 =	vld.idx.msk [tilespmem:v2+s3+$0x0], $0xffff  }
0x42b: {  	s31 =	simm.s32 $0x1800;
	v8 =	vadd.s32 s30, v0;
	v3 =	vld.idx.msk [tilespmem:v3+s3+$0x0], $0xffff  }
0x42c: {  	s26 =	simm.s32 $0x1C00;
	v9 =	vadd.s32 s31, v0;
	v5 =	vld.idx.msk [tilespmem:v5+s3+$0x0], $0xffff  }
0x42d: {  	s28 =	simm.s32 $0x2000;
	v11 =	vadd.s32 s26, v0;
	v6 =	vld.idx.msk [tilespmem:v6+s3+$0x0], $0xffff  }
0x42e: {  	s26 =	simm.s32 $0x2400;
	v12 =	vadd.s32 s28, v0;
	v14 =	vld.idx.msk [tilespmem:v7+s3+$0x0], $0xffff  }
0x42f: {  	s24 =	simm.s32 $0x16850;
	s29 =	simm.s32 $0x2800;
	v13 =	vadd.s32 s26, v0;
	v4 =	vld.idx.msk [tilespmem:v4+s3+$0x0], $0xffff  }
0x430: {  	v15 =	vadd.s32 s29, v0;
	s30 =	simm.s32 $0x2C00;
	v10 =	vld.idx.msk [tilespmem:v8+s3+$0x0], $0xffff;
	[tilespmem:s24+$0x300] =	vst v2  }
0x431: {  	s31 =	simm.s32 $0x3000;
	v9 =	vld.idx.msk [tilespmem:v9+s3+$0x0], $0xffff;
	[tilespmem:s24+$0xFFFFFD80] =	vst v5;
	v5 =	vadd.s32 s30, v0  }
0x432: {  	s28 =	simm.s32 $0x3400;
	v8 =	vld.idx.msk [tilespmem:v11+s3+$0x0], $0xffff;
	[tilespmem:s24+$0xFFFFFC80] =	vst v3;
	v3 =	vadd.s32 s31, v0  }
0x433: {  	v7 =	vld.idx.msk [tilespmem:v12+s3+$0x0], $0xffff;
	[tilespmem:s24+$0xFFFFFE00] =	vst v6;
	v2 =	vadd.s32 s28, v0  }
0x434: {  	v6 =	vld.idx.msk [tilespmem:v13+s3+$0x0], $0xffff;
	[tilespmem:s24+$0xFFFFFC00] =	vst v14  }
0x435: {  	s25 =	simm.s32 $0x0;
	s26 =	simm.s32 $0x7C00;
	[tilespmem:s24+$0xFFFFFD00] =	vst v4;
	v4 =	vld.idx.msk [tilespmem:v15+s3+$0x0], $0xffff  }
.LBB2_45:
0x436: {  	s28 =	sadd.s32 $0xFFFFC800, s26;
	s29 =	sadd.s32 $0xFFFFFC00, s26;
	v11 =	vadd.s32 s26, v0;
	s25 =	sadd.s32 $0x10, s25;
	[tilespmem:s24+$0xFFFFFE80] =	vst v10;
	v10 =	vld.idx.msk [tilespmem:v5+s3+$0x0], $0xffff  }
0x437: {  	s30 =	sadd.s32 $0xFFFFD000, s26;
	v12 =	vadd.s32 s28, v0;
	s28 =	sadd.s32 $0xFFFFCC00, s26;
	v13 =	vadd.s32 s29, v0;
	p0 =	slt.u32 s25, $0x30;
	[tilespmem:s24+$0xFFFFFF00] =	vst v9;
	v9 =	vld.idx.msk [tilespmem:v3+s3+$0x0], $0xffff  }
0x438: {  	v15 =	vadd.s32 s30, v0;
	s29 =	sadd.s32 $0xFFFFD800, s26;
	s30 =	sadd.s32 $0xFFFFDC00, s26;
	v14 =	vadd.s32 s28, v0;
	s28 =	sadd.s32 $0xFFFFD400, s26;
	[tilespmem:s24+$0xFFFFFF80] =	vst v8;
	v8 =	vld.idx.msk [tilespmem:v2+s3+$0x0], $0xffff  }
0x439: {  	v17 =	vadd.s32 s29, v0;
	v18 =	vadd.s32 s30, v0;
	s29 =	sadd.s32 $0xFFFFE400, s26;
	s30 =	sadd.s32 $0xFFFFE800, s26;
	v16 =	vadd.s32 s28, v0;
	s28 =	sadd.s32 $0xFFFFE000, s26;
	[tilespmem:s24+$0x0] =	vst v7  }
0x43a: {  	v19 =	vadd.s32 s29, v0;
	v20 =	vadd.s32 s30, v0;
	s29 =	sadd.s32 $0xFFFFF000, s26;
	s30 =	sadd.s32 $0xFFFFF400, s26;
	v7 =	vadd.s32 s28, v0;
	s28 =	sadd.s32 $0xFFFFEC00, s26;
	[tilespmem:s24+$0x80] =	vst v6  }
0x43b: {  	s31 =	sadd.s32 $0xFFFFC400, s26;
	v5 =	vadd.s32 s29, v0;
	v3 =	vadd.s32 s30, v0;
	v21 =	vadd.s32 s28, v0;
	s28 =	sadd.s32 $0xFFFFF800, s26;
	v6 =	vld.idx.msk [tilespmem:v11+s3+$0x0], $0xffff  }
0x43c: {  	v11 =	vadd.s32 s31, v0;
	v2 =	vadd.s32 s28, v0;
	v13 =	vld.idx.msk [tilespmem:v13+s3+$0x0], $0xffff;
	[tilespmem:s24+$0x100] =	vst v4  }
0x43d: {  	v4 =	vld.idx.msk [tilespmem:v12+s3+$0x0], $0xffff;
	[tilespmem:s24+$0x180] =	vst v10  }
0x43e: {  	v12 =	vld.idx.msk [tilespmem:v14+s3+$0x0], $0xffff;
	[tilespmem:s24+$0x200] =	vst v9  }
0x43f: {  	v14 =	vld.idx.msk [tilespmem:v15+s3+$0x0], $0xffff;
	[tilespmem:s24+$0x280] =	vst v8  }
0x440: {  	v15 =	vld.idx.msk [tilespmem:v16+s3+$0x0], $0xffff;
	[tilespmem:s24+$0x380] =	vst v1  }
0x441: {  	s24 =	sadd.s32 $0x800, s24;
	v1 =	vmov v6;
	v11 =	vld.idx.msk [tilespmem:v11+s3+$0x0], $0xffff  }
0x442: {  	v10 =	vld.idx.msk [tilespmem:v17+s3+$0x0], $0xffff;
	[tilespmem:s24+$0x300] =	vst v13  }
.Ltmp21:
0x443: {  	[tilespmem:s24+$0xFFFFFC80] =	vst v4;
	v9 =	vld.idx.msk [tilespmem:v18+s3+$0x0], $0xffff;
	(pc) =	sbr.rel @p0 .LBB2_45-.Ltmp21, $4  }
0x444: {  	[tilespmem:s24+$0xFFFFFD00] =	vst v12;
	v8 =	vld.idx.msk [tilespmem:v7+s3+$0x0], $0xffff  }
0x445: {  	[tilespmem:s24+$0xFFFFFD80] =	vst v14;
	v7 =	vld.idx.msk [tilespmem:v19+s3+$0x0], $0xffff  }
0x446: {  	[tilespmem:s24+$0xFFFFFE00] =	vst v15;
	v6 =	vld.idx.msk [tilespmem:v20+s3+$0x0], $0xffff  }
0x447: {  	s26 =	sadd.s32 $0x4000, s26;
	[tilespmem:s24+$0xFFFFFC00] =	vst v11;
	v4 =	vld.idx.msk [tilespmem:v21+s3+$0x0], $0xffff  }
0x448: {  	_ =	sdelay $0x1  }
0x449: {  	[tilespmem:s24+$0xFFFFFE80] =	vst v10  }
0x44a: {  	[tilespmem:s24+$0xFFFFFF00] =	vst v9  }
0x44b: {  	v0 =	vld.idx.msk [tilespmem:v5+s3+$0x0], $0xffff;
	[tilespmem:s24+$0x380] =	vst v1  }
0x44c: {  	v3 =	vld.idx.msk [tilespmem:v3+s3+$0x0], $0xffff;
	[tilespmem:s24+$0xFFFFFF80] =	vst v8  }
0x44d: {  	v2 =	vld.idx.msk [tilespmem:v2+s3+$0x0], $0xffff;
	[tilespmem:s24+$0x0] =	vst v7  }
0x44e: {  	[tilespmem:s24+$0x80] =	vst v6  }
0x44f: {  	[tilespmem:s24+$0x100] =	vst v4  }
0x450: {  	[tilespmem:s24+$0x180] =	vst v0  }
0x451: {  	[tilespmem:s24+$0x200] =	vst v3  }
0x452: {  	[tilespmem:s24+$0x280] =	vst v2  }
0x453: {  	v0 =	vld [tilespmem:s23+$0x10060];
	_ =	sdelay $0x3  }
0x454: {  	s30 =	simm.s32 $0x3C00  }
0x455: {  	s25 =	simm.s32 $0x3800;
	v1 =	vadd.s32 s30, v0  }
0x456: {  	s31 =	simm.s32 $0x400;
	v2 =	vadd.s32 s25, v0  }
0x457: {  	s26 =	simm.s32 $0xC00;
	v3 =	vadd.s32 s31, v0  }
0x458: {  	s28 =	simm.s32 $0x1000;
	v5 =	vadd.s32 s26, v0  }
0x459: {  	s29 =	simm.s32 $0x0;
	v6 =	vadd.s32 s28, v0  }
0x45a: {  	s25 =	simm.s32 $0x800;
	v7 =	vadd.s32 s29, v0;
	v1 =	vld.idx.msk [tilespmem:v1+s3+$0x0], $0xffff  }
0x45b: {  	s30 =	simm.s32 $0x1400;
	v4 =	vadd.s32 s25, v0;
	v2 =	vld.idx.msk [tilespmem:v2+s3+$0x0], $0xffff  }
0x45c: {  	s31 =	simm.s32 $0x1800;
	v8 =	vadd.s32 s30, v0;
	v3 =	vld.idx.msk [tilespmem:v3+s3+$0x0], $0xffff  }
0x45d: {  	s26 =	simm.s32 $0x1C00;
	v9 =	vadd.s32 s31, v0;
	v5 =	vld.idx.msk [tilespmem:v5+s3+$0x0], $0xffff  }
0x45e: {  	s28 =	simm.s32 $0x2000;
	v11 =	vadd.s32 s26, v0;
	v6 =	vld.idx.msk [tilespmem:v6+s3+$0x0], $0xffff  }
0x45f: {  	s26 =	simm.s32 $0x2400;
	v12 =	vadd.s32 s28, v0;
	v14 =	vld.idx.msk [tilespmem:v7+s3+$0x0], $0xffff  }
0x460: {  	s24 =	simm.s32 $0x16860;
	s29 =	simm.s32 $0x2800;
	v13 =	vadd.s32 s26, v0;
	v4 =	vld.idx.msk [tilespmem:v4+s3+$0x0], $0xffff  }
0x461: {  	v15 =	vadd.s32 s29, v0;
	s30 =	simm.s32 $0x2C00;
	v10 =	vld.idx.msk [tilespmem:v8+s3+$0x0], $0xffff;
	[tilespmem:s24+$0x300] =	vst v2  }
0x462: {  	s31 =	simm.s32 $0x3000;
	v9 =	vld.idx.msk [tilespmem:v9+s3+$0x0], $0xffff;
	[tilespmem:s24+$0xFFFFFD80] =	vst v5;
	v5 =	vadd.s32 s30, v0  }
0x463: {  	s28 =	simm.s32 $0x3400;
	v8 =	vld.idx.msk [tilespmem:v11+s3+$0x0], $0xffff;
	[tilespmem:s24+$0xFFFFFC80] =	vst v3;
	v3 =	vadd.s32 s31, v0  }
0x464: {  	v7 =	vld.idx.msk [tilespmem:v12+s3+$0x0], $0xffff;
	[tilespmem:s24+$0xFFFFFE00] =	vst v6;
	v2 =	vadd.s32 s28, v0  }
0x465: {  	v6 =	vld.idx.msk [tilespmem:v13+s3+$0x0], $0xffff;
	[tilespmem:s24+$0xFFFFFC00] =	vst v14  }
0x466: {  	s25 =	simm.s32 $0x0;
	s26 =	simm.s32 $0x7C00;
	[tilespmem:s24+$0xFFFFFD00] =	vst v4;
	v4 =	vld.idx.msk [tilespmem:v15+s3+$0x0], $0xffff  }
.LBB2_47:
0x467: {  	s28 =	sadd.s32 $0xFFFFC800, s26;
	s29 =	sadd.s32 $0xFFFFFC00, s26;
	v11 =	vadd.s32 s26, v0;
	s25 =	sadd.s32 $0x10, s25;
	[tilespmem:s24+$0xFFFFFE80] =	vst v10;
	v10 =	vld.idx.msk [tilespmem:v5+s3+$0x0], $0xffff  }
0x468: {  	s30 =	sadd.s32 $0xFFFFD000, s26;
	v12 =	vadd.s32 s28, v0;
	s28 =	sadd.s32 $0xFFFFCC00, s26;
	v13 =	vadd.s32 s29, v0;
	p0 =	slt.u32 s25, $0x30;
	[tilespmem:s24+$0xFFFFFF00] =	vst v9;
	v9 =	vld.idx.msk [tilespmem:v3+s3+$0x0], $0xffff  }
0x469: {  	v15 =	vadd.s32 s30, v0;
	s29 =	sadd.s32 $0xFFFFD800, s26;
	s30 =	sadd.s32 $0xFFFFDC00, s26;
	v14 =	vadd.s32 s28, v0;
	s28 =	sadd.s32 $0xFFFFD400, s26;
	[tilespmem:s24+$0xFFFFFF80] =	vst v8;
	v8 =	vld.idx.msk [tilespmem:v2+s3+$0x0], $0xffff  }
0x46a: {  	v17 =	vadd.s32 s29, v0;
	v18 =	vadd.s32 s30, v0;
	s29 =	sadd.s32 $0xFFFFE400, s26;
	s30 =	sadd.s32 $0xFFFFE800, s26;
	v16 =	vadd.s32 s28, v0;
	s28 =	sadd.s32 $0xFFFFE000, s26;
	[tilespmem:s24+$0x0] =	vst v7  }
0x46b: {  	v19 =	vadd.s32 s29, v0;
	v20 =	vadd.s32 s30, v0;
	s29 =	sadd.s32 $0xFFFFF000, s26;
	s30 =	sadd.s32 $0xFFFFF400, s26;
	v7 =	vadd.s32 s28, v0;
	s28 =	sadd.s32 $0xFFFFEC00, s26;
	[tilespmem:s24+$0x80] =	vst v6  }
0x46c: {  	s31 =	sadd.s32 $0xFFFFC400, s26;
	v5 =	vadd.s32 s29, v0;
	v3 =	vadd.s32 s30, v0;
	v21 =	vadd.s32 s28, v0;
	s28 =	sadd.s32 $0xFFFFF800, s26;
	v6 =	vld.idx.msk [tilespmem:v11+s3+$0x0], $0xffff  }
0x46d: {  	v11 =	vadd.s32 s31, v0;
	v2 =	vadd.s32 s28, v0;
	v13 =	vld.idx.msk [tilespmem:v13+s3+$0x0], $0xffff;
	[tilespmem:s24+$0x100] =	vst v4  }
0x46e: {  	v4 =	vld.idx.msk [tilespmem:v12+s3+$0x0], $0xffff;
	[tilespmem:s24+$0x180] =	vst v10  }
0x46f: {  	v12 =	vld.idx.msk [tilespmem:v14+s3+$0x0], $0xffff;
	[tilespmem:s24+$0x200] =	vst v9  }
0x470: {  	v14 =	vld.idx.msk [tilespmem:v15+s3+$0x0], $0xffff;
	[tilespmem:s24+$0x280] =	vst v8  }
0x471: {  	v15 =	vld.idx.msk [tilespmem:v16+s3+$0x0], $0xffff;
	[tilespmem:s24+$0x380] =	vst v1  }
0x472: {  	s24 =	sadd.s32 $0x800, s24;
	v1 =	vmov v6;
	v11 =	vld.idx.msk [tilespmem:v11+s3+$0x0], $0xffff  }
0x473: {  	v10 =	vld.idx.msk [tilespmem:v17+s3+$0x0], $0xffff;
	[tilespmem:s24+$0x300] =	vst v13  }
.Ltmp22:
0x474: {  	[tilespmem:s24+$0xFFFFFC80] =	vst v4;
	v9 =	vld.idx.msk [tilespmem:v18+s3+$0x0], $0xffff;
	(pc) =	sbr.rel @p0 .LBB2_47-.Ltmp22, $4  }
0x475: {  	[tilespmem:s24+$0xFFFFFD00] =	vst v12;
	v8 =	vld.idx.msk [tilespmem:v7+s3+$0x0], $0xffff  }
0x476: {  	[tilespmem:s24+$0xFFFFFD80] =	vst v14;
	v7 =	vld.idx.msk [tilespmem:v19+s3+$0x0], $0xffff  }
0x477: {  	[tilespmem:s24+$0xFFFFFE00] =	vst v15;
	v6 =	vld.idx.msk [tilespmem:v20+s3+$0x0], $0xffff  }
0x478: {  	s26 =	sadd.s32 $0x4000, s26;
	[tilespmem:s24+$0xFFFFFC00] =	vst v11;
	v4 =	vld.idx.msk [tilespmem:v21+s3+$0x0], $0xffff  }
0x479: {  	_ =	sdelay $0x1  }
0x47a: {  	[tilespmem:s24+$0xFFFFFE80] =	vst v10  }
0x47b: {  	[tilespmem:s24+$0xFFFFFF00] =	vst v9  }
0x47c: {  	v0 =	vld.idx.msk [tilespmem:v5+s3+$0x0], $0xffff;
	[tilespmem:s24+$0x380] =	vst v1  }
0x47d: {  	v3 =	vld.idx.msk [tilespmem:v3+s3+$0x0], $0xffff;
	[tilespmem:s24+$0xFFFFFF80] =	vst v8  }
0x47e: {  	v2 =	vld.idx.msk [tilespmem:v2+s3+$0x0], $0xffff;
	[tilespmem:s24+$0x0] =	vst v7  }
0x47f: {  	[tilespmem:s24+$0x80] =	vst v6  }
0x480: {  	[tilespmem:s24+$0x100] =	vst v4  }
0x481: {  	[tilespmem:s24+$0x180] =	vst v0  }
0x482: {  	[tilespmem:s24+$0x200] =	vst v3  }
0x483: {  	[tilespmem:s24+$0x280] =	vst v2  }
0x484: {  	v0 =	vld [tilespmem:s23+$0x10070];
	_ =	sdelay $0x3  }
0x485: {  	s30 =	simm.s32 $0x3C00  }
0x486: {  	s31 =	simm.s32 $0x3800;
	v1 =	vadd.s32 s30, v0  }
0x487: {  	s25 =	simm.s32 $0x400;
	v2 =	vadd.s32 s31, v0  }
0x488: {  	s28 =	simm.s32 $0xC00;
	v3 =	vadd.s32 s25, v0  }
0x489: {  	s26 =	simm.s32 $0x800;
	v5 =	vadd.s32 s28, v0  }
0x48a: {  	s29 =	simm.s32 $0x1000;
	v4 =	vadd.s32 s26, v0  }
0x48b: {  	v6 =	vadd.s32 s29, v0;
	s30 =	simm.s32 $0x0;
	v1 =	vld.idx.msk [tilespmem:v1+s3+$0x0], $0xffff  }
0x48c: {  	s31 =	simm.s32 $0x1400;
	v7 =	vadd.s32 s30, v0;
	v2 =	vld.idx.msk [tilespmem:v2+s3+$0x0], $0xffff  }
0x48d: {  	s25 =	simm.s32 $0x1800;
	v8 =	vadd.s32 s31, v0;
	v3 =	vld.idx.msk [tilespmem:v3+s3+$0x0], $0xffff  }
0x48e: {  	s26 =	simm.s32 $0x1C00;
	v9 =	vadd.s32 s25, v0;
	v5 =	vld.idx.msk [tilespmem:v5+s3+$0x0], $0xffff  }
0x48f: {  	s28 =	simm.s32 $0x2000;
	v11 =	vadd.s32 s26, v0;
	v4 =	vld.idx.msk [tilespmem:v4+s3+$0x0], $0xffff  }
0x490: {  	s25 =	simm.s32 $0x2400;
	v12 =	vadd.s32 s28, v0;
	v6 =	vld.idx.msk [tilespmem:v6+s3+$0x0], $0xffff  }
0x491: {  	s23 =	simm.s32 $0x16870;
	s29 =	simm.s32 $0x2800;
	v13 =	vadd.s32 s25, v0;
	v14 =	vld.idx.msk [tilespmem:v7+s3+$0x0], $0xffff  }
0x492: {  	v15 =	vadd.s32 s29, v0;
	s30 =	simm.s32 $0x2C00;
	v10 =	vld.idx.msk [tilespmem:v8+s3+$0x0], $0xffff;
	[tilespmem:s23+$0x300] =	vst v2  }
0x493: {  	s31 =	simm.s32 $0x3000;
	v9 =	vld.idx.msk [tilespmem:v9+s3+$0x0], $0xffff;
	[tilespmem:s23+$0xFFFFFD80] =	vst v5;
	v5 =	vadd.s32 s30, v0  }
0x494: {  	s26 =	simm.s32 $0x3400;
	v8 =	vld.idx.msk [tilespmem:v11+s3+$0x0], $0xffff;
	[tilespmem:s23+$0xFFFFFC80] =	vst v3;
	v3 =	vadd.s32 s31, v0  }
0x495: {  	v7 =	vld.idx.msk [tilespmem:v12+s3+$0x0], $0xffff;
	[tilespmem:s23+$0xFFFFFD00] =	vst v4;
	v2 =	vadd.s32 s26, v0  }
0x496: {  	[tilespmem:s23+$0xFFFFFE00] =	vst v6;
	v6 =	vld.idx.msk [tilespmem:v13+s3+$0x0], $0xffff  }
0x497: {  	s24 =	simm.s32 $0x0;
	s25 =	simm.s32 $0x7C00;
	v4 =	vld.idx.msk [tilespmem:v15+s3+$0x0], $0xffff;
	[tilespmem:s23+$0xFFFFFC00] =	vst v14  }
.LBB2_49:
0x498: {  	s26 =	sadd.s32 $0xFFFFC800, s25;
	s28 =	sadd.s32 $0xFFFFFC00, s25;
	v11 =	vadd.s32 s25, v0;
	s24 =	sadd.s32 $0x10, s24;
	[tilespmem:s23+$0xFFFFFE80] =	vst v10;
	v10 =	vld.idx.msk [tilespmem:v5+s3+$0x0], $0xffff  }
0x499: {  	s29 =	sadd.s32 $0xFFFFD000, s25;
	v12 =	vadd.s32 s26, v0;
	s26 =	sadd.s32 $0xFFFFCC00, s25;
	v13 =	vadd.s32 s28, v0;
	p0 =	slt.u32 s24, $0x30;
	[tilespmem:s23+$0xFFFFFF00] =	vst v9;
	v9 =	vld.idx.msk [tilespmem:v3+s3+$0x0], $0xffff  }
0x49a: {  	v15 =	vadd.s32 s29, v0;
	s28 =	sadd.s32 $0xFFFFD800, s25;
	s29 =	sadd.s32 $0xFFFFDC00, s25;
	v14 =	vadd.s32 s26, v0;
	s26 =	sadd.s32 $0xFFFFD400, s25;
	[tilespmem:s23+$0xFFFFFF80] =	vst v8;
	v8 =	vld.idx.msk [tilespmem:v2+s3+$0x0], $0xffff  }
0x49b: {  	v17 =	vadd.s32 s28, v0;
	v18 =	vadd.s32 s29, v0;
	s28 =	sadd.s32 $0xFFFFE400, s25;
	s29 =	sadd.s32 $0xFFFFE800, s25;
	v16 =	vadd.s32 s26, v0;
	s26 =	sadd.s32 $0xFFFFE000, s25;
	[tilespmem:s23+$0x0] =	vst v7  }
0x49c: {  	v19 =	vadd.s32 s28, v0;
	v20 =	vadd.s32 s29, v0;
	s28 =	sadd.s32 $0xFFFFF000, s25;
	s29 =	sadd.s32 $0xFFFFF400, s25;
	v7 =	vadd.s32 s26, v0;
	s26 =	sadd.s32 $0xFFFFEC00, s25;
	[tilespmem:s23+$0x80] =	vst v6  }
0x49d: {  	s30 =	sadd.s32 $0xFFFFC400, s25;
	v5 =	vadd.s32 s28, v0;
	v3 =	vadd.s32 s29, v0;
	v21 =	vadd.s32 s26, v0;
	s26 =	sadd.s32 $0xFFFFF800, s25;
	v6 =	vld.idx.msk [tilespmem:v11+s3+$0x0], $0xffff  }
0x49e: {  	v11 =	vadd.s32 s30, v0;
	v2 =	vadd.s32 s26, v0;
	v13 =	vld.idx.msk [tilespmem:v13+s3+$0x0], $0xffff;
	[tilespmem:s23+$0x100] =	vst v4  }
0x49f: {  	v4 =	vld.idx.msk [tilespmem:v12+s3+$0x0], $0xffff;
	[tilespmem:s23+$0x180] =	vst v10  }
0x4a0: {  	v12 =	vld.idx.msk [tilespmem:v14+s3+$0x0], $0xffff;
	[tilespmem:s23+$0x200] =	vst v9  }
0x4a1: {  	v14 =	vld.idx.msk [tilespmem:v15+s3+$0x0], $0xffff;
	[tilespmem:s23+$0x280] =	vst v8  }
0x4a2: {  	v15 =	vld.idx.msk [tilespmem:v16+s3+$0x0], $0xffff;
	[tilespmem:s23+$0x380] =	vst v1  }
0x4a3: {  	s23 =	sadd.s32 $0x800, s23;
	v1 =	vmov v6;
	v11 =	vld.idx.msk [tilespmem:v11+s3+$0x0], $0xffff  }
0x4a4: {  	v10 =	vld.idx.msk [tilespmem:v17+s3+$0x0], $0xffff;
	[tilespmem:s23+$0x300] =	vst v13  }
.Ltmp23:
0x4a5: {  	[tilespmem:s23+$0xFFFFFC80] =	vst v4;
	v9 =	vld.idx.msk [tilespmem:v18+s3+$0x0], $0xffff;
	(pc) =	sbr.rel @p0 .LBB2_49-.Ltmp23, $4  }
0x4a6: {  	[tilespmem:s23+$0xFFFFFD00] =	vst v12;
	v8 =	vld.idx.msk [tilespmem:v7+s3+$0x0], $0xffff  }
0x4a7: {  	[tilespmem:s23+$0xFFFFFD80] =	vst v14;
	v7 =	vld.idx.msk [tilespmem:v19+s3+$0x0], $0xffff  }
0x4a8: {  	[tilespmem:s23+$0xFFFFFE00] =	vst v15;
	v6 =	vld.idx.msk [tilespmem:v20+s3+$0x0], $0xffff  }
0x4a9: {  	s25 =	sadd.s32 $0x4000, s25;
	[tilespmem:s23+$0xFFFFFC00] =	vst v11;
	v4 =	vld.idx.msk [tilespmem:v21+s3+$0x0], $0xffff  }
0x4aa: {  	_ =	sdelay $0x1  }
0x4ab: {  	[tilespmem:s23+$0xFFFFFE80] =	vst v10  }
0x4ac: {  	[tilespmem:s23+$0xFFFFFF00] =	vst v9  }
0x4ad: {  	v0 =	vld.idx.msk [tilespmem:v5+s3+$0x0], $0xffff;
	[tilespmem:s23+$0x380] =	vst v1  }
0x4ae: {  	v3 =	vld.idx.msk [tilespmem:v3+s3+$0x0], $0xffff;
	[tilespmem:s23+$0xFFFFFF80] =	vst v8  }
0x4af: {  	v2 =	vld.idx.msk [tilespmem:v2+s3+$0x0], $0xffff;
	[tilespmem:s23+$0x0] =	vst v7  }
0x4b0: {  	[tilespmem:s23+$0x80] =	vst v6  }
0x4b1: {  	s22 =	sshll.u32 s22, $0x12;
	[tilespmem:s23+$0x100] =	vst v4  }
0x4b2: {  	s22 =	sor.u32 s4, s22;
	[tilespmem:s23+$0x180] =	vst v0  }
0x4b3: {  	s22 =	sshrl.u32 s22, $0x3;
	[tilespmem:s23+$0x200] =	vst v3  }
0x4b4: {  	s22 =	sadd.s32 s2, s22;
	[tilespmem:s23+$0x280] =	vst v2  }
0x4b5: {  	[hbm4b:s22+s10] =	stream.strided.scatter [tilespmem:s15], [sflag:$0x1], $0x2000, s11, s10, $0x38;
	[tilespmem:$0x1A400] =	vst v63  }
0x4b6: {  	s21 =	sadd.s32 $0x3, s21;
	_ =	swait.ge [sflag:s18], $0x2000  }
0x4b7: {  	s30 =	sshll.u32 s21, $0x7;
	[sflag:s18] =	ssyncset.done $0x0  }
0x4b8: {  	s22 =	sand.u32 $0x3FFFFF80, s30;
	[sflag:s18] =	ssyncadd.s32 $0xFFFFE000  }
0x4b9: {  	v0 =	vld [tilespmem:s22+$0x10000];
	_ =	sdelay $0x3  }
0x4ba: {  	s31 =	simm.s32 $0x3C00  }
0x4bb: {  	s24 =	simm.s32 $0x3800;
	v1 =	vadd.s32 s31, v0  }
0x4bc: {  	s25 =	simm.s32 $0x400;
	v2 =	vadd.s32 s24, v0  }
0x4bd: {  	s28 =	simm.s32 $0xC00;
	v3 =	vadd.s32 s25, v0  }
0x4be: {  	s26 =	simm.s32 $0x800;
	v5 =	vadd.s32 s28, v0  }
0x4bf: {  	s29 =	simm.s32 $0x1000;
	v4 =	vadd.s32 s26, v0  }
0x4c0: {  	s30 =	simm.s32 $0x0;
	v6 =	vadd.s32 s29, v0;
	v1 =	vld.idx.msk [tilespmem:v1+s3+$0x0], $0xffff  }
0x4c1: {  	s31 =	simm.s32 $0x1400;
	v7 =	vadd.s32 s30, v0;
	v2 =	vld.idx.msk [tilespmem:v2+s3+$0x0], $0xffff  }
0x4c2: {  	s25 =	simm.s32 $0x1800;
	v8 =	vadd.s32 s31, v0;
	v3 =	vld.idx.msk [tilespmem:v3+s3+$0x0], $0xffff  }
0x4c3: {  	s26 =	simm.s32 $0x1C00;
	v9 =	vadd.s32 s25, v0;
	v5 =	vld.idx.msk [tilespmem:v5+s3+$0x0], $0xffff  }
0x4c4: {  	s28 =	simm.s32 $0x2000;
	v11 =	vadd.s32 s26, v0;
	v4 =	vld.idx.msk [tilespmem:v4+s3+$0x0], $0xffff  }
0x4c5: {  	s25 =	simm.s32 $0x2400;
	v12 =	vadd.s32 s28, v0;
	v6 =	vld.idx.msk [tilespmem:v6+s3+$0x0], $0xffff  }
0x4c6: {  	s23 =	simm.s32 $0x18B80;
	s29 =	simm.s32 $0x2800;
	v13 =	vadd.s32 s25, v0;
	v14 =	vld.idx.msk [tilespmem:v7+s3+$0x0], $0xffff  }
0x4c7: {  	s30 =	simm.s32 $0x2C00;
	v15 =	vadd.s32 s29, v0;
	v10 =	vld.idx.msk [tilespmem:v8+s3+$0x0], $0xffff;
	[tilespmem:s23+$0xFFFFFF80] =	vst v2  }
0x4c8: {  	s31 =	simm.s32 $0x3000;
	v9 =	vld.idx.msk [tilespmem:v9+s3+$0x0], $0xffff;
	[tilespmem:s23+$0xFFFFFA00] =	vst v5;
	v5 =	vadd.s32 s30, v0  }
0x4c9: {  	s26 =	simm.s32 $0x3400;
	v8 =	vld.idx.msk [tilespmem:v11+s3+$0x0], $0xffff;
	[tilespmem:s23+$0xFFFFF900] =	vst v3;
	v3 =	vadd.s32 s31, v0  }
0x4ca: {  	v7 =	vld.idx.msk [tilespmem:v12+s3+$0x0], $0xffff;
	[tilespmem:s23+$0xFFFFF980] =	vst v4;
	v2 =	vadd.s32 s26, v0  }
0x4cb: {  	[tilespmem:s23+$0xFFFFFA80] =	vst v6;
	v6 =	vld.idx.msk [tilespmem:v13+s3+$0x0], $0xffff  }
0x4cc: {  	s24 =	simm.s32 $0x0;
	s25 =	simm.s32 $0x7C00;
	[tilespmem:s23+$0xFFFFF880] =	vst v14;
	v4 =	vld.idx.msk [tilespmem:v15+s3+$0x0], $0xffff  }
.LBB2_51:
0x4cd: {  	s26 =	sadd.s32 $0xFFFFC800, s25;
	s28 =	sadd.s32 $0xFFFFFC00, s25;
	v11 =	vadd.s32 s25, v0;
	s24 =	sadd.s32 $0x10, s24;
	[tilespmem:s23+$0xFFFFFB00] =	vst v10;
	v10 =	vld.idx.msk [tilespmem:v5+s3+$0x0], $0xffff  }
0x4ce: {  	s29 =	sadd.s32 $0xFFFFD000, s25;
	v12 =	vadd.s32 s26, v0;
	s26 =	sadd.s32 $0xFFFFCC00, s25;
	v13 =	vadd.s32 s28, v0;
	p0 =	slt.u32 s24, $0x30;
	[tilespmem:s23+$0xFFFFFB80] =	vst v9;
	v9 =	vld.idx.msk [tilespmem:v3+s3+$0x0], $0xffff  }
0x4cf: {  	v15 =	vadd.s32 s29, v0;
	s28 =	sadd.s32 $0xFFFFD800, s25;
	s29 =	sadd.s32 $0xFFFFDC00, s25;
	v14 =	vadd.s32 s26, v0;
	s26 =	sadd.s32 $0xFFFFD400, s25;
	[tilespmem:s23+$0xFFFFFC00] =	vst v8;
	v8 =	vld.idx.msk [tilespmem:v2+s3+$0x0], $0xffff  }
0x4d0: {  	v17 =	vadd.s32 s28, v0;
	v18 =	vadd.s32 s29, v0;
	s28 =	sadd.s32 $0xFFFFE400, s25;
	s29 =	sadd.s32 $0xFFFFE800, s25;
	v16 =	vadd.s32 s26, v0;
	s26 =	sadd.s32 $0xFFFFE000, s25;
	[tilespmem:s23+$0xFFFFFC80] =	vst v7  }
0x4d1: {  	v19 =	vadd.s32 s28, v0;
	v20 =	vadd.s32 s29, v0;
	s28 =	sadd.s32 $0xFFFFF000, s25;
	s29 =	sadd.s32 $0xFFFFF400, s25;
	v7 =	vadd.s32 s26, v0;
	s26 =	sadd.s32 $0xFFFFEC00, s25;
	[tilespmem:s23+$0xFFFFFD00] =	vst v6  }
0x4d2: {  	s30 =	sadd.s32 $0xFFFFC400, s25;
	v5 =	vadd.s32 s28, v0;
	v3 =	vadd.s32 s29, v0;
	v21 =	vadd.s32 s26, v0;
	s26 =	sadd.s32 $0xFFFFF800, s25;
	v6 =	vld.idx.msk [tilespmem:v11+s3+$0x0], $0xffff  }
0x4d3: {  	v11 =	vadd.s32 s30, v0;
	v2 =	vadd.s32 s26, v0;
	v13 =	vld.idx.msk [tilespmem:v13+s3+$0x0], $0xffff;
	[tilespmem:s23+$0xFFFFFD80] =	vst v4  }
0x4d4: {  	v4 =	vld.idx.msk [tilespmem:v12+s3+$0x0], $0xffff;
	[tilespmem:s23+$0xFFFFFE00] =	vst v10  }
0x4d5: {  	v12 =	vld.idx.msk [tilespmem:v14+s3+$0x0], $0xffff;
	[tilespmem:s23+$0xFFFFFE80] =	vst v9  }
0x4d6: {  	v14 =	vld.idx.msk [tilespmem:v15+s3+$0x0], $0xffff;
	[tilespmem:s23+$0xFFFFFF00] =	vst v8  }
0x4d7: {  	v15 =	vld.idx.msk [tilespmem:v16+s3+$0x0], $0xffff;
	[tilespmem:s23+$0x0] =	vst v1  }
0x4d8: {  	s23 =	sadd.s32 $0x800, s23;
	v1 =	vmov v6;
	v11 =	vld.idx.msk [tilespmem:v11+s3+$0x0], $0xffff  }
0x4d9: {  	v10 =	vld.idx.msk [tilespmem:v17+s3+$0x0], $0xffff;
	[tilespmem:s23+$0xFFFFFF80] =	vst v13  }
.Ltmp24:
0x4da: {  	[tilespmem:s23+$0xFFFFF900] =	vst v4;
	v9 =	vld.idx.msk [tilespmem:v18+s3+$0x0], $0xffff;
	(pc) =	sbr.rel @p0 .LBB2_51-.Ltmp24, $4  }
0x4db: {  	[tilespmem:s23+$0xFFFFF980] =	vst v12;
	v8 =	vld.idx.msk [tilespmem:v7+s3+$0x0], $0xffff  }
0x4dc: {  	[tilespmem:s23+$0xFFFFFA00] =	vst v14;
	v7 =	vld.idx.msk [tilespmem:v19+s3+$0x0], $0xffff  }
0x4dd: {  	[tilespmem:s23+$0xFFFFFA80] =	vst v15;
	v6 =	vld.idx.msk [tilespmem:v20+s3+$0x0], $0xffff  }
0x4de: {  	s25 =	sadd.s32 $0x4000, s25;
	[tilespmem:s23+$0xFFFFF880] =	vst v11;
	v4 =	vld.idx.msk [tilespmem:v21+s3+$0x0], $0xffff  }
0x4df: {  	_ =	sdelay $0x1  }
0x4e0: {  	[tilespmem:s23+$0xFFFFFB00] =	vst v10  }
0x4e1: {  	[tilespmem:s23+$0xFFFFFB80] =	vst v9  }
0x4e2: {  	v0 =	vld.idx.msk [tilespmem:v5+s3+$0x0], $0xffff;
	[tilespmem:s23+$0x0] =	vst v1  }
0x4e3: {  	v3 =	vld.idx.msk [tilespmem:v3+s3+$0x0], $0xffff;
	[tilespmem:s23+$0xFFFFFC00] =	vst v8  }
0x4e4: {  	v2 =	vld.idx.msk [tilespmem:v2+s3+$0x0], $0xffff;
	[tilespmem:s23+$0xFFFFFC80] =	vst v7  }
0x4e5: {  	[tilespmem:s23+$0xFFFFFD00] =	vst v6  }
0x4e6: {  	[tilespmem:s23+$0xFFFFFD80] =	vst v4  }
0x4e7: {  	[tilespmem:s23+$0xFFFFFE00] =	vst v0  }
0x4e8: {  	[tilespmem:s23+$0xFFFFFE80] =	vst v3  }
0x4e9: {  	[tilespmem:s23+$0xFFFFFF00] =	vst v2  }
0x4ea: {  	v0 =	vld [tilespmem:s22+$0x10010];
	_ =	sdelay $0x3  }
0x4eb: {  	s31 =	simm.s32 $0x3C00  }
0x4ec: {  	s24 =	simm.s32 $0x3800;
	v1 =	vadd.s32 s31, v0  }
0x4ed: {  	s25 =	simm.s32 $0x400;
	v2 =	vadd.s32 s24, v0  }
0x4ee: {  	s28 =	simm.s32 $0xC00;
	v3 =	vadd.s32 s25, v0  }
0x4ef: {  	s26 =	simm.s32 $0x800;
	v5 =	vadd.s32 s28, v0  }
0x4f0: {  	s29 =	simm.s32 $0x1000;
	v4 =	vadd.s32 s26, v0  }
0x4f1: {  	s30 =	simm.s32 $0x0;
	v6 =	vadd.s32 s29, v0;
	v1 =	vld.idx.msk [tilespmem:v1+s3+$0x0], $0xffff  }
0x4f2: {  	s31 =	simm.s32 $0x1400;
	v7 =	vadd.s32 s30, v0;
	v2 =	vld.idx.msk [tilespmem:v2+s3+$0x0], $0xffff  }
0x4f3: {  	s25 =	simm.s32 $0x1800;
	v8 =	vadd.s32 s31, v0;
	v3 =	vld.idx.msk [tilespmem:v3+s3+$0x0], $0xffff  }
0x4f4: {  	s26 =	simm.s32 $0x1C00;
	v9 =	vadd.s32 s25, v0;
	v5 =	vld.idx.msk [tilespmem:v5+s3+$0x0], $0xffff  }
0x4f5: {  	s28 =	simm.s32 $0x2000;
	v11 =	vadd.s32 s26, v0;
	v4 =	vld.idx.msk [tilespmem:v4+s3+$0x0], $0xffff  }
0x4f6: {  	s25 =	simm.s32 $0x2400;
	v12 =	vadd.s32 s28, v0;
	v6 =	vld.idx.msk [tilespmem:v6+s3+$0x0], $0xffff  }
0x4f7: {  	s23 =	simm.s32 $0x18B90;
	s29 =	simm.s32 $0x2800;
	v13 =	vadd.s32 s25, v0;
	v14 =	vld.idx.msk [tilespmem:v7+s3+$0x0], $0xffff  }
0x4f8: {  	s30 =	simm.s32 $0x2C00;
	v15 =	vadd.s32 s29, v0;
	v10 =	vld.idx.msk [tilespmem:v8+s3+$0x0], $0xffff;
	[tilespmem:s23+$0xFFFFFF80] =	vst v2  }
0x4f9: {  	s31 =	simm.s32 $0x3000;
	v9 =	vld.idx.msk [tilespmem:v9+s3+$0x0], $0xffff;
	[tilespmem:s23+$0xFFFFFA00] =	vst v5;
	v5 =	vadd.s32 s30, v0  }
0x4fa: {  	s26 =	simm.s32 $0x3400;
	v8 =	vld.idx.msk [tilespmem:v11+s3+$0x0], $0xffff;
	[tilespmem:s23+$0xFFFFF900] =	vst v3;
	v3 =	vadd.s32 s31, v0  }
0x4fb: {  	v7 =	vld.idx.msk [tilespmem:v12+s3+$0x0], $0xffff;
	[tilespmem:s23+$0xFFFFF980] =	vst v4;
	v2 =	vadd.s32 s26, v0  }
0x4fc: {  	[tilespmem:s23+$0xFFFFFA80] =	vst v6;
	v6 =	vld.idx.msk [tilespmem:v13+s3+$0x0], $0xffff  }
0x4fd: {  	s24 =	simm.s32 $0x0;
	s25 =	simm.s32 $0x7C00;
	[tilespmem:s23+$0xFFFFF880] =	vst v14;
	v4 =	vld.idx.msk [tilespmem:v15+s3+$0x0], $0xffff  }
.LBB2_53:
0x4fe: {  	s26 =	sadd.s32 $0xFFFFC800, s25;
	s28 =	sadd.s32 $0xFFFFFC00, s25;
	v11 =	vadd.s32 s25, v0;
	s24 =	sadd.s32 $0x10, s24;
	[tilespmem:s23+$0xFFFFFB00] =	vst v10;
	v10 =	vld.idx.msk [tilespmem:v5+s3+$0x0], $0xffff  }
0x4ff: {  	s29 =	sadd.s32 $0xFFFFD000, s25;
	v12 =	vadd.s32 s26, v0;
	s26 =	sadd.s32 $0xFFFFCC00, s25;
	v13 =	vadd.s32 s28, v0;
	p0 =	slt.u32 s24, $0x30;
	[tilespmem:s23+$0xFFFFFB80] =	vst v9;
	v9 =	vld.idx.msk [tilespmem:v3+s3+$0x0], $0xffff  }
0x500: {  	v15 =	vadd.s32 s29, v0;
	s28 =	sadd.s32 $0xFFFFD800, s25;
	s29 =	sadd.s32 $0xFFFFDC00, s25;
	v14 =	vadd.s32 s26, v0;
	s26 =	sadd.s32 $0xFFFFD400, s25;
	[tilespmem:s23+$0xFFFFFC00] =	vst v8;
	v8 =	vld.idx.msk [tilespmem:v2+s3+$0x0], $0xffff  }
0x501: {  	v17 =	vadd.s32 s28, v0;
	v18 =	vadd.s32 s29, v0;
	s28 =	sadd.s32 $0xFFFFE400, s25;
	s29 =	sadd.s32 $0xFFFFE800, s25;
	v16 =	vadd.s32 s26, v0;
	s26 =	sadd.s32 $0xFFFFE000, s25;
	[tilespmem:s23+$0xFFFFFC80] =	vst v7  }
0x502: {  	v19 =	vadd.s32 s28, v0;
	v20 =	vadd.s32 s29, v0;
	s28 =	sadd.s32 $0xFFFFF000, s25;
	s29 =	sadd.s32 $0xFFFFF400, s25;
	v7 =	vadd.s32 s26, v0;
	s26 =	sadd.s32 $0xFFFFEC00, s25;
	[tilespmem:s23+$0xFFFFFD00] =	vst v6  }
0x503: {  	s30 =	sadd.s32 $0xFFFFC400, s25;
	v5 =	vadd.s32 s28, v0;
	v3 =	vadd.s32 s29, v0;
	v21 =	vadd.s32 s26, v0;
	s26 =	sadd.s32 $0xFFFFF800, s25;
	v6 =	vld.idx.msk [tilespmem:v11+s3+$0x0], $0xffff  }
0x504: {  	v11 =	vadd.s32 s30, v0;
	v2 =	vadd.s32 s26, v0;
	v13 =	vld.idx.msk [tilespmem:v13+s3+$0x0], $0xffff;
	[tilespmem:s23+$0xFFFFFD80] =	vst v4  }
0x505: {  	v4 =	vld.idx.msk [tilespmem:v12+s3+$0x0], $0xffff;
	[tilespmem:s23+$0xFFFFFE00] =	vst v10  }
0x506: {  	v12 =	vld.idx.msk [tilespmem:v14+s3+$0x0], $0xffff;
	[tilespmem:s23+$0xFFFFFE80] =	vst v9  }
0x507: {  	v14 =	vld.idx.msk [tilespmem:v15+s3+$0x0], $0xffff;
	[tilespmem:s23+$0xFFFFFF00] =	vst v8  }
0x508: {  	v15 =	vld.idx.msk [tilespmem:v16+s3+$0x0], $0xffff;
	[tilespmem:s23+$0x0] =	vst v1  }
0x509: {  	s23 =	sadd.s32 $0x800, s23;
	v1 =	vmov v6;
	v11 =	vld.idx.msk [tilespmem:v11+s3+$0x0], $0xffff  }
0x50a: {  	v10 =	vld.idx.msk [tilespmem:v17+s3+$0x0], $0xffff;
	[tilespmem:s23+$0xFFFFFF80] =	vst v13  }
.Ltmp25:
0x50b: {  	[tilespmem:s23+$0xFFFFF900] =	vst v4;
	v9 =	vld.idx.msk [tilespmem:v18+s3+$0x0], $0xffff;
	(pc) =	sbr.rel @p0 .LBB2_53-.Ltmp25, $4  }
0x50c: {  	[tilespmem:s23+$0xFFFFF980] =	vst v12;
	v8 =	vld.idx.msk [tilespmem:v7+s3+$0x0], $0xffff  }
0x50d: {  	[tilespmem:s23+$0xFFFFFA00] =	vst v14;
	v7 =	vld.idx.msk [tilespmem:v19+s3+$0x0], $0xffff  }
0x50e: {  	[tilespmem:s23+$0xFFFFFA80] =	vst v15;
	v6 =	vld.idx.msk [tilespmem:v20+s3+$0x0], $0xffff  }
0x50f: {  	s25 =	sadd.s32 $0x4000, s25;
	[tilespmem:s23+$0xFFFFF880] =	vst v11;
	v4 =	vld.idx.msk [tilespmem:v21+s3+$0x0], $0xffff  }
0x510: {  	_ =	sdelay $0x1  }
0x511: {  	[tilespmem:s23+$0xFFFFFB00] =	vst v10  }
0x512: {  	[tilespmem:s23+$0xFFFFFB80] =	vst v9  }
0x513: {  	v0 =	vld.idx.msk [tilespmem:v5+s3+$0x0], $0xffff;
	[tilespmem:s23+$0x0] =	vst v1  }
0x514: {  	v3 =	vld.idx.msk [tilespmem:v3+s3+$0x0], $0xffff;
	[tilespmem:s23+$0xFFFFFC00] =	vst v8  }
0x515: {  	v2 =	vld.idx.msk [tilespmem:v2+s3+$0x0], $0xffff;
	[tilespmem:s23+$0xFFFFFC80] =	vst v7  }
0x516: {  	[tilespmem:s23+$0xFFFFFD00] =	vst v6  }
0x517: {  	[tilespmem:s23+$0xFFFFFD80] =	vst v4  }
0x518: {  	[tilespmem:s23+$0xFFFFFE00] =	vst v0  }
0x519: {  	[tilespmem:s23+$0xFFFFFE80] =	vst v3  }
0x51a: {  	[tilespmem:s23+$0xFFFFFF00] =	vst v2  }
0x51b: {  	v0 =	vld [tilespmem:s22+$0x10020];
	_ =	sdelay $0x3  }
0x51c: {  	s31 =	simm.s32 $0x3C00  }
0x51d: {  	s24 =	simm.s32 $0x3800;
	v1 =	vadd.s32 s31, v0  }
0x51e: {  	s25 =	simm.s32 $0x400;
	v2 =	vadd.s32 s24, v0  }
0x51f: {  	s28 =	simm.s32 $0xC00;
	v3 =	vadd.s32 s25, v0  }
0x520: {  	s26 =	simm.s32 $0x800;
	v5 =	vadd.s32 s28, v0  }
0x521: {  	s29 =	simm.s32 $0x1000;
	v4 =	vadd.s32 s26, v0  }
0x522: {  	s30 =	simm.s32 $0x0;
	v6 =	vadd.s32 s29, v0;
	v1 =	vld.idx.msk [tilespmem:v1+s3+$0x0], $0xffff  }
0x523: {  	s31 =	simm.s32 $0x1400;
	v7 =	vadd.s32 s30, v0;
	v2 =	vld.idx.msk [tilespmem:v2+s3+$0x0], $0xffff  }
0x524: {  	s25 =	simm.s32 $0x1800;
	v8 =	vadd.s32 s31, v0;
	v3 =	vld.idx.msk [tilespmem:v3+s3+$0x0], $0xffff  }
0x525: {  	s26 =	simm.s32 $0x1C00;
	v9 =	vadd.s32 s25, v0;
	v5 =	vld.idx.msk [tilespmem:v5+s3+$0x0], $0xffff  }
0x526: {  	s28 =	simm.s32 $0x2000;
	v11 =	vadd.s32 s26, v0;
	v4 =	vld.idx.msk [tilespmem:v4+s3+$0x0], $0xffff  }
0x527: {  	s25 =	simm.s32 $0x2400;
	v12 =	vadd.s32 s28, v0;
	v6 =	vld.idx.msk [tilespmem:v6+s3+$0x0], $0xffff  }
0x528: {  	s23 =	simm.s32 $0x18BA0;
	s29 =	simm.s32 $0x2800;
	v13 =	vadd.s32 s25, v0;
	v14 =	vld.idx.msk [tilespmem:v7+s3+$0x0], $0xffff  }
0x529: {  	s30 =	simm.s32 $0x2C00;
	v15 =	vadd.s32 s29, v0;
	v10 =	vld.idx.msk [tilespmem:v8+s3+$0x0], $0xffff;
	[tilespmem:s23+$0xFFFFFF80] =	vst v2  }
0x52a: {  	s31 =	simm.s32 $0x3000;
	v9 =	vld.idx.msk [tilespmem:v9+s3+$0x0], $0xffff;
	[tilespmem:s23+$0xFFFFFA00] =	vst v5;
	v5 =	vadd.s32 s30, v0  }
0x52b: {  	s26 =	simm.s32 $0x3400;
	v8 =	vld.idx.msk [tilespmem:v11+s3+$0x0], $0xffff;
	[tilespmem:s23+$0xFFFFF900] =	vst v3;
	v3 =	vadd.s32 s31, v0  }
0x52c: {  	v7 =	vld.idx.msk [tilespmem:v12+s3+$0x0], $0xffff;
	[tilespmem:s23+$0xFFFFF980] =	vst v4;
	v2 =	vadd.s32 s26, v0  }
0x52d: {  	[tilespmem:s23+$0xFFFFFA80] =	vst v6;
	v6 =	vld.idx.msk [tilespmem:v13+s3+$0x0], $0xffff  }
0x52e: {  	s24 =	simm.s32 $0x0;
	s25 =	simm.s32 $0x7C00;
	[tilespmem:s23+$0xFFFFF880] =	vst v14;
	v4 =	vld.idx.msk [tilespmem:v15+s3+$0x0], $0xffff  }
.LBB2_55:
0x52f: {  	s26 =	sadd.s32 $0xFFFFC800, s25;
	s28 =	sadd.s32 $0xFFFFFC00, s25;
	v11 =	vadd.s32 s25, v0;
	s24 =	sadd.s32 $0x10, s24;
	[tilespmem:s23+$0xFFFFFB00] =	vst v10;
	v10 =	vld.idx.msk [tilespmem:v5+s3+$0x0], $0xffff  }
0x530: {  	s29 =	sadd.s32 $0xFFFFD000, s25;
	v12 =	vadd.s32 s26, v0;
	s26 =	sadd.s32 $0xFFFFCC00, s25;
	v13 =	vadd.s32 s28, v0;
	p0 =	slt.u32 s24, $0x30;
	[tilespmem:s23+$0xFFFFFB80] =	vst v9;
	v9 =	vld.idx.msk [tilespmem:v3+s3+$0x0], $0xffff  }
0x531: {  	v15 =	vadd.s32 s29, v0;
	s28 =	sadd.s32 $0xFFFFD800, s25;
	s29 =	sadd.s32 $0xFFFFDC00, s25;
	v14 =	vadd.s32 s26, v0;
	s26 =	sadd.s32 $0xFFFFD400, s25;
	[tilespmem:s23+$0xFFFFFC00] =	vst v8;
	v8 =	vld.idx.msk [tilespmem:v2+s3+$0x0], $0xffff  }
0x532: {  	v17 =	vadd.s32 s28, v0;
	v18 =	vadd.s32 s29, v0;
	s28 =	sadd.s32 $0xFFFFE400, s25;
	s29 =	sadd.s32 $0xFFFFE800, s25;
	v16 =	vadd.s32 s26, v0;
	s26 =	sadd.s32 $0xFFFFE000, s25;
	[tilespmem:s23+$0xFFFFFC80] =	vst v7  }
0x533: {  	v19 =	vadd.s32 s28, v0;
	v20 =	vadd.s32 s29, v0;
	s28 =	sadd.s32 $0xFFFFF000, s25;
	s29 =	sadd.s32 $0xFFFFF400, s25;
	v7 =	vadd.s32 s26, v0;
	s26 =	sadd.s32 $0xFFFFEC00, s25;
	[tilespmem:s23+$0xFFFFFD00] =	vst v6  }
0x534: {  	s30 =	sadd.s32 $0xFFFFC400, s25;
	v5 =	vadd.s32 s28, v0;
	v3 =	vadd.s32 s29, v0;
	v21 =	vadd.s32 s26, v0;
	s26 =	sadd.s32 $0xFFFFF800, s25;
	v6 =	vld.idx.msk [tilespmem:v11+s3+$0x0], $0xffff  }
0x535: {  	v11 =	vadd.s32 s30, v0;
	v2 =	vadd.s32 s26, v0;
	v13 =	vld.idx.msk [tilespmem:v13+s3+$0x0], $0xffff;
	[tilespmem:s23+$0xFFFFFD80] =	vst v4  }
0x536: {  	v4 =	vld.idx.msk [tilespmem:v12+s3+$0x0], $0xffff;
	[tilespmem:s23+$0xFFFFFE00] =	vst v10  }
0x537: {  	v12 =	vld.idx.msk [tilespmem:v14+s3+$0x0], $0xffff;
	[tilespmem:s23+$0xFFFFFE80] =	vst v9  }
0x538: {  	v14 =	vld.idx.msk [tilespmem:v15+s3+$0x0], $0xffff;
	[tilespmem:s23+$0xFFFFFF00] =	vst v8  }
0x539: {  	v15 =	vld.idx.msk [tilespmem:v16+s3+$0x0], $0xffff;
	[tilespmem:s23+$0x0] =	vst v1  }
0x53a: {  	s23 =	sadd.s32 $0x800, s23;
	v1 =	vmov v6;
	v11 =	vld.idx.msk [tilespmem:v11+s3+$0x0], $0xffff  }
0x53b: {  	v10 =	vld.idx.msk [tilespmem:v17+s3+$0x0], $0xffff;
	[tilespmem:s23+$0xFFFFFF80] =	vst v13  }
.Ltmp26:
0x53c: {  	[tilespmem:s23+$0xFFFFF900] =	vst v4;
	v9 =	vld.idx.msk [tilespmem:v18+s3+$0x0], $0xffff;
	(pc) =	sbr.rel @p0 .LBB2_55-.Ltmp26, $4  }
0x53d: {  	[tilespmem:s23+$0xFFFFF980] =	vst v12;
	v8 =	vld.idx.msk [tilespmem:v7+s3+$0x0], $0xffff  }
0x53e: {  	[tilespmem:s23+$0xFFFFFA00] =	vst v14;
	v7 =	vld.idx.msk [tilespmem:v19+s3+$0x0], $0xffff  }
0x53f: {  	[tilespmem:s23+$0xFFFFFA80] =	vst v15;
	v6 =	vld.idx.msk [tilespmem:v20+s3+$0x0], $0xffff  }
0x540: {  	s25 =	sadd.s32 $0x4000, s25;
	[tilespmem:s23+$0xFFFFF880] =	vst v11;
	v4 =	vld.idx.msk [tilespmem:v21+s3+$0x0], $0xffff  }
0x541: {  	_ =	sdelay $0x1  }
0x542: {  	[tilespmem:s23+$0xFFFFFB00] =	vst v10  }
0x543: {  	[tilespmem:s23+$0xFFFFFB80] =	vst v9  }
0x544: {  	v0 =	vld.idx.msk [tilespmem:v5+s3+$0x0], $0xffff;
	[tilespmem:s23+$0x0] =	vst v1  }
0x545: {  	v3 =	vld.idx.msk [tilespmem:v3+s3+$0x0], $0xffff;
	[tilespmem:s23+$0xFFFFFC00] =	vst v8  }
0x546: {  	v2 =	vld.idx.msk [tilespmem:v2+s3+$0x0], $0xffff;
	[tilespmem:s23+$0xFFFFFC80] =	vst v7  }
0x547: {  	[tilespmem:s23+$0xFFFFFD00] =	vst v6  }
0x548: {  	[tilespmem:s23+$0xFFFFFD80] =	vst v4  }
0x549: {  	[tilespmem:s23+$0xFFFFFE00] =	vst v0  }
0x54a: {  	[tilespmem:s23+$0xFFFFFE80] =	vst v3  }
0x54b: {  	[tilespmem:s23+$0xFFFFFF00] =	vst v2  }
0x54c: {  	v0 =	vld [tilespmem:s22+$0x10030];
	_ =	sdelay $0x3  }
0x54d: {  	s31 =	simm.s32 $0x3C00  }
0x54e: {  	s24 =	simm.s32 $0x3800;
	v1 =	vadd.s32 s31, v0  }
0x54f: {  	s25 =	simm.s32 $0x400;
	v2 =	vadd.s32 s24, v0  }
0x550: {  	s28 =	simm.s32 $0xC00;
	v3 =	vadd.s32 s25, v0  }
0x551: {  	s26 =	simm.s32 $0x800;
	v5 =	vadd.s32 s28, v0  }
0x552: {  	s29 =	simm.s32 $0x1000;
	v4 =	vadd.s32 s26, v0  }
0x553: {  	s30 =	simm.s32 $0x0;
	v6 =	vadd.s32 s29, v0;
	v1 =	vld.idx.msk [tilespmem:v1+s3+$0x0], $0xffff  }
0x554: {  	s31 =	simm.s32 $0x1400;
	v7 =	vadd.s32 s30, v0;
	v2 =	vld.idx.msk [tilespmem:v2+s3+$0x0], $0xffff  }
0x555: {  	s25 =	simm.s32 $0x1800;
	v8 =	vadd.s32 s31, v0;
	v3 =	vld.idx.msk [tilespmem:v3+s3+$0x0], $0xffff  }
0x556: {  	s26 =	simm.s32 $0x1C00;
	v9 =	vadd.s32 s25, v0;
	v5 =	vld.idx.msk [tilespmem:v5+s3+$0x0], $0xffff  }
0x557: {  	s28 =	simm.s32 $0x2000;
	v11 =	vadd.s32 s26, v0;
	v4 =	vld.idx.msk [tilespmem:v4+s3+$0x0], $0xffff  }
0x558: {  	s25 =	simm.s32 $0x2400;
	v12 =	vadd.s32 s28, v0;
	v6 =	vld.idx.msk [tilespmem:v6+s3+$0x0], $0xffff  }
0x559: {  	s23 =	simm.s32 $0x18BB0;
	s29 =	simm.s32 $0x2800;
	v13 =	vadd.s32 s25, v0;
	v14 =	vld.idx.msk [tilespmem:v7+s3+$0x0], $0xffff  }
0x55a: {  	s30 =	simm.s32 $0x2C00;
	v15 =	vadd.s32 s29, v0;
	v10 =	vld.idx.msk [tilespmem:v8+s3+$0x0], $0xffff;
	[tilespmem:s23+$0xFFFFFF80] =	vst v2  }
0x55b: {  	s31 =	simm.s32 $0x3000;
	v9 =	vld.idx.msk [tilespmem:v9+s3+$0x0], $0xffff;
	[tilespmem:s23+$0xFFFFFA00] =	vst v5;
	v5 =	vadd.s32 s30, v0  }
0x55c: {  	s26 =	simm.s32 $0x3400;
	v8 =	vld.idx.msk [tilespmem:v11+s3+$0x0], $0xffff;
	[tilespmem:s23+$0xFFFFF900] =	vst v3;
	v3 =	vadd.s32 s31, v0  }
0x55d: {  	v7 =	vld.idx.msk [tilespmem:v12+s3+$0x0], $0xffff;
	[tilespmem:s23+$0xFFFFF980] =	vst v4;
	v2 =	vadd.s32 s26, v0  }
0x55e: {  	[tilespmem:s23+$0xFFFFFA80] =	vst v6;
	v6 =	vld.idx.msk [tilespmem:v13+s3+$0x0], $0xffff  }
0x55f: {  	s24 =	simm.s32 $0x0;
	s25 =	simm.s32 $0x7C00;
	[tilespmem:s23+$0xFFFFF880] =	vst v14;
	v4 =	vld.idx.msk [tilespmem:v15+s3+$0x0], $0xffff  }
.LBB2_57:
0x560: {  	s26 =	sadd.s32 $0xFFFFC800, s25;
	s28 =	sadd.s32 $0xFFFFFC00, s25;
	v11 =	vadd.s32 s25, v0;
	s24 =	sadd.s32 $0x10, s24;
	[tilespmem:s23+$0xFFFFFB00] =	vst v10;
	v10 =	vld.idx.msk [tilespmem:v5+s3+$0x0], $0xffff  }
0x561: {  	s29 =	sadd.s32 $0xFFFFD000, s25;
	v12 =	vadd.s32 s26, v0;
	s26 =	sadd.s32 $0xFFFFCC00, s25;
	v13 =	vadd.s32 s28, v0;
	p0 =	slt.u32 s24, $0x30;
	[tilespmem:s23+$0xFFFFFB80] =	vst v9;
	v9 =	vld.idx.msk [tilespmem:v3+s3+$0x0], $0xffff  }
0x562: {  	v15 =	vadd.s32 s29, v0;
	s28 =	sadd.s32 $0xFFFFD800, s25;
	s29 =	sadd.s32 $0xFFFFDC00, s25;
	v14 =	vadd.s32 s26, v0;
	s26 =	sadd.s32 $0xFFFFD400, s25;
	[tilespmem:s23+$0xFFFFFC00] =	vst v8;
	v8 =	vld.idx.msk [tilespmem:v2+s3+$0x0], $0xffff  }
0x563: {  	v17 =	vadd.s32 s28, v0;
	v18 =	vadd.s32 s29, v0;
	s28 =	sadd.s32 $0xFFFFE400, s25;
	s29 =	sadd.s32 $0xFFFFE800, s25;
	v16 =	vadd.s32 s26, v0;
	s26 =	sadd.s32 $0xFFFFE000, s25;
	[tilespmem:s23+$0xFFFFFC80] =	vst v7  }
0x564: {  	v19 =	vadd.s32 s28, v0;
	v20 =	vadd.s32 s29, v0;
	s28 =	sadd.s32 $0xFFFFF000, s25;
	s29 =	sadd.s32 $0xFFFFF400, s25;
	v7 =	vadd.s32 s26, v0;
	s26 =	sadd.s32 $0xFFFFEC00, s25;
	[tilespmem:s23+$0xFFFFFD00] =	vst v6  }
0x565: {  	s30 =	sadd.s32 $0xFFFFC400, s25;
	v5 =	vadd.s32 s28, v0;
	v3 =	vadd.s32 s29, v0;
	v21 =	vadd.s32 s26, v0;
	s26 =	sadd.s32 $0xFFFFF800, s25;
	v6 =	vld.idx.msk [tilespmem:v11+s3+$0x0], $0xffff  }
0x566: {  	v11 =	vadd.s32 s30, v0;
	v2 =	vadd.s32 s26, v0;
	v13 =	vld.idx.msk [tilespmem:v13+s3+$0x0], $0xffff;
	[tilespmem:s23+$0xFFFFFD80] =	vst v4  }
0x567: {  	v4 =	vld.idx.msk [tilespmem:v12+s3+$0x0], $0xffff;
	[tilespmem:s23+$0xFFFFFE00] =	vst v10  }
0x568: {  	v12 =	vld.idx.msk [tilespmem:v14+s3+$0x0], $0xffff;
	[tilespmem:s23+$0xFFFFFE80] =	vst v9  }
0x569: {  	v14 =	vld.idx.msk [tilespmem:v15+s3+$0x0], $0xffff;
	[tilespmem:s23+$0xFFFFFF00] =	vst v8  }
0x56a: {  	v15 =	vld.idx.msk [tilespmem:v16+s3+$0x0], $0xffff;
	[tilespmem:s23+$0x0] =	vst v1  }
0x56b: {  	s23 =	sadd.s32 $0x800, s23;
	v1 =	vmov v6;
	v11 =	vld.idx.msk [tilespmem:v11+s3+$0x0], $0xffff  }
0x56c: {  	v10 =	vld.idx.msk [tilespmem:v17+s3+$0x0], $0xffff;
	[tilespmem:s23+$0xFFFFFF80] =	vst v13  }
.Ltmp27:
0x56d: {  	[tilespmem:s23+$0xFFFFF900] =	vst v4;
	v9 =	vld.idx.msk [tilespmem:v18+s3+$0x0], $0xffff;
	(pc) =	sbr.rel @p0 .LBB2_57-.Ltmp27, $4  }
0x56e: {  	[tilespmem:s23+$0xFFFFF980] =	vst v12;
	v8 =	vld.idx.msk [tilespmem:v7+s3+$0x0], $0xffff  }
0x56f: {  	[tilespmem:s23+$0xFFFFFA00] =	vst v14;
	v7 =	vld.idx.msk [tilespmem:v19+s3+$0x0], $0xffff  }
0x570: {  	[tilespmem:s23+$0xFFFFFA80] =	vst v15;
	v6 =	vld.idx.msk [tilespmem:v20+s3+$0x0], $0xffff  }
0x571: {  	s25 =	sadd.s32 $0x4000, s25;
	[tilespmem:s23+$0xFFFFF880] =	vst v11;
	v4 =	vld.idx.msk [tilespmem:v21+s3+$0x0], $0xffff  }
0x572: {  	_ =	sdelay $0x1  }
0x573: {  	[tilespmem:s23+$0xFFFFFB00] =	vst v10  }
0x574: {  	[tilespmem:s23+$0xFFFFFB80] =	vst v9  }
0x575: {  	v0 =	vld.idx.msk [tilespmem:v5+s3+$0x0], $0xffff;
	[tilespmem:s23+$0x0] =	vst v1  }
0x576: {  	v3 =	vld.idx.msk [tilespmem:v3+s3+$0x0], $0xffff;
	[tilespmem:s23+$0xFFFFFC00] =	vst v8  }
0x577: {  	v2 =	vld.idx.msk [tilespmem:v2+s3+$0x0], $0xffff;
	[tilespmem:s23+$0xFFFFFC80] =	vst v7  }
0x578: {  	[tilespmem:s23+$0xFFFFFD00] =	vst v6  }
0x579: {  	[tilespmem:s23+$0xFFFFFD80] =	vst v4  }
0x57a: {  	[tilespmem:s23+$0xFFFFFE00] =	vst v0  }
0x57b: {  	[tilespmem:s23+$0xFFFFFE80] =	vst v3  }
0x57c: {  	[tilespmem:s23+$0xFFFFFF00] =	vst v2  }
0x57d: {  	v0 =	vld [tilespmem:s22+$0x10040];
	_ =	sdelay $0x3  }
0x57e: {  	s31 =	simm.s32 $0x3C00  }
0x57f: {  	s24 =	simm.s32 $0x3800;
	v1 =	vadd.s32 s31, v0  }
0x580: {  	s25 =	simm.s32 $0x400;
	v2 =	vadd.s32 s24, v0  }
0x581: {  	s28 =	simm.s32 $0xC00;
	v3 =	vadd.s32 s25, v0  }
0x582: {  	s26 =	simm.s32 $0x800;
	v5 =	vadd.s32 s28, v0  }
0x583: {  	s29 =	simm.s32 $0x1000;
	v4 =	vadd.s32 s26, v0  }
0x584: {  	s30 =	simm.s32 $0x0;
	v6 =	vadd.s32 s29, v0;
	v1 =	vld.idx.msk [tilespmem:v1+s3+$0x0], $0xffff  }
0x585: {  	s31 =	simm.s32 $0x1400;
	v7 =	vadd.s32 s30, v0;
	v2 =	vld.idx.msk [tilespmem:v2+s3+$0x0], $0xffff  }
0x586: {  	s25 =	simm.s32 $0x1800;
	v8 =	vadd.s32 s31, v0;
	v3 =	vld.idx.msk [tilespmem:v3+s3+$0x0], $0xffff  }
0x587: {  	s26 =	simm.s32 $0x1C00;
	v9 =	vadd.s32 s25, v0;
	v5 =	vld.idx.msk [tilespmem:v5+s3+$0x0], $0xffff  }
0x588: {  	s28 =	simm.s32 $0x2000;
	v11 =	vadd.s32 s26, v0;
	v4 =	vld.idx.msk [tilespmem:v4+s3+$0x0], $0xffff  }
0x589: {  	s25 =	simm.s32 $0x2400;
	v12 =	vadd.s32 s28, v0;
	v6 =	vld.idx.msk [tilespmem:v6+s3+$0x0], $0xffff  }
0x58a: {  	s23 =	simm.s32 $0x18BC0;
	s29 =	simm.s32 $0x2800;
	v13 =	vadd.s32 s25, v0;
	v14 =	vld.idx.msk [tilespmem:v7+s3+$0x0], $0xffff  }
0x58b: {  	s30 =	simm.s32 $0x2C00;
	v15 =	vadd.s32 s29, v0;
	v10 =	vld.idx.msk [tilespmem:v8+s3+$0x0], $0xffff;
	[tilespmem:s23+$0xFFFFFF80] =	vst v2  }
0x58c: {  	s31 =	simm.s32 $0x3000;
	v9 =	vld.idx.msk [tilespmem:v9+s3+$0x0], $0xffff;
	[tilespmem:s23+$0xFFFFFA00] =	vst v5;
	v5 =	vadd.s32 s30, v0  }
0x58d: {  	s26 =	simm.s32 $0x3400;
	v8 =	vld.idx.msk [tilespmem:v11+s3+$0x0], $0xffff;
	[tilespmem:s23+$0xFFFFF900] =	vst v3;
	v3 =	vadd.s32 s31, v0  }
0x58e: {  	v7 =	vld.idx.msk [tilespmem:v12+s3+$0x0], $0xffff;
	[tilespmem:s23+$0xFFFFF980] =	vst v4;
	v2 =	vadd.s32 s26, v0  }
0x58f: {  	[tilespmem:s23+$0xFFFFFA80] =	vst v6;
	v6 =	vld.idx.msk [tilespmem:v13+s3+$0x0], $0xffff  }
0x590: {  	s24 =	simm.s32 $0x0;
	s25 =	simm.s32 $0x7C00;
	[tilespmem:s23+$0xFFFFF880] =	vst v14;
	v4 =	vld.idx.msk [tilespmem:v15+s3+$0x0], $0xffff  }
.LBB2_59:
0x591: {  	s26 =	sadd.s32 $0xFFFFC800, s25;
	s28 =	sadd.s32 $0xFFFFFC00, s25;
	v11 =	vadd.s32 s25, v0;
	s24 =	sadd.s32 $0x10, s24;
	[tilespmem:s23+$0xFFFFFB00] =	vst v10;
	v10 =	vld.idx.msk [tilespmem:v5+s3+$0x0], $0xffff  }
0x592: {  	s29 =	sadd.s32 $0xFFFFD000, s25;
	v12 =	vadd.s32 s26, v0;
	s26 =	sadd.s32 $0xFFFFCC00, s25;
	v13 =	vadd.s32 s28, v0;
	p0 =	slt.u32 s24, $0x30;
	[tilespmem:s23+$0xFFFFFB80] =	vst v9;
	v9 =	vld.idx.msk [tilespmem:v3+s3+$0x0], $0xffff  }
0x593: {  	v15 =	vadd.s32 s29, v0;
	s28 =	sadd.s32 $0xFFFFD800, s25;
	s29 =	sadd.s32 $0xFFFFDC00, s25;
	v14 =	vadd.s32 s26, v0;
	s26 =	sadd.s32 $0xFFFFD400, s25;
	[tilespmem:s23+$0xFFFFFC00] =	vst v8;
	v8 =	vld.idx.msk [tilespmem:v2+s3+$0x0], $0xffff  }
0x594: {  	v17 =	vadd.s32 s28, v0;
	v18 =	vadd.s32 s29, v0;
	s28 =	sadd.s32 $0xFFFFE400, s25;
	s29 =	sadd.s32 $0xFFFFE800, s25;
	v16 =	vadd.s32 s26, v0;
	s26 =	sadd.s32 $0xFFFFE000, s25;
	[tilespmem:s23+$0xFFFFFC80] =	vst v7  }
0x595: {  	v19 =	vadd.s32 s28, v0;
	v20 =	vadd.s32 s29, v0;
	s28 =	sadd.s32 $0xFFFFF000, s25;
	s29 =	sadd.s32 $0xFFFFF400, s25;
	v7 =	vadd.s32 s26, v0;
	s26 =	sadd.s32 $0xFFFFEC00, s25;
	[tilespmem:s23+$0xFFFFFD00] =	vst v6  }
0x596: {  	s30 =	sadd.s32 $0xFFFFC400, s25;
	v5 =	vadd.s32 s28, v0;
	v3 =	vadd.s32 s29, v0;
	v21 =	vadd.s32 s26, v0;
	s26 =	sadd.s32 $0xFFFFF800, s25;
	v6 =	vld.idx.msk [tilespmem:v11+s3+$0x0], $0xffff  }
0x597: {  	v11 =	vadd.s32 s30, v0;
	v2 =	vadd.s32 s26, v0;
	v13 =	vld.idx.msk [tilespmem:v13+s3+$0x0], $0xffff;
	[tilespmem:s23+$0xFFFFFD80] =	vst v4  }
0x598: {  	v4 =	vld.idx.msk [tilespmem:v12+s3+$0x0], $0xffff;
	[tilespmem:s23+$0xFFFFFE00] =	vst v10  }
0x599: {  	v12 =	vld.idx.msk [tilespmem:v14+s3+$0x0], $0xffff;
	[tilespmem:s23+$0xFFFFFE80] =	vst v9  }
0x59a: {  	v14 =	vld.idx.msk [tilespmem:v15+s3+$0x0], $0xffff;
	[tilespmem:s23+$0xFFFFFF00] =	vst v8  }
0x59b: {  	v15 =	vld.idx.msk [tilespmem:v16+s3+$0x0], $0xffff;
	[tilespmem:s23+$0x0] =	vst v1  }
0x59c: {  	s23 =	sadd.s32 $0x800, s23;
	v1 =	vmov v6;
	v11 =	vld.idx.msk [tilespmem:v11+s3+$0x0], $0xffff  }
0x59d: {  	v10 =	vld.idx.msk [tilespmem:v17+s3+$0x0], $0xffff;
	[tilespmem:s23+$0xFFFFFF80] =	vst v13  }
.Ltmp28:
0x59e: {  	[tilespmem:s23+$0xFFFFF900] =	vst v4;
	v9 =	vld.idx.msk [tilespmem:v18+s3+$0x0], $0xffff;
	(pc) =	sbr.rel @p0 .LBB2_59-.Ltmp28, $4  }
0x59f: {  	[tilespmem:s23+$0xFFFFF980] =	vst v12;
	v8 =	vld.idx.msk [tilespmem:v7+s3+$0x0], $0xffff  }
0x5a0: {  	[tilespmem:s23+$0xFFFFFA00] =	vst v14;
	v7 =	vld.idx.msk [tilespmem:v19+s3+$0x0], $0xffff  }
0x5a1: {  	[tilespmem:s23+$0xFFFFFA80] =	vst v15;
	v6 =	vld.idx.msk [tilespmem:v20+s3+$0x0], $0xffff  }
0x5a2: {  	s25 =	sadd.s32 $0x4000, s25;
	[tilespmem:s23+$0xFFFFF880] =	vst v11;
	v4 =	vld.idx.msk [tilespmem:v21+s3+$0x0], $0xffff  }
0x5a3: {  	_ =	sdelay $0x1  }
0x5a4: {  	[tilespmem:s23+$0xFFFFFB00] =	vst v10  }
0x5a5: {  	[tilespmem:s23+$0xFFFFFB80] =	vst v9  }
0x5a6: {  	v0 =	vld.idx.msk [tilespmem:v5+s3+$0x0], $0xffff;
	[tilespmem:s23+$0x0] =	vst v1  }
0x5a7: {  	v3 =	vld.idx.msk [tilespmem:v3+s3+$0x0], $0xffff;
	[tilespmem:s23+$0xFFFFFC00] =	vst v8  }
0x5a8: {  	v2 =	vld.idx.msk [tilespmem:v2+s3+$0x0], $0xffff;
	[tilespmem:s23+$0xFFFFFC80] =	vst v7  }
0x5a9: {  	[tilespmem:s23+$0xFFFFFD00] =	vst v6  }
0x5aa: {  	[tilespmem:s23+$0xFFFFFD80] =	vst v4  }
0x5ab: {  	[tilespmem:s23+$0xFFFFFE00] =	vst v0  }
0x5ac: {  	[tilespmem:s23+$0xFFFFFE80] =	vst v3  }
0x5ad: {  	[tilespmem:s23+$0xFFFFFF00] =	vst v2  }
0x5ae: {  	v0 =	vld [tilespmem:s22+$0x10050];
	_ =	sdelay $0x3  }
0x5af: {  	s31 =	simm.s32 $0x3C00  }
0x5b0: {  	s24 =	simm.s32 $0x3800;
	v1 =	vadd.s32 s31, v0  }
0x5b1: {  	s25 =	simm.s32 $0x400;
	v2 =	vadd.s32 s24, v0  }
0x5b2: {  	s28 =	simm.s32 $0xC00;
	v3 =	vadd.s32 s25, v0  }
0x5b3: {  	s26 =	simm.s32 $0x800;
	v5 =	vadd.s32 s28, v0  }
0x5b4: {  	s29 =	simm.s32 $0x1000;
	v4 =	vadd.s32 s26, v0  }
0x5b5: {  	s30 =	simm.s32 $0x0;
	v6 =	vadd.s32 s29, v0;
	v1 =	vld.idx.msk [tilespmem:v1+s3+$0x0], $0xffff  }
0x5b6: {  	s31 =	simm.s32 $0x1400;
	v7 =	vadd.s32 s30, v0;
	v2 =	vld.idx.msk [tilespmem:v2+s3+$0x0], $0xffff  }
0x5b7: {  	s25 =	simm.s32 $0x1800;
	v8 =	vadd.s32 s31, v0;
	v3 =	vld.idx.msk [tilespmem:v3+s3+$0x0], $0xffff  }
0x5b8: {  	s26 =	simm.s32 $0x1C00;
	v9 =	vadd.s32 s25, v0;
	v5 =	vld.idx.msk [tilespmem:v5+s3+$0x0], $0xffff  }
0x5b9: {  	s28 =	simm.s32 $0x2000;
	v11 =	vadd.s32 s26, v0;
	v4 =	vld.idx.msk [tilespmem:v4+s3+$0x0], $0xffff  }
0x5ba: {  	s25 =	simm.s32 $0x2400;
	v12 =	vadd.s32 s28, v0;
	v6 =	vld.idx.msk [tilespmem:v6+s3+$0x0], $0xffff  }
0x5bb: {  	s23 =	simm.s32 $0x18BD0;
	s29 =	simm.s32 $0x2800;
	v13 =	vadd.s32 s25, v0;
	v14 =	vld.idx.msk [tilespmem:v7+s3+$0x0], $0xffff  }
0x5bc: {  	s30 =	simm.s32 $0x2C00;
	v15 =	vadd.s32 s29, v0;
	v10 =	vld.idx.msk [tilespmem:v8+s3+$0x0], $0xffff;
	[tilespmem:s23+$0xFFFFFF80] =	vst v2  }
0x5bd: {  	s31 =	simm.s32 $0x3000;
	v9 =	vld.idx.msk [tilespmem:v9+s3+$0x0], $0xffff;
	[tilespmem:s23+$0xFFFFFA00] =	vst v5;
	v5 =	vadd.s32 s30, v0  }
0x5be: {  	s26 =	simm.s32 $0x3400;
	v8 =	vld.idx.msk [tilespmem:v11+s3+$0x0], $0xffff;
	[tilespmem:s23+$0xFFFFF900] =	vst v3;
	v3 =	vadd.s32 s31, v0  }
0x5bf: {  	v7 =	vld.idx.msk [tilespmem:v12+s3+$0x0], $0xffff;
	[tilespmem:s23+$0xFFFFF980] =	vst v4;
	v2 =	vadd.s32 s26, v0  }
0x5c0: {  	[tilespmem:s23+$0xFFFFFA80] =	vst v6;
	v6 =	vld.idx.msk [tilespmem:v13+s3+$0x0], $0xffff  }
0x5c1: {  	s24 =	simm.s32 $0x0;
	s25 =	simm.s32 $0x7C00;
	[tilespmem:s23+$0xFFFFF880] =	vst v14;
	v4 =	vld.idx.msk [tilespmem:v15+s3+$0x0], $0xffff  }
.LBB2_61:
0x5c2: {  	s26 =	sadd.s32 $0xFFFFC800, s25;
	s28 =	sadd.s32 $0xFFFFFC00, s25;
	v11 =	vadd.s32 s25, v0;
	s24 =	sadd.s32 $0x10, s24;
	[tilespmem:s23+$0xFFFFFB00] =	vst v10;
	v10 =	vld.idx.msk [tilespmem:v5+s3+$0x0], $0xffff  }
0x5c3: {  	s29 =	sadd.s32 $0xFFFFD000, s25;
	v12 =	vadd.s32 s26, v0;
	s26 =	sadd.s32 $0xFFFFCC00, s25;
	v13 =	vadd.s32 s28, v0;
	p0 =	slt.u32 s24, $0x30;
	[tilespmem:s23+$0xFFFFFB80] =	vst v9;
	v9 =	vld.idx.msk [tilespmem:v3+s3+$0x0], $0xffff  }
0x5c4: {  	v15 =	vadd.s32 s29, v0;
	s28 =	sadd.s32 $0xFFFFD800, s25;
	s29 =	sadd.s32 $0xFFFFDC00, s25;
	v14 =	vadd.s32 s26, v0;
	s26 =	sadd.s32 $0xFFFFD400, s25;
	[tilespmem:s23+$0xFFFFFC00] =	vst v8;
	v8 =	vld.idx.msk [tilespmem:v2+s3+$0x0], $0xffff  }
0x5c5: {  	v17 =	vadd.s32 s28, v0;
	v18 =	vadd.s32 s29, v0;
	s28 =	sadd.s32 $0xFFFFE400, s25;
	s29 =	sadd.s32 $0xFFFFE800, s25;
	v16 =	vadd.s32 s26, v0;
	s26 =	sadd.s32 $0xFFFFE000, s25;
	[tilespmem:s23+$0xFFFFFC80] =	vst v7  }
0x5c6: {  	v19 =	vadd.s32 s28, v0;
	v20 =	vadd.s32 s29, v0;
	s28 =	sadd.s32 $0xFFFFF000, s25;
	s29 =	sadd.s32 $0xFFFFF400, s25;
	v7 =	vadd.s32 s26, v0;
	s26 =	sadd.s32 $0xFFFFEC00, s25;
	[tilespmem:s23+$0xFFFFFD00] =	vst v6  }
0x5c7: {  	s30 =	sadd.s32 $0xFFFFC400, s25;
	v5 =	vadd.s32 s28, v0;
	v3 =	vadd.s32 s29, v0;
	v21 =	vadd.s32 s26, v0;
	s26 =	sadd.s32 $0xFFFFF800, s25;
	v6 =	vld.idx.msk [tilespmem:v11+s3+$0x0], $0xffff  }
0x5c8: {  	v11 =	vadd.s32 s30, v0;
	v2 =	vadd.s32 s26, v0;
	v13 =	vld.idx.msk [tilespmem:v13+s3+$0x0], $0xffff;
	[tilespmem:s23+$0xFFFFFD80] =	vst v4  }
0x5c9: {  	v4 =	vld.idx.msk [tilespmem:v12+s3+$0x0], $0xffff;
	[tilespmem:s23+$0xFFFFFE00] =	vst v10  }
0x5ca: {  	v12 =	vld.idx.msk [tilespmem:v14+s3+$0x0], $0xffff;
	[tilespmem:s23+$0xFFFFFE80] =	vst v9  }
0x5cb: {  	v14 =	vld.idx.msk [tilespmem:v15+s3+$0x0], $0xffff;
	[tilespmem:s23+$0xFFFFFF00] =	vst v8  }
0x5cc: {  	v15 =	vld.idx.msk [tilespmem:v16+s3+$0x0], $0xffff;
	[tilespmem:s23+$0x0] =	vst v1  }
0x5cd: {  	s23 =	sadd.s32 $0x800, s23;
	v1 =	vmov v6;
	v11 =	vld.idx.msk [tilespmem:v11+s3+$0x0], $0xffff  }
0x5ce: {  	v10 =	vld.idx.msk [tilespmem:v17+s3+$0x0], $0xffff;
	[tilespmem:s23+$0xFFFFFF80] =	vst v13  }
.Ltmp29:
0x5cf: {  	[tilespmem:s23+$0xFFFFF900] =	vst v4;
	v9 =	vld.idx.msk [tilespmem:v18+s3+$0x0], $0xffff;
	(pc) =	sbr.rel @p0 .LBB2_61-.Ltmp29, $4  }
0x5d0: {  	[tilespmem:s23+$0xFFFFF980] =	vst v12;
	v8 =	vld.idx.msk [tilespmem:v7+s3+$0x0], $0xffff  }
0x5d1: {  	[tilespmem:s23+$0xFFFFFA00] =	vst v14;
	v7 =	vld.idx.msk [tilespmem:v19+s3+$0x0], $0xffff  }
0x5d2: {  	[tilespmem:s23+$0xFFFFFA80] =	vst v15;
	v6 =	vld.idx.msk [tilespmem:v20+s3+$0x0], $0xffff  }
0x5d3: {  	s25 =	sadd.s32 $0x4000, s25;
	[tilespmem:s23+$0xFFFFF880] =	vst v11;
	v4 =	vld.idx.msk [tilespmem:v21+s3+$0x0], $0xffff  }
0x5d4: {  	_ =	sdelay $0x1  }
0x5d5: {  	[tilespmem:s23+$0xFFFFFB00] =	vst v10  }
0x5d6: {  	[tilespmem:s23+$0xFFFFFB80] =	vst v9  }
0x5d7: {  	v0 =	vld.idx.msk [tilespmem:v5+s3+$0x0], $0xffff;
	[tilespmem:s23+$0x0] =	vst v1  }
0x5d8: {  	v3 =	vld.idx.msk [tilespmem:v3+s3+$0x0], $0xffff;
	[tilespmem:s23+$0xFFFFFC00] =	vst v8  }
0x5d9: {  	v2 =	vld.idx.msk [tilespmem:v2+s3+$0x0], $0xffff;
	[tilespmem:s23+$0xFFFFFC80] =	vst v7  }
0x5da: {  	[tilespmem:s23+$0xFFFFFD00] =	vst v6  }
0x5db: {  	[tilespmem:s23+$0xFFFFFD80] =	vst v4  }
0x5dc: {  	[tilespmem:s23+$0xFFFFFE00] =	vst v0  }
0x5dd: {  	[tilespmem:s23+$0xFFFFFE80] =	vst v3  }
0x5de: {  	[tilespmem:s23+$0xFFFFFF00] =	vst v2  }
0x5df: {  	v0 =	vld [tilespmem:s22+$0x10060];
	_ =	sdelay $0x3  }
0x5e0: {  	s31 =	simm.s32 $0x3C00  }
0x5e1: {  	s24 =	simm.s32 $0x3800;
	v1 =	vadd.s32 s31, v0  }
0x5e2: {  	s25 =	simm.s32 $0x400;
	v2 =	vadd.s32 s24, v0  }
0x5e3: {  	s28 =	simm.s32 $0xC00;
	v3 =	vadd.s32 s25, v0  }
0x5e4: {  	s26 =	simm.s32 $0x800;
	v5 =	vadd.s32 s28, v0  }
0x5e5: {  	s29 =	simm.s32 $0x1000;
	v4 =	vadd.s32 s26, v0  }
0x5e6: {  	s30 =	simm.s32 $0x0;
	v6 =	vadd.s32 s29, v0;
	v1 =	vld.idx.msk [tilespmem:v1+s3+$0x0], $0xffff  }
0x5e7: {  	s31 =	simm.s32 $0x1400;
	v7 =	vadd.s32 s30, v0;
	v2 =	vld.idx.msk [tilespmem:v2+s3+$0x0], $0xffff  }
0x5e8: {  	s25 =	simm.s32 $0x1800;
	v8 =	vadd.s32 s31, v0;
	v3 =	vld.idx.msk [tilespmem:v3+s3+$0x0], $0xffff  }
0x5e9: {  	s26 =	simm.s32 $0x1C00;
	v9 =	vadd.s32 s25, v0;
	v5 =	vld.idx.msk [tilespmem:v5+s3+$0x0], $0xffff  }
0x5ea: {  	s28 =	simm.s32 $0x2000;
	v11 =	vadd.s32 s26, v0;
	v4 =	vld.idx.msk [tilespmem:v4+s3+$0x0], $0xffff  }
0x5eb: {  	s25 =	simm.s32 $0x2400;
	v12 =	vadd.s32 s28, v0;
	v6 =	vld.idx.msk [tilespmem:v6+s3+$0x0], $0xffff  }
0x5ec: {  	s23 =	simm.s32 $0x18BE0;
	s29 =	simm.s32 $0x2800;
	v13 =	vadd.s32 s25, v0;
	v14 =	vld.idx.msk [tilespmem:v7+s3+$0x0], $0xffff  }
0x5ed: {  	s30 =	simm.s32 $0x2C00;
	v15 =	vadd.s32 s29, v0;
	v10 =	vld.idx.msk [tilespmem:v8+s3+$0x0], $0xffff;
	[tilespmem:s23+$0xFFFFFF80] =	vst v2  }
0x5ee: {  	s31 =	simm.s32 $0x3000;
	v9 =	vld.idx.msk [tilespmem:v9+s3+$0x0], $0xffff;
	[tilespmem:s23+$0xFFFFFA00] =	vst v5;
	v5 =	vadd.s32 s30, v0  }
0x5ef: {  	s26 =	simm.s32 $0x3400;
	v8 =	vld.idx.msk [tilespmem:v11+s3+$0x0], $0xffff;
	[tilespmem:s23+$0xFFFFF900] =	vst v3;
	v3 =	vadd.s32 s31, v0  }
0x5f0: {  	v7 =	vld.idx.msk [tilespmem:v12+s3+$0x0], $0xffff;
	[tilespmem:s23+$0xFFFFF980] =	vst v4;
	v2 =	vadd.s32 s26, v0  }
0x5f1: {  	[tilespmem:s23+$0xFFFFFA80] =	vst v6;
	v6 =	vld.idx.msk [tilespmem:v13+s3+$0x0], $0xffff  }
0x5f2: {  	s24 =	simm.s32 $0x0;
	s25 =	simm.s32 $0x7C00;
	[tilespmem:s23+$0xFFFFF880] =	vst v14;
	v4 =	vld.idx.msk [tilespmem:v15+s3+$0x0], $0xffff  }
.LBB2_63:
0x5f3: {  	s26 =	sadd.s32 $0xFFFFC800, s25;
	s28 =	sadd.s32 $0xFFFFFC00, s25;
	v11 =	vadd.s32 s25, v0;
	s24 =	sadd.s32 $0x10, s24;
	[tilespmem:s23+$0xFFFFFB00] =	vst v10;
	v10 =	vld.idx.msk [tilespmem:v5+s3+$0x0], $0xffff  }
0x5f4: {  	s29 =	sadd.s32 $0xFFFFD000, s25;
	v12 =	vadd.s32 s26, v0;
	s26 =	sadd.s32 $0xFFFFCC00, s25;
	v13 =	vadd.s32 s28, v0;
	p0 =	slt.u32 s24, $0x30;
	[tilespmem:s23+$0xFFFFFB80] =	vst v9;
	v9 =	vld.idx.msk [tilespmem:v3+s3+$0x0], $0xffff  }
0x5f5: {  	v15 =	vadd.s32 s29, v0;
	s28 =	sadd.s32 $0xFFFFD800, s25;
	s29 =	sadd.s32 $0xFFFFDC00, s25;
	v14 =	vadd.s32 s26, v0;
	s26 =	sadd.s32 $0xFFFFD400, s25;
	[tilespmem:s23+$0xFFFFFC00] =	vst v8;
	v8 =	vld.idx.msk [tilespmem:v2+s3+$0x0], $0xffff  }
0x5f6: {  	v17 =	vadd.s32 s28, v0;
	v18 =	vadd.s32 s29, v0;
	s28 =	sadd.s32 $0xFFFFE400, s25;
	s29 =	sadd.s32 $0xFFFFE800, s25;
	v16 =	vadd.s32 s26, v0;
	s26 =	sadd.s32 $0xFFFFE000, s25;
	[tilespmem:s23+$0xFFFFFC80] =	vst v7  }
0x5f7: {  	v19 =	vadd.s32 s28, v0;
	v20 =	vadd.s32 s29, v0;
	s28 =	sadd.s32 $0xFFFFF000, s25;
	s29 =	sadd.s32 $0xFFFFF400, s25;
	v7 =	vadd.s32 s26, v0;
	s26 =	sadd.s32 $0xFFFFEC00, s25;
	[tilespmem:s23+$0xFFFFFD00] =	vst v6  }
0x5f8: {  	s30 =	sadd.s32 $0xFFFFC400, s25;
	v5 =	vadd.s32 s28, v0;
	v3 =	vadd.s32 s29, v0;
	v21 =	vadd.s32 s26, v0;
	s26 =	sadd.s32 $0xFFFFF800, s25;
	v6 =	vld.idx.msk [tilespmem:v11+s3+$0x0], $0xffff  }
0x5f9: {  	v11 =	vadd.s32 s30, v0;
	v2 =	vadd.s32 s26, v0;
	v13 =	vld.idx.msk [tilespmem:v13+s3+$0x0], $0xffff;
	[tilespmem:s23+$0xFFFFFD80] =	vst v4  }
0x5fa: {  	v4 =	vld.idx.msk [tilespmem:v12+s3+$0x0], $0xffff;
	[tilespmem:s23+$0xFFFFFE00] =	vst v10  }
0x5fb: {  	v12 =	vld.idx.msk [tilespmem:v14+s3+$0x0], $0xffff;
	[tilespmem:s23+$0xFFFFFE80] =	vst v9  }
0x5fc: {  	v14 =	vld.idx.msk [tilespmem:v15+s3+$0x0], $0xffff;
	[tilespmem:s23+$0xFFFFFF00] =	vst v8  }
0x5fd: {  	v15 =	vld.idx.msk [tilespmem:v16+s3+$0x0], $0xffff;
	[tilespmem:s23+$0x0] =	vst v1  }
0x5fe: {  	s23 =	sadd.s32 $0x800, s23;
	v1 =	vmov v6;
	v11 =	vld.idx.msk [tilespmem:v11+s3+$0x0], $0xffff  }
0x5ff: {  	v10 =	vld.idx.msk [tilespmem:v17+s3+$0x0], $0xffff;
	[tilespmem:s23+$0xFFFFFF80] =	vst v13  }
.Ltmp30:
0x600: {  	[tilespmem:s23+$0xFFFFF900] =	vst v4;
	v9 =	vld.idx.msk [tilespmem:v18+s3+$0x0], $0xffff;
	(pc) =	sbr.rel @p0 .LBB2_63-.Ltmp30, $4  }
0x601: {  	[tilespmem:s23+$0xFFFFF980] =	vst v12;
	v8 =	vld.idx.msk [tilespmem:v7+s3+$0x0], $0xffff  }
0x602: {  	[tilespmem:s23+$0xFFFFFA00] =	vst v14;
	v7 =	vld.idx.msk [tilespmem:v19+s3+$0x0], $0xffff  }
0x603: {  	[tilespmem:s23+$0xFFFFFA80] =	vst v15;
	v6 =	vld.idx.msk [tilespmem:v20+s3+$0x0], $0xffff  }
0x604: {  	s25 =	sadd.s32 $0x4000, s25;
	[tilespmem:s23+$0xFFFFF880] =	vst v11;
	v4 =	vld.idx.msk [tilespmem:v21+s3+$0x0], $0xffff  }
0x605: {  	_ =	sdelay $0x1  }
0x606: {  	[tilespmem:s23+$0xFFFFFB00] =	vst v10  }
0x607: {  	[tilespmem:s23+$0xFFFFFB80] =	vst v9  }
0x608: {  	v0 =	vld.idx.msk [tilespmem:v5+s3+$0x0], $0xffff;
	[tilespmem:s23+$0x0] =	vst v1  }
0x609: {  	v3 =	vld.idx.msk [tilespmem:v3+s3+$0x0], $0xffff;
	[tilespmem:s23+$0xFFFFFC00] =	vst v8  }
0x60a: {  	v2 =	vld.idx.msk [tilespmem:v2+s3+$0x0], $0xffff;
	[tilespmem:s23+$0xFFFFFC80] =	vst v7  }
0x60b: {  	[tilespmem:s23+$0xFFFFFD00] =	vst v6  }
0x60c: {  	[tilespmem:s23+$0xFFFFFD80] =	vst v4  }
0x60d: {  	[tilespmem:s23+$0xFFFFFE00] =	vst v0  }
0x60e: {  	[tilespmem:s23+$0xFFFFFE80] =	vst v3  }
0x60f: {  	[tilespmem:s23+$0xFFFFFF00] =	vst v2  }
0x610: {  	v0 =	vld [tilespmem:s22+$0x10070];
	_ =	sdelay $0x3  }
0x611: {  	s25 =	simm.s32 $0x3C00  }
0x612: {  	s26 =	simm.s32 $0x3800;
	v1 =	vadd.s32 s25, v0  }
0x613: {  	s28 =	simm.s32 $0x400;
	v2 =	vadd.s32 s26, v0  }
0x614: {  	s30 =	simm.s32 $0xC00;
	v3 =	vadd.s32 s28, v0  }
0x615: {  	s29 =	simm.s32 $0x800;
	v5 =	vadd.s32 s30, v0  }
0x616: {  	s31 =	simm.s32 $0x1000;
	v4 =	vadd.s32 s29, v0  }
0x617: {  	s23 =	simm.s32 $0x0;
	v6 =	vadd.s32 s31, v0;
	v1 =	vld.idx.msk [tilespmem:v1+s3+$0x0], $0xffff  }
0x618: {  	s24 =	simm.s32 $0x1400;
	v7 =	vadd.s32 s23, v0;
	v2 =	vld.idx.msk [tilespmem:v2+s3+$0x0], $0xffff  }
0x619: {  	s25 =	simm.s32 $0x1800;
	v8 =	vadd.s32 s24, v0;
	v3 =	vld.idx.msk [tilespmem:v3+s3+$0x0], $0xffff  }
0x61a: {  	s26 =	simm.s32 $0x1C00;
	v9 =	vadd.s32 s25, v0;
	v5 =	vld.idx.msk [tilespmem:v5+s3+$0x0], $0xffff  }
0x61b: {  	s28 =	simm.s32 $0x2000;
	v11 =	vadd.s32 s26, v0;
	v4 =	vld.idx.msk [tilespmem:v4+s3+$0x0], $0xffff  }
0x61c: {  	s24 =	simm.s32 $0x2400;
	v12 =	vadd.s32 s28, v0;
	v6 =	vld.idx.msk [tilespmem:v6+s3+$0x0], $0xffff  }
0x61d: {  	s22 =	simm.s32 $0x18BF0;
	s29 =	simm.s32 $0x2800;
	v13 =	vadd.s32 s24, v0;
	v14 =	vld.idx.msk [tilespmem:v7+s3+$0x0], $0xffff  }
0x61e: {  	s30 =	simm.s32 $0x2C00;
	v15 =	vadd.s32 s29, v0;
	v10 =	vld.idx.msk [tilespmem:v8+s3+$0x0], $0xffff;
	[tilespmem:s22+$0xFFFFFF80] =	vst v2  }
0x61f: {  	s31 =	simm.s32 $0x3000;
	v9 =	vld.idx.msk [tilespmem:v9+s3+$0x0], $0xffff;
	[tilespmem:s22+$0xFFFFFA00] =	vst v5;
	v5 =	vadd.s32 s30, v0  }
0x620: {  	s25 =	simm.s32 $0x3400;
	v8 =	vld.idx.msk [tilespmem:v11+s3+$0x0], $0xffff;
	[tilespmem:s22+$0xFFFFF900] =	vst v3;
	v3 =	vadd.s32 s31, v0  }
0x621: {  	v7 =	vld.idx.msk [tilespmem:v12+s3+$0x0], $0xffff;
	[tilespmem:s22+$0xFFFFF980] =	vst v4;
	v2 =	vadd.s32 s25, v0  }
0x622: {  	[tilespmem:s22+$0xFFFFFA80] =	vst v6;
	v6 =	vld.idx.msk [tilespmem:v13+s3+$0x0], $0xffff  }
0x623: {  	s23 =	simm.s32 $0x0;
	s24 =	simm.s32 $0x7C00;
	[tilespmem:s22+$0xFFFFF880] =	vst v14;
	v4 =	vld.idx.msk [tilespmem:v15+s3+$0x0], $0xffff  }
.LBB2_65:
0x624: {  	s25 =	sadd.s32 $0xFFFFC800, s24;
	s26 =	sadd.s32 $0xFFFFFC00, s24;
	v11 =	vadd.s32 s24, v0;
	s23 =	sadd.s32 $0x10, s23;
	[tilespmem:s22+$0xFFFFFB00] =	vst v10;
	v10 =	vld.idx.msk [tilespmem:v5+s3+$0x0], $0xffff  }
0x625: {  	s28 =	sadd.s32 $0xFFFFD000, s24;
	v12 =	vadd.s32 s25, v0;
	s25 =	sadd.s32 $0xFFFFCC00, s24;
	v13 =	vadd.s32 s26, v0;
	p0 =	slt.u32 s23, $0x30;
	[tilespmem:s22+$0xFFFFFB80] =	vst v9;
	v9 =	vld.idx.msk [tilespmem:v3+s3+$0x0], $0xffff  }
0x626: {  	v15 =	vadd.s32 s28, v0;
	s26 =	sadd.s32 $0xFFFFD800, s24;
	s28 =	sadd.s32 $0xFFFFDC00, s24;
	v14 =	vadd.s32 s25, v0;
	s25 =	sadd.s32 $0xFFFFD400, s24;
	[tilespmem:s22+$0xFFFFFC00] =	vst v8;
	v8 =	vld.idx.msk [tilespmem:v2+s3+$0x0], $0xffff  }
0x627: {  	v17 =	vadd.s32 s26, v0;
	v18 =	vadd.s32 s28, v0;
	s26 =	sadd.s32 $0xFFFFE400, s24;
	s28 =	sadd.s32 $0xFFFFE800, s24;
	v16 =	vadd.s32 s25, v0;
	s25 =	sadd.s32 $0xFFFFE000, s24;
	[tilespmem:s22+$0xFFFFFC80] =	vst v7  }
0x628: {  	v19 =	vadd.s32 s26, v0;
	v20 =	vadd.s32 s28, v0;
	s26 =	sadd.s32 $0xFFFFF000, s24;
	s28 =	sadd.s32 $0xFFFFF400, s24;
	v7 =	vadd.s32 s25, v0;
	s25 =	sadd.s32 $0xFFFFEC00, s24;
	[tilespmem:s22+$0xFFFFFD00] =	vst v6  }
0x629: {  	s29 =	sadd.s32 $0xFFFFC400, s24;
	v5 =	vadd.s32 s26, v0;
	v3 =	vadd.s32 s28, v0;
	v21 =	vadd.s32 s25, v0;
	s25 =	sadd.s32 $0xFFFFF800, s24;
	v6 =	vld.idx.msk [tilespmem:v11+s3+$0x0], $0xffff  }
0x62a: {  	v11 =	vadd.s32 s29, v0;
	v2 =	vadd.s32 s25, v0;
	v13 =	vld.idx.msk [tilespmem:v13+s3+$0x0], $0xffff;
	[tilespmem:s22+$0xFFFFFD80] =	vst v4  }
0x62b: {  	v4 =	vld.idx.msk [tilespmem:v12+s3+$0x0], $0xffff;
	[tilespmem:s22+$0xFFFFFE00] =	vst v10  }
0x62c: {  	v12 =	vld.idx.msk [tilespmem:v14+s3+$0x0], $0xffff;
	[tilespmem:s22+$0xFFFFFE80] =	vst v9  }
0x62d: {  	v14 =	vld.idx.msk [tilespmem:v15+s3+$0x0], $0xffff;
	[tilespmem:s22+$0xFFFFFF00] =	vst v8  }
0x62e: {  	v15 =	vld.idx.msk [tilespmem:v16+s3+$0x0], $0xffff;
	[tilespmem:s22+$0x0] =	vst v1  }
0x62f: {  	s22 =	sadd.s32 $0x800, s22;
	v1 =	vmov v6;
	v11 =	vld.idx.msk [tilespmem:v11+s3+$0x0], $0xffff  }
0x630: {  	v10 =	vld.idx.msk [tilespmem:v17+s3+$0x0], $0xffff;
	[tilespmem:s22+$0xFFFFFF80] =	vst v13  }
.Ltmp31:
0x631: {  	[tilespmem:s22+$0xFFFFF900] =	vst v4;
	v9 =	vld.idx.msk [tilespmem:v18+s3+$0x0], $0xffff;
	(pc) =	sbr.rel @p0 .LBB2_65-.Ltmp31, $4  }
0x632: {  	[tilespmem:s22+$0xFFFFF980] =	vst v12;
	v8 =	vld.idx.msk [tilespmem:v7+s3+$0x0], $0xffff  }
0x633: {  	[tilespmem:s22+$0xFFFFFA00] =	vst v14;
	v7 =	vld.idx.msk [tilespmem:v19+s3+$0x0], $0xffff  }
0x634: {  	[tilespmem:s22+$0xFFFFFA80] =	vst v15;
	v6 =	vld.idx.msk [tilespmem:v20+s3+$0x0], $0xffff  }
0x635: {  	s24 =	sadd.s32 $0x4000, s24;
	[tilespmem:s22+$0xFFFFF880] =	vst v11;
	v4 =	vld.idx.msk [tilespmem:v21+s3+$0x0], $0xffff  }
0x636: {  	_ =	sdelay $0x1  }
0x637: {  	[tilespmem:s22+$0xFFFFFB00] =	vst v10  }
0x638: {  	[tilespmem:s22+$0xFFFFFB80] =	vst v9  }
0x639: {  	v0 =	vld.idx.msk [tilespmem:v5+s3+$0x0], $0xffff;
	[tilespmem:s22+$0x0] =	vst v1  }
0x63a: {  	v3 =	vld.idx.msk [tilespmem:v3+s3+$0x0], $0xffff;
	[tilespmem:s22+$0xFFFFFC00] =	vst v8  }
0x63b: {  	v2 =	vld.idx.msk [tilespmem:v2+s3+$0x0], $0xffff;
	s20 =	sadd.s32 $0x1, s20;
	[tilespmem:s22+$0xFFFFFC80] =	vst v7  }
0x63c: {  	p0 =	sne.s32 s20, $0x63;
	[tilespmem:s22+$0xFFFFFD00] =	vst v6  }
.Ltmp32:
0x63d: {  	s21 =	sshll.u32 s21, $0x12;
	[tilespmem:s22+$0xFFFFFD80] =	vst v4;
	(pc) =	sbr.rel @p0 .LBB2_34-.Ltmp32, $4  }
0x63e: {  	s21 =	sor.u32 s4, s21;
	[tilespmem:s22+$0xFFFFFE00] =	vst v0  }
0x63f: {  	s21 =	sshrl.u32 s21, $0x3;
	[tilespmem:s22+$0xFFFFFE80] =	vst v3  }
0x640: {  	s21 =	sadd.s32 s2, s21;
	[tilespmem:s22+$0xFFFFFF00] =	vst v2  }
0x641: {  	[hbm4b:s21+s10] =	stream.strided.scatter [tilespmem:s16], [sflag:$0x2], $0x2000, s11, s10, $0x38;
	[tilespmem:$0x1A400] =	vst v63  }
0x642: {  	s19 =	sadd.s32 $0x1, s19  }
0x643: {  	_ =	swait.ge [sflag:s17], $0x2000;
	p0 =	sne.s32 s19, s9  }
.Ltmp33:
0x644: {  	[sflag:s17] =	ssyncset.done $0x0;
	(pc) =	sbr.rel @p0 .LBB2_1-.Ltmp33, $4  }
0x645: {  	[sflag:s17] =	ssyncadd.s32 $0xFFFFE000  }
0x646: {  	_ =	swait.ge [sflag:s18], $0x2000  }
0x647: {  	[sflag:s18] =	ssyncset.done $0x0  }
0x648: {  	[sflag:s18] =	ssyncadd.s32 $0xFFFFE000  }
0x649: {  	_ =	sfence.sel $0x180000  }
0x64a: {  	[bflag:$0x0] =	sbarrier.arrive $0xFFFF  }
0x64b: {  	p0 =	sne.s32 s1, $0x0;
	_ =	strace $0x90000047  }
0x64c: {  	s0 =	sadd.s32 @!p0 $0x100000, s0;
	[bflag:$0x2] =	sbarrier.arrive $0xFFFF  }
0x64d: {  	[sflag:s0] =	ssyncadd.tile.s32 @!p0 $0x1;
	_ =	shalt  }
.Lfunc_end2:
_tile_overlayer_lowered:
.L_overlay_start_2:
0x64e: {  	(tag) =	ssettag $0x2  }
0x64f: {  	s0 =	rddreg [dreg:$0x0];
	s2 =	stileid.u32  }
0x650: {  	s1 =	rddreg [dreg:$0x1];
	p0 =	sne.s32 s2, $0x0  }
0x651: {  	s3 =	rddreg [dreg:$0x2];
	[bflag:$0x3] =	sbarrier.arrive $0xFFFF;
	s2 =	simm.s32 @!p0 $0x1C05  }
0x652: {  	[timem:s3], [sflag:s2] =	dma.local @!p0 [hbm:s0], s1  }
0x653: {  	s0 =	simm.s32 @!p0 $0x5  }
0x654: {  	_ =	swait.ge @!p0 [sflag:s0], s1  }
0x655: {  	s1 =	ssub.s32 @!p0 $0x0, s1;
	[sflag:s0] =	ssyncset.done @!p0 $0x0  }
0x656: {  	[sflag:s0] =	ssyncadd.s32 @!p0 s1  }
0x657: {  	[bflag:$0x3] =	sbarrier.arrive $0xFFFF  }
0x658: {  	_ =	shalt  }

</sc_bundles>
